<compile_context>
chip_gen: v7x
topology: tpu7x:2x2x1
jax: 0.10.2.dev20260603
libtpu: 0.0.44.dev20260713+nightly
codegen_flags: <defaults>
</compile_context>

<pallas_src>
import functools

import jax
import jax.numpy as jnp
from jax import lax
from jax.experimental import pallas as pl
from jax.experimental.pallas import tpu as pltpu
from jax.experimental.pallas import tpu_sc as plsc

_NA = 3
_H = 160
_W = 160
_NO = 85
_NC = 80
_NCELL = _NA * _H * _W
_NT = 256
_ANCHOR_W = (10.0, 16.0, 33.0)
_ANCHOR_H = (13.0, 30.0, 23.0)
_STRIDE = 8.0
_IMG = 1280.0
_BLK = 19200
_NBLK = _NCELL // _BLK



def _sc_body(tgt_hbm, key_hbm, aux_hbm, tgt_v, idx_v, aux_v):
    cid = lax.axis_index("c")
    sid = lax.axis_index("s")

    @pl.when((cid == 0) & (sid == 0))
    def _():
        pltpu.sync_copy(tgt_hbm, tgt_v)
        for i in range(_NT // 16):
            sl = pl.ds(i * 16, 16)
            clsv = tgt_v[1, sl]
            cx = tgt_v[2, sl]
            cy = tgt_v[3, sl]
            w = tgt_v[4, sl]
            h = tgt_v[5, sl]
            gx = cx * float(_W)
            gy = cy * float(_H)
            gi = gx.astype(jnp.int32)
            gj = gy.astype(jnp.int32)
            gw = (w * _IMG) / _STRIDE
            gh = (h * _IMG) / _STRIDE
            m = []
            for a in range(_NA):
                aw = _ANCHOR_W[a] / _STRIDE
                ah = _ANCHOR_H[a] / _STRIDE
                mw = jnp.maximum(gw / aw, aw / (gw + 1e-9))
                mh = jnp.maximum(gh / ah, ah / (gh + 1e-9))
                m.append(jnp.maximum(mw, mh))
            b01 = m[1] < m[0]
            m01 = jnp.minimum(m[0], m[1])
            best = jnp.where(m[2] < m01, 2, jnp.where(b01, 1, 0)).astype(jnp.int32)
            valid = (gj < _H) & (gi < _W)
            key = best * (_H * _W) + gj * _W + gi
            idx_v[i // 8, pl.ds((i % 8) * 16, 16)] = jnp.where(valid, key, 0)
            aw_s = jnp.where(best == 0, _ANCHOR_W[0],
                             jnp.where(best == 1, _ANCHOR_W[1], _ANCHOR_W[2]))
            ah_s = jnp.where(best == 0, _ANCHOR_H[0],
                             jnp.where(best == 1, _ANCHOR_H[1], _ANCHOR_H[2]))
            aux_v[0, sl] = gx - gi.astype(jnp.float32)
            aux_v[1, sl] = gy - gj.astype(jnp.float32)
            aux_v[2, sl] = (w * _IMG) / aw_s
            aux_v[3, sl] = (h * _IMG) / ah_s
            aux_v[4, sl] = key.astype(jnp.float32)
            aux_v[5, sl] = clsv.astype(jnp.int32).astype(jnp.float32)
            aux_v[6, sl] = jnp.where(valid, 1.0, 0.0)
            aux_v[7, sl] = jnp.zeros((16,), jnp.float32)
        pltpu.sync_copy(idx_v, key_hbm)
        pltpu.sync_copy(aux_v, aux_hbm)


def _sc_match(tgt_t):
    fn = functools.partial(
        pl.kernel,
        mesh=plsc.VectorSubcoreMesh(core_axis_name="c", subcore_axis_name="s"),
        out_type=[
            jax.ShapeDtypeStruct((2, 128), jnp.int32),
            jax.ShapeDtypeStruct((8, _NT), jnp.float32),
        ],
        scratch_types=[
            pltpu.VMEM((6, _NT), jnp.float32),
            pltpu.VMEM((2, 128), jnp.int32),
            pltpu.VMEM((8, _NT), jnp.float32),
        ],
    )(_sc_body)
    return fn(tgt_t)



_LOG2E = 1.4426950408889634
_LN2 = 0.6931471805599453


def _softplus(x):
    t = jnp.exp2(jnp.abs(x) * (-_LOG2E))
    return jnp.maximum(x, 0.0) + _LN2 * jnp.log2(1.0 + t)


def _smooth_l1(d):
    d = jnp.abs(d)
    return jnp.where(d < 1.0, 0.5 * d * d, d - 0.5)


def _dense_body(raw_ref, out_ref, acc_ref):
    k = pl.program_id(0)

    @pl.when(k == 0)
    def _():
        acc_ref[0] = 0.0

    x = raw_ref[...]
    sp = _LN2 * jnp.log2(1.0 + jnp.exp2(x * _LOG2E))
    colsum = jnp.dot(jnp.ones((1, _BLK), jnp.float32), sp,
                     preferred_element_type=jnp.float32)
    col = lax.broadcasted_iota(jnp.int32, (1, _NO), 1)
    wcol = jnp.where(col == 4, 1.0 / _NCELL,
                     jnp.where(col >= 5, 1.0 / (_NCELL * _NC), 0.0))
    acc_ref[0] += jnp.sum(colsum * wcol)

    @pl.when(k == pl.num_programs(0) - 1)
    def _():
        out_ref[...] = jnp.reshape(acc_ref[0], (1, 1))


def _dense_sum(raw2d):
    return pl.pallas_call(
        _dense_body,
        grid=(_NBLK,),
        in_specs=[pl.BlockSpec((_BLK, _NO), lambda k: (k, 0))],
        out_specs=pl.BlockSpec((1, 1), lambda k: (0, 0)),
        out_shape=jax.ShapeDtypeStruct((1, 1), jnp.float32),
        scratch_shapes=[pltpu.SMEM((1,), jnp.float32)],
        compiler_params=pltpu.CompilerParams(
            dimension_semantics=("arbitrary",)),
    )(raw2d)



def _asm_body(keys_hbm, raw_hbm, aux_hbm, acc_ref, out_ref,
              gath_v, aux_v, keys_s, semg, sema):
    pltpu.make_async_copy(keys_hbm, keys_s, sema).start()
    pltpu.make_async_copy(aux_hbm, aux_v, sema).start()
    pltpu.make_async_copy(keys_hbm, keys_s, sema).wait()

    def issue(q, carry):
        for j in range(4):
            t = q * 4 + j
            row = keys_s[t // 128, t % 128]
            pltpu.make_async_copy(
                raw_hbm.at[pl.ds(row, 1), :], gath_v.at[pl.ds(t, 1), :], semg
            ).start()
        return carry

    lax.fori_loop(0, _NT // 4, issue, 0)

    def drain(q, carry):
        for j in range(4):
            t = q * 4 + j
            pltpu.make_async_copy(
                raw_hbm.at[pl.ds(0, 1), :], gath_v.at[pl.ds(t, 1), :], semg
            ).wait()
        return carry

    lax.fori_loop(0, _NT // 4, drain, 0)
    pltpu.make_async_copy(aux_hbm, aux_v, sema).wait()

    g = gath_v[...]
    tx = aux_v[0, :]
    ty = aux_v[1, :]
    rw = aux_v[2, :]
    rh = aux_v[3, :]
    keyf = aux_v[4, :]
    clsf = aux_v[5, :]
    validf = aux_v[6, :]

    validm = validf > 0.0
    clskeyf = keyf * float(_NC) + clsf
    later = lax.broadcasted_iota(jnp.int32, (_NT, _NT), 1) > \
        lax.broadcasted_iota(jnp.int32, (_NT, _NT), 0)
    later_valid = later & validm[None, :]
    lose = jnp.any((keyf[None, :] == keyf[:, None]) & later_valid, axis=1)
    winner = (validm & (~lose)).astype(jnp.float32)
    lose_c = jnp.any((clskeyf[None, :] == clskeyf[:, None]) & later_valid,
                     axis=1)
    clswin = (validm & (~lose_c)).astype(jnp.float32)

    n_pos = jnp.sum(winner)
    sig0 = jax.nn.sigmoid(g[:, 0])
    sig1 = jax.nn.sigmoid(g[:, 1])
    box_sum = jnp.sum(winner * (_smooth_l1(sig0 - tx) + _smooth_l1(sig1 - ty)))
    twx = jnp.log(rw + 1e-16)
    twy = jnp.log(rh + 1e-16)
    wh_sum = jnp.sum(winner * (_smooth_l1(g[:, 2] - twx) + _smooth_l1(g[:, 3] - twy)))
    obj_corr = jnp.sum(winner * g[:, 4])
    colg = lax.broadcasted_iota(jnp.int32, (_NT, _NO), 1)
    onehot = (colg == (5 + clsf.astype(jnp.int32))[:, None]).astype(jnp.float32)
    cls_corr = jnp.sum(clswin * jnp.sum(g * onehot, axis=1))

    denom = jnp.maximum(2.0 * n_pos, 1.0)
    loss = (box_sum + wh_sum) / denom + acc_ref[0, 0] \
        - obj_corr / float(_NCELL) - cls_corr / float(_NCELL * _NC)
    out_ref[...] = jnp.reshape(loss, (1, 1))


def _assemble(raw2d, keys, aux, acc):
    return pl.pallas_call(
        _asm_body,
        in_specs=[
            pl.BlockSpec(memory_space=pltpu.HBM),
            pl.BlockSpec(memory_space=pltpu.HBM),
            pl.BlockSpec(memory_space=pltpu.HBM),
            pl.BlockSpec(memory_space=pltpu.VMEM),
        ],
        out_specs=pl.BlockSpec(memory_space=pltpu.VMEM),
        out_shape=jax.ShapeDtypeStruct((1, 1), jnp.float32),
        scratch_shapes=[
            pltpu.VMEM((_NT, _NO), jnp.float32),
            pltpu.VMEM((8, _NT), jnp.float32),
            pltpu.SMEM((2, 128), jnp.int32),
            pltpu.SemaphoreType.DMA,
            pltpu.SemaphoreType.DMA,
        ],
    )(keys, raw2d, aux, acc)


def kernel(raw_pred, targets):
    raw2d = raw_pred.reshape(_NCELL, _NO)
    tgt_t = targets.T
    keys, aux = _sc_match(tgt_t)
    acc = _dense_sum(raw2d)
    loss = _assemble(raw2d, keys, aux, acc)
    return loss[0, 0]

# --- scband reference (transcript-rebuilt; emitter-appended) ---
"""Pipeline reference for scband-yolo-loss-25417616457892 (READ-ONLY COPY).

The authoritative reference and input builder live on the scoring server;
editing this copy changes nothing except your own understanding.
"""

import jax, jax.numpy as jnp
import numpy as np

ANCHORS = jnp.array([[10.0, 13.0], [16.0, 30.0], [33.0, 23.0]], dtype=jnp.float32)
NUM_CLASSES = 80
STRIDE = 8


def setup_inputs(seed: int = 0):
    key = jax.random.key(seed)
    k1, k2 = jax.random.split(key)
    raw_pred = jax.random.normal(k1, (1, 3, 160, 160, 85), dtype=jnp.float32)
    # targets: [batch_idx, cls, cx, cy, w, h], all in [0, 1) so batch_idx floors to 0
    targets = jax.random.uniform(k2, (256, 6), dtype=jnp.float32)
    return {"raw_pred": raw_pred, "targets": targets}


def _build_targets(targets, anchors, stride, feat_h, feat_w, num_classes, B):
    nA = anchors.shape[0]
    tbox = jnp.zeros((B, nA, feat_h, feat_w, 4), dtype=jnp.float32)
    tconf = jnp.zeros((B, nA, feat_h, feat_w, 1), dtype=jnp.float32)
    tcls = jnp.zeros((B, nA, feat_h, feat_w, num_classes), dtype=jnp.float32)
    if targets.shape[0] == 0:
        return tbox, tconf, tcls
    wh_feat = jnp.array([feat_w, feat_h], dtype=jnp.float32)
    wh_img = jnp.array([feat_w * stride, feat_h * stride], dtype=jnp.float32)
    gxy = targets[:, 2:4] * wh_feat
    gwh = targets[:, 4:6] * wh_img / stride
    gij = gxy.astype(jnp.int32)
    gi = gij[:, 0]
    gj = gij[:, 1]
    anchor_wh = anchors / stride
    ratios = gwh[:, None, :] / anchor_wh[None]
    inv_ratios = anchor_wh[None] / (gwh[:, None, :] + 1e-09)
    max_ratios = jnp.max(jnp.maximum(ratios, inv_ratios), axis=2)
    best_a = jnp.argmin(max_ratios, axis=1)
    b = targets[:, 0].astype(jnp.int32)
    cls = targets[:, 1].astype(jnp.int32)
    valid = (gj < feat_h) & (gi < feat_w)
    gj_s = jnp.where(valid, gj, feat_h)  # invalid rows pushed out-of-bounds -> dropped by scatter
    txy = gxy - gij.astype(jnp.float32)
    twh = jnp.log(targets[:, 4:6] * wh_img / anchors[best_a] + 1e-16)
    tvals = jnp.concatenate([txy, twh], axis=1)
    tbox = tbox.at[b, best_a, gj_s, gi].set(tvals, mode="drop")
    tconf = tconf.at[b, best_a, gj_s, gi, 0].set(1.0, mode="drop")
    if num_classes > 1:
        tcls = tcls.at[b, best_a, gj_s, gi, cls].set(1.0, mode="drop")
    return tbox, tconf, tcls


def _bce_logits_mean(x, t):
    return jnp.mean(jnp.maximum(x, 0.0) - x * t + jnp.log1p(jnp.exp(-jnp.abs(x))))


def _smooth_l1_masked_mean(p, t, mask):
    d = jnp.abs(p - t)
    l = jnp.where(d < 1.0, 0.5 * d * d, d - 0.5)
    n = jnp.sum(mask)
    return jnp.sum(l * mask) / jnp.maximum(n, 1.0)


def reference(raw_pred, targets):
    bsz, nA, ny, nx, no = raw_pred.shape
    B = 1
    tbox, tconf, tcls = _build_targets(targets, ANCHORS, STRIDE, ny, nx, NUM_CLASSES, B)
    p_xy = jax.nn.sigmoid(raw_pred[..., 0:2])
    p_wh = raw_pred[..., 2:4]
    p_obj = raw_pred[..., 4:5]
    p_cls = raw_pred[..., 5:]
    mask2 = jnp.broadcast_to(tconf > 0.0, tbox[..., 0:2].shape).astype(jnp.float32)
    n_pos = jnp.sum(tconf)
    l_box = jnp.where(n_pos > 0, _smooth_l1_masked_mean(p_xy, tbox[..., 0:2], mask2), 0.0)
    l_wh = jnp.where(n_pos > 0, _smooth_l1_masked_mean(p_wh, tbox[..., 2:4], mask2), 0.0)
    l_obj = _bce_logits_mean(p_obj, tconf)
    if NUM_CLASSES > 1:
        l_cls = _bce_logits_mean(p_cls, tcls)
    else:
        l_cls = jnp.float32(0.0)
    loss = l_box + l_wh + l_obj + l_cls
    return loss

if __name__ == "__main__":
    import jax
    _d = setup_inputs()
    print(jax.jit(kernel)(*tuple(_d.values())))

</pallas_src>

<mosaic_0001>
#map = affine_map<(d0, d1) -> (0, 0)>
module attributes {stable_mosaic.version = 14 : i64} {
  func.func @_sc_body(%arg0: i32, %arg1: i32, %arg2: memref<6x256xf32, #tpu.memory_space<hbm>>, %arg3: memref<2x128xi32, #tpu.memory_space<hbm>>, %arg4: memref<8x256xf32, #tpu.memory_space<hbm>>, %arg5: memref<6x256xf32, #tpu.memory_space<vmem>>, %arg6: memref<2x128xi32, #tpu.memory_space<vmem>>, %arg7: memref<8x256xf32, #tpu.memory_space<vmem>>) attributes {dimension_semantics = [#tpu.dimension_semantics<core_parallel>, #tpu.dimension_semantics<subcore_parallel>], iteration_bounds = array<i64: 2, 16>, scalar_prefetch = 0 : i64, scratch_operands = 3 : i64, tpu.core_type = #tpu.core_type<sc_vector_subcore>, window_params = [{transform_indices = #map}, {transform_indices = #map}, {transform_indices = #map}]} {
    %eq3A = arith.constant 0 : i32
    %eq3A_0 = arith.cmpi eq, %arg0, %eq3A : i32
    %eq3A_1 = arith.constant 0 : i32
    %eq3A_2 = arith.cmpi eq, %arg1, %eq3A_1 : i32
    %and3A = arith.andi %eq3A_0, %eq3A_2 : i1
    %convert_element_type3A = arith.extui %and3A : i1 to i32
    %cond3A = arith.constant 0 : i32
    %cond3A_3 = arith.cmpi ne, %convert_element_type3A, %cond3A : i32
    scf.if %cond3A_3 {
      "tpu.region"() ({
        %run_scoped3A = tpu.sem_alloc : memref<!tpu.dma_semaphore, #tpu.memory_space<semaphore_mem>>
        tpu.enqueue_dma source(%arg2 : memref<6x256xf32, #tpu.memory_space<hbm>>) target(%arg5 : memref<6x256xf32, #tpu.memory_space<vmem>>) target_semaphore(%run_scoped3A : memref<!tpu.dma_semaphore, #tpu.memory_space<semaphore_mem>>)
        tpu.wait_dma2 semaphore(%run_scoped3A : memref<!tpu.dma_semaphore, #tpu.memory_space<semaphore_mem>>) src(%arg2 : memref<6x256xf32, #tpu.memory_space<hbm>>) dst(%arg5 : memref<6x256xf32, #tpu.memory_space<vmem>>)
        tpu.yield
      }) : () -> ()
      %get3A = arith.constant 1 : i32
      %get3A_4 = arith.index_cast %get3A : i32 to index
      %get3A_5 = arith.constant 0 : index
      %get3A_6 = tpu.vector_load %arg5[%get3A_4, %get3A_5] {strides = array<i32>} : memref<6x256xf32, #tpu.memory_space<vmem>>, vector<1x16xf32>,
      %get3A_7 = vector.shape_cast %get3A_6 : vector<1x16xf32> to vector<16xf32>
      %get3A_8 = arith.constant 2 : i32
      %get3A_9 = arith.index_cast %get3A_8 : i32 to index
      %get3A_10 = arith.constant 0 : index
      %get3A_11 = tpu.vector_load %arg5[%get3A_9, %get3A_10] {strides = array<i32>} : memref<6x256xf32, #tpu.memory_space<vmem>>, vector<1x16xf32>,
      %get3A_12 = vector.shape_cast %get3A_11 : vector<1x16xf32> to vector<16xf32>
      %get3A_13 = arith.constant 3 : i32
      %get3A_14 = arith.index_cast %get3A_13 : i32 to index
      %get3A_15 = arith.constant 0 : index
      %get3A_16 = tpu.vector_load %arg5[%get3A_14, %get3A_15] {strides = array<i32>} : memref<6x256xf32, #tpu.memory_space<vmem>>, vector<1x16xf32>,
      %get3A_17 = vector.shape_cast %get3A_16 : vector<1x16xf32> to vector<16xf32>
      %get3A_18 = arith.constant 4 : i32
      %get3A_19 = arith.index_cast %get3A_18 : i32 to index
      %get3A_20 = arith.constant 0 : index
      %get3A_21 = tpu.vector_load %arg5[%get3A_19, %get3A_20] {strides = array<i32>} : memref<6x256xf32, #tpu.memory_space<vmem>>, vector<1x16xf32>,
      %get3A_22 = vector.shape_cast %get3A_21 : vector<1x16xf32> to vector<16xf32>
      %get3A_23 = arith.constant 5 : i32
      %get3A_24 = arith.index_cast %get3A_23 : i32 to index
      %get3A_25 = arith.constant 0 : index
      %get3A_26 = tpu.vector_load %arg5[%get3A_24, %get3A_25] {strides = array<i32>} : memref<6x256xf32, #tpu.memory_space<vmem>>, vector<1x16xf32>,
      %get3A_27 = vector.shape_cast %get3A_26 : vector<1x16xf32> to vector<16xf32>
      %mul3A = arith.constant 1.600000e+02 : f32
      %mul3A_28 = vector.broadcast %mul3A : f32 to vector<16xf32>
      %mul3A_29 = arith.mulf %get3A_12, %mul3A_28 : vector<16xf32>
      %mul3A_30 = arith.constant 1.600000e+02 : f32
      %mul3A_31 = vector.broadcast %mul3A_30 : f32 to vector<16xf32>
      %mul3A_32 = arith.mulf %get3A_17, %mul3A_31 : vector<16xf32>
      %convert_element_type3A_33 = arith.fptosi %mul3A_29 : vector<16xf32> to vector<16xi32>
      %convert_element_type3A_34 = arith.fptosi %mul3A_32 : vector<16xf32> to vector<16xi32>
      %mul3A_35 = arith.constant 1.280000e+03 : f32
      %mul3A_36 = vector.broadcast %mul3A_35 : f32 to vector<16xf32>
      %mul3A_37 = arith.mulf %get3A_22, %mul3A_36 : vector<16xf32>
      %div3A = arith.constant 8.000000e+00 : f32
      %div3A_38 = vector.broadcast %div3A : f32 to vector<16xf32>
      %div3A_39 = arith.divf %mul3A_37, %div3A_38 : vector<16xf32>
      %mul3A_40 = arith.constant 1.280000e+03 : f32
      %mul3A_41 = vector.broadcast %mul3A_40 : f32 to vector<16xf32>
      %mul3A_42 = arith.mulf %get3A_27, %mul3A_41 : vector<16xf32>
      %div3A_43 = arith.constant 8.000000e+00 : f32
      %div3A_44 = vector.broadcast %div3A_43 : f32 to vector<16xf32>
      %div3A_45 = arith.divf %mul3A_42, %div3A_44 : vector<16xf32>
      %div3A_46 = arith.constant 1.250000e+00 : f32
      %div3A_47 = vector.broadcast %div3A_46 : f32 to vector<16xf32>
      %div3A_48 = arith.divf %div3A_39, %div3A_47 : vector<16xf32>
      %add3A = arith.constant 9.99999971E-10 : f32
      %add3A_49 = vector.broadcast %add3A : f32 to vector<16xf32>
      %add3A_50 = arith.addf %div3A_39, %add3A_49 : vector<16xf32>
      %div3A_51 = arith.constant 1.250000e+00 : f32
      %div3A_52 = vector.broadcast %div3A_51 : f32 to vector<16xf32>
      %div3A_53 = arith.divf %div3A_52, %add3A_50 : vector<16xf32>
      %max3A = arith.maximumf %div3A_48, %div3A_53 : vector<16xf32>
      %div3A_54 = arith.constant 1.625000e+00 : f32
      %div3A_55 = vector.broadcast %div3A_54 : f32 to vector<16xf32>
      %div3A_56 = arith.divf %div3A_45, %div3A_55 : vector<16xf32>
      %add3A_57 = arith.constant 9.99999971E-10 : f32
      %add3A_58 = vector.broadcast %add3A_57 : f32 to vector<16xf32>
      %add3A_59 = arith.addf %div3A_45, %add3A_58 : vector<16xf32>
      %div3A_60 = arith.constant 1.625000e+00 : f32
      %div3A_61 = vector.broadcast %div3A_60 : f32 to vector<16xf32>
      %div3A_62 = arith.divf %div3A_61, %add3A_59 : vector<16xf32>
      %max3A_63 = arith.maximumf %div3A_56, %div3A_62 : vector<16xf32>
      %max3A_64 = arith.maximumf %max3A, %max3A_63 : vector<16xf32>
      %div3A_65 = arith.constant 2.000000e+00 : f32
      %div3A_66 = vector.broadcast %div3A_65 : f32 to vector<16xf32>
      %div3A_67 = arith.divf %div3A_39, %div3A_66 : vector<16xf32>
      %add3A_68 = arith.constant 9.99999971E-10 : f32
      %add3A_69 = vector.broadcast %add3A_68 : f32 to vector<16xf32>
      %add3A_70 = arith.addf %div3A_39, %add3A_69 : vector<16xf32>
      %div3A_71 = arith.constant 2.000000e+00 : f32
      %div3A_72 = vector.broadcast %div3A_71 : f32 to vector<16xf32>
      %div3A_73 = arith.divf %div3A_72, %add3A_70 : vector<16xf32>
      %max3A_74 = arith.maximumf %div3A_67, %div3A_73 : vector<16xf32>
      %div3A_75 = arith.constant 3.750000e+00 : f32
      %div3A_76 = vector.broadcast %div3A_75 : f32 to vector<16xf32>
      %div3A_77 = arith.divf %div3A_45, %div3A_76 : vector<16xf32>
      %add3A_78 = arith.constant 9.99999971E-10 : f32
      %add3A_79 = vector.broadcast %add3A_78 : f32 to vector<16xf32>
      %add3A_80 = arith.addf %div3A_45, %add3A_79 : vector<16xf32>
      %div3A_81 = arith.constant 3.750000e+00 : f32
      %div3A_82 = vector.broadcast %div3A_81 : f32 to vector<16xf32>
      %div3A_83 = arith.divf %div3A_82, %add3A_80 : vector<16xf32>
      %max3A_84 = arith.maximumf %div3A_77, %div3A_83 : vector<16xf32>
      %max3A_85 = arith.maximumf %max3A_74, %max3A_84 : vector<16xf32>
      %div3A_86 = arith.constant 4.125000e+00 : f32
      %div3A_87 = vector.broadcast %div3A_86 : f32 to vector<16xf32>
      %div3A_88 = arith.divf %div3A_39, %div3A_87 : vector<16xf32>
      %add3A_89 = arith.constant 9.99999971E-10 : f32
      %add3A_90 = vector.broadcast %add3A_89 : f32 to vector<16xf32>
      %add3A_91 = arith.addf %div3A_39, %add3A_90 : vector<16xf32>
      %div3A_92 = arith.constant 4.125000e+00 : f32
      %div3A_93 = vector.broadcast %div3A_92 : f32 to vector<16xf32>
      %div3A_94 = arith.divf %div3A_93, %add3A_91 : vector<16xf32>
      %max3A_95 = arith.maximumf %div3A_88, %div3A_94 : vector<16xf32>
      %div3A_96 = arith.constant 2.875000e+00 : f32
      %div3A_97 = vector.broadcast %div3A_96 : f32 to vector<16xf32>
      %div3A_98 = arith.divf %div3A_45, %div3A_97 : vector<16xf32>
      %add3A_99 = arith.constant 9.99999971E-10 : f32
      %add3A_100 = vector.broadcast %add3A_99 : f32 to vector<16xf32>
      %add3A_101 = arith.addf %div3A_45, %add3A_100 : vector<16xf32>
      %div3A_102 = arith.constant 2.875000e+00 : f32
      %div3A_103 = vector.broadcast %div3A_102 : f32 to vector<16xf32>
      %div3A_104 = arith.divf %div3A_103, %add3A_101 : vector<16xf32>
      %max3A_105 = arith.maximumf %div3A_98, %div3A_104 : vector<16xf32>
      %max3A_106 = arith.maximumf %max3A_95, %max3A_105 : vector<16xf32>
      %lt3A = arith.cmpf olt, %max3A_85, %max3A_64 : vector<16xf32>
      %min3A = arith.minimumf %max3A_64, %max3A_85 : vector<16xf32>
      %lt3A_107 = arith.cmpf olt, %max3A_106, %min3A : vector<16xf32>
      %jit3A = arith.constant 1 : i32
      %jit3A_108 = arith.constant 0 : i32
      %broadcast_in_dim3A = vector.broadcast %jit3A : i32 to vector<16xi32>
      %broadcast_in_dim3A_109 = vector.broadcast %jit3A_108 : i32 to vector<16xi32>
      %select_n3A = arith.select %lt3A, %broadcast_in_dim3A, %broadcast_in_dim3A_109 : vector<16xi1>, vector<16xi32>
      %jit3A_110 = arith.constant 2 : i32
      %broadcast_in_dim3A_111 = vector.broadcast %jit3A_110 : i32 to vector<16xi32>
      %select_n3A_112 = arith.select %lt3A_107, %broadcast_in_dim3A_111, %select_n3A : vector<16xi1>, vector<16xi32>
      %lt3A_113 = arith.constant 160 : i32
      %lt3A_114 = vector.broadcast %lt3A_113 : i32 to vector<16xi32>
      %lt3A_115 = arith.cmpi slt, %convert_element_type3A_34, %lt3A_114 : vector<16xi32>
      %lt3A_116 = arith.constant 160 : i32
      %lt3A_117 = vector.broadcast %lt3A_116 : i32 to vector<16xi32>
      %lt3A_118 = arith.cmpi slt, %convert_element_type3A_33, %lt3A_117 : vector<16xi32>
      %and3A_119 = arith.andi %lt3A_115, %lt3A_118 : vector<16xi1>
      %mul3A_120 = arith.constant 25600 : i32
      %mul3A_121 = vector.broadcast %mul3A_120 : i32 to vector<16xi32>
      %mul3A_122 = arith.muli %select_n3A_112, %mul3A_121 : vector<16xi32>
      %mul3A_123 = arith.constant 160 : i32
      %mul3A_124 = vector.broadcast %mul3A_123 : i32 to vector<16xi32>
      %mul3A_125 = arith.muli %convert_element_type3A_34, %mul3A_124 : vector<16xi32>
      %add3A_126 = arith.addi %mul3A_122, %mul3A_125 : vector<16xi32>
      %add3A_127 = arith.addi %add3A_126, %convert_element_type3A_33 : vector<16xi32>
      %jit3A_128 = arith.constant 0 : i32
      %broadcast_in_dim3A_129 = vector.broadcast %jit3A_128 : i32 to vector<16xi32>
      %select_n3A_130 = arith.select %and3A_119, %add3A_127, %broadcast_in_dim3A_129 : vector<16xi1>, vector<16xi32>
      %swap3A = arith.constant 0 : i32
      %swap3A_131 = arith.index_cast %swap3A : i32 to index
      %swap3A_132 = arith.constant 0 : index
      %swap3A_133 = tpu.vector_load %arg6[%swap3A_131, %swap3A_132] {strides = array<i32>} : memref<2x128xi32, #tpu.memory_space<vmem>>, vector<1x16xi32>,
      %swap3A_134 = vector.shape_cast %swap3A_133 : vector<1x16xi32> to vector<16xi32>
      %swap3A_135 = vector.shape_cast %select_n3A_130 : vector<16xi32> to vector<1x16xi32>
      tpu.vector_store %arg6[%swap3A_131, %swap3A_132], %swap3A_135 {strides = array<i32>} : memref<2x128xi32, #tpu.memory_space<vmem>>, vector<1x16xi32>,
      %eq3A_136 = arith.constant 0 : i32
      %eq3A_137 = vector.broadcast %eq3A_136 : i32 to vector<16xi32>
      %eq3A_138 = arith.cmpi eq, %select_n3A_112, %eq3A_137 : vector<16xi32>
      %eq3A_139 = arith.constant 1 : i32
      %eq3A_140 = vector.broadcast %eq3A_139 : i32 to vector<16xi32>
      %eq3A_141 = arith.cmpi eq, %select_n3A_112, %eq3A_140 : vector<16xi32>
      %jit3A_142 = arith.constant 1.600000e+01 : f32
      %jit3A_143 = arith.constant 3.300000e+01 : f32
      %broadcast_in_dim3A_144 = vector.broadcast %jit3A_142 : f32 to vector<16xf32>
      %broadcast_in_dim3A_145 = vector.broadcast %jit3A_143 : f32 to vector<16xf32>
      %select_n3A_146 = arith.select %eq3A_141, %broadcast_in_dim3A_144, %broadcast_in_dim3A_145 : vector<16xi1>, vector<16xf32>
      %jit3A_147 = arith.constant 1.000000e+01 : f32
      %broadcast_in_dim3A_148 = vector.broadcast %jit3A_147 : f32 to vector<16xf32>
      %select_n3A_149 = arith.select %eq3A_138, %broadcast_in_dim3A_148, %select_n3A_146 : vector<16xi1>, vector<16xf32>
      %eq3A_150 = arith.constant 0 : i32
      %eq3A_151 = vector.broadcast %eq3A_150 : i32 to vector<16xi32>
      %eq3A_152 = arith.cmpi eq, %select_n3A_112, %eq3A_151 : vector<16xi32>
      %eq3A_153 = arith.constant 1 : i32
      %eq3A_154 = vector.broadcast %eq3A_153 : i32 to vector<16xi32>
      %eq3A_155 = arith.cmpi eq, %select_n3A_112, %eq3A_154 : vector<16xi32>
      %jit3A_156 = arith.constant 3.000000e+01 : f32
      %jit3A_157 = arith.constant 2.300000e+01 : f32
      %broadcast_in_dim3A_158 = vector.broadcast %jit3A_156 : f32 to vector<16xf32>
      %broadcast_in_dim3A_159 = vector.broadcast %jit3A_157 : f32 to vector<16xf32>
      %select_n3A_160 = arith.select %eq3A_155, %broadcast_in_dim3A_158, %broadcast_in_dim3A_159 : vector<16xi1>, vector<16xf32>
      %jit3A_161 = arith.constant 1.300000e+01 : f32
      %broadcast_in_dim3A_162 = vector.broadcast %jit3A_161 : f32 to vector<16xf32>
      %select_n3A_163 = arith.select %eq3A_152, %broadcast_in_dim3A_162, %select_n3A_160 : vector<16xi1>, vector<16xf32>
      %convert_element_type3A_164 = arith.sitofp %convert_element_type3A_33 : vector<16xi32> to vector<16xf32>
      %sub3A = arith.subf %mul3A_29, %convert_element_type3A_164 : vector<16xf32>
      %swap3A_165 = arith.constant 0 : i32
      %swap3A_166 = arith.index_cast %swap3A_165 : i32 to index
      %swap3A_167 = arith.constant 0 : index
      %swap3A_168 = tpu.vector_load %arg7[%swap3A_166, %swap3A_167] {strides = array<i32>} : memref<8x256xf32, #tpu.memory_space<vmem>>, vector<1x16xf32>,
      %swap3A_169 = vector.shape_cast %swap3A_168 : vector<1x16xf32> to vector<16xf32>
      %swap3A_170 = vector.shape_cast %sub3A : vector<16xf32> to vector<1x16xf32>
      tpu.vector_store %arg7[%swap3A_166, %swap3A_167], %swap3A_170 {strides = array<i32>} : memref<8x256xf32, #tpu.memory_space<vmem>>, vector<1x16xf32>,
      %convert_element_type3A_171 = arith.sitofp %convert_element_type3A_34 : vector<16xi32> to vector<16xf32>
      %sub3A_172 = arith.subf %mul3A_32, %convert_element_type3A_171 : vector<16xf32>
      %swap3A_173 = arith.constant 1 : i32
      %swap3A_174 = arith.index_cast %swap3A_173 : i32 to index
      %swap3A_175 = arith.constant 0 : index
      %swap3A_176 = tpu.vector_load %arg7[%swap3A_174, %swap3A_175] {strides = array<i32>} : memref<8x256xf32, #tpu.memory_space<vmem>>, vector<1x16xf32>,
      %swap3A_177 = vector.shape_cast %swap3A_176 : vector<1x16xf32> to vector<16xf32>
      %swap3A_178 = vector.shape_cast %sub3A_172 : vector<16xf32> to vector<1x16xf32>
      tpu.vector_store %arg7[%swap3A_174, %swap3A_175], %swap3A_178 {strides = array<i32>} : memref<8x256xf32, #tpu.memory_space<vmem>>, vector<1x16xf32>,
      %mul3A_179 = arith.constant 1.280000e+03 : f32
      %mul3A_180 = vector.broadcast %mul3A_179 : f32 to vector<16xf32>
      %mul3A_181 = arith.mulf %get3A_22, %mul3A_180 : vector<16xf32>
      %div3A_182 = arith.divf %mul3A_181, %select_n3A_149 : vector<16xf32>
      %swap3A_183 = arith.constant 2 : i32
      %swap3A_184 = arith.index_cast %swap3A_183 : i32 to index
      %swap3A_185 = arith.constant 0 : index
      %swap3A_186 = tpu.vector_load %arg7[%swap3A_184, %swap3A_185] {strides = array<i32>} : memref<8x256xf32, #tpu.memory_space<vmem>>, vector<1x16xf32>,
      %swap3A_187 = vector.shape_cast %swap3A_186 : vector<1x16xf32> to vector<16xf32>
      %swap3A_188 = vector.shape_cast %div3A_182 : vector<16xf32> to vector<1x16xf32>
      tpu.vector_store %arg7[%swap3A_184, %swap3A_185], %swap3A_188 {strides = array<i32>} : memref<8x256xf32, #tpu.memory_space<vmem>>, vector<1x16xf32>,
      %mul3A_189 = arith.constant 1.280000e+03 : f32
      %mul3A_190 = vector.broadcast %mul3A_189 : f32 to vector<16xf32>
      %mul3A_191 = arith.mulf %get3A_27, %mul3A_190 : vector<16xf32>
      %div3A_192 = arith.divf %mul3A_191, %select_n3A_163 : vector<16xf32>
      %swap3A_193 = arith.constant 3 : i32
      %swap3A_194 = arith.index_cast %swap3A_193 : i32 to index
      %swap3A_195 = arith.constant 0 : index
      %swap3A_196 = tpu.vector_load %arg7[%swap3A_194, %swap3A_195] {strides = array<i32>} : memref<8x256xf32, #tpu.memory_space<vmem>>, vector<1x16xf32>,
      %swap3A_197 = vector.shape_cast %swap3A_196 : vector<1x16xf32> to vector<16xf32>
      %swap3A_198 = vector.shape_cast %div3A_192 : vector<16xf32> to vector<1x16xf32>
      tpu.vector_store %arg7[%swap3A_194, %swap3A_195], %swap3A_198 {strides = array<i32>} : memref<8x256xf32, #tpu.memory_space<vmem>>, vector<1x16xf32>,
      %convert_element_type3A_199 = arith.sitofp %add3A_127 : vector<16xi32> to vector<16xf32>
      %swap3A_200 = arith.constant 4 : i32
      %swap3A_201 = arith.index_cast %swap3A_200 : i32 to index
      %swap3A_202 = arith.constant 0 : index
      %swap3A_203 = tpu.vector_load %arg7[%swap3A_201, %swap3A_202] {strides = array<i32>} : memref<8x256xf32, #tpu.memory_space<vmem>>, vector<1x16xf32>,
      %swap3A_204 = vector.shape_cast %swap3A_203 : vector<1x16xf32> to vector<16xf32>
      %swap3A_205 = vector.shape_cast %convert_element_type3A_199 : vector<16xf32> to vector<1x16xf32>
      tpu.vector_store %arg7[%swap3A_201, %swap3A_202], %swap3A_205 {strides = array<i32>} : memref<8x256xf32, #tpu.memory_space<vmem>>, vector<1x16xf32>,
      %convert_element_type3A_206 = arith.fptosi %get3A_7 : vector<16xf32> to vector<16xi32>
      %convert_element_type3A_207 = arith.sitofp %convert_element_type3A_206 : vector<16xi32> to vector<16xf32>
      %swap3A_208 = arith.constant 5 : i32
      %swap3A_209 = arith.index_cast %swap3A_208 : i32 to index
      %swap3A_210 = arith.constant 0 : index
      %swap3A_211 = tpu.vector_load %arg7[%swap3A_209, %swap3A_210] {strides = array<i32>} : memref<8x256xf32, #tpu.memory_space<vmem>>, vector<1x16xf32>,
      %swap3A_212 = vector.shape_cast %swap3A_211 : vector<1x16xf32> to vector<16xf32>
      %swap3A_213 = vector.shape_cast %convert_element_type3A_207 : vector<16xf32> to vector<1x16xf32>
      tpu.vector_store %arg7[%swap3A_209, %swap3A_210], %swap3A_213 {strides = array<i32>} : memref<8x256xf32, #tpu.memory_space<vmem>>, vector<1x16xf32>,
      %jit3A_214 = arith.constant 1.000000e+00 : f32
      %jit3A_215 = arith.constant 0.000000e+00 : f32
      %broadcast_in_dim3A_216 = vector.broadcast %jit3A_214 : f32 to vector<16xf32>
      %broadcast_in_dim3A_217 = vector.broadcast %jit3A_215 : f32 to vector<16xf32>
      %select_n3A_218 = arith.select %and3A_119, %broadcast_in_dim3A_216, %broadcast_in_dim3A_217 : vector<16xi1>, vector<16xf32>
      %swap3A_219 = arith.constant 6 : i32
      %swap3A_220 = arith.index_cast %swap3A_219 : i32 to index
      %swap3A_221 = arith.constant 0 : index
      %swap3A_222 = tpu.vector_load %arg7[%swap3A_220, %swap3A_221] {strides = array<i32>} : memref<8x256xf32, #tpu.memory_space<vmem>>, vector<1x16xf32>,
      %swap3A_223 = vector.shape_cast %swap3A_222 : vector<1x16xf32> to vector<16xf32>
      %swap3A_224 = vector.shape_cast %select_n3A_218 : vector<16xf32> to vector<1x16xf32>
      tpu.vector_store %arg7[%swap3A_220, %swap3A_221], %swap3A_224 {strides = array<i32>} : memref<8x256xf32, #tpu.memory_space<vmem>>, vector<1x16xf32>,
      %broadcast_in_dim3A_225 = arith.constant 0.000000e+00 : f32
      %broadcast_in_dim3A_226 = vector.broadcast %broadcast_in_dim3A_225 : f32 to vector<16xf32>
      %swap3A_227 = arith.constant 7 : i32
      %swap3A_228 = arith.index_cast %swap3A_227 : i32 to index
      %swap3A_229 = arith.constant 0 : index
      %swap3A_230 = tpu.vector_load %arg7[%swap3A_228, %swap3A_229] {strides = array<i32>} : memref<8x256xf32, #tpu.memory_space<vmem>>, vector<1x16xf32>,
      %swap3A_231 = vector.shape_cast %swap3A_230 : vector<1x16xf32> to vector<16xf32>
      %swap3A_232 = vector.shape_cast %broadcast_in_dim3A_226 : vector<16xf32> to vector<1x16xf32>
      tpu.vector_store %arg7[%swap3A_228, %swap3A_229], %swap3A_232 {strides = array<i32>} : memref<8x256xf32, #tpu.memory_space<vmem>>, vector<1x16xf32>,
      %get3A_233 = arith.constant 1 : i32
      %get3A_234 = arith.index_cast %get3A_233 : i32 to index
      %get3A_235 = arith.constant 16 : index
      %get3A_236 = tpu.vector_load %arg5[%get3A_234, %get3A_235] {strides = array<i32>} : memref<6x256xf32, #tpu.memory_space<vmem>>, vector<1x16xf32>,
      %get3A_237 = vector.shape_cast %get3A_236 : vector<1x16xf32> to vector<16xf32>
      %get3A_238 = arith.constant 2 : i32
      %get3A_239 = arith.index_cast %get3A_238 : i32 to index
      %get3A_240 = arith.constant 16 : index
      %get3A_241 = tpu.vector_load %arg5[%get3A_239, %get3A_240] {strides = array<i32>} : memref<6x256xf32, #tpu.memory_space<vmem>>, vector<1x16xf32>,
      %get3A_242 = vector.shape_cast %get3A_241 : vector<1x16xf32> to vector<16xf32>
      %get3A_243 = arith.constant 3 : i32
      %get3A_244 = arith.index_cast %get3A_243 : i32 to index
      %get3A_245 = arith.constant 16 : index
      %get3A_246 = tpu.vector_load %arg5[%get3A_244, %get3A_245] {strides = array<i32>} : memref<6x256xf32, #tpu.memory_space<vmem>>, vector<1x16xf32>,
      %get3A_247 = vector.shape_cast %get3A_246 : vector<1x16xf32> to vector<16xf32>
      %get3A_248 = arith.constant 4 : i32
      %get3A_249 = arith.index_cast %get3A_248 : i32 to index
      %get3A_250 = arith.constant 16 : index
      %get3A_251 = tpu.vector_load %arg5[%get3A_249, %get3A_250] {strides = array<i32>} : memref<6x256xf32, #tpu.memory_space<vmem>>, vector<1x16xf32>,
      %get3A_252 = vector.shape_cast %get3A_251 : vector<1x16xf32> to vector<16xf32>
      %get3A_253 = arith.constant 5 : i32
      %get3A_254 = arith.index_cast %get3A_253 : i32 to index
      %get3A_255 = arith.constant 16 : index
      %get3A_256 = tpu.vector_load %arg5[%get3A_254, %get3A_255] {strides = array<i32>} : memref<6x256xf32, #tpu.memory_space<vmem>>, vector<1x16xf32>,
      %get3A_257 = vector.shape_cast %get3A_256 : vector<1x16xf32> to vector<16xf32>
      %mul3A_258 = arith.constant 1.600000e+02 : f32
      %mul3A_259 = vector.broadcast %mul3A_258 : f32 to vector<16xf32>
      %mul3A_260 = arith.mulf %get3A_242, %mul3A_259 : vector<16xf32>
      %mul3A_261 = arith.constant 1.600000e+02 : f32
      %mul3A_262 = vector.broadcast %mul3A_261 : f32 to vector<16xf32>
      %mul3A_263 = arith.mulf %get3A_247, %mul3A_262 : vector<16xf32>
      %convert_element_type3A_264 = arith.fptosi %mul3A_260 : vector<16xf32> to vector<16xi32>
      %convert_element_type3A_265 = arith.fptosi %mul3A_263 : vector<16xf32> to vector<16xi32>
      %mul3A_266 = arith.constant 1.280000e+03 : f32
      %mul3A_267 = vector.broadcast %mul3A_266 : f32 to vector<16xf32>
      %mul3A_268 = arith.mulf %get3A_252, %mul3A_267 : vector<16xf32>
      %div3A_269 = arith.constant 8.000000e+00 : f32
      %div3A_270 = vector.broadcast %div3A_269 : f32 to vector<16xf32>
      %div3A_271 = arith.divf %mul3A_268, %div3A_270 : vector<16xf32>
      %mul3A_272 = arith.constant 1.280000e+03 : f32
      %mul3A_273 = vector.broadcast %mul3A_272 : f32 to vector<16xf32>
      %mul3A_274 = arith.mulf %get3A_257, %mul3A_273 : vector<16xf32>
      %div3A_275 = arith.constant 8.000000e+00 : f32
      %div3A_276 = vector.broadcast %div3A_275 : f32 to vector<16xf32>
      %div3A_277 = arith.divf %mul3A_274, %div3A_276 : vector<16xf32>
      %div3A_278 = arith.constant 1.250000e+00 : f32
      %div3A_279 = vector.broadcast %div3A_278 : f32 to vector<16xf32>
      %div3A_280 = arith.divf %div3A_271, %div3A_279 : vector<16xf32>
      %add3A_281 = arith.constant 9.99999971E-10 : f32
      %add3A_282 = vector.broadcast %add3A_281 : f32 to vector<16xf32>
      %add3A_283 = arith.addf %div3A_271, %add3A_282 : vector<16xf32>
      %div3A_284 = arith.constant 1.250000e+00 : f32
      %div3A_285 = vector.broadcast %div3A_284 : f32 to vector<16xf32>
      %div3A_286 = arith.divf %div3A_285, %add3A_283 : vector<16xf32>
      %max3A_287 = arith.maximumf %div3A_280, %div3A_286 : vector<16xf32>
      %div3A_288 = arith.constant 1.625000e+00 : f32
      %div3A_289 = vector.broadcast %div3A_288 : f32 to vector<16xf32>
      %div3A_290 = arith.divf %div3A_277, %div3A_289 : vector<16xf32>
      %add3A_291 = arith.constant 9.99999971E-10 : f32
      %add3A_292 = vector.broadcast %add3A_291 : f32 to vector<16xf32>
      %add3A_293 = arith.addf %div3A_277, %add3A_292 : vector<16xf32>
      %div3A_294 = arith.constant 1.625000e+00 : f32
      %div3A_295 = vector.broadcast %div3A_294 : f32 to vector<16xf32>
      %div3A_296 = arith.divf %div3A_295, %add3A_293 : vector<16xf32>
      %max3A_297 = arith.maximumf %div3A_290, %div3A_296 : vector<16xf32>
      %max3A_298 = arith.maximumf %max3A_287, %max3A_297 : vector<16xf32>
      %div3A_299 = arith.constant 2.000000e+00 : f32
      %div3A_300 = vector.broadcast %div3A_299 : f32 to vector<16xf32>
      %div3A_301 = arith.divf %div3A_271, %div3A_300 : vector<16xf32>
      %add3A_302 = arith.constant 9.99999971E-10 : f32
      %add3A_303 = vector.broadcast %add3A_302 : f32 to vector<16xf32>
      %add3A_304 = arith.addf %div3A_271, %add3A_303 : vector<16xf32>
      %div3A_305 = arith.constant 2.000000e+00 : f32
      %div3A_306 = vector.broadcast %div3A_305 : f32 to vector<16xf32>
      %div3A_307 = arith.divf %div3A_306, %add3A_304 : vector<16xf32>
      %max3A_308 = arith.maximumf %div3A_301, %div3A_307 : vector<16xf32>
      %div3A_309 = arith.constant 3.750000e+00 : f32
      %div3A_310 = vector.broadcast %div3A_309 : f32 to vector<16xf32>
      %div3A_311 = arith.divf %div3A_277, %div3A_310 : vector<16xf32>
      %add3A_312 = arith.constant 9.99999971E-10 : f32
      %add3A_313 = vector.broadcast %add3A_312 : f32 to vector<16xf32>
      %add3A_314 = arith.addf %div3A_277, %add3A_313 : vector<16xf32>
      %div3A_315 = arith.constant 3.750000e+00 : f32
      %div3A_316 = vector.broadcast %div3A_315 : f32 to vector<16xf32>
      %div3A_317 = arith.divf %div3A_316, %add3A_314 : vector<16xf32>
      %max3A_318 = arith.maximumf %div3A_311, %div3A_317 : vector<16xf32>
      %max3A_319 = arith.maximumf %max3A_308, %max3A_318 : vector<16xf32>
      %div3A_320 = arith.constant 4.125000e+00 : f32
      %div3A_321 = vector.broadcast %div3A_320 : f32 to vector<16xf32>
      %div3A_322 = arith.divf %div3A_271, %div3A_321 : vector<16xf32>
      %add3A_323 = arith.constant 9.99999971E-10 : f32
      %add3A_324 = vector.broadcast %add3A_323 : f32 to vector<16xf32>
      %add3A_325 = arith.addf %div3A_271, %add3A_324 : vector<16xf32>
      %div3A_326 = arith.constant 4.125000e+00 : f32
      %div3A_327 = vector.broadcast %div3A_326 : f32 to vector<16xf32>
      %div3A_328 = arith.divf %div3A_327, %add3A_325 : vector<16xf32>
      %max3A_329 = arith.maximumf %div3A_322, %div3A_328 : vector<16xf32>
      %div3A_330 = arith.constant 2.875000e+00 : f32
      %div3A_331 = vector.broadcast %div3A_330 : f32 to vector<16xf32>
      %div3A_332 = arith.divf %div3A_277, %div3A_331 : vector<16xf32>
      %add3A_333 = arith.constant 9.99999971E-10 : f32
      %add3A_334 = vector.broadcast %add3A_333 : f32 to vector<16xf32>
      %add3A_335 = arith.addf %div3A_277, %add3A_334 : vector<16xf32>
      %div3A_336 = arith.constant 2.875000e+00 : f32
      %div3A_337 = vector.broadcast %div3A_336 : f32 to vector<16xf32>
      %div3A_338 = arith.divf %div3A_337, %add3A_335 : vector<16xf32>
      %max3A_339 = arith.maximumf %div3A_332, %div3A_338 : vector<16xf32>
      %max3A_340 = arith.maximumf %max3A_329, %max3A_339 : vector<16xf32>
      %lt3A_341 = arith.cmpf olt, %max3A_319, %max3A_298 : vector<16xf32>
      %min3A_342 = arith.minimumf %max3A_298, %max3A_319 : vector<16xf32>
      %lt3A_343 = arith.cmpf olt, %max3A_340, %min3A_342 : vector<16xf32>
      %jit3A_344 = arith.constant 1 : i32
      %jit3A_345 = arith.constant 0 : i32
      %broadcast_in_dim3A_346 = vector.broadcast %jit3A_344 : i32 to vector<16xi32>
      %broadcast_in_dim3A_347 = vector.broadcast %jit3A_345 : i32 to vector<16xi32>
      %select_n3A_348 = arith.select %lt3A_341, %broadcast_in_dim3A_346, %broadcast_in_dim3A_347 : vector<16xi1>, vector<16xi32>
      %jit3A_349 = arith.constant 2 : i32
      %broadcast_in_dim3A_350 = vector.broadcast %jit3A_349 : i32 to vector<16xi32>
      %select_n3A_351 = arith.select %lt3A_343, %broadcast_in_dim3A_350, %select_n3A_348 : vector<16xi1>, vector<16xi32>
      %lt3A_352 = arith.constant 160 : i32
      %lt3A_353 = vector.broadcast %lt3A_352 : i32 to vector<16xi32>
      %lt3A_354 = arith.cmpi slt, %convert_element_type3A_265, %lt3A_353 : vector<16xi32>
      %lt3A_355 = arith.constant 160 : i32
      %lt3A_356 = vector.broadcast %lt3A_355 : i32 to vector<16xi32>
      %lt3A_357 = arith.cmpi slt, %convert_element_type3A_264, %lt3A_356 : vector<16xi32>
      %and3A_358 = arith.andi %lt3A_354, %lt3A_357 : vector<16xi1>
      %mul3A_359 = arith.constant 25600 : i32
      %mul3A_360 = vector.broadcast %mul3A_359 : i32 to vector<16xi32>
      %mul3A_361 = arith.muli %select_n3A_351, %mul3A_360 : vector<16xi32>
      %mul3A_362 = arith.constant 160 : i32
      %mul3A_363 = vector.broadcast %mul3A_362 : i32 to vector<16xi32>
      %mul3A_364 = arith.muli %convert_element_type3A_265, %mul3A_363 : vector<16xi32>
      %add3A_365 = arith.addi %mul3A_361, %mul3A_364 : vector<16xi32>
      %add3A_366 = arith.addi %add3A_365, %convert_element_type3A_264 : vector<16xi32>
      %jit3A_367 = arith.constant 0 : i32
      %broadcast_in_dim3A_368 = vector.broadcast %jit3A_367 : i32 to vector<16xi32>
      %select_n3A_369 = arith.select %and3A_358, %add3A_366, %broadcast_in_dim3A_368 : vector<16xi1>, vector<16xi32>
      %swap3A_370 = arith.constant 0 : i32
      %swap3A_371 = arith.index_cast %swap3A_370 : i32 to index
      %swap3A_372 = arith.constant 16 : index
      %swap3A_373 = tpu.vector_load %arg6[%swap3A_371, %swap3A_372] {strides = array<i32>} : memref<2x128xi32, #tpu.memory_space<vmem>>, vector<1x16xi32>,
      %swap3A_374 = vector.shape_cast %swap3A_373 : vector<1x16xi32> to vector<16xi32>
      %swap3A_375 = vector.shape_cast %select_n3A_369 : vector<16xi32> to vector<1x16xi32>
      tpu.vector_store %arg6[%swap3A_371, %swap3A_372], %swap3A_375 {strides = array<i32>} : memref<2x128xi32, #tpu.memory_space<vmem>>, vector<1x16xi32>,
      %eq3A_376 = arith.constant 0 : i32
      %eq3A_377 = vector.broadcast %eq3A_376 : i32 to vector<16xi32>
      %eq3A_378 = arith.cmpi eq, %select_n3A_351, %eq3A_377 : vector<16xi32>
      %eq3A_379 = arith.constant 1 : i32
      %eq3A_380 = vector.broadcast %eq3A_379 : i32 to vector<16xi32>
      %eq3A_381 = arith.cmpi eq, %select_n3A_351, %eq3A_380 : vector<16xi32>
      %jit3A_382 = arith.constant 1.600000e+01 : f32
      %jit3A_383 = arith.constant 3.300000e+01 : f32
      %broadcast_in_dim3A_384 = vector.broadcast %jit3A_382 : f32 to vector<16xf32>
      %broadcast_in_dim3A_385 = vector.broadcast %jit3A_383 : f32 to vector<16xf32>
      %select_n3A_386 = arith.select %eq3A_381, %broadcast_in_dim3A_384, %broadcast_in_dim3A_385 : vector<16xi1>, vector<16xf32>
      %jit3A_387 = arith.constant 1.000000e+01 : f32
      %broadcast_in_dim3A_388 = vector.broadcast %jit3A_387 : f32 to vector<16xf32>
      %select_n3A_389 = arith.select %eq3A_378, %broadcast_in_dim3A_388, %select_n3A_386 : vector<16xi1>, vector<16xf32>
      %eq3A_390 = arith.constant 0 : i32
      %eq3A_391 = vector.broadcast %eq3A_390 : i32 to vector<16xi32>
      %eq3A_392 = arith.cmpi eq, %select_n3A_351, %eq3A_391 : vector<16xi32>
      %eq3A_393 = arith.constant 1 : i32
      %eq3A_394 = vector.broadcast %eq3A_393 : i32 to vector<16xi32>
      %eq3A_395 = arith.cmpi eq, %select_n3A_351, %eq3A_394 : vector<16xi32>
      %jit3A_396 = arith.constant 3.000000e+01 : f32
      %jit3A_397 = arith.constant 2.300000e+01 : f32
      %broadcast_in_dim3A_398 = vector.broadcast %jit3A_396 : f32 to vector<16xf32>
      %broadcast_in_dim3A_399 = vector.broadcast %jit3A_397 : f32 to vector<16xf32>
      %select_n3A_400 = arith.select %eq3A_395, %broadcast_in_dim3A_398, %broadcast_in_dim3A_399 : vector<16xi1>, vector<16xf32>
      %jit3A_401 = arith.constant 1.300000e+01 : f32
      %broadcast_in_dim3A_402 = vector.broadcast %jit3A_401 : f32 to vector<16xf32>
      %select_n3A_403 = arith.select %eq3A_392, %broadcast_in_dim3A_402, %select_n3A_400 : vector<16xi1>, vector<16xf32>
      %convert_element_type3A_404 = arith.sitofp %convert_element_type3A_264 : vector<16xi32> to vector<16xf32>
      %sub3A_405 = arith.subf %mul3A_260, %convert_element_type3A_404 : vector<16xf32>
      %swap3A_406 = arith.constant 0 : i32
      %swap3A_407 = arith.index_cast %swap3A_406 : i32 to index
      %swap3A_408 = arith.constant 16 : index
      %swap3A_409 = tpu.vector_load %arg7[%swap3A_407, %swap3A_408] {strides = array<i32>} : memref<8x256xf32, #tpu.memory_space<vmem>>, vector<1x16xf32>,
      %swap3A_410 = vector.shape_cast %swap3A_409 : vector<1x16xf32> to vector<16xf32>
      %swap3A_411 = vector.shape_cast %sub3A_405 : vector<16xf32> to vector<1x16xf32>
      tpu.vector_store %arg7[%swap3A_407, %swap3A_408], %swap3A_411 {strides = array<i32>} : memref<8x256xf32, #tpu.memory_space<vmem>>, vector<1x16xf32>,
      %convert_element_type3A_412 = arith.sitofp %convert_element_type3A_265 : vector<16xi32> to vector<16xf32>
      %sub3A_413 = arith.subf %mul3A_263, %convert_element_type3A_412 : vector<16xf32>
      %swap3A_414 = arith.constant 1 : i32
      %swap3A_415 = arith.index_cast %swap3A_414 : i32 to index
      %swap3A_416 = arith.constant 16 : index
      %swap3A_417 = tpu.vector_load %arg7[%swap3A_415, %swap3A_416] {strides = array<i32>} : memref<8x256xf32, #tpu.memory_space<vmem>>, vector<1x16xf32>,
      %swap3A_418 = vector.shape_cast %swap3A_417 : vector<1x16xf32> to vector<16xf32>
      %swap3A_419 = vector.shape_cast %sub3A_413 : vector<16xf32> to vector<1x16xf32>
      tpu.vector_store %arg7[%swap3A_415, %swap3A_416], %swap3A_419 {strides = array<i32>} : memref<8x256xf32, #tpu.memory_space<vmem>>, vector<1x16xf32>,
      %mul3A_420 = arith.constant 1.280000e+03 : f32
      %mul3A_421 = vector.broadcast %mul3A_420 : f32 to vector<16xf32>
      %mul3A_422 = arith.mulf %get3A_252, %mul3A_421 : vector<16xf32>
      %div3A_423 = arith.divf %mul3A_422, %select_n3A_389 : vector<16xf32>
      %swap3A_424 = arith.constant 2 : i32
      %swap3A_425 = arith.index_cast %swap3A_424 : i32 to index
      %swap3A_426 = arith.constant 16 : index
      %swap3A_427 = tpu.vector_load %arg7[%swap3A_425, %swap3A_426] {strides = array<i32>} : memref<8x256xf32, #tpu.memory_space<vmem>>, vector<1x16xf32>,
      %swap3A_428 = vector.shape_cast %swap3A_427 : vector<1x16xf32> to vector<16xf32>
      %swap3A_429 = vector.shape_cast %div3A_423 : vector<16xf32> to vector<1x16xf32>
      tpu.vector_store %arg7[%swap3A_425, %swap3A_426], %swap3A_429 {strides = array<i32>} : memref<8x256xf32, #tpu.memory_space<vmem>>, vector<1x16xf32>,
      %mul3A_430 = arith.constant 1.280000e+03 : f32
      %mul3A_431 = vector.broadcast %mul3A_430 : f32 to vector<16xf32>
      %mul3A_432 = arith.mulf %get3A_257, %mul3A_431 : vector<16xf32>
      %div3A_433 = arith.divf %mul3A_432, %select_n3A_403 : vector<16xf32>
      %swap3A_434 = arith.constant 3 : i32
      %swap3A_435 = arith.index_cast %swap3A_434 : i32 to index
      %swap3A_436 = arith.constant 16 : index
      %swap3A_437 = tpu.vector_load %arg7[%swap3A_435, %swap3A_436] {strides = array<i32>} : memref<8x256xf32, #tpu.memory_space<vmem>>, vector<1x16xf32>,
      %swap3A_438 = vector.shape_cast %swap3A_437 : vector<1x16xf32> to vector<16xf32>
      %swap3A_439 = vector.shape_cast %div3A_433 : vector<16xf32> to vector<1x16xf32>
      tpu.vector_store %arg7[%swap3A_435, %swap3A_436], %swap3A_439 {strides = array<i32>} : memref<8x256xf32, #tpu.memory_space<vmem>>, vector<1x16xf32>,
      %convert_element_type3A_440 = arith.sitofp %add3A_366 : vector<16xi32> to vector<16xf32>
      %swap3A_441 = arith.constant 4 : i32
      %swap3A_442 = arith.index_cast %swap3A_441 : i32 to index
      %swap3A_443 = arith.constant 16 : index
      %swap3A_444 = tpu.vector_load %arg7[%swap3A_442, %swap3A_443] {strides = array<i32>} : memref<8x256xf32, #tpu.memory_space<vmem>>, vector<1x16xf32>,
      %swap3A_445 = vector.shape_cast %swap3A_444 : vector<1x16xf32> to vector<16xf32>
      %swap3A_446 = vector.shape_cast %convert_element_type3A_440 : vector<16xf32> to vector<1x16xf32>
      tpu.vector_store %arg7[%swap3A_442, %swap3A_443], %swap3A_446 {strides = array<i32>} : memref<8x256xf32, #tpu.memory_space<vmem>>, vector<1x16xf32>,
      %convert_element_type3A_447 = arith.fptosi %get3A_237 : vector<16xf32> to vector<16xi32>
      %convert_element_type3A_448 = arith.sitofp %convert_element_type3A_447 : vector<16xi32> to vector<16xf32>
      %swap3A_449 = arith.constant 5 : i32
      %swap3A_450 = arith.index_cast %swap3A_449 : i32 to index
      %swap3A_451 = arith.constant 16 : index
      %swap3A_452 = tpu.vector_load %arg7[%swap3A_450, %swap3A_451] {strides = array<i32>} : memref<8x256xf32, #tpu.memory_space<vmem>>, vector<1x16xf32>,
      %swap3A_453 = vector.shape_cast %swap3A_452 : vector<1x16xf32> to vector<16xf32>
      %swap3A_454 = vector.shape_cast %convert_element_type3A_448 : vector<16xf32> to vector<1x16xf32>
      tpu.vector_store %arg7[%swap3A_450, %swap3A_451], %swap3A_454 {strides = array<i32>} : memref<8x256xf32, #tpu.memory_space<vmem>>, vector<1x16xf32>,
      %jit3A_455 = arith.constant 1.000000e+00 : f32
      %jit3A_456 = arith.constant 0.000000e+00 : f32
      %broadcast_in_dim3A_457 = vector.broadcast %jit3A_455 : f32 to vector<16xf32>
      %broadcast_in_dim3A_458 = vector.broadcast %jit3A_456 : f32 to vector<16xf32>
      %select_n3A_459 = arith.select %and3A_358, %broadcast_in_dim3A_457, %broadcast_in_dim3A_458 : vector<16xi1>, vector<16xf32>
      %swap3A_460 = arith.constant 6 : i32
      %swap3A_461 = arith.index_cast %swap3A_460 : i32 to index
      %swap3A_462 = arith.constant 16 : index
      %swap3A_463 = tpu.vector_load %arg7[%swap3A_461, %swap3A_462] {strides = array<i32>} : memref<8x256xf32, #tpu.memory_space<vmem>>, vector<1x16xf32>,
      %swap3A_464 = vector.shape_cast %swap3A_463 : vector<1x16xf32> to vector<16xf32>
      %swap3A_465 = vector.shape_cast %select_n3A_459 : vector<16xf32> to vector<1x16xf32>
      tpu.vector_store %arg7[%swap3A_461, %swap3A_462], %swap3A_465 {strides = array<i32>} : memref<8x256xf32, #tpu.memory_space<vmem>>, vector<1x16xf32>,
      %broadcast_in_dim3A_466 = arith.constant 0.000000e+00 : f32
      %broadcast_in_dim3A_467 = vector.broadcast %broadcast_in_dim3A_466 : f32 to vector<16xf32>
      %swap3A_468 = arith.constant 7 : i32
      %swap3A_469 = arith.index_cast %swap3A_468 : i32 to index
      %swap3A_470 = arith.constant 16 : index
      %swap3A_471 = tpu.vector_load %arg7[%swap3A_469, %swap3A_470] {strides = array<i32>} : memref<8x256xf32, #tpu.memory_space<vmem>>, vector<1x16xf32>,
      %swap3A_472 = vector.shape_cast %swap3A_471 : vector<1x16xf32> to vector<16xf32>
      %swap3A_473 = vector.shape_cast %broadcast_in_dim3A_467 : vector<16xf32> to vector<1x16xf32>
      tpu.vector_store %arg7[%swap3A_469, %swap3A_470], %swap3A_473 {strides = array<i32>} : memref<8x256xf32, #tpu.memory_space<vmem>>, vector<1x16xf32>,
      %get3A_474 = arith.constant 1 : i32
      %get3A_475 = arith.index_cast %get3A_474 : i32 to index
      %get3A_476 = arith.constant 32 : index
      %get3A_477 = tpu.vector_load %arg5[%get3A_475, %get3A_476] {strides = array<i32>} : memref<6x256xf32, #tpu.memory_space<vmem>>, vector<1x16xf32>,
      %get3A_478 = vector.shape_cast %get3A_477 : vector<1x16xf32> to vector<16xf32>
      %get3A_479 = arith.constant 2 : i32
      %get3A_480 = arith.index_cast %get3A_479 : i32 to index
      %get3A_481 = arith.constant 32 : index
      %get3A_482 = tpu.vector_load %arg5[%get3A_480, %get3A_481] {strides = array<i32>} : memref<6x256xf32, #tpu.memory_space<vmem>>, vector<1x16xf32>,
      %get3A_483 = vector.shape_cast %get3A_482 : vector<1x16xf32> to vector<16xf32>
      %get3A_484 = arith.constant 3 : i32
      %get3A_485 = arith.index_cast %get3A_484 : i32 to index
      %get3A_486 = arith.constant 32 : index
      %get3A_487 = tpu.vector_load %arg5[%get3A_485, %get3A_486] {strides = array<i32>} : memref<6x256xf32, #tpu.memory_space<vmem>>, vector<1x16xf32>,
      %get3A_488 = vector.shape_cast %get3A_487 : vector<1x16xf32> to vector<16xf32>
      %get3A_489 = arith.constant 4 : i32
      %get3A_490 = arith.index_cast %get3A_489 : i32 to index
      %get3A_491 = arith.constant 32 : index
      %get3A_492 = tpu.vector_load %arg5[%get3A_490, %get3A_491] {strides = array<i32>} : memref<6x256xf32, #tpu.memory_space<vmem>>, vector<1x16xf32>,
      %get3A_493 = vector.shape_cast %get3A_492 : vector<1x16xf32> to vector<16xf32>
      %get3A_494 = arith.constant 5 : i32
      %get3A_495 = arith.index_cast %get3A_494 : i32 to index
      %get3A_496 = arith.constant 32 : index
      %get3A_497 = tpu.vector_load %arg5[%get3A_495, %get3A_496] {strides = array<i32>} : memref<6x256xf32, #tpu.memory_space<vmem>>, vector<1x16xf32>,
      %get3A_498 = vector.shape_cast %get3A_497 : vector<1x16xf32> to vector<16xf32>
      %mul3A_499 = arith.constant 1.600000e+02 : f32
      %mul3A_500 = vector.broadcast %mul3A_499 : f32 to vector<16xf32>
      %mul3A_501 = arith.mulf %get3A_483, %mul3A_500 : vector<16xf32>
      %mul3A_502 = arith.constant 1.600000e+02 : f32
      %mul3A_503 = vector.broadcast %mul3A_502 : f32 to vector<16xf32>
      %mul3A_504 = arith.mulf %get3A_488, %mul3A_503 : vector<16xf32>
      %convert_element_type3A_505 = arith.fptosi %mul3A_501 : vector<16xf32> to vector<16xi32>
      %convert_element_type3A_506 = arith.fptosi %mul3A_504 : vector<16xf32> to vector<16xi32>
      %mul3A_507 = arith.constant 1.280000e+03 : f32
      %mul3A_508 = vector.broadcast %mul3A_507 : f32 to vector<16xf32>
      %mul3A_509 = arith.mulf %get3A_493, %mul3A_508 : vector<16xf32>
      %div3A_510 = arith.constant 8.000000e+00 : f32
      %div3A_511 = vector.broadcast %div3A_510 : f32 to vector<16xf32>
      %div3A_512 = arith.divf %mul3A_509, %div3A_511 : vector<16xf32>
      %mul3A_513 = arith.constant 1.280000e+03 : f32
      %mul3A_514 = vector.broadcast %mul3A_513 : f32 to vector<16xf32>
      %mul3A_515 = arith.mulf %get3A_498, %mul3A_514 : vector<16xf32>
      %div3A_516 = arith.constant 8.000000e+00 : f32
      %div3A_517 = vector.broadcast %div3A_516 : f32 to vector<16xf32>
      %div3A_518 = arith.divf %mul3A_515, %div3A_517 : vector<16xf32>
      %div3A_519 = arith.constant 1.250000e+00 : f32
      %div3A_520 = vector.broadcast %div3A_519 : f32 to vector<16xf32>
      %div3A_521 = arith.divf %div3A_512, %div3A_520 : vector<16xf32>
      %add3A_522 = arith.constant 9.99999971E-10 : f32
      %add3A_523 = vector.broadcast %add3A_522 : f32 to vector<16xf32>
      %add3A_524 = arith.addf %div3A_512, %add3A_523 : vector<16xf32>
      %div3A_525 = arith.constant 1.250000e+00 : f32
      %div3A_526 = vector.broadcast %div3A_525 : f32 to vector<16xf32>
      %div3A_527 = arith.divf %div3A_526, %add3A_524 : vector<16xf32>
      %max3A_528 = arith.maximumf %div3A_521, %div3A_527 : vector<16xf32>
      %div3A_529 = arith.constant 1.625000e+00 : f32
      %div3A_530 = vector.broadcast %div3A_529 : f32 to vector<16xf32>
      %div3A_531 = arith.divf %div3A_518, %div3A_530 : vector<16xf32>
      %add3A_532 = arith.constant 9.99999971E-10 : f32
      %add3A_533 = vector.broadcast %add3A_532 : f32 to vector<16xf32>
      %add3A_534 = arith.addf %div3A_518, %add3A_533 : vector<16xf32>
      %div3A_535 = arith.constant 1.625000e+00 : f32
      %div3A_536 = vector.broadcast %div3A_535 : f32 to vector<16xf32>
      %div3A_537 = arith.divf %div3A_536, %add3A_534 : vector<16xf32>
      %max3A_538 = arith.maximumf %div3A_531, %div3A_537 : vector<16xf32>
      %max3A_539 = arith.maximumf %max3A_528, %max3A_538 : vector<16xf32>
      %div3A_540 = arith.constant 2.000000e+00 : f32
      %div3A_541 = vector.broadcast %div3A_540 : f32 to vector<16xf32>
      %div3A_542 = arith.divf %div3A_512, %div3A_541 : vector<16xf32>
      %add3A_543 = arith.constant 9.99999971E-10 : f32
      %add3A_544 = vector.broadcast %add3A_543 : f32 to vector<16xf32>
      %add3A_545 = arith.addf %div3A_512, %add3A_544 : vector<16xf32>
      %div3A_546 = arith.constant 2.000000e+00 : f32
      %div3A_547 = vector.broadcast %div3A_546 : f32 to vector<16xf32>
      %div3A_548 = arith.divf %div3A_547, %add3A_545 : vector<16xf32>
      %max3A_549 = arith.maximumf %div3A_542, %div3A_548 : vector<16xf32>
      %div3A_550 = arith.constant 3.750000e+00 : f32
      %div3A_551 = vector.broadcast %div3A_550 : f32 to vector<16xf32>
      %div3A_552 = arith.divf %div3A_518, %div3A_551 : vector<16xf32>
      %add3A_553 = arith.constant 9.99999971E-10 : f32
      %add3A_554 = vector.broadcast %add3A_553 : f32 to vector<16xf32>
      %add3A_555 = arith.addf %div3A_518, %add3A_554 : vector<16xf32>
      %div3A_556 = arith.constant 3.750000e+00 : f32
      %div3A_557 = vector.broadcast %div3A_556 : f32 to vector<16xf32>
      %div3A_558 = arith.divf %div3A_557, %add3A_555 : vector<16xf32>
      %max3A_559 = arith.maximumf %div3A_552, %div3A_558 : vector<16xf32>
      %max3A_560 = arith.maximumf %max3A_549, %max3A_559 : vector<16xf32>
      %div3A_561 = arith.constant 4.125000e+00 : f32
      %div3A_562 = vector.broadcast %div3A_561 : f32 to vector<16xf32>
      %div3A_563 = arith.divf %div3A_512, %div3A_562 : vector<16xf32>
      %add3A_564 = arith.constant 9.99999971E-10 : f32
      %add3A_565 = vector.broadcast %add3A_564 : f32 to vector<16xf32>
      %add3A_566 = arith.addf %div3A_512, %add3A_565 : vector<16xf32>
      %div3A_567 = arith.constant 4.125000e+00 : f32
      %div3A_568 = vector.broadcast %div3A_567 : f32 to vector<16xf32>
      %div3A_569 = arith.divf %div3A_568, %add3A_566 : vector<16xf32>
      %max3A_570 = arith.maximumf %div3A_563, %div3A_569 : vector<16xf32>
      %div3A_571 = arith.constant 2.875000e+00 : f32
      %div3A_572 = vector.broadcast %div3A_571 : f32 to vector<16xf32>
      %div3A_573 = arith.divf %div3A_518, %div3A_572 : vector<16xf32>
      %add3A_574 = arith.constant 9.99999971E-10 : f32
      %add3A_575 = vector.broadcast %add3A_574 : f32 to vector<16xf32>
      %add3A_576 = arith.addf %div3A_518, %add3A_575 : vector<16xf32>
      %div3A_577 = arith.constant 2.875000e+00 : f32
      %div3A_578 = vector.broadcast %div3A_577 : f32 to vector<16xf32>
      %div3A_579 = arith.divf %div3A_578, %add3A_576 : vector<16xf32>
      %max3A_580 = arith.maximumf %div3A_573, %div3A_579 : vector<16xf32>
      %max3A_581 = arith.maximumf %max3A_570, %max3A_580 : vector<16xf32>
      %lt3A_582 = arith.cmpf olt, %max3A_560, %max3A_539 : vector<16xf32>
      %min3A_583 = arith.minimumf %max3A_539, %max3A_560 : vector<16xf32>
      %lt3A_584 = arith.cmpf olt, %max3A_581, %min3A_583 : vector<16xf32>
      %jit3A_585 = arith.constant 1 : i32
      %jit3A_586 = arith.constant 0 : i32
      %broadcast_in_dim3A_587 = vector.broadcast %jit3A_585 : i32 to vector<16xi32>
      %broadcast_in_dim3A_588 = vector.broadcast %jit3A_586 : i32 to vector<16xi32>
      %select_n3A_589 = arith.select %lt3A_582, %broadcast_in_dim3A_587, %broadcast_in_dim3A_588 : vector<16xi1>, vector<16xi32>
      %jit3A_590 = arith.constant 2 : i32
      %broadcast_in_dim3A_591 = vector.broadcast %jit3A_590 : i32 to vector<16xi32>
      %select_n3A_592 = arith.select %lt3A_584, %broadcast_in_dim3A_591, %select_n3A_589 : vector<16xi1>, vector<16xi32>
      %lt3A_593 = arith.constant 160 : i32
      %lt3A_594 = vector.broadcast %lt3A_593 : i32 to vector<16xi32>
      %lt3A_595 = arith.cmpi slt, %convert_element_type3A_506, %lt3A_594 : vector<16xi32>
      %lt3A_596 = arith.constant 160 : i32
      %lt3A_597 = vector.broadcast %lt3A_596 : i32 to vector<16xi32>
      %lt3A_598 = arith.cmpi slt, %convert_element_type3A_505, %lt3A_597 : vector<16xi32>
      %and3A_599 = arith.andi %lt3A_595, %lt3A_598 : vector<16xi1>
      %mul3A_600 = arith.constant 25600 : i32
      %mul3A_601 = vector.broadcast %mul3A_600 : i32 to vector<16xi32>
      %mul3A_602 = arith.muli %select_n3A_592, %mul3A_601 : vector<16xi32>
      %mul3A_603 = arith.constant 160 : i32
      %mul3A_604 = vector.broadcast %mul3A_603 : i32 to vector<16xi32>
      %mul3A_605 = arith.muli %convert_element_type3A_506, %mul3A_604 : vector<16xi32>
      %add3A_606 = arith.addi %mul3A_602, %mul3A_605 : vector<16xi32>
      %add3A_607 = arith.addi %add3A_606, %convert_element_type3A_505 : vector<16xi32>
      %jit3A_608 = arith.constant 0 : i32
      %broadcast_in_dim3A_609 = vector.broadcast %jit3A_608 : i32 to vector<16xi32>
      %select_n3A_610 = arith.select %and3A_599, %add3A_607, %broadcast_in_dim3A_609 : vector<16xi1>, vector<16xi32>
      %swap3A_611 = arith.constant 0 : i32
      %swap3A_612 = arith.index_cast %swap3A_611 : i32 to index
      %swap3A_613 = arith.constant 32 : index
      %swap3A_614 = tpu.vector_load %arg6[%swap3A_612, %swap3A_613] {strides = array<i32>} : memref<2x128xi32, #tpu.memory_space<vmem>>, vector<1x16xi32>,
      %swap3A_615 = vector.shape_cast %swap3A_614 : vector<1x16xi32> to vector<16xi32>
      %swap3A_616 = vector.shape_cast %select_n3A_610 : vector<16xi32> to vector<1x16xi32>
      tpu.vector_store %arg6[%swap3A_612, %swap3A_613], %swap3A_616 {strides = array<i32>} : memref<2x128xi32, #tpu.memory_space<vmem>>, vector<1x16xi32>,
      %eq3A_617 = arith.constant 0 : i32
      %eq3A_618 = vector.broadcast %eq3A_617 : i32 to vector<16xi32>
      %eq3A_619 = arith.cmpi eq, %select_n3A_592, %eq3A_618 : vector<16xi32>
      %eq3A_620 = arith.constant 1 : i32
      %eq3A_621 = vector.broadcast %eq3A_620 : i32 to vector<16xi32>
      %eq3A_622 = arith.cmpi eq, %select_n3A_592, %eq3A_621 : vector<16xi32>
      %jit3A_623 = arith.constant 1.600000e+01 : f32
      %jit3A_624 = arith.constant 3.300000e+01 : f32
      %broadcast_in_dim3A_625 = vector.broadcast %jit3A_623 : f32 to vector<16xf32>
      %broadcast_in_dim3A_626 = vector.broadcast %jit3A_624 : f32 to vector<16xf32>
      %select_n3A_627 = arith.select %eq3A_622, %broadcast_in_dim3A_625, %broadcast_in_dim3A_626 : vector<16xi1>, vector<16xf32>
      %jit3A_628 = arith.constant 1.000000e+01 : f32
      %broadcast_in_dim3A_629 = vector.broadcast %jit3A_628 : f32 to vector<16xf32>
      %select_n3A_630 = arith.select %eq3A_619, %broadcast_in_dim3A_629, %select_n3A_627 : vector<16xi1>, vector<16xf32>
      %eq3A_631 = arith.constant 0 : i32
      %eq3A_632 = vector.broadcast %eq3A_631 : i32 to vector<16xi32>
      %eq3A_633 = arith.cmpi eq, %select_n3A_592, %eq3A_632 : vector<16xi32>
      %eq3A_634 = arith.constant 1 : i32
      %eq3A_635 = vector.broadcast %eq3A_634 : i32 to vector<16xi32>
      %eq3A_636 = arith.cmpi eq, %select_n3A_592, %eq3A_635 : vector<16xi32>
      %jit3A_637 = arith.constant 3.000000e+01 : f32
      %jit3A_638 = arith.constant 2.300000e+01 : f32
      %broadcast_in_dim3A_639 = vector.broadcast %jit3A_637 : f32 to vector<16xf32>
      %broadcast_in_dim3A_640 = vector.broadcast %jit3A_638 : f32 to vector<16xf32>
      %select_n3A_641 = arith.select %eq3A_636, %broadcast_in_dim3A_639, %broadcast_in_dim3A_640 : vector<16xi1>, vector<16xf32>
      %jit3A_642 = arith.constant 1.300000e+01 : f32
      %broadcast_in_dim3A_643 = vector.broadcast %jit3A_642 : f32 to vector<16xf32>
      %select_n3A_644 = arith.select %eq3A_633, %broadcast_in_dim3A_643, %select_n3A_641 : vector<16xi1>, vector<16xf32>
      %convert_element_type3A_645 = arith.sitofp %convert_element_type3A_505 : vector<16xi32> to vector<16xf32>
      %sub3A_646 = arith.subf %mul3A_501, %convert_element_type3A_645 : vector<16xf32>
      %swap3A_647 = arith.constant 0 : i32
      %swap3A_648 = arith.index_cast %swap3A_647 : i32 to index
      %swap3A_649 = arith.constant 32 : index
      %swap3A_650 = tpu.vector_load %arg7[%swap3A_648, %swap3A_649] {strides = array<i32>} : memref<8x256xf32, #tpu.memory_space<vmem>>, vector<1x16xf32>,
      %swap3A_651 = vector.shape_cast %swap3A_650 : vector<1x16xf32> to vector<16xf32>
      %swap3A_652 = vector.shape_cast %sub3A_646 : vector<16xf32> to vector<1x16xf32>
      tpu.vector_store %arg7[%swap3A_648, %swap3A_649], %swap3A_652 {strides = array<i32>} : memref<8x256xf32, #tpu.memory_space<vmem>>, vector<1x16xf32>,
      %convert_element_type3A_653 = arith.sitofp %convert_element_type3A_506 : vector<16xi32> to vector<16xf32>
      %sub3A_654 = arith.subf %mul3A_504, %convert_element_type3A_653 : vector<16xf32>
      %swap3A_655 = arith.constant 1 : i32
      %swap3A_656 = arith.index_cast %swap3A_655 : i32 to index
      %swap3A_657 = arith.constant 32 : index
      %swap3A_658 = tpu.vector_load %arg7[%swap3A_656, %swap3A_657] {strides = array<i32>} : memref<8x256xf32, #tpu.memory_space<vmem>>, vector<1x16xf32>,
      %swap3A_659 = vector.shape_cast %swap3A_658 : vector<1x16xf32> to vector<16xf32>
      %swap3A_660 = vector.shape_cast %sub3A_654 : vector<16xf32> to vector<1x16xf32>
      tpu.vector_store %arg7[%swap3A_656, %swap3A_657], %swap3A_660 {strides = array<i32>} : memref<8x256xf32, #tpu.memory_space<vmem>>, vector<1x16xf32>,
      %mul3A_661 = arith.constant 1.280000e+03 : f32
      %mul3A_662 = vector.broadcast %mul3A_661 : f32 to vector<16xf32>
      %mul3A_663 = arith.mulf %get3A_493, %mul3A_662 : vector<16xf32>
      %div3A_664 = arith.divf %mul3A_663, %select_n3A_630 : vector<16xf32>
      %swap3A_665 = arith.constant 2 : i32
      %swap3A_666 = arith.index_cast %swap3A_665 : i32 to index
      %swap3A_667 = arith.constant 32 : index
      %swap3A_668 = tpu.vector_load %arg7[%swap3A_666, %swap3A_667] {strides = array<i32>} : memref<8x256xf32, #tpu.memory_space<vmem>>, vector<1x16xf32>,
      %swap3A_669 = vector.shape_cast %swap3A_668 : vector<1x16xf32> to vector<16xf32>
      %swap3A_670 = vector.shape_cast %div3A_664 : vector<16xf32> to vector<1x16xf32>
      tpu.vector_store %arg7[%swap3A_666, %swap3A_667], %swap3A_670 {strides = array<i32>} : memref<8x256xf32, #tpu.memory_space<vmem>>, vector<1x16xf32>,
      %mul3A_671 = arith.constant 1.280000e+03 : f32
      %mul3A_672 = vector.broadcast %mul3A_671 : f32 to vector<16xf32>
      %mul3A_673 = arith.mulf %get3A_498, %mul3A_672 : vector<16xf32>
      %div3A_674 = arith.divf %mul3A_673, %select_n3A_644 : vector<16xf32>
      %swap3A_675 = arith.constant 3 : i32
      %swap3A_676 = arith.index_cast %swap3A_675 : i32 to index
      %swap3A_677 = arith.constant 32 : index
      %swap3A_678 = tpu.vector_load %arg7[%swap3A_676, %swap3A_677] {strides = array<i32>} : memref<8x256xf32, #tpu.memory_space<vmem>>, vector<1x16xf32>,
      %swap3A_679 = vector.shape_cast %swap3A_678 : vector<1x16xf32> to vector<16xf32>
      %swap3A_680 = vector.shape_cast %div3A_674 : vector<16xf32> to vector<1x16xf32>
      tpu.vector_store %arg7[%swap3A_676, %swap3A_677], %swap3A_680 {strides = array<i32>} : memref<8x256xf32, #tpu.memory_space<vmem>>, vector<1x16xf32>,
      %convert_element_type3A_681 = arith.sitofp %add3A_607 : vector<16xi32> to vector<16xf32>
      %swap3A_682 = arith.constant 4 : i32
      %swap3A_683 = arith.index_cast %swap3A_682 : i32 to index
      %swap3A_684 = arith.constant 32 : index
      %swap3A_685 = tpu.vector_load %arg7[%swap3A_683, %swap3A_684] {strides = array<i32>} : memref<8x256xf32, #tpu.memory_space<vmem>>, vector<1x16xf32>,
      %swap3A_686 = vector.shape_cast %swap3A_685 : vector<1x16xf32> to vector<16xf32>
      %swap3A_687 = vector.shape_cast %convert_element_type3A_681 : vector<16xf32> to vector<1x16xf32>
      tpu.vector_store %arg7[%swap3A_683, %swap3A_684], %swap3A_687 {strides = array<i32>} : memref<8x256xf32, #tpu.memory_space<vmem>>, vector<1x16xf32>,
      %convert_element_type3A_688 = arith.fptosi %get3A_478 : vector<16xf32> to vector<16xi32>
      %convert_element_type3A_689 = arith.sitofp %convert_element_type3A_688 : vector<16xi32> to vector<16xf32>
      %swap3A_690 = arith.constant 5 : i32
      %swap3A_691 = arith.index_cast %swap3A_690 : i32 to index
      %swap3A_692 = arith.constant 32 : index
      %swap3A_693 = tpu.vector_load %arg7[%swap3A_691, %swap3A_692] {strides = array<i32>} : memref<8x256xf32, #tpu.memory_space<vmem>>, vector<1x16xf32>,
      %swap3A_694 = vector.shape_cast %swap3A_693 : vector<1x16xf32> to vector<16xf32>
      %swap3A_695 = vector.shape_cast %convert_element_type3A_689 : vector<16xf32> to vector<1x16xf32>
      tpu.vector_store %arg7[%swap3A_691, %swap3A_692], %swap3A_695 {strides = array<i32>} : memref<8x256xf32, #tpu.memory_space<vmem>>, vector<1x16xf32>,
      %jit3A_696 = arith.constant 1.000000e+00 : f32
      %jit3A_697 = arith.constant 0.000000e+00 : f32
      %broadcast_in_dim3A_698 = vector.broadcast %jit3A_696 : f32 to vector<16xf32>
      %broadcast_in_dim3A_699 = vector.broadcast %jit3A_697 : f32 to vector<16xf32>
      %select_n3A_700 = arith.select %and3A_599, %broadcast_in_dim3A_698, %broadcast_in_dim3A_699 : vector<16xi1>, vector<16xf32>
      %swap3A_701 = arith.constant 6 : i32
      %swap3A_702 = arith.index_cast %swap3A_701 : i32 to index
      %swap3A_703 = arith.constant 32 : index
      %swap3A_704 = tpu.vector_load %arg7[%swap3A_702, %swap3A_703] {strides = array<i32>} : memref<8x256xf32, #tpu.memory_space<vmem>>, vector<1x16xf32>,
      %swap3A_705 = vector.shape_cast %swap3A_704 : vector<1x16xf32> to vector<16xf32>
      %swap3A_706 = vector.shape_cast %select_n3A_700 : vector<16xf32> to vector<1x16xf32>
      tpu.vector_store %arg7[%swap3A_702, %swap3A_703], %swap3A_706 {strides = array<i32>} : memref<8x256xf32, #tpu.memory_space<vmem>>, vector<1x16xf32>,
      %broadcast_in_dim3A_707 = arith.constant 0.000000e+00 : f32
      %broadcast_in_dim3A_708 = vector.broadcast %broadcast_in_dim3A_707 : f32 to vector<16xf32>
      %swap3A_709 = arith.constant 7 : i32
      %swap3A_710 = arith.index_cast %swap3A_709 : i32 to index
      %swap3A_711 = arith.constant 32 : index
      %swap3A_712 = tpu.vector_load %arg7[%swap3A_710, %swap3A_711] {strides = array<i32>} : memref<8x256xf32, #tpu.memory_space<vmem>>, vector<1x16xf32>,
      %swap3A_713 = vector.shape_cast %swap3A_712 : vector<1x16xf32> to vector<16xf32>
      %swap3A_714 = vector.shape_cast %broadcast_in_dim3A_708 : vector<16xf32> to vector<1x16xf32>
      tpu.vector_store %arg7[%swap3A_710, %swap3A_711], %swap3A_714 {strides = array<i32>} : memref<8x256xf32, #tpu.memory_space<vmem>>, vector<1x16xf32>,
      %get3A_715 = arith.constant 1 : i32
      %get3A_716 = arith.index_cast %get3A_715 : i32 to index
      %get3A_717 = arith.constant 48 : index
      %get3A_718 = tpu.vector_load %arg5[%get3A_716, %get3A_717] {strides = array<i32>} : memref<6x256xf32, #tpu.memory_space<vmem>>, vector<1x16xf32>,
      %get3A_719 = vector.shape_cast %get3A_718 : vector<1x16xf32> to vector<16xf32>
      %get3A_720 = arith.constant 2 : i32
      %get3A_721 = arith.index_cast %get3A_720 : i32 to index
      %get3A_722 = arith.constant 48 : index
      %get3A_723 = tpu.vector_load %arg5[%get3A_721, %get3A_722] {strides = array<i32>} : memref<6x256xf32, #tpu.memory_space<vmem>>, vector<1x16xf32>,
      %get3A_724 = vector.shape_cast %get3A_723 : vector<1x16xf32> to vector<16xf32>
      %get3A_725 = arith.constant 3 : i32
      %get3A_726 = arith.index_cast %get3A_725 : i32 to index
      %get3A_727 = arith.constant 48 : index
      %get3A_728 = tpu.vector_load %arg5[%get3A_726, %get3A_727] {strides = array<i32>} : memref<6x256xf32, #tpu.memory_space<vmem>>, vector<1x16xf32>,
      %get3A_729 = vector.shape_cast %get3A_728 : vector<1x16xf32> to vector<16xf32>
      %get3A_730 = arith.constant 4 : i32
      %get3A_731 = arith.index_cast %get3A_730 : i32 to index
      %get3A_732 = arith.constant 48 : index
      %get3A_733 = tpu.vector_load %arg5[%get3A_731, %get3A_732] {strides = array<i32>} : memref<6x256xf32, #tpu.memory_space<vmem>>, vector<1x16xf32>,
      %get3A_734 = vector.shape_cast %get3A_733 : vector<1x16xf32> to vector<16xf32>
      %get3A_735 = arith.constant 5 : i32
      %get3A_736 = arith.index_cast %get3A_735 : i32 to index
      %get3A_737 = arith.constant 48 : index
      %get3A_738 = tpu.vector_load %arg5[%get3A_736, %get3A_737] {strides = array<i32>} : memref<6x256xf32, #tpu.memory_space<vmem>>, vector<1x16xf32>,
      %get3A_739 = vector.shape_cast %get3A_738 : vector<1x16xf32> to vector<16xf32>
      %mul3A_740 = arith.constant 1.600000e+02 : f32
      %mul3A_741 = vector.broadcast %mul3A_740 : f32 to vector<16xf32>
      %mul3A_742 = arith.mulf %get3A_724, %mul3A_741 : vector<16xf32>
      %mul3A_743 = arith.constant 1.600000e+02 : f32
      %mul3A_744 = vector.broadcast %mul3A_743 : f32 to vector<16xf32>
      %mul3A_745 = arith.mulf %get3A_729, %mul3A_744 : vector<16xf32>
      %convert_element_type3A_746 = arith.fptosi %mul3A_742 : vector<16xf32> to vector<16xi32>
      %convert_element_type3A_747 = arith.fptosi %mul3A_745 : vector<16xf32> to vector<16xi32>
      %mul3A_748 = arith.constant 1.280000e+03 : f32
      %mul3A_749 = vector.broadcast %mul3A_748 : f32 to vector<16xf32>
      %mul3A_750 = arith.mulf %get3A_734, %mul3A_749 : vector<16xf32>
      %div3A_751 = arith.constant 8.000000e+00 : f32
      %div3A_752 = vector.broadcast %div3A_751 : f32 to vector<16xf32>
      %div3A_753 = arith.divf %mul3A_750, %div3A_752 : vector<16xf32>
      %mul3A_754 = arith.constant 1.280000e+03 : f32
      %mul3A_755 = vector.broadcast %mul3A_754 : f32 to vector<16xf32>
      %mul3A_756 = arith.mulf %get3A_739, %mul3A_755 : vector<16xf32>
      %div3A_757 = arith.constant 8.000000e+00 : f32
      %div3A_758 = vector.broadcast %div3A_757 : f32 to vector<16xf32>
      %div3A_759 = arith.divf %mul3A_756, %div3A_758 : vector<16xf32>
      %div3A_760 = arith.constant 1.250000e+00 : f32
      %div3A_761 = vector.broadcast %div3A_760 : f32 to vector<16xf32>
      %div3A_762 = arith.divf %div3A_753, %div3A_761 : vector<16xf32>
      %add3A_763 = arith.constant 9.99999971E-10 : f32
      %add3A_764 = vector.broadcast %add3A_763 : f32 to vector<16xf32>
      %add3A_765 = arith.addf %div3A_753, %add3A_764 : vector<16xf32>
      %div3A_766 = arith.constant 1.250000e+00 : f32
      %div3A_767 = vector.broadcast %div3A_766 : f32 to vector<16xf32>
      %div3A_768 = arith.divf %div3A_767, %add3A_765 : vector<16xf32>
      %max3A_769 = arith.maximumf %div3A_762, %div3A_768 : vector<16xf32>
      %div3A_770 = arith.constant 1.625000e+00 : f32
      %div3A_771 = vector.broadcast %div3A_770 : f32 to vector<16xf32>
      %div3A_772 = arith.divf %div3A_759, %div3A_771 : vector<16xf32>
      %add3A_773 = arith.constant 9.99999971E-10 : f32
      %add3A_774 = vector.broadcast %add3A_773 : f32 to vector<16xf32>
      %add3A_775 = arith.addf %div3A_759, %add3A_774 : vector<16xf32>
      %div3A_776 = arith.constant 1.625000e+00 : f32
      %div3A_777 = vector.broadcast %div3A_776 : f32 to vector<16xf32>
      %div3A_778 = arith.divf %div3A_777, %add3A_775 : vector<16xf32>
      %max3A_779 = arith.maximumf %div3A_772, %div3A_778 : vector<16xf32>
      %max3A_780 = arith.maximumf %max3A_769, %max3A_779 : vector<16xf32>
      %div3A_781 = arith.constant 2.000000e+00 : f32
      %div3A_782 = vector.broadcast %div3A_781 : f32 to vector<16xf32>
      %div3A_783 = arith.divf %div3A_753, %div3A_782 : vector<16xf32>
      %add3A_784 = arith.constant 9.99999971E-10 : f32
      %add3A_785 = vector.broadcast %add3A_784 : f32 to vector<16xf32>
      %add3A_786 = arith.addf %div3A_753, %add3A_785 : vector<16xf32>
      %div3A_787 = arith.constant 2.000000e+00 : f32
      %div3A_788 = vector.broadcast %div3A_787 : f32 to vector<16xf32>
      %div3A_789 = arith.divf %div3A_788, %add3A_786 : vector<16xf32>
      %max3A_790 = arith.maximumf %div3A_783, %div3A_789 : vector<16xf32>
      %div3A_791 = arith.constant 3.750000e+00 : f32
      %div3A_792 = vector.broadcast %div3A_791 : f32 to vector<16xf32>
      %div3A_793 = arith.divf %div3A_759, %div3A_792 : vector<16xf32>
      %add3A_794 = arith.constant 9.99999971E-10 : f32
      %add3A_795 = vector.broadcast %add3A_794 : f32 to vector<16xf32>
      %add3A_796 = arith.addf %div3A_759, %add3A_795 : vector<16xf32>
      %div3A_797 = arith.constant 3.750000e+00 : f32
      %div3A_798 = vector.broadcast %div3A_797 : f32 to vector<16xf32>
      %div3A_799 = arith.divf %div3A_798, %add3A_796 : vector<16xf32>
      %max3A_800 = arith.maximumf %div3A_793, %div3A_799 : vector<16xf32>
      %max3A_801 = arith.maximumf %max3A_790, %max3A_800 : vector<16xf32>
      %div3A_802 = arith.constant 4.125000e+00 : f32
      %div3A_803 = vector.broadcast %div3A_802 : f32 to vector<16xf32>
      %div3A_804 = arith.divf %div3A_753, %div3A_803 : vector<16xf32>
      %add3A_805 = arith.constant 9.99999971E-10 : f32
      %add3A_806 = vector.broadcast %add3A_805 : f32 to vector<16xf32>
      %add3A_807 = arith.addf %div3A_753, %add3A_806 : vector<16xf32>
      %div3A_808 = arith.constant 4.125000e+00 : f32
      %div3A_809 = vector.broadcast %div3A_808 : f32 to vector<16xf32>
      %div3A_810 = arith.divf %div3A_809, %add3A_807 : vector<16xf32>
      %max3A_811 = arith.maximumf %div3A_804, %div3A_810 : vector<16xf32>
      %div3A_812 = arith.constant 2.875000e+00 : f32
      %div3A_813 = vector.broadcast %div3A_812 : f32 to vector<16xf32>
      %div3A_814 = arith.divf %div3A_759, %div3A_813 : vector<16xf32>
      %add3A_815 = arith.constant 9.99999971E-10 : f32
      %add3A_816 = vector.broadcast %add3A_815 : f32 to vector<16xf32>
      %add3A_817 = arith.addf %div3A_759, %add3A_816 : vector<16xf32>
      %div3A_818 = arith.constant 2.875000e+00 : f32
      %div3A_819 = vector.broadcast %div3A_818 : f32 to vector<16xf32>
      %div3A_820 = arith.divf %div3A_819, %add3A_817 : vector<16xf32>
      %max3A_821 = arith.maximumf %div3A_814, %div3A_820 : vector<16xf32>
      %max3A_822 = arith.maximumf %max3A_811, %max3A_821 : vector<16xf32>
      %lt3A_823 = arith.cmpf olt, %max3A_801, %max3A_780 : vector<16xf32>
      %min3A_824 = arith.minimumf %max3A_780, %max3A_801 : vector<16xf32>
      %lt3A_825 = arith.cmpf olt, %max3A_822, %min3A_824 : vector<16xf32>
      %jit3A_826 = arith.constant 1 : i32
      %jit3A_827 = arith.constant 0 : i32
      %broadcast_in_dim3A_828 = vector.broadcast %jit3A_826 : i32 to vector<16xi32>
      %broadcast_in_dim3A_829 = vector.broadcast %jit3A_827 : i32 to vector<16xi32>
      %select_n3A_830 = arith.select %lt3A_823, %broadcast_in_dim3A_828, %broadcast_in_dim3A_829 : vector<16xi1>, vector<16xi32>
      %jit3A_831 = arith.constant 2 : i32
      %broadcast_in_dim3A_832 = vector.broadcast %jit3A_831 : i32 to vector<16xi32>
      %select_n3A_833 = arith.select %lt3A_825, %broadcast_in_dim3A_832, %select_n3A_830 : vector<16xi1>, vector<16xi32>
      %lt3A_834 = arith.constant 160 : i32
      %lt3A_835 = vector.broadcast %lt3A_834 : i32 to vector<16xi32>
      %lt3A_836 = arith.cmpi slt, %convert_element_type3A_747, %lt3A_835 : vector<16xi32>
      %lt3A_837 = arith.constant 160 : i32
      %lt3A_838 = vector.broadcast %lt3A_837 : i32 to vector<16xi32>
      %lt3A_839 = arith.cmpi slt, %convert_element_type3A_746, %lt3A_838 : vector<16xi32>
      %and3A_840 = arith.andi %lt3A_836, %lt3A_839 : vector<16xi1>
      %mul3A_841 = arith.constant 25600 : i32
      %mul3A_842 = vector.broadcast %mul3A_841 : i32 to vector<16xi32>
      %mul3A_843 = arith.muli %select_n3A_833, %mul3A_842 : vector<16xi32>
      %mul3A_844 = arith.constant 160 : i32
      %mul3A_845 = vector.broadcast %mul3A_844 : i32 to vector<16xi32>
      %mul3A_846 = arith.muli %convert_element_type3A_747, %mul3A_845 : vector<16xi32>
      %add3A_847 = arith.addi %mul3A_843, %mul3A_846 : vector<16xi32>
      %add3A_848 = arith.addi %add3A_847, %convert_element_type3A_746 : vector<16xi32>
      %jit3A_849 = arith.constant 0 : i32
      %broadcast_in_dim3A_850 = vector.broadcast %jit3A_849 : i32 to vector<16xi32>
      %select_n3A_851 = arith.select %and3A_840, %add3A_848, %broadcast_in_dim3A_850 : vector<16xi1>, vector<16xi32>
      %swap3A_852 = arith.constant 0 : i32
      %swap3A_853 = arith.index_cast %swap3A_852 : i32 to index
      %swap3A_854 = arith.constant 48 : index
      %swap3A_855 = tpu.vector_load %arg6[%swap3A_853, %swap3A_854] {strides = array<i32>} : memref<2x128xi32, #tpu.memory_space<vmem>>, vector<1x16xi32>,
      %swap3A_856 = vector.shape_cast %swap3A_855 : vector<1x16xi32> to vector<16xi32>
      %swap3A_857 = vector.shape_cast %select_n3A_851 : vector<16xi32> to vector<1x16xi32>
      tpu.vector_store %arg6[%swap3A_853, %swap3A_854], %swap3A_857 {strides = array<i32>} : memref<2x128xi32, #tpu.memory_space<vmem>>, vector<1x16xi32>,
      %eq3A_858 = arith.constant 0 : i32
      %eq3A_859 = vector.broadcast %eq3A_858 : i32 to vector<16xi32>
      %eq3A_860 = arith.cmpi eq, %select_n3A_833, %eq3A_859 : vector<16xi32>
      %eq3A_861 = arith.constant 1 : i32
      %eq3A_862 = vector.broadcast %eq3A_861 : i32 to vector<16xi32>
      %eq3A_863 = arith.cmpi eq, %select_n3A_833, %eq3A_862 : vector<16xi32>
      %jit3A_864 = arith.constant 1.600000e+01 : f32
      %jit3A_865 = arith.constant 3.300000e+01 : f32
      %broadcast_in_dim3A_866 = vector.broadcast %jit3A_864 : f32 to vector<16xf32>
      %broadcast_in_dim3A_867 = vector.broadcast %jit3A_865 : f32 to vector<16xf32>
      %select_n3A_868 = arith.select %eq3A_863, %broadcast_in_dim3A_866, %broadcast_in_dim3A_867 : vector<16xi1>, vector<16xf32>
      %jit3A_869 = arith.constant 1.000000e+01 : f32
      %broadcast_in_dim3A_870 = vector.broadcast %jit3A_869 : f32 to vector<16xf32>
      %select_n3A_871 = arith.select %eq3A_860, %broadcast_in_dim3A_870, %select_n3A_868 : vector<16xi1>, vector<16xf32>
      %eq3A_872 = arith.constant 0 : i32
      %eq3A_873 = vector.broadcast %eq3A_872 : i32 to vector<16xi32>
      %eq3A_874 = arith.cmpi eq, %select_n3A_833, %eq3A_873 : vector<16xi32>
      %eq3A_875 = arith.constant 1 : i32
      %eq3A_876 = vector.broadcast %eq3A_875 : i32 to vector<16xi32>
      %eq3A_877 = arith.cmpi eq, %select_n3A_833, %eq3A_876 : vector<16xi32>
      %jit3A_878 = arith.constant 3.000000e+01 : f32
      %jit3A_879 = arith.constant 2.300000e+01 : f32
      %broadcast_in_dim3A_880 = vector.broadcast %jit3A_878 : f32 to vector<16xf32>
      %broadcast_in_dim3A_881 = vector.broadcast %jit3A_879 : f32 to vector<16xf32>
      %select_n3A_882 = arith.select %eq3A_877, %broadcast_in_dim3A_880, %broadcast_in_dim3A_881 : vector<16xi1>, vector<16xf32>
      %jit3A_883 = arith.constant 1.300000e+01 : f32
      %broadcast_in_dim3A_884 = vector.broadcast %jit3A_883 : f32 to vector<16xf32>
      %select_n3A_885 = arith.select %eq3A_874, %broadcast_in_dim3A_884, %select_n3A_882 : vector<16xi1>, vector<16xf32>
      %convert_element_type3A_886 = arith.sitofp %convert_element_type3A_746 : vector<16xi32> to vector<16xf32>
      %sub3A_887 = arith.subf %mul3A_742, %convert_element_type3A_886 : vector<16xf32>
      %swap3A_888 = arith.constant 0 : i32
      %swap3A_889 = arith.index_cast %swap3A_888 : i32 to index
      %swap3A_890 = arith.constant 48 : index
      %swap3A_891 = tpu.vector_load %arg7[%swap3A_889, %swap3A_890] {strides = array<i32>} : memref<8x256xf32, #tpu.memory_space<vmem>>, vector<1x16xf32>,
      %swap3A_892 = vector.shape_cast %swap3A_891 : vector<1x16xf32> to vector<16xf32>
      %swap3A_893 = vector.shape_cast %sub3A_887 : vector<16xf32> to vector<1x16xf32>
      tpu.vector_store %arg7[%swap3A_889, %swap3A_890], %swap3A_893 {strides = array<i32>} : memref<8x256xf32, #tpu.memory_space<vmem>>, vector<1x16xf32>,
      %convert_element_type3A_894 = arith.sitofp %convert_element_type3A_747 : vector<16xi32> to vector<16xf32>
      %sub3A_895 = arith.subf %mul3A_745, %convert_element_type3A_894 : vector<16xf32>
      %swap3A_896 = arith.constant 1 : i32
      %swap3A_897 = arith.index_cast %swap3A_896 : i32 to index
      %swap3A_898 = arith.constant 48 : index
      %swap3A_899 = tpu.vector_load %arg7[%swap3A_897, %swap3A_898] {strides = array<i32>} : memref<8x256xf32, #tpu.memory_space<vmem>>, vector<1x16xf32>,
      %swap3A_900 = vector.shape_cast %swap3A_899 : vector<1x16xf32> to vector<16xf32>
      %swap3A_901 = vector.shape_cast %sub3A_895 : vector<16xf32> to vector<1x16xf32>
      tpu.vector_store %arg7[%swap3A_897, %swap3A_898], %swap3A_901 {strides = array<i32>} : memref<8x256xf32, #tpu.memory_space<vmem>>, vector<1x16xf32>,
      %mul3A_902 = arith.constant 1.280000e+03 : f32
      %mul3A_903 = vector.broadcast %mul3A_902 : f32 to vector<16xf32>
      %mul3A_904 = arith.mulf %get3A_734, %mul3A_903 : vector<16xf32>
      %div3A_905 = arith.divf %mul3A_904, %select_n3A_871 : vector<16xf32>
      %swap3A_906 = arith.constant 2 : i32
      %swap3A_907 = arith.index_cast %swap3A_906 : i32 to index
      %swap3A_908 = arith.constant 48 : index
      %swap3A_909 = tpu.vector_load %arg7[%swap3A_907, %swap3A_908] {strides = array<i32>} : memref<8x256xf32, #tpu.memory_space<vmem>>, vector<1x16xf32>,
      %swap3A_910 = vector.shape_cast %swap3A_909 : vector<1x16xf32> to vector<16xf32>
      %swap3A_911 = vector.shape_cast %div3A_905 : vector<16xf32> to vector<1x16xf32>
      tpu.vector_store %arg7[%swap3A_907, %swap3A_908], %swap3A_911 {strides = array<i32>} : memref<8x256xf32, #tpu.memory_space<vmem>>, vector<1x16xf32>,
      %mul3A_912 = arith.constant 1.280000e+03 : f32
      %mul3A_913 = vector.broadcast %mul3A_912 : f32 to vector<16xf32>
      %mul3A_914 = arith.mulf %get3A_739, %mul3A_913 : vector<16xf32>
      %div3A_915 = arith.divf %mul3A_914, %select_n3A_885 : vector<16xf32>
      %swap3A_916 = arith.constant 3 : i32
      %swap3A_917 = arith.index_cast %swap3A_916 : i32 to index
      %swap3A_918 = arith.constant 48 : index
      %swap3A_919 = tpu.vector_load %arg7[%swap3A_917, %swap3A_918] {strides = array<i32>} : memref<8x256xf32, #tpu.memory_space<vmem>>, vector<1x16xf32>,
      %swap3A_920 = vector.shape_cast %swap3A_919 : vector<1x16xf32> to vector<16xf32>
      %swap3A_921 = vector.shape_cast %div3A_915 : vector<16xf32> to vector<1x16xf32>
      tpu.vector_store %arg7[%swap3A_917, %swap3A_918], %swap3A_921 {strides = array<i32>} : memref<8x256xf32, #tpu.memory_space<vmem>>, vector<1x16xf32>,
      %convert_element_type3A_922 = arith.sitofp %add3A_848 : vector<16xi32> to vector<16xf32>
      %swap3A_923 = arith.constant 4 : i32
      %swap3A_924 = arith.index_cast %swap3A_923 : i32 to index
      %swap3A_925 = arith.constant 48 : index
      %swap3A_926 = tpu.vector_load %arg7[%swap3A_924, %swap3A_925] {strides = array<i32>} : memref<8x256xf32, #tpu.memory_space<vmem>>, vector<1x16xf32>,
      %swap3A_927 = vector.shape_cast %swap3A_926 : vector<1x16xf32> to vector<16xf32>
      %swap3A_928 = vector.shape_cast %convert_element_type3A_922 : vector<16xf32> to vector<1x16xf32>
      tpu.vector_store %arg7[%swap3A_924, %swap3A_925], %swap3A_928 {strides = array<i32>} : memref<8x256xf32, #tpu.memory_space<vmem>>, vector<1x16xf32>,
      %convert_element_type3A_929 = arith.fptosi %get3A_719 : vector<16xf32> to vector<16xi32>
      %convert_element_type3A_930 = arith.sitofp %convert_element_type3A_929 : vector<16xi32> to vector<16xf32>
      %swap3A_931 = arith.constant 5 : i32
      %swap3A_932 = arith.index_cast %swap3A_931 : i32 to index
      %swap3A_933 = arith.constant 48 : index
      %swap3A_934 = tpu.vector_load %arg7[%swap3A_932, %swap3A_933] {strides = array<i32>} : memref<8x256xf32, #tpu.memory_space<vmem>>, vector<1x16xf32>,
      %swap3A_935 = vector.shape_cast %swap3A_934 : vector<1x16xf32> to vector<16xf32>
      %swap3A_936 = vector.shape_cast %convert_element_type3A_930 : vector<16xf32> to vector<1x16xf32>
      tpu.vector_store %arg7[%swap3A_932, %swap3A_933], %swap3A_936 {strides = array<i32>} : memref<8x256xf32, #tpu.memory_space<vmem>>, vector<1x16xf32>,
      %jit3A_937 = arith.constant 1.000000e+00 : f32
      %jit3A_938 = arith.constant 0.000000e+00 : f32
      %broadcast_in_dim3A_939 = vector.broadcast %jit3A_937 : f32 to vector<16xf32>
      %broadcast_in_dim3A_940 = vector.broadcast %jit3A_938 : f32 to vector<16xf32>
      %select_n3A_941 = arith.select %and3A_840, %broadcast_in_dim3A_939, %broadcast_in_dim3A_940 : vector<16xi1>, vector<16xf32>
      %swap3A_942 = arith.constant 6 : i32
      %swap3A_943 = arith.index_cast %swap3A_942 : i32 to index
      %swap3A_944 = arith.constant 48 : index
      %swap3A_945 = tpu.vector_load %arg7[%swap3A_943, %swap3A_944] {strides = array<i32>} : memref<8x256xf32, #tpu.memory_space<vmem>>, vector<1x16xf32>,
      %swap3A_946 = vector.shape_cast %swap3A_945 : vector<1x16xf32> to vector<16xf32>
      %swap3A_947 = vector.shape_cast %select_n3A_941 : vector<16xf32> to vector<1x16xf32>
      tpu.vector_store %arg7[%swap3A_943, %swap3A_944], %swap3A_947 {strides = array<i32>} : memref<8x256xf32, #tpu.memory_space<vmem>>, vector<1x16xf32>,
      %broadcast_in_dim3A_948 = arith.constant 0.000000e+00 : f32
      %broadcast_in_dim3A_949 = vector.broadcast %broadcast_in_dim3A_948 : f32 to vector<16xf32>
      %swap3A_950 = arith.constant 7 : i32
      %swap3A_951 = arith.index_cast %swap3A_950 : i32 to index
      %swap3A_952 = arith.constant 48 : index
      %swap3A_953 = tpu.vector_load %arg7[%swap3A_951, %swap3A_952] {strides = array<i32>} : memref<8x256xf32, #tpu.memory_space<vmem>>, vector<1x16xf32>,
      %swap3A_954 = vector.shape_cast %swap3A_953 : vector<1x16xf32> to vector<16xf32>
      %swap3A_955 = vector.shape_cast %broadcast_in_dim3A_949 : vector<16xf32> to vector<1x16xf32>
      tpu.vector_store %arg7[%swap3A_951, %swap3A_952], %swap3A_955 {strides = array<i32>} : memref<8x256xf32, #tpu.memory_space<vmem>>, vector<1x16xf32>,
      %get3A_956 = arith.constant 1 : i32
      %get3A_957 = arith.index_cast %get3A_956 : i32 to index
      %get3A_958 = arith.constant 64 : index
      %get3A_959 = tpu.vector_load %arg5[%get3A_957, %get3A_958] {strides = array<i32>} : memref<6x256xf32, #tpu.memory_space<vmem>>, vector<1x16xf32>,
      %get3A_960 = vector.shape_cast %get3A_959 : vector<1x16xf32> to vector<16xf32>
      %get3A_961 = arith.constant 2 : i32
      %get3A_962 = arith.index_cast %get3A_961 : i32 to index
      %get3A_963 = arith.constant 64 : index
      %get3A_964 = tpu.vector_load %arg5[%get3A_962, %get3A_963] {strides = array<i32>} : memref<6x256xf32, #tpu.memory_space<vmem>>, vector<1x16xf32>,
      %get3A_965 = vector.shape_cast %get3A_964 : vector<1x16xf32> to vector<16xf32>
      %get3A_966 = arith.constant 3 : i32
      %get3A_967 = arith.index_cast %get3A_966 : i32 to index
      %get3A_968 = arith.constant 64 : index
      %get3A_969 = tpu.vector_load %arg5[%get3A_967, %get3A_968] {strides = array<i32>} : memref<6x256xf32, #tpu.memory_space<vmem>>, vector<1x16xf32>,
      %get3A_970 = vector.shape_cast %get3A_969 : vector<1x16xf32> to vector<16xf32>
      %get3A_971 = arith.constant 4 : i32
      %get3A_972 = arith.index_cast %get3A_971 : i32 to index
      %get3A_973 = arith.constant 64 : index
      %get3A_974 = tpu.vector_load %arg5[%get3A_972, %get3A_973] {strides = array<i32>} : memref<6x256xf32, #tpu.memory_space<vmem>>, vector<1x16xf32>,
      %get3A_975 = vector.shape_cast %get3A_974 : vector<1x16xf32> to vector<16xf32>
      %get3A_976 = arith.constant 5 : i32
      %get3A_977 = arith.index_cast %get3A_976 : i32 to index
      %get3A_978 = arith.constant 64 : index
      %get3A_979 = tpu.vector_load %arg5[%get3A_977, %get3A_978] {strides = array<i32>} : memref<6x256xf32, #tpu.memory_space<vmem>>, vector<1x16xf32>,
      %get3A_980 = vector.shape_cast %get3A_979 : vector<1x16xf32> to vector<16xf32>
      %mul3A_981 = arith.constant 1.600000e+02 : f32
      %mul3A_982 = vector.broadcast %mul3A_981 : f32 to vector<16xf32>
      %mul3A_983 = arith.mulf %get3A_965, %mul3A_982 : vector<16xf32>
      %mul3A_984 = arith.constant 1.600000e+02 : f32
      %mul3A_985 = vector.broadcast %mul3A_984 : f32 to vector<16xf32>
      %mul3A_986 = arith.mulf %get3A_970, %mul3A_985 : vector<16xf32>
      %convert_element_type3A_987 = arith.fptosi %mul3A_983 : vector<16xf32> to vector<16xi32>
      %convert_element_type3A_988 = arith.fptosi %mul3A_986 : vector<16xf32> to vector<16xi32>
      %mul3A_989 = arith.constant 1.280000e+03 : f32
      %mul3A_990 = vector.broadcast %mul3A_989 : f32 to vector<16xf32>
      %mul3A_991 = arith.mulf %get3A_975, %mul3A_990 : vector<16xf32>
      %div3A_992 = arith.constant 8.000000e+00 : f32
      %div3A_993 = vector.broadcast %div3A_992 : f32 to vector<16xf32>
      %div3A_994 = arith.divf %mul3A_991, %div3A_993 : vector<16xf32>
      %mul3A_995 = arith.constant 1.280000e+03 : f32
      %mul3A_996 = vector.broadcast %mul3A_995 : f32 to vector<16xf32>
      %mul3A_997 = arith.mulf %get3A_980, %mul3A_996 : vector<16xf32>
      %div3A_998 = arith.constant 8.000000e+00 : f32
      %div3A_999 = vector.broadcast %div3A_998 : f32 to vector<16xf32>
      %div3A_1000 = arith.divf %mul3A_997, %div3A_999 : vector<16xf32>
      %div3A_1001 = arith.constant 1.250000e+00 : f32
      %div3A_1002 = vector.broadcast %div3A_1001 : f32 to vector<16xf32>
      %div3A_1003 = arith.divf %div3A_994, %div3A_1002 : vector<16xf32>
      %add3A_1004 = arith.constant 9.99999971E-10 : f32
      %add3A_1005 = vector.broadcast %add3A_1004 : f32 to vector<16xf32>
      %add3A_1006 = arith.addf %div3A_994, %add3A_1005 : vector<16xf32>
      %div3A_1007 = arith.constant 1.250000e+00 : f32
      %div3A_1008 = vector.broadcast %div3A_1007 : f32 to vector<16xf32>
      %div3A_1009 = arith.divf %div3A_1008, %add3A_1006 : vector<16xf32>
      %max3A_1010 = arith.maximumf %div3A_1003, %div3A_1009 : vector<16xf32>
      %div3A_1011 = arith.constant 1.625000e+00 : f32
      %div3A_1012 = vector.broadcast %div3A_1011 : f32 to vector<16xf32>
      %div3A_1013 = arith.divf %div3A_1000, %div3A_1012 : vector<16xf32>
      %add3A_1014 = arith.constant 9.99999971E-10 : f32
      %add3A_1015 = vector.broadcast %add3A_1014 : f32 to vector<16xf32>
      %add3A_1016 = arith.addf %div3A_1000, %add3A_1015 : vector<16xf32>
      %div3A_1017 = arith.constant 1.625000e+00 : f32
      %div3A_1018 = vector.broadcast %div3A_1017 : f32 to vector<16xf32>
      %div3A_1019 = arith.divf %div3A_1018, %add3A_1016 : vector<16xf32>
      %max3A_1020 = arith.maximumf %div3A_1013, %div3A_1019 : vector<16xf32>
      %max3A_1021 = arith.maximumf %max3A_1010, %max3A_1020 : vector<16xf32>
      %div3A_1022 = arith.constant 2.000000e+00 : f32
      %div3A_1023 = vector.broadcast %div3A_1022 : f32 to vector<16xf32>
      %div3A_1024 = arith.divf %div3A_994, %div3A_1023 : vector<16xf32>
      %add3A_1025 = arith.constant 9.99999971E-10 : f32
      %add3A_1026 = vector.broadcast %add3A_1025 : f32 to vector<16xf32>
      %add3A_1027 = arith.addf %div3A_994, %add3A_1026 : vector<16xf32>
      %div3A_1028 = arith.constant 2.000000e+00 : f32
      %div3A_1029 = vector.broadcast %div3A_1028 : f32 to vector<16xf32>
      %div3A_1030 = arith.divf %div3A_1029, %add3A_1027 : vector<16xf32>
      %max3A_1031 = arith.maximumf %div3A_1024, %div3A_1030 : vector<16xf32>
      %div3A_1032 = arith.constant 3.750000e+00 : f32
      %div3A_1033 = vector.broadcast %div3A_1032 : f32 to vector<16xf32>
      %div3A_1034 = arith.divf %div3A_1000, %div3A_1033 : vector<16xf32>
      %add3A_1035 = arith.constant 9.99999971E-10 : f32
      %add3A_1036 = vector.broadcast %add3A_1035 : f32 to vector<16xf32>
      %add3A_1037 = arith.addf %div3A_1000, %add3A_1036 : vector<16xf32>
      %div3A_1038 = arith.constant 3.750000e+00 : f32
      %div3A_1039 = vector.broadcast %div3A_1038 : f32 to vector<16xf32>
      %div3A_1040 = arith.divf %div3A_1039, %add3A_1037 : vector<16xf32>
      %max3A_1041 = arith.maximumf %div3A_1034, %div3A_1040 : vector<16xf32>
      %max3A_1042 = arith.maximumf %max3A_1031, %max3A_1041 : vector<16xf32>
      %div3A_1043 = arith.constant 4.125000e+00 : f32
      %div3A_1044 = vector.broadcast %div3A_1043 : f32 to vector<16xf32>
      %div3A_1045 = arith.divf %div3A_994, %div3A_1044 : vector<16xf32>
      %add3A_1046 = arith.constant 9.99999971E-10 : f32
      %add3A_1047 = vector.broadcast %add3A_1046 : f32 to vector<16xf32>
      %add3A_1048 = arith.addf %div3A_994, %add3A_1047 : vector<16xf32>
      %div3A_1049 = arith.constant 4.125000e+00 : f32
      %div3A_1050 = vector.broadcast %div3A_1049 : f32 to vector<16xf32>
      %div3A_1051 = arith.divf %div3A_1050, %add3A_1048 : vector<16xf32>
      %max3A_1052 = arith.maximumf %div3A_1045, %div3A_1051 : vector<16xf32>
      %div3A_1053 = arith.constant 2.875000e+00 : f32
      %div3A_1054 = vector.broadcast %div3A_1053 : f32 to vector<16xf32>
      %div3A_1055 = arith.divf %div3A_1000, %div3A_1054 : vector<16xf32>
      %add3A_1056 = arith.constant 9.99999971E-10 : f32
      %add3A_1057 = vector.broadcast %add3A_1056 : f32 to vector<16xf32>
      %add3A_1058 = arith.addf %div3A_1000, %add3A_1057 : vector<16xf32>
      %div3A_1059 = arith.constant 2.875000e+00 : f32
      %div3A_1060 = vector.broadcast %div3A_1059 : f32 to vector<16xf32>
      %div3A_1061 = arith.divf %div3A_1060, %add3A_1058 : vector<16xf32>
      %max3A_1062 = arith.maximumf %div3A_1055, %div3A_1061 : vector<16xf32>
      %max3A_1063 = arith.maximumf %max3A_1052, %max3A_1062 : vector<16xf32>
      %lt3A_1064 = arith.cmpf olt, %max3A_1042, %max3A_1021 : vector<16xf32>
      %min3A_1065 = arith.minimumf %max3A_1021, %max3A_1042 : vector<16xf32>
      %lt3A_1066 = arith.cmpf olt, %max3A_1063, %min3A_1065 : vector<16xf32>
      %jit3A_1067 = arith.constant 1 : i32
      %jit3A_1068 = arith.constant 0 : i32
      %broadcast_in_dim3A_1069 = vector.broadcast %jit3A_1067 : i32 to vector<16xi32>
      %broadcast_in_dim3A_1070 = vector.broadcast %jit3A_1068 : i32 to vector<16xi32>
      %select_n3A_1071 = arith.select %lt3A_1064, %broadcast_in_dim3A_1069, %broadcast_in_dim3A_1070 : vector<16xi1>, vector<16xi32>
      %jit3A_1072 = arith.constant 2 : i32
      %broadcast_in_dim3A_1073 = vector.broadcast %jit3A_1072 : i32 to vector<16xi32>
      %select_n3A_1074 = arith.select %lt3A_1066, %broadcast_in_dim3A_1073, %select_n3A_1071 : vector<16xi1>, vector<16xi32>
      %lt3A_1075 = arith.constant 160 : i32
      %lt3A_1076 = vector.broadcast %lt3A_1075 : i32 to vector<16xi32>
      %lt3A_1077 = arith.cmpi slt, %convert_element_type3A_988, %lt3A_1076 : vector<16xi32>
      %lt3A_1078 = arith.constant 160 : i32
      %lt3A_1079 = vector.broadcast %lt3A_1078 : i32 to vector<16xi32>
      %lt3A_1080 = arith.cmpi slt, %convert_element_type3A_987, %lt3A_1079 : vector<16xi32>
      %and3A_1081 = arith.andi %lt3A_1077, %lt3A_1080 : vector<16xi1>
      %mul3A_1082 = arith.constant 25600 : i32
      %mul3A_1083 = vector.broadcast %mul3A_1082 : i32 to vector<16xi32>
      %mul3A_1084 = arith.muli %select_n3A_1074, %mul3A_1083 : vector<16xi32>
      %mul3A_1085 = arith.constant 160 : i32
      %mul3A_1086 = vector.broadcast %mul3A_1085 : i32 to vector<16xi32>
      %mul3A_1087 = arith.muli %convert_element_type3A_988, %mul3A_1086 : vector<16xi32>
      %add3A_1088 = arith.addi %mul3A_1084, %mul3A_1087 : vector<16xi32>
      %add3A_1089 = arith.addi %add3A_1088, %convert_element_type3A_987 : vector<16xi32>
      %jit3A_1090 = arith.constant 0 : i32
      %broadcast_in_dim3A_1091 = vector.broadcast %jit3A_1090 : i32 to vector<16xi32>
      %select_n3A_1092 = arith.select %and3A_1081, %add3A_1089, %broadcast_in_dim3A_1091 : vector<16xi1>, vector<16xi32>
      %swap3A_1093 = arith.constant 0 : i32
      %swap3A_1094 = arith.index_cast %swap3A_1093 : i32 to index
      %swap3A_1095 = arith.constant 64 : index
      %swap3A_1096 = tpu.vector_load %arg6[%swap3A_1094, %swap3A_1095] {strides = array<i32>} : memref<2x128xi32, #tpu.memory_space<vmem>>, vector<1x16xi32>,
      %swap3A_1097 = vector.shape_cast %swap3A_1096 : vector<1x16xi32> to vector<16xi32>
      %swap3A_1098 = vector.shape_cast %select_n3A_1092 : vector<16xi32> to vector<1x16xi32>
      tpu.vector_store %arg6[%swap3A_1094, %swap3A_1095], %swap3A_1098 {strides = array<i32>} : memref<2x128xi32, #tpu.memory_space<vmem>>, vector<1x16xi32>,
      %eq3A_1099 = arith.constant 0 : i32
      %eq3A_1100 = vector.broadcast %eq3A_1099 : i32 to vector<16xi32>
      %eq3A_1101 = arith.cmpi eq, %select_n3A_1074, %eq3A_1100 : vector<16xi32>
      %eq3A_1102 = arith.constant 1 : i32
      %eq3A_1103 = vector.broadcast %eq3A_1102 : i32 to vector<16xi32>
      %eq3A_1104 = arith.cmpi eq, %select_n3A_1074, %eq3A_1103 : vector<16xi32>
      %jit3A_1105 = arith.constant 1.600000e+01 : f32
      %jit3A_1106 = arith.constant 3.300000e+01 : f32
      %broadcast_in_dim3A_1107 = vector.broadcast %jit3A_1105 : f32 to vector<16xf32>
      %broadcast_in_dim3A_1108 = vector.broadcast %jit3A_1106 : f32 to vector<16xf32>
      %select_n3A_1109 = arith.select %eq3A_1104, %broadcast_in_dim3A_1107, %broadcast_in_dim3A_1108 : vector<16xi1>, vector<16xf32>
      %jit3A_1110 = arith.constant 1.000000e+01 : f32
      %broadcast_in_dim3A_1111 = vector.broadcast %jit3A_1110 : f32 to vector<16xf32>
      %select_n3A_1112 = arith.select %eq3A_1101, %broadcast_in_dim3A_1111, %select_n3A_1109 : vector<16xi1>, vector<16xf32>
      %eq3A_1113 = arith.constant 0 : i32
      %eq3A_1114 = vector.broadcast %eq3A_1113 : i32 to vector<16xi32>
      %eq3A_1115 = arith.cmpi eq, %select_n3A_1074, %eq3A_1114 : vector<16xi32>
      %eq3A_1116 = arith.constant 1 : i32
      %eq3A_1117 = vector.broadcast %eq3A_1116 : i32 to vector<16xi32>
      %eq3A_1118 = arith.cmpi eq, %select_n3A_1074, %eq3A_1117 : vector<16xi32>
      %jit3A_1119 = arith.constant 3.000000e+01 : f32
      %jit3A_1120 = arith.constant 2.300000e+01 : f32
      %broadcast_in_dim3A_1121 = vector.broadcast %jit3A_1119 : f32 to vector<16xf32>
      %broadcast_in_dim3A_1122 = vector.broadcast %jit3A_1120 : f32 to vector<16xf32>
      %select_n3A_1123 = arith.select %eq3A_1118, %broadcast_in_dim3A_1121, %broadcast_in_dim3A_1122 : vector<16xi1>, vector<16xf32>
      %jit3A_1124 = arith.constant 1.300000e+01 : f32
      %broadcast_in_dim3A_1125 = vector.broadcast %jit3A_1124 : f32 to vector<16xf32>
      %select_n3A_1126 = arith.select %eq3A_1115, %broadcast_in_dim3A_1125, %select_n3A_1123 : vector<16xi1>, vector<16xf32>
      %convert_element_type3A_1127 = arith.sitofp %convert_element_type3A_987 : vector<16xi32> to vector<16xf32>
      %sub3A_1128 = arith.subf %mul3A_983, %convert_element_type3A_1127 : vector<16xf32>
      %swap3A_1129 = arith.constant 0 : i32
      %swap3A_1130 = arith.index_cast %swap3A_1129 : i32 to index
      %swap3A_1131 = arith.constant 64 : index
      %swap3A_1132 = tpu.vector_load %arg7[%swap3A_1130, %swap3A_1131] {strides = array<i32>} : memref<8x256xf32, #tpu.memory_space<vmem>>, vector<1x16xf32>,
      %swap3A_1133 = vector.shape_cast %swap3A_1132 : vector<1x16xf32> to vector<16xf32>
      %swap3A_1134 = vector.shape_cast %sub3A_1128 : vector<16xf32> to vector<1x16xf32>
      tpu.vector_store %arg7[%swap3A_1130, %swap3A_1131], %swap3A_1134 {strides = array<i32>} : memref<8x256xf32, #tpu.memory_space<vmem>>, vector<1x16xf32>,
      %convert_element_type3A_1135 = arith.sitofp %convert_element_type3A_988 : vector<16xi32> to vector<16xf32>
      %sub3A_1136 = arith.subf %mul3A_986, %convert_element_type3A_1135 : vector<16xf32>
      %swap3A_1137 = arith.constant 1 : i32
      %swap3A_1138 = arith.index_cast %swap3A_1137 : i32 to index
      %swap3A_1139 = arith.constant 64 : index
      %swap3A_1140 = tpu.vector_load %arg7[%swap3A_1138, %swap3A_1139] {strides = array<i32>} : memref<8x256xf32, #tpu.memory_space<vmem>>, vector<1x16xf32>,
      %swap3A_1141 = vector.shape_cast %swap3A_1140 : vector<1x16xf32> to vector<16xf32>
      %swap3A_1142 = vector.shape_cast %sub3A_1136 : vector<16xf32> to vector<1x16xf32>
      tpu.vector_store %arg7[%swap3A_1138, %swap3A_1139], %swap3A_1142 {strides = array<i32>} : memref<8x256xf32, #tpu.memory_space<vmem>>, vector<1x16xf32>,
      %mul3A_1143 = arith.constant 1.280000e+03 : f32
      %mul3A_1144 = vector.broadcast %mul3A_1143 : f32 to vector<16xf32>
      %mul3A_1145 = arith.mulf %get3A_975, %mul3A_1144 : vector<16xf32>
      %div3A_1146 = arith.divf %mul3A_1145, %select_n3A_1112 : vector<16xf32>
      %swap3A_1147 = arith.constant 2 : i32
      %swap3A_1148 = arith.index_cast %swap3A_1147 : i32 to index
      %swap3A_1149 = arith.constant 64 : index
      %swap3A_1150 = tpu.vector_load %arg7[%swap3A_1148, %swap3A_1149] {strides = array<i32>} : memref<8x256xf32, #tpu.memory_space<vmem>>, vector<1x16xf32>,
      %swap3A_1151 = vector.shape_cast %swap3A_1150 : vector<1x16xf32> to vector<16xf32>
      %swap3A_1152 = vector.shape_cast %div3A_1146 : vector<16xf32> to vector<1x16xf32>
      tpu.vector_store %arg7[%swap3A_1148, %swap3A_1149], %swap3A_1152 {strides = array<i32>} : memref<8x256xf32, #tpu.memory_space<vmem>>, vector<1x16xf32>,
      %mul3A_1153 = arith.constant 1.280000e+03 : f32
      %mul3A_1154 = vector.broadcast %mul3A_1153 : f32 to vector<16xf32>
      %mul3A_1155 = arith.mulf %get3A_980, %mul3A_1154 : vector<16xf32>
      %div3A_1156 = arith.divf %mul3A_1155, %select_n3A_1126 : vector<16xf32>
      %swap3A_1157 = arith.constant 3 : i32
      %swap3A_1158 = arith.index_cast %swap3A_1157 : i32 to index
      %swap3A_1159 = arith.constant 64 : index
      %swap3A_1160 = tpu.vector_load %arg7[%swap3A_1158, %swap3A_1159] {strides = array<i32>} : memref<8x256xf32, #tpu.memory_space<vmem>>, vector<1x16xf32>,
      %swap3A_1161 = vector.shape_cast %swap3A_1160 : vector<1x16xf32> to vector<16xf32>
      %swap3A_1162 = vector.shape_cast %div3A_1156 : vector<16xf32> to vector<1x16xf32>
      tpu.vector_store %arg7[%swap3A_1158, %swap3A_1159], %swap3A_1162 {strides = array<i32>} : memref<8x256xf32, #tpu.memory_space<vmem>>, vector<1x16xf32>,
      %convert_element_type3A_1163 = arith.sitofp %add3A_1089 : vector<16xi32> to vector<16xf32>
      %swap3A_1164 = arith.constant 4 : i32
      %swap3A_1165 = arith.index_cast %swap3A_1164 : i32 to index
      %swap3A_1166 = arith.constant 64 : index
      %swap3A_1167 = tpu.vector_load %arg7[%swap3A_1165, %swap3A_1166] {strides = array<i32>} : memref<8x256xf32, #tpu.memory_space<vmem>>, vector<1x16xf32>,
      %swap3A_1168 = vector.shape_cast %swap3A_1167 : vector<1x16xf32> to vector<16xf32>
      %swap3A_1169 = vector.shape_cast %convert_element_type3A_1163 : vector<16xf32> to vector<1x16xf32>
      tpu.vector_store %arg7[%swap3A_1165, %swap3A_1166], %swap3A_1169 {strides = array<i32>} : memref<8x256xf32, #tpu.memory_space<vmem>>, vector<1x16xf32>,
      %convert_element_type3A_1170 = arith.fptosi %get3A_960 : vector<16xf32> to vector<16xi32>
      %convert_element_type3A_1171 = arith.sitofp %convert_element_type3A_1170 : vector<16xi32> to vector<16xf32>
      %swap3A_1172 = arith.constant 5 : i32
      %swap3A_1173 = arith.index_cast %swap3A_1172 : i32 to index
      %swap3A_1174 = arith.constant 64 : index
      %swap3A_1175 = tpu.vector_load %arg7[%swap3A_1173, %swap3A_1174] {strides = array<i32>} : memref<8x256xf32, #tpu.memory_space<vmem>>, vector<1x16xf32>,
      %swap3A_1176 = vector.shape_cast %swap3A_1175 : vector<1x16xf32> to vector<16xf32>
      %swap3A_1177 = vector.shape_cast %convert_element_type3A_1171 : vector<16xf32> to vector<1x16xf32>
      tpu.vector_store %arg7[%swap3A_1173, %swap3A_1174], %swap3A_1177 {strides = array<i32>} : memref<8x256xf32, #tpu.memory_space<vmem>>, vector<1x16xf32>,
      %jit3A_1178 = arith.constant 1.000000e+00 : f32
      %jit3A_1179 = arith.constant 0.000000e+00 : f32
      %broadcast_in_dim3A_1180 = vector.broadcast %jit3A_1178 : f32 to vector<16xf32>
      %broadcast_in_dim3A_1181 = vector.broadcast %jit3A_1179 : f32 to vector<16xf32>
      %select_n3A_1182 = arith.select %and3A_1081, %broadcast_in_dim3A_1180, %broadcast_in_dim3A_1181 : vector<16xi1>, vector<16xf32>
      %swap3A_1183 = arith.constant 6 : i32
      %swap3A_1184 = arith.index_cast %swap3A_1183 : i32 to index
      %swap3A_1185 = arith.constant 64 : index
      %swap3A_1186 = tpu.vector_load %arg7[%swap3A_1184, %swap3A_1185] {strides = array<i32>} : memref<8x256xf32, #tpu.memory_space<vmem>>, vector<1x16xf32>,
      %swap3A_1187 = vector.shape_cast %swap3A_1186 : vector<1x16xf32> to vector<16xf32>
      %swap3A_1188 = vector.shape_cast %select_n3A_1182 : vector<16xf32> to vector<1x16xf32>
      tpu.vector_store %arg7[%swap3A_1184, %swap3A_1185], %swap3A_1188 {strides = array<i32>} : memref<8x256xf32, #tpu.memory_space<vmem>>, vector<1x16xf32>,
      %broadcast_in_dim3A_1189 = arith.constant 0.000000e+00 : f32
      %broadcast_in_dim3A_1190 = vector.broadcast %broadcast_in_dim3A_1189 : f32 to vector<16xf32>
      %swap3A_1191 = arith.constant 7 : i32
      %swap3A_1192 = arith.index_cast %swap3A_1191 : i32 to index
      %swap3A_1193 = arith.constant 64 : index
      %swap3A_1194 = tpu.vector_load %arg7[%swap3A_1192, %swap3A_1193] {strides = array<i32>} : memref<8x256xf32, #tpu.memory_space<vmem>>, vector<1x16xf32>,
      %swap3A_1195 = vector.shape_cast %swap3A_1194 : vector<1x16xf32> to vector<16xf32>
      %swap3A_1196 = vector.shape_cast %broadcast_in_dim3A_1190 : vector<16xf32> to vector<1x16xf32>
      tpu.vector_store %arg7[%swap3A_1192, %swap3A_1193], %swap3A_1196 {strides = array<i32>} : memref<8x256xf32, #tpu.memory_space<vmem>>, vector<1x16xf32>,
      %get3A_1197 = arith.constant 1 : i32
      %get3A_1198 = arith.index_cast %get3A_1197 : i32 to index
      %get3A_1199 = arith.constant 80 : index
      %get3A_1200 = tpu.vector_load %arg5[%get3A_1198, %get3A_1199] {strides = array<i32>} : memref<6x256xf32, #tpu.memory_space<vmem>>, vector<1x16xf32>,
      %get3A_1201 = vector.shape_cast %get3A_1200 : vector<1x16xf32> to vector<16xf32>
      %get3A_1202 = arith.constant 2 : i32
      %get3A_1203 = arith.index_cast %get3A_1202 : i32 to index
      %get3A_1204 = arith.constant 80 : index
      %get3A_1205 = tpu.vector_load %arg5[%get3A_1203, %get3A_1204] {strides = array<i32>} : memref<6x256xf32, #tpu.memory_space<vmem>>, vector<1x16xf32>,
      %get3A_1206 = vector.shape_cast %get3A_1205 : vector<1x16xf32> to vector<16xf32>
      %get3A_1207 = arith.constant 3 : i32
      %get3A_1208 = arith.index_cast %get3A_1207 : i32 to index
      %get3A_1209 = arith.constant 80 : index
      %get3A_1210 = tpu.vector_load %arg5[%get3A_1208, %get3A_1209] {strides = array<i32>} : memref<6x256xf32, #tpu.memory_space<vmem>>, vector<1x16xf32>,
      %get3A_1211 = vector.shape_cast %get3A_1210 : vector<1x16xf32> to vector<16xf32>
      %get3A_1212 = arith.constant 4 : i32
      %get3A_1213 = arith.index_cast %get3A_1212 : i32 to index
      %get3A_1214 = arith.constant 80 : index
      %get3A_1215 = tpu.vector_load %arg5[%get3A_1213, %get3A_1214] {strides = array<i32>} : memref<6x256xf32, #tpu.memory_space<vmem>>, vector<1x16xf32>,
      %get3A_1216 = vector.shape_cast %get3A_1215 : vector<1x16xf32> to vector<16xf32>
      %get3A_1217 = arith.constant 5 : i32
      %get3A_1218 = arith.index_cast %get3A_1217 : i32 to index
      %get3A_1219 = arith.constant 80 : index
      %get3A_1220 = tpu.vector_load %arg5[%get3A_1218, %get3A_1219] {strides = array<i32>} : memref<6x256xf32, #tpu.memory_space<vmem>>, vector<1x16xf32>,
      %get3A_1221 = vector.shape_cast %get3A_1220 : vector<1x16xf32> to vector<16xf32>
      %mul3A_1222 = arith.constant 1.600000e+02 : f32
      %mul3A_1223 = vector.broadcast %mul3A_1222 : f32 to vector<16xf32>
      %mul3A_1224 = arith.mulf %get3A_1206, %mul3A_1223 : vector<16xf32>
      %mul3A_1225 = arith.constant 1.600000e+02 : f32
      %mul3A_1226 = vector.broadcast %mul3A_1225 : f32 to vector<16xf32>
      %mul3A_1227 = arith.mulf %get3A_1211, %mul3A_1226 : vector<16xf32>
      %convert_element_type3A_1228 = arith.fptosi %mul3A_1224 : vector<16xf32> to vector<16xi32>
      %convert_element_type3A_1229 = arith.fptosi %mul3A_1227 : vector<16xf32> to vector<16xi32>
      %mul3A_1230 = arith.constant 1.280000e+03 : f32
      %mul3A_1231 = vector.broadcast %mul3A_1230 : f32 to vector<16xf32>
      %mul3A_1232 = arith.mulf %get3A_1216, %mul3A_1231 : vector<16xf32>
      %div3A_1233 = arith.constant 8.000000e+00 : f32
      %div3A_1234 = vector.broadcast %div3A_1233 : f32 to vector<16xf32>
      %div3A_1235 = arith.divf %mul3A_1232, %div3A_1234 : vector<16xf32>
      %mul3A_1236 = arith.constant 1.280000e+03 : f32
      %mul3A_1237 = vector.broadcast %mul3A_1236 : f32 to vector<16xf32>
      %mul3A_1238 = arith.mulf %get3A_1221, %mul3A_1237 : vector<16xf32>
      %div3A_1239 = arith.constant 8.000000e+00 : f32
      %div3A_1240 = vector.broadcast %div3A_1239 : f32 to vector<16xf32>
      %div3A_1241 = arith.divf %mul3A_1238, %div3A_1240 : vector<16xf32>
      %div3A_1242 = arith.constant 1.250000e+00 : f32
      %div3A_1243 = vector.broadcast %div3A_1242 : f32 to vector<16xf32>
      %div3A_1244 = arith.divf %div3A_1235, %div3A_1243 : vector<16xf32>
      %add3A_1245 = arith.constant 9.99999971E-10 : f32
      %add3A_1246 = vector.broadcast %add3A_1245 : f32 to vector<16xf32>
      %add3A_1247 = arith.addf %div3A_1235, %add3A_1246 : vector<16xf32>
      %div3A_1248 = arith.constant 1.250000e+00 : f32
      %div3A_1249 = vector.broadcast %div3A_1248 : f32 to vector<16xf32>
      %div3A_1250 = arith.divf %div3A_1249, %add3A_1247 : vector<16xf32>
      %max3A_1251 = arith.maximumf %div3A_1244, %div3A_1250 : vector<16xf32>
      %div3A_1252 = arith.constant 1.625000e+00 : f32
      %div3A_1253 = vector.broadcast %div3A_1252 : f32 to vector<16xf32>
      %div3A_1254 = arith.divf %div3A_1241, %div3A_1253 : vector<16xf32>
      %add3A_1255 = arith.constant 9.99999971E-10 : f32
      %add3A_1256 = vector.broadcast %add3A_1255 : f32 to vector<16xf32>
      %add3A_1257 = arith.addf %div3A_1241, %add3A_1256 : vector<16xf32>
      %div3A_1258 = arith.constant 1.625000e+00 : f32
      %div3A_1259 = vector.broadcast %div3A_1258 : f32 to vector<16xf32>
      %div3A_1260 = arith.divf %div3A_1259, %add3A_1257 : vector<16xf32>
      %max3A_1261 = arith.maximumf %div3A_1254, %div3A_1260 : vector<16xf32>
      %max3A_1262 = arith.maximumf %max3A_1251, %max3A_1261 : vector<16xf32>
      %div3A_1263 = arith.constant 2.000000e+00 : f32
      %div3A_1264 = vector.broadcast %div3A_1263 : f32 to vector<16xf32>
      %div3A_1265 = arith.divf %div3A_1235, %div3A_1264 : vector<16xf32>
      %add3A_1266 = arith.constant 9.99999971E-10 : f32
      %add3A_1267 = vector.broadcast %add3A_1266 : f32 to vector<16xf32>
      %add3A_1268 = arith.addf %div3A_1235, %add3A_1267 : vector<16xf32>
      %div3A_1269 = arith.constant 2.000000e+00 : f32
      %div3A_1270 = vector.broadcast %div3A_1269 : f32 to vector<16xf32>
      %div3A_1271 = arith.divf %div3A_1270, %add3A_1268 : vector<16xf32>
      %max3A_1272 = arith.maximumf %div3A_1265, %div3A_1271 : vector<16xf32>
      %div3A_1273 = arith.constant 3.750000e+00 : f32
      %div3A_1274 = vector.broadcast %div3A_1273 : f32 to vector<16xf32>
      %div3A_1275 = arith.divf %div3A_1241, %div3A_1274 : vector<16xf32>
      %add3A_1276 = arith.constant 9.99999971E-10 : f32
      %add3A_1277 = vector.broadcast %add3A_1276 : f32 to vector<16xf32>
      %add3A_1278 = arith.addf %div3A_1241, %add3A_1277 : vector<16xf32>
      %div3A_1279 = arith.constant 3.750000e+00 : f32
      %div3A_1280 = vector.broadcast %div3A_1279 : f32 to vector<16xf32>
      %div3A_1281 = arith.divf %div3A_1280, %add3A_1278 : vector<16xf32>
      %max3A_1282 = arith.maximumf %div3A_1275, %div3A_1281 : vector<16xf32>
      %max3A_1283 = arith.maximumf %max3A_1272, %max3A_1282 : vector<16xf32>
      %div3A_1284 = arith.constant 4.125000e+00 : f32
      %div3A_1285 = vector.broadcast %div3A_1284 : f32 to vector<16xf32>
      %div3A_1286 = arith.divf %div3A_1235, %div3A_1285 : vector<16xf32>
      %add3A_1287 = arith.constant 9.99999971E-10 : f32
      %add3A_1288 = vector.broadcast %add3A_1287 : f32 to vector<16xf32>
      %add3A_1289 = arith.addf %div3A_1235, %add3A_1288 : vector<16xf32>
      %div3A_1290 = arith.constant 4.125000e+00 : f32
      %div3A_1291 = vector.broadcast %div3A_1290 : f32 to vector<16xf32>
      %div3A_1292 = arith.divf %div3A_1291, %add3A_1289 : vector<16xf32>
      %max3A_1293 = arith.maximumf %div3A_1286, %div3A_1292 : vector<16xf32>
      %div3A_1294 = arith.constant 2.875000e+00 : f32
      %div3A_1295 = vector.broadcast %div3A_1294 : f32 to vector<16xf32>
      %div3A_1296 = arith.divf %div3A_1241, %div3A_1295 : vector<16xf32>
      %add3A_1297 = arith.constant 9.99999971E-10 : f32
      %add3A_1298 = vector.broadcast %add3A_1297 : f32 to vector<16xf32>
      %add3A_1299 = arith.addf %div3A_1241, %add3A_1298 : vector<16xf32>
      %div3A_1300 = arith.constant 2.875000e+00 : f32
      %div3A_1301 = vector.broadcast %div3A_1300 : f32 to vector<16xf32>
      %div3A_1302 = arith.divf %div3A_1301, %add3A_1299 : vector<16xf32>
      %max3A_1303 = arith.maximumf %div3A_1296, %div3A_1302 : vector<16xf32>
      %max3A_1304 = arith.maximumf %max3A_1293, %max3A_1303 : vector<16xf32>
      %lt3A_1305 = arith.cmpf olt, %max3A_1283, %max3A_1262 : vector<16xf32>
      %min3A_1306 = arith.minimumf %max3A_1262, %max3A_1283 : vector<16xf32>
      %lt3A_1307 = arith.cmpf olt, %max3A_1304, %min3A_1306 : vector<16xf32>
      %jit3A_1308 = arith.constant 1 : i32
      %jit3A_1309 = arith.constant 0 : i32
      %broadcast_in_dim3A_1310 = vector.broadcast %jit3A_1308 : i32 to vector<16xi32>
      %broadcast_in_dim3A_1311 = vector.broadcast %jit3A_1309 : i32 to vector<16xi32>
      %select_n3A_1312 = arith.select %lt3A_1305, %broadcast_in_dim3A_1310, %broadcast_in_dim3A_1311 : vector<16xi1>, vector<16xi32>
      %jit3A_1313 = arith.constant 2 : i32
      %broadcast_in_dim3A_1314 = vector.broadcast %jit3A_1313 : i32 to vector<16xi32>
      %select_n3A_1315 = arith.select %lt3A_1307, %broadcast_in_dim3A_1314, %select_n3A_1312 : vector<16xi1>, vector<16xi32>
      %lt3A_1316 = arith.constant 160 : i32
      %lt3A_1317 = vector.broadcast %lt3A_1316 : i32 to vector<16xi32>
      %lt3A_1318 = arith.cmpi slt, %convert_element_type3A_1229, %lt3A_1317 : vector<16xi32>
      %lt3A_1319 = arith.constant 160 : i32
      %lt3A_1320 = vector.broadcast %lt3A_1319 : i32 to vector<16xi32>
      %lt3A_1321 = arith.cmpi slt, %convert_element_type3A_1228, %lt3A_1320 : vector<16xi32>
      %and3A_1322 = arith.andi %lt3A_1318, %lt3A_1321 : vector<16xi1>
      %mul3A_1323 = arith.constant 25600 : i32
      %mul3A_1324 = vector.broadcast %mul3A_1323 : i32 to vector<16xi32>
      %mul3A_1325 = arith.muli %select_n3A_1315, %mul3A_1324 : vector<16xi32>
      %mul3A_1326 = arith.constant 160 : i32
      %mul3A_1327 = vector.broadcast %mul3A_1326 : i32 to vector<16xi32>
      %mul3A_1328 = arith.muli %convert_element_type3A_1229, %mul3A_1327 : vector<16xi32>
      %add3A_1329 = arith.addi %mul3A_1325, %mul3A_1328 : vector<16xi32>
      %add3A_1330 = arith.addi %add3A_1329, %convert_element_type3A_1228 : vector<16xi32>
      %jit3A_1331 = arith.constant 0 : i32
      %broadcast_in_dim3A_1332 = vector.broadcast %jit3A_1331 : i32 to vector<16xi32>
      %select_n3A_1333 = arith.select %and3A_1322, %add3A_1330, %broadcast_in_dim3A_1332 : vector<16xi1>, vector<16xi32>
      %swap3A_1334 = arith.constant 0 : i32
      %swap3A_1335 = arith.index_cast %swap3A_1334 : i32 to index
      %swap3A_1336 = arith.constant 80 : index
      %swap3A_1337 = tpu.vector_load %arg6[%swap3A_1335, %swap3A_1336] {strides = array<i32>} : memref<2x128xi32, #tpu.memory_space<vmem>>, vector<1x16xi32>,
      %swap3A_1338 = vector.shape_cast %swap3A_1337 : vector<1x16xi32> to vector<16xi32>
      %swap3A_1339 = vector.shape_cast %select_n3A_1333 : vector<16xi32> to vector<1x16xi32>
      tpu.vector_store %arg6[%swap3A_1335, %swap3A_1336], %swap3A_1339 {strides = array<i32>} : memref<2x128xi32, #tpu.memory_space<vmem>>, vector<1x16xi32>,
      %eq3A_1340 = arith.constant 0 : i32
      %eq3A_1341 = vector.broadcast %eq3A_1340 : i32 to vector<16xi32>
      %eq3A_1342 = arith.cmpi eq, %select_n3A_1315, %eq3A_1341 : vector<16xi32>
      %eq3A_1343 = arith.constant 1 : i32
      %eq3A_1344 = vector.broadcast %eq3A_1343 : i32 to vector<16xi32>
      %eq3A_1345 = arith.cmpi eq, %select_n3A_1315, %eq3A_1344 : vector<16xi32>
      %jit3A_1346 = arith.constant 1.600000e+01 : f32
      %jit3A_1347 = arith.constant 3.300000e+01 : f32
      %broadcast_in_dim3A_1348 = vector.broadcast %jit3A_1346 : f32 to vector<16xf32>
      %broadcast_in_dim3A_1349 = vector.broadcast %jit3A_1347 : f32 to vector<16xf32>
      %select_n3A_1350 = arith.select %eq3A_1345, %broadcast_in_dim3A_1348, %broadcast_in_dim3A_1349 : vector<16xi1>, vector<16xf32>
      %jit3A_1351 = arith.constant 1.000000e+01 : f32
      %broadcast_in_dim3A_1352 = vector.broadcast %jit3A_1351 : f32 to vector<16xf32>
      %select_n3A_1353 = arith.select %eq3A_1342, %broadcast_in_dim3A_1352, %select_n3A_1350 : vector<16xi1>, vector<16xf32>
      %eq3A_1354 = arith.constant 0 : i32
      %eq3A_1355 = vector.broadcast %eq3A_1354 : i32 to vector<16xi32>
      %eq3A_1356 = arith.cmpi eq, %select_n3A_1315, %eq3A_1355 : vector<16xi32>
      %eq3A_1357 = arith.constant 1 : i32
      %eq3A_1358 = vector.broadcast %eq3A_1357 : i32 to vector<16xi32>
      %eq3A_1359 = arith.cmpi eq, %select_n3A_1315, %eq3A_1358 : vector<16xi32>
      %jit3A_1360 = arith.constant 3.000000e+01 : f32
      %jit3A_1361 = arith.constant 2.300000e+01 : f32
      %broadcast_in_dim3A_1362 = vector.broadcast %jit3A_1360 : f32 to vector<16xf32>
      %broadcast_in_dim3A_1363 = vector.broadcast %jit3A_1361 : f32 to vector<16xf32>
      %select_n3A_1364 = arith.select %eq3A_1359, %broadcast_in_dim3A_1362, %broadcast_in_dim3A_1363 : vector<16xi1>, vector<16xf32>
      %jit3A_1365 = arith.constant 1.300000e+01 : f32
      %broadcast_in_dim3A_1366 = vector.broadcast %jit3A_1365 : f32 to vector<16xf32>
      %select_n3A_1367 = arith.select %eq3A_1356, %broadcast_in_dim3A_1366, %select_n3A_1364 : vector<16xi1>, vector<16xf32>
      %convert_element_type3A_1368 = arith.sitofp %convert_element_type3A_1228 : vector<16xi32> to vector<16xf32>
      %sub3A_1369 = arith.subf %mul3A_1224, %convert_element_type3A_1368 : vector<16xf32>
      %swap3A_1370 = arith.constant 0 : i32
      %swap3A_1371 = arith.index_cast %swap3A_1370 : i32 to index
      %swap3A_1372 = arith.constant 80 : index
      %swap3A_1373 = tpu.vector_load %arg7[%swap3A_1371, %swap3A_1372] {strides = array<i32>} : memref<8x256xf32, #tpu.memory_space<vmem>>, vector<1x16xf32>,
      %swap3A_1374 = vector.shape_cast %swap3A_1373 : vector<1x16xf32> to vector<16xf32>
      %swap3A_1375 = vector.shape_cast %sub3A_1369 : vector<16xf32> to vector<1x16xf32>
      tpu.vector_store %arg7[%swap3A_1371, %swap3A_1372], %swap3A_1375 {strides = array<i32>} : memref<8x256xf32, #tpu.memory_space<vmem>>, vector<1x16xf32>,
      %convert_element_type3A_1376 = arith.sitofp %convert_element_type3A_1229 : vector<16xi32> to vector<16xf32>
      %sub3A_1377 = arith.subf %mul3A_1227, %convert_element_type3A_1376 : vector<16xf32>
      %swap3A_1378 = arith.constant 1 : i32
      %swap3A_1379 = arith.index_cast %swap3A_1378 : i32 to index
      %swap3A_1380 = arith.constant 80 : index
      %swap3A_1381 = tpu.vector_load %arg7[%swap3A_1379, %swap3A_1380] {strides = array<i32>} : memref<8x256xf32, #tpu.memory_space<vmem>>, vector<1x16xf32>,
      %swap3A_1382 = vector.shape_cast %swap3A_1381 : vector<1x16xf32> to vector<16xf32>
      %swap3A_1383 = vector.shape_cast %sub3A_1377 : vector<16xf32> to vector<1x16xf32>
      tpu.vector_store %arg7[%swap3A_1379, %swap3A_1380], %swap3A_1383 {strides = array<i32>} : memref<8x256xf32, #tpu.memory_space<vmem>>, vector<1x16xf32>,
      %mul3A_1384 = arith.constant 1.280000e+03 : f32
      %mul3A_1385 = vector.broadcast %mul3A_1384 : f32 to vector<16xf32>
      %mul3A_1386 = arith.mulf %get3A_1216, %mul3A_1385 : vector<16xf32>
      %div3A_1387 = arith.divf %mul3A_1386, %select_n3A_1353 : vector<16xf32>
      %swap3A_1388 = arith.constant 2 : i32
      %swap3A_1389 = arith.index_cast %swap3A_1388 : i32 to index
      %swap3A_1390 = arith.constant 80 : index
      %swap3A_1391 = tpu.vector_load %arg7[%swap3A_1389, %swap3A_1390] {strides = array<i32>} : memref<8x256xf32, #tpu.memory_space<vmem>>, vector<1x16xf32>,
      %swap3A_1392 = vector.shape_cast %swap3A_1391 : vector<1x16xf32> to vector<16xf32>
      %swap3A_1393 = vector.shape_cast %div3A_1387 : vector<16xf32> to vector<1x16xf32>
      tpu.vector_store %arg7[%swap3A_1389, %swap3A_1390], %swap3A_1393 {strides = array<i32>} : memref<8x256xf32, #tpu.memory_space<vmem>>, vector<1x16xf32>,
      %mul3A_1394 = arith.constant 1.280000e+03 : f32
      %mul3A_1395 = vector.broadcast %mul3A_1394 : f32 to vector<16xf32>
      %mul3A_1396 = arith.mulf %get3A_1221, %mul3A_1395 : vector<16xf32>
      %div3A_1397 = arith.divf %mul3A_1396, %select_n3A_1367 : vector<16xf32>
      %swap3A_1398 = arith.constant 3 : i32
      %swap3A_1399 = arith.index_cast %swap3A_1398 : i32 to index
      %swap3A_1400 = arith.constant 80 : index
      %swap3A_1401 = tpu.vector_load %arg7[%swap3A_1399, %swap3A_1400] {strides = array<i32>} : memref<8x256xf32, #tpu.memory_space<vmem>>, vector<1x16xf32>,
      %swap3A_1402 = vector.shape_cast %swap3A_1401 : vector<1x16xf32> to vector<16xf32>
      %swap3A_1403 = vector.shape_cast %div3A_1397 : vector<16xf32> to vector<1x16xf32>
      tpu.vector_store %arg7[%swap3A_1399, %swap3A_1400], %swap3A_1403 {strides = array<i32>} : memref<8x256xf32, #tpu.memory_space<vmem>>, vector<1x16xf32>,
      %convert_element_type3A_1404 = arith.sitofp %add3A_1330 : vector<16xi32> to vector<16xf32>
      %swap3A_1405 = arith.constant 4 : i32
      %swap3A_1406 = arith.index_cast %swap3A_1405 : i32 to index
      %swap3A_1407 = arith.constant 80 : index
      %swap3A_1408 = tpu.vector_load %arg7[%swap3A_1406, %swap3A_1407] {strides = array<i32>} : memref<8x256xf32, #tpu.memory_space<vmem>>, vector<1x16xf32>,
      %swap3A_1409 = vector.shape_cast %swap3A_1408 : vector<1x16xf32> to vector<16xf32>
      %swap3A_1410 = vector.shape_cast %convert_element_type3A_1404 : vector<16xf32> to vector<1x16xf32>
      tpu.vector_store %arg7[%swap3A_1406, %swap3A_1407], %swap3A_1410 {strides = array<i32>} : memref<8x256xf32, #tpu.memory_space<vmem>>, vector<1x16xf32>,
      %convert_element_type3A_1411 = arith.fptosi %get3A_1201 : vector<16xf32> to vector<16xi32>
      %convert_element_type3A_1412 = arith.sitofp %convert_element_type3A_1411 : vector<16xi32> to vector<16xf32>
      %swap3A_1413 = arith.constant 5 : i32
      %swap3A_1414 = arith.index_cast %swap3A_1413 : i32 to index
      %swap3A_1415 = arith.constant 80 : index
      %swap3A_1416 = tpu.vector_load %arg7[%swap3A_1414, %swap3A_1415] {strides = array<i32>} : memref<8x256xf32, #tpu.memory_space<vmem>>, vector<1x16xf32>,
      %swap3A_1417 = vector.shape_cast %swap3A_1416 : vector<1x16xf32> to vector<16xf32>
      %swap3A_1418 = vector.shape_cast %convert_element_type3A_1412 : vector<16xf32> to vector<1x16xf32>
      tpu.vector_store %arg7[%swap3A_1414, %swap3A_1415], %swap3A_1418 {strides = array<i32>} : memref<8x256xf32, #tpu.memory_space<vmem>>, vector<1x16xf32>,
      %jit3A_1419 = arith.constant 1.000000e+00 : f32
      %jit3A_1420 = arith.constant 0.000000e+00 : f32
      %broadcast_in_dim3A_1421 = vector.broadcast %jit3A_1419 : f32 to vector<16xf32>
      %broadcast_in_dim3A_1422 = vector.broadcast %jit3A_1420 : f32 to vector<16xf32>
      %select_n3A_1423 = arith.select %and3A_1322, %broadcast_in_dim3A_1421, %broadcast_in_dim3A_1422 : vector<16xi1>, vector<16xf32>
      %swap3A_1424 = arith.constant 6 : i32
      %swap3A_1425 = arith.index_cast %swap3A_1424 : i32 to index
      %swap3A_1426 = arith.constant 80 : index
      %swap3A_1427 = tpu.vector_load %arg7[%swap3A_1425, %swap3A_1426] {strides = array<i32>} : memref<8x256xf32, #tpu.memory_space<vmem>>, vector<1x16xf32>,
      %swap3A_1428 = vector.shape_cast %swap3A_1427 : vector<1x16xf32> to vector<16xf32>
      %swap3A_1429 = vector.shape_cast %select_n3A_1423 : vector<16xf32> to vector<1x16xf32>
      tpu.vector_store %arg7[%swap3A_1425, %swap3A_1426], %swap3A_1429 {strides = array<i32>} : memref<8x256xf32, #tpu.memory_space<vmem>>, vector<1x16xf32>,
      %broadcast_in_dim3A_1430 = arith.constant 0.000000e+00 : f32
      %broadcast_in_dim3A_1431 = vector.broadcast %broadcast_in_dim3A_1430 : f32 to vector<16xf32>
      %swap3A_1432 = arith.constant 7 : i32
      %swap3A_1433 = arith.index_cast %swap3A_1432 : i32 to index
      %swap3A_1434 = arith.constant 80 : index
      %swap3A_1435 = tpu.vector_load %arg7[%swap3A_1433, %swap3A_1434] {strides = array<i32>} : memref<8x256xf32, #tpu.memory_space<vmem>>, vector<1x16xf32>,
      %swap3A_1436 = vector.shape_cast %swap3A_1435 : vector<1x16xf32> to vector<16xf32>
      %swap3A_1437 = vector.shape_cast %broadcast_in_dim3A_1431 : vector<16xf32> to vector<1x16xf32>
      tpu.vector_store %arg7[%swap3A_1433, %swap3A_1434], %swap3A_1437 {strides = array<i32>} : memref<8x256xf32, #tpu.memory_space<vmem>>, vector<1x16xf32>,
      %get3A_1438 = arith.constant 1 : i32
      %get3A_1439 = arith.index_cast %get3A_1438 : i32 to index
      %get3A_1440 = arith.constant 96 : index
      %get3A_1441 = tpu.vector_load %arg5[%get3A_1439, %get3A_1440] {strides = array<i32>} : memref<6x256xf32, #tpu.memory_space<vmem>>, vector<1x16xf32>,
      %get3A_1442 = vector.shape_cast %get3A_1441 : vector<1x16xf32> to vector<16xf32>
      %get3A_1443 = arith.constant 2 : i32
      %get3A_1444 = arith.index_cast %get3A_1443 : i32 to index
      %get3A_1445 = arith.constant 96 : index
      %get3A_1446 = tpu.vector_load %arg5[%get3A_1444, %get3A_1445] {strides = array<i32>} : memref<6x256xf32, #tpu.memory_space<vmem>>, vector<1x16xf32>,
      %get3A_1447 = vector.shape_cast %get3A_1446 : vector<1x16xf32> to vector<16xf32>
      %get3A_1448 = arith.constant 3 : i32
      %get3A_1449 = arith.index_cast %get3A_1448 : i32 to index
      %get3A_1450 = arith.constant 96 : index
      %get3A_1451 = tpu.vector_load %arg5[%get3A_1449, %get3A_1450] {strides = array<i32>} : memref<6x256xf32, #tpu.memory_space<vmem>>, vector<1x16xf32>,
      %get3A_1452 = vector.shape_cast %get3A_1451 : vector<1x16xf32> to vector<16xf32>
      %get3A_1453 = arith.constant 4 : i32
      %get3A_1454 = arith.index_cast %get3A_1453 : i32 to index
      %get3A_1455 = arith.constant 96 : index
      %get3A_1456 = tpu.vector_load %arg5[%get3A_1454, %get3A_1455] {strides = array<i32>} : memref<6x256xf32, #tpu.memory_space<vmem>>, vector<1x16xf32>,
      %get3A_1457 = vector.shape_cast %get3A_1456 : vector<1x16xf32> to vector<16xf32>
      %get3A_1458 = arith.constant 5 : i32
      %get3A_1459 = arith.index_cast %get3A_1458 : i32 to index
      %get3A_1460 = arith.constant 96 : index
      %get3A_1461 = tpu.vector_load %arg5[%get3A_1459, %get3A_1460] {strides = array<i32>} : memref<6x256xf32, #tpu.memory_space<vmem>>, vector<1x16xf32>,
      %get3A_1462 = vector.shape_cast %get3A_1461 : vector<1x16xf32> to vector<16xf32>
      %mul3A_1463 = arith.constant 1.600000e+02 : f32
      %mul3A_1464 = vector.broadcast %mul3A_1463 : f32 to vector<16xf32>
      %mul3A_1465 = arith.mulf %get3A_1447, %mul3A_1464 : vector<16xf32>
      %mul3A_1466 = arith.constant 1.600000e+02 : f32
      %mul3A_1467 = vector.broadcast %mul3A_1466 : f32 to vector<16xf32>
      %mul3A_1468 = arith.mulf %get3A_1452, %mul3A_1467 : vector<16xf32>
      %convert_element_type3A_1469 = arith.fptosi %mul3A_1465 : vector<16xf32> to vector<16xi32>
      %convert_element_type3A_1470 = arith.fptosi %mul3A_1468 : vector<16xf32> to vector<16xi32>
      %mul3A_1471 = arith.constant 1.280000e+03 : f32
      %mul3A_1472 = vector.broadcast %mul3A_1471 : f32 to vector<16xf32>
      %mul3A_1473 = arith.mulf %get3A_1457, %mul3A_1472 : vector<16xf32>
      %div3A_1474 = arith.constant 8.000000e+00 : f32
      %div3A_1475 = vector.broadcast %div3A_1474 : f32 to vector<16xf32>
      %div3A_1476 = arith.divf %mul3A_1473, %div3A_1475 : vector<16xf32>
      %mul3A_1477 = arith.constant 1.280000e+03 : f32
      %mul3A_1478 = vector.broadcast %mul3A_1477 : f32 to vector<16xf32>
      %mul3A_1479 = arith.mulf %get3A_1462, %mul3A_1478 : vector<16xf32>
      %div3A_1480 = arith.constant 8.000000e+00 : f32
      %div3A_1481 = vector.broadcast %div3A_1480 : f32 to vector<16xf32>
      %div3A_1482 = arith.divf %mul3A_1479, %div3A_1481 : vector<16xf32>
      %div3A_1483 = arith.constant 1.250000e+00 : f32
      %div3A_1484 = vector.broadcast %div3A_1483 : f32 to vector<16xf32>
      %div3A_1485 = arith.divf %div3A_1476, %div3A_1484 : vector<16xf32>
      %add3A_1486 = arith.constant 9.99999971E-10 : f32
      %add3A_1487 = vector.broadcast %add3A_1486 : f32 to vector<16xf32>
      %add3A_1488 = arith.addf %div3A_1476, %add3A_1487 : vector<16xf32>
      %div3A_1489 = arith.constant 1.250000e+00 : f32
      %div3A_1490 = vector.broadcast %div3A_1489 : f32 to vector<16xf32>
      %div3A_1491 = arith.divf %div3A_1490, %add3A_1488 : vector<16xf32>
      %max3A_1492 = arith.maximumf %div3A_1485, %div3A_1491 : vector<16xf32>
      %div3A_1493 = arith.constant 1.625000e+00 : f32
      %div3A_1494 = vector.broadcast %div3A_1493 : f32 to vector<16xf32>
      %div3A_1495 = arith.divf %div3A_1482, %div3A_1494 : vector<16xf32>
      %add3A_1496 = arith.constant 9.99999971E-10 : f32
      %add3A_1497 = vector.broadcast %add3A_1496 : f32 to vector<16xf32>
      %add3A_1498 = arith.addf %div3A_1482, %add3A_1497 : vector<16xf32>
      %div3A_1499 = arith.constant 1.625000e+00 : f32
      %div3A_1500 = vector.broadcast %div3A_1499 : f32 to vector<16xf32>
      %div3A_1501 = arith.divf %div3A_1500, %add3A_1498 : vector<16xf32>
      %max3A_1502 = arith.maximumf %div3A_1495, %div3A_1501 : vector<16xf32>
      %max3A_1503 = arith.maximumf %max3A_1492, %max3A_1502 : vector<16xf32>
      %div3A_1504 = arith.constant 2.000000e+00 : f32
      %div3A_1505 = vector.broadcast %div3A_1504 : f32 to vector<16xf32>
      %div3A_1506 = arith.divf %div3A_1476, %div3A_1505 : vector<16xf32>
      %add3A_1507 = arith.constant 9.99999971E-10 : f32
      %add3A_1508 = vector.broadcast %add3A_1507 : f32 to vector<16xf32>
      %add3A_1509 = arith.addf %div3A_1476, %add3A_1508 : vector<16xf32>
      %div3A_1510 = arith.constant 2.000000e+00 : f32
      %div3A_1511 = vector.broadcast %div3A_1510 : f32 to vector<16xf32>
      %div3A_1512 = arith.divf %div3A_1511, %add3A_1509 : vector<16xf32>
      %max3A_1513 = arith.maximumf %div3A_1506, %div3A_1512 : vector<16xf32>
      %div3A_1514 = arith.constant 3.750000e+00 : f32
      %div3A_1515 = vector.broadcast %div3A_1514 : f32 to vector<16xf32>
      %div3A_1516 = arith.divf %div3A_1482, %div3A_1515 : vector<16xf32>
      %add3A_1517 = arith.constant 9.99999971E-10 : f32
      %add3A_1518 = vector.broadcast %add3A_1517 : f32 to vector<16xf32>
      %add3A_1519 = arith.addf %div3A_1482, %add3A_1518 : vector<16xf32>
      %div3A_1520 = arith.constant 3.750000e+00 : f32
      %div3A_1521 = vector.broadcast %div3A_1520 : f32 to vector<16xf32>
      %div3A_1522 = arith.divf %div3A_1521, %add3A_1519 : vector<16xf32>
      %max3A_1523 = arith.maximumf %div3A_1516, %div3A_1522 : vector<16xf32>
      %max3A_1524 = arith.maximumf %max3A_1513, %max3A_1523 : vector<16xf32>
      %div3A_1525 = arith.constant 4.125000e+00 : f32
      %div3A_1526 = vector.broadcast %div3A_1525 : f32 to vector<16xf32>
      %div3A_1527 = arith.divf %div3A_1476, %div3A_1526 : vector<16xf32>
      %add3A_1528 = arith.constant 9.99999971E-10 : f32
      %add3A_1529 = vector.broadcast %add3A_1528 : f32 to vector<16xf32>
      %add3A_1530 = arith.addf %div3A_1476, %add3A_1529 : vector<16xf32>
      %div3A_1531 = arith.constant 4.125000e+00 : f32
      %div3A_1532 = vector.broadcast %div3A_1531 : f32 to vector<16xf32>
      %div3A_1533 = arith.divf %div3A_1532, %add3A_1530 : vector<16xf32>
      %max3A_1534 = arith.maximumf %div3A_1527, %div3A_1533 : vector<16xf32>
      %div3A_1535 = arith.constant 2.875000e+00 : f32
      %div3A_1536 = vector.broadcast %div3A_1535 : f32 to vector<16xf32>
      %div3A_1537 = arith.divf %div3A_1482, %div3A_1536 : vector<16xf32>
      %add3A_1538 = arith.constant 9.99999971E-10 : f32
      %add3A_1539 = vector.broadcast %add3A_1538 : f32 to vector<16xf32>
      %add3A_1540 = arith.addf %div3A_1482, %add3A_1539 : vector<16xf32>
      %div3A_1541 = arith.constant 2.875000e+00 : f32
      %div3A_1542 = vector.broadcast %div3A_1541 : f32 to vector<16xf32>
      %div3A_1543 = arith.divf %div3A_1542, %add3A_1540 : vector<16xf32>
      %max3A_1544 = arith.maximumf %div3A_1537, %div3A_1543 : vector<16xf32>
      %max3A_1545 = arith.maximumf %max3A_1534, %max3A_1544 : vector<16xf32>
      %lt3A_1546 = arith.cmpf olt, %max3A_1524, %max3A_1503 : vector<16xf32>
      %min3A_1547 = arith.minimumf %max3A_1503, %max3A_1524 : vector<16xf32>
      %lt3A_1548 = arith.cmpf olt, %max3A_1545, %min3A_1547 : vector<16xf32>
      %jit3A_1549 = arith.constant 1 : i32
      %jit3A_1550 = arith.constant 0 : i32
      %broadcast_in_dim3A_1551 = vector.broadcast %jit3A_1549 : i32 to vector<16xi32>
      %broadcast_in_dim3A_1552 = vector.broadcast %jit3A_1550 : i32 to vector<16xi32>
      %select_n3A_1553 = arith.select %lt3A_1546, %broadcast_in_dim3A_1551, %broadcast_in_dim3A_1552 : vector<16xi1>, vector<16xi32>
      %jit3A_1554 = arith.constant 2 : i32
      %broadcast_in_dim3A_1555 = vector.broadcast %jit3A_1554 : i32 to vector<16xi32>
      %select_n3A_1556 = arith.select %lt3A_1548, %broadcast_in_dim3A_1555, %select_n3A_1553 : vector<16xi1>, vector<16xi32>
      %lt3A_1557 = arith.constant 160 : i32
      %lt3A_1558 = vector.broadcast %lt3A_1557 : i32 to vector<16xi32>
      %lt3A_1559 = arith.cmpi slt, %convert_element_type3A_1470, %lt3A_1558 : vector<16xi32>
      %lt3A_1560 = arith.constant 160 : i32
      %lt3A_1561 = vector.broadcast %lt3A_1560 : i32 to vector<16xi32>
      %lt3A_1562 = arith.cmpi slt, %convert_element_type3A_1469, %lt3A_1561 : vector<16xi32>
      %and3A_1563 = arith.andi %lt3A_1559, %lt3A_1562 : vector<16xi1>
      %mul3A_1564 = arith.constant 25600 : i32
      %mul3A_1565 = vector.broadcast %mul3A_1564 : i32 to vector<16xi32>
      %mul3A_1566 = arith.muli %select_n3A_1556, %mul3A_1565 : vector<16xi32>
      %mul3A_1567 = arith.constant 160 : i32
      %mul3A_1568 = vector.broadcast %mul3A_1567 : i32 to vector<16xi32>
      %mul3A_1569 = arith.muli %convert_element_type3A_1470, %mul3A_1568 : vector<16xi32>
      %add3A_1570 = arith.addi %mul3A_1566, %mul3A_1569 : vector<16xi32>
      %add3A_1571 = arith.addi %add3A_1570, %convert_element_type3A_1469 : vector<16xi32>
      %jit3A_1572 = arith.constant 0 : i32
      %broadcast_in_dim3A_1573 = vector.broadcast %jit3A_1572 : i32 to vector<16xi32>
      %select_n3A_1574 = arith.select %and3A_1563, %add3A_1571, %broadcast_in_dim3A_1573 : vector<16xi1>, vector<16xi32>
      %swap3A_1575 = arith.constant 0 : i32
      %swap3A_1576 = arith.index_cast %swap3A_1575 : i32 to index
      %swap3A_1577 = arith.constant 96 : index
      %swap3A_1578 = tpu.vector_load %arg6[%swap3A_1576, %swap3A_1577] {strides = array<i32>} : memref<2x128xi32, #tpu.memory_space<vmem>>, vector<1x16xi32>,
      %swap3A_1579 = vector.shape_cast %swap3A_1578 : vector<1x16xi32> to vector<16xi32>
      %swap3A_1580 = vector.shape_cast %select_n3A_1574 : vector<16xi32> to vector<1x16xi32>
      tpu.vector_store %arg6[%swap3A_1576, %swap3A_1577], %swap3A_1580 {strides = array<i32>} : memref<2x128xi32, #tpu.memory_space<vmem>>, vector<1x16xi32>,
      %eq3A_1581 = arith.constant 0 : i32
      %eq3A_1582 = vector.broadcast %eq3A_1581 : i32 to vector<16xi32>
      %eq3A_1583 = arith.cmpi eq, %select_n3A_1556, %eq3A_1582 : vector<16xi32>
      %eq3A_1584 = arith.constant 1 : i32
      %eq3A_1585 = vector.broadcast %eq3A_1584 : i32 to vector<16xi32>
      %eq3A_1586 = arith.cmpi eq, %select_n3A_1556, %eq3A_1585 : vector<16xi32>
      %jit3A_1587 = arith.constant 1.600000e+01 : f32
      %jit3A_1588 = arith.constant 3.300000e+01 : f32
      %broadcast_in_dim3A_1589 = vector.broadcast %jit3A_1587 : f32 to vector<16xf32>
      %broadcast_in_dim3A_1590 = vector.broadcast %jit3A_1588 : f32 to vector<16xf32>
      %select_n3A_1591 = arith.select %eq3A_1586, %broadcast_in_dim3A_1589, %broadcast_in_dim3A_1590 : vector<16xi1>, vector<16xf32>
      %jit3A_1592 = arith.constant 1.000000e+01 : f32
      %broadcast_in_dim3A_1593 = vector.broadcast %jit3A_1592 : f32 to vector<16xf32>
      %select_n3A_1594 = arith.select %eq3A_1583, %broadcast_in_dim3A_1593, %select_n3A_1591 : vector<16xi1>, vector<16xf32>
      %eq3A_1595 = arith.constant 0 : i32
      %eq3A_1596 = vector.broadcast %eq3A_1595 : i32 to vector<16xi32>
      %eq3A_1597 = arith.cmpi eq, %select_n3A_1556, %eq3A_1596 : vector<16xi32>
      %eq3A_1598 = arith.constant 1 : i32
      %eq3A_1599 = vector.broadcast %eq3A_1598 : i32 to vector<16xi32>
      %eq3A_1600 = arith.cmpi eq, %select_n3A_1556, %eq3A_1599 : vector<16xi32>
      %jit3A_1601 = arith.constant 3.000000e+01 : f32
      %jit3A_1602 = arith.constant 2.300000e+01 : f32
      %broadcast_in_dim3A_1603 = vector.broadcast %jit3A_1601 : f32 to vector<16xf32>
      %broadcast_in_dim3A_1604 = vector.broadcast %jit3A_1602 : f32 to vector<16xf32>
      %select_n3A_1605 = arith.select %eq3A_1600, %broadcast_in_dim3A_1603, %broadcast_in_dim3A_1604 : vector<16xi1>, vector<16xf32>
      %jit3A_1606 = arith.constant 1.300000e+01 : f32
      %broadcast_in_dim3A_1607 = vector.broadcast %jit3A_1606 : f32 to vector<16xf32>
      %select_n3A_1608 = arith.select %eq3A_1597, %broadcast_in_dim3A_1607, %select_n3A_1605 : vector<16xi1>, vector<16xf32>
      %convert_element_type3A_1609 = arith.sitofp %convert_element_type3A_1469 : vector<16xi32> to vector<16xf32>
      %sub3A_1610 = arith.subf %mul3A_1465, %convert_element_type3A_1609 : vector<16xf32>
      %swap3A_1611 = arith.constant 0 : i32
      %swap3A_1612 = arith.index_cast %swap3A_1611 : i32 to index
      %swap3A_1613 = arith.constant 96 : index
      %swap3A_1614 = tpu.vector_load %arg7[%swap3A_1612, %swap3A_1613] {strides = array<i32>} : memref<8x256xf32, #tpu.memory_space<vmem>>, vector<1x16xf32>,
      %swap3A_1615 = vector.shape_cast %swap3A_1614 : vector<1x16xf32> to vector<16xf32>
      %swap3A_1616 = vector.shape_cast %sub3A_1610 : vector<16xf32> to vector<1x16xf32>
      tpu.vector_store %arg7[%swap3A_1612, %swap3A_1613], %swap3A_1616 {strides = array<i32>} : memref<8x256xf32, #tpu.memory_space<vmem>>, vector<1x16xf32>,
      %convert_element_type3A_1617 = arith.sitofp %convert_element_type3A_1470 : vector<16xi32> to vector<16xf32>
      %sub3A_1618 = arith.subf %mul3A_1468, %convert_element_type3A_1617 : vector<16xf32>
      %swap3A_1619 = arith.constant 1 : i32
      %swap3A_1620 = arith.index_cast %swap3A_1619 : i32 to index
      %swap3A_1621 = arith.constant 96 : index
      %swap3A_1622 = tpu.vector_load %arg7[%swap3A_1620, %swap3A_1621] {strides = array<i32>} : memref<8x256xf32, #tpu.memory_space<vmem>>, vector<1x16xf32>,
      %swap3A_1623 = vector.shape_cast %swap3A_1622 : vector<1x16xf32> to vector<16xf32>
      %swap3A_1624 = vector.shape_cast %sub3A_1618 : vector<16xf32> to vector<1x16xf32>
      tpu.vector_store %arg7[%swap3A_1620, %swap3A_1621], %swap3A_1624 {strides = array<i32>} : memref<8x256xf32, #tpu.memory_space<vmem>>, vector<1x16xf32>,
      %mul3A_1625 = arith.constant 1.280000e+03 : f32
      %mul3A_1626 = vector.broadcast %mul3A_1625 : f32 to vector<16xf32>
      %mul3A_1627 = arith.mulf %get3A_1457, %mul3A_1626 : vector<16xf32>
      %div3A_1628 = arith.divf %mul3A_1627, %select_n3A_1594 : vector<16xf32>
      %swap3A_1629 = arith.constant 2 : i32
      %swap3A_1630 = arith.index_cast %swap3A_1629 : i32 to index
      %swap3A_1631 = arith.constant 96 : index
      %swap3A_1632 = tpu.vector_load %arg7[%swap3A_1630, %swap3A_1631] {strides = array<i32>} : memref<8x256xf32, #tpu.memory_space<vmem>>, vector<1x16xf32>,
      %swap3A_1633 = vector.shape_cast %swap3A_1632 : vector<1x16xf32> to vector<16xf32>
      %swap3A_1634 = vector.shape_cast %div3A_1628 : vector<16xf32> to vector<1x16xf32>
      tpu.vector_store %arg7[%swap3A_1630, %swap3A_1631], %swap3A_1634 {strides = array<i32>} : memref<8x256xf32, #tpu.memory_space<vmem>>, vector<1x16xf32>,
      %mul3A_1635 = arith.constant 1.280000e+03 : f32
      %mul3A_1636 = vector.broadcast %mul3A_1635 : f32 to vector<16xf32>
      %mul3A_1637 = arith.mulf %get3A_1462, %mul3A_1636 : vector<16xf32>
      %div3A_1638 = arith.divf %mul3A_1637, %select_n3A_1608 : vector<16xf32>
      %swap3A_1639 = arith.constant 3 : i32
      %swap3A_1640 = arith.index_cast %swap3A_1639 : i32 to index
      %swap3A_1641 = arith.constant 96 : index
      %swap3A_1642 = tpu.vector_load %arg7[%swap3A_1640, %swap3A_1641] {strides = array<i32>} : memref<8x256xf32, #tpu.memory_space<vmem>>, vector<1x16xf32>,
      %swap3A_1643 = vector.shape_cast %swap3A_1642 : vector<1x16xf32> to vector<16xf32>
      %swap3A_1644 = vector.shape_cast %div3A_1638 : vector<16xf32> to vector<1x16xf32>
      tpu.vector_store %arg7[%swap3A_1640, %swap3A_1641], %swap3A_1644 {strides = array<i32>} : memref<8x256xf32, #tpu.memory_space<vmem>>, vector<1x16xf32>,
      %convert_element_type3A_1645 = arith.sitofp %add3A_1571 : vector<16xi32> to vector<16xf32>
      %swap3A_1646 = arith.constant 4 : i32
      %swap3A_1647 = arith.index_cast %swap3A_1646 : i32 to index
      %swap3A_1648 = arith.constant 96 : index
      %swap3A_1649 = tpu.vector_load %arg7[%swap3A_1647, %swap3A_1648] {strides = array<i32>} : memref<8x256xf32, #tpu.memory_space<vmem>>, vector<1x16xf32>,
      %swap3A_1650 = vector.shape_cast %swap3A_1649 : vector<1x16xf32> to vector<16xf32>
      %swap3A_1651 = vector.shape_cast %convert_element_type3A_1645 : vector<16xf32> to vector<1x16xf32>
      tpu.vector_store %arg7[%swap3A_1647, %swap3A_1648], %swap3A_1651 {strides = array<i32>} : memref<8x256xf32, #tpu.memory_space<vmem>>, vector<1x16xf32>,
      %convert_element_type3A_1652 = arith.fptosi %get3A_1442 : vector<16xf32> to vector<16xi32>
      %convert_element_type3A_1653 = arith.sitofp %convert_element_type3A_1652 : vector<16xi32> to vector<16xf32>
      %swap3A_1654 = arith.constant 5 : i32
      %swap3A_1655 = arith.index_cast %swap3A_1654 : i32 to index
      %swap3A_1656 = arith.constant 96 : index
      %swap3A_1657 = tpu.vector_load %arg7[%swap3A_1655, %swap3A_1656] {strides = array<i32>} : memref<8x256xf32, #tpu.memory_space<vmem>>, vector<1x16xf32>,
      %swap3A_1658 = vector.shape_cast %swap3A_1657 : vector<1x16xf32> to vector<16xf32>
      %swap3A_1659 = vector.shape_cast %convert_element_type3A_1653 : vector<16xf32> to vector<1x16xf32>
      tpu.vector_store %arg7[%swap3A_1655, %swap3A_1656], %swap3A_1659 {strides = array<i32>} : memref<8x256xf32, #tpu.memory_space<vmem>>, vector<1x16xf32>,
      %jit3A_1660 = arith.constant 1.000000e+00 : f32
      %jit3A_1661 = arith.constant 0.000000e+00 : f32
      %broadcast_in_dim3A_1662 = vector.broadcast %jit3A_1660 : f32 to vector<16xf32>
      %broadcast_in_dim3A_1663 = vector.broadcast %jit3A_1661 : f32 to vector<16xf32>
      %select_n3A_1664 = arith.select %and3A_1563, %broadcast_in_dim3A_1662, %broadcast_in_dim3A_1663 : vector<16xi1>, vector<16xf32>
      %swap3A_1665 = arith.constant 6 : i32
      %swap3A_1666 = arith.index_cast %swap3A_1665 : i32 to index
      %swap3A_1667 = arith.constant 96 : index
      %swap3A_1668 = tpu.vector_load %arg7[%swap3A_1666, %swap3A_1667] {strides = array<i32>} : memref<8x256xf32, #tpu.memory_space<vmem>>, vector<1x16xf32>,
      %swap3A_1669 = vector.shape_cast %swap3A_1668 : vector<1x16xf32> to vector<16xf32>
      %swap3A_1670 = vector.shape_cast %select_n3A_1664 : vector<16xf32> to vector<1x16xf32>
      tpu.vector_store %arg7[%swap3A_1666, %swap3A_1667], %swap3A_1670 {strides = array<i32>} : memref<8x256xf32, #tpu.memory_space<vmem>>, vector<1x16xf32>,
      %broadcast_in_dim3A_1671 = arith.constant 0.000000e+00 : f32
      %broadcast_in_dim3A_1672 = vector.broadcast %broadcast_in_dim3A_1671 : f32 to vector<16xf32>
      %swap3A_1673 = arith.constant 7 : i32
      %swap3A_1674 = arith.index_cast %swap3A_1673 : i32 to index
      %swap3A_1675 = arith.constant 96 : index
      %swap3A_1676 = tpu.vector_load %arg7[%swap3A_1674, %swap3A_1675] {strides = array<i32>} : memref<8x256xf32, #tpu.memory_space<vmem>>, vector<1x16xf32>,
      %swap3A_1677 = vector.shape_cast %swap3A_1676 : vector<1x16xf32> to vector<16xf32>
      %swap3A_1678 = vector.shape_cast %broadcast_in_dim3A_1672 : vector<16xf32> to vector<1x16xf32>
      tpu.vector_store %arg7[%swap3A_1674, %swap3A_1675], %swap3A_1678 {strides = array<i32>} : memref<8x256xf32, #tpu.memory_space<vmem>>, vector<1x16xf32>,
      %get3A_1679 = arith.constant 1 : i32
      %get3A_1680 = arith.index_cast %get3A_1679 : i32 to index
      %get3A_1681 = arith.constant 112 : index
      %get3A_1682 = tpu.vector_load %arg5[%get3A_1680, %get3A_1681] {strides = array<i32>} : memref<6x256xf32, #tpu.memory_space<vmem>>, vector<1x16xf32>,
      %get3A_1683 = vector.shape_cast %get3A_1682 : vector<1x16xf32> to vector<16xf32>
      %get3A_1684 = arith.constant 2 : i32
      %get3A_1685 = arith.index_cast %get3A_1684 : i32 to index
      %get3A_1686 = arith.constant 112 : index
      %get3A_1687 = tpu.vector_load %arg5[%get3A_1685, %get3A_1686] {strides = array<i32>} : memref<6x256xf32, #tpu.memory_space<vmem>>, vector<1x16xf32>,
      %get3A_1688 = vector.shape_cast %get3A_1687 : vector<1x16xf32> to vector<16xf32>
      %get3A_1689 = arith.constant 3 : i32
      %get3A_1690 = arith.index_cast %get3A_1689 : i32 to index
      %get3A_1691 = arith.constant 112 : index
      %get3A_1692 = tpu.vector_load %arg5[%get3A_1690, %get3A_1691] {strides = array<i32>} : memref<6x256xf32, #tpu.memory_space<vmem>>, vector<1x16xf32>,
      %get3A_1693 = vector.shape_cast %get3A_1692 : vector<1x16xf32> to vector<16xf32>
      %get3A_1694 = arith.constant 4 : i32
      %get3A_1695 = arith.index_cast %get3A_1694 : i32 to index
      %get3A_1696 = arith.constant 112 : index
      %get3A_1697 = tpu.vector_load %arg5[%get3A_1695, %get3A_1696] {strides = array<i32>} : memref<6x256xf32, #tpu.memory_space<vmem>>, vector<1x16xf32>,
      %get3A_1698 = vector.shape_cast %get3A_1697 : vector<1x16xf32> to vector<16xf32>
      %get3A_1699 = arith.constant 5 : i32
      %get3A_1700 = arith.index_cast %get3A_1699 : i32 to index
      %get3A_1701 = arith.constant 112 : index
      %get3A_1702 = tpu.vector_load %arg5[%get3A_1700, %get3A_1701] {strides = array<i32>} : memref<6x256xf32, #tpu.memory_space<vmem>>, vector<1x16xf32>,
      %get3A_1703 = vector.shape_cast %get3A_1702 : vector<1x16xf32> to vector<16xf32>
      %mul3A_1704 = arith.constant 1.600000e+02 : f32
      %mul3A_1705 = vector.broadcast %mul3A_1704 : f32 to vector<16xf32>
      %mul3A_1706 = arith.mulf %get3A_1688, %mul3A_1705 : vector<16xf32>
      %mul3A_1707 = arith.constant 1.600000e+02 : f32
      %mul3A_1708 = vector.broadcast %mul3A_1707 : f32 to vector<16xf32>
      %mul3A_1709 = arith.mulf %get3A_1693, %mul3A_1708 : vector<16xf32>
      %convert_element_type3A_1710 = arith.fptosi %mul3A_1706 : vector<16xf32> to vector<16xi32>
      %convert_element_type3A_1711 = arith.fptosi %mul3A_1709 : vector<16xf32> to vector<16xi32>
      %mul3A_1712 = arith.constant 1.280000e+03 : f32
      %mul3A_1713 = vector.broadcast %mul3A_1712 : f32 to vector<16xf32>
      %mul3A_1714 = arith.mulf %get3A_1698, %mul3A_1713 : vector<16xf32>
      %div3A_1715 = arith.constant 8.000000e+00 : f32
      %div3A_1716 = vector.broadcast %div3A_1715 : f32 to vector<16xf32>
      %div3A_1717 = arith.divf %mul3A_1714, %div3A_1716 : vector<16xf32>
      %mul3A_1718 = arith.constant 1.280000e+03 : f32
      %mul3A_1719 = vector.broadcast %mul3A_1718 : f32 to vector<16xf32>
      %mul3A_1720 = arith.mulf %get3A_1703, %mul3A_1719 : vector<16xf32>
      %div3A_1721 = arith.constant 8.000000e+00 : f32
      %div3A_1722 = vector.broadcast %div3A_1721 : f32 to vector<16xf32>
      %div3A_1723 = arith.divf %mul3A_1720, %div3A_1722 : vector<16xf32>
      %div3A_1724 = arith.constant 1.250000e+00 : f32
      %div3A_1725 = vector.broadcast %div3A_1724 : f32 to vector<16xf32>
      %div3A_1726 = arith.divf %div3A_1717, %div3A_1725 : vector<16xf32>
      %add3A_1727 = arith.constant 9.99999971E-10 : f32
      %add3A_1728 = vector.broadcast %add3A_1727 : f32 to vector<16xf32>
      %add3A_1729 = arith.addf %div3A_1717, %add3A_1728 : vector<16xf32>
      %div3A_1730 = arith.constant 1.250000e+00 : f32
      %div3A_1731 = vector.broadcast %div3A_1730 : f32 to vector<16xf32>
      %div3A_1732 = arith.divf %div3A_1731, %add3A_1729 : vector<16xf32>
      %max3A_1733 = arith.maximumf %div3A_1726, %div3A_1732 : vector<16xf32>
      %div3A_1734 = arith.constant 1.625000e+00 : f32
      %div3A_1735 = vector.broadcast %div3A_1734 : f32 to vector<16xf32>
      %div3A_1736 = arith.divf %div3A_1723, %div3A_1735 : vector<16xf32>
      %add3A_1737 = arith.constant 9.99999971E-10 : f32
      %add3A_1738 = vector.broadcast %add3A_1737 : f32 to vector<16xf32>
      %add3A_1739 = arith.addf %div3A_1723, %add3A_1738 : vector<16xf32>
      %div3A_1740 = arith.constant 1.625000e+00 : f32
      %div3A_1741 = vector.broadcast %div3A_1740 : f32 to vector<16xf32>
      %div3A_1742 = arith.divf %div3A_1741, %add3A_1739 : vector<16xf32>
      %max3A_1743 = arith.maximumf %div3A_1736, %div3A_1742 : vector<16xf32>
      %max3A_1744 = arith.maximumf %max3A_1733, %max3A_1743 : vector<16xf32>
      %div3A_1745 = arith.constant 2.000000e+00 : f32
      %div3A_1746 = vector.broadcast %div3A_1745 : f32 to vector<16xf32>
      %div3A_1747 = arith.divf %div3A_1717, %div3A_1746 : vector<16xf32>
      %add3A_1748 = arith.constant 9.99999971E-10 : f32
      %add3A_1749 = vector.broadcast %add3A_1748 : f32 to vector<16xf32>
      %add3A_1750 = arith.addf %div3A_1717, %add3A_1749 : vector<16xf32>
      %div3A_1751 = arith.constant 2.000000e+00 : f32
      %div3A_1752 = vector.broadcast %div3A_1751 : f32 to vector<16xf32>
      %div3A_1753 = arith.divf %div3A_1752, %add3A_1750 : vector<16xf32>
      %max3A_1754 = arith.maximumf %div3A_1747, %div3A_1753 : vector<16xf32>
      %div3A_1755 = arith.constant 3.750000e+00 : f32
      %div3A_1756 = vector.broadcast %div3A_1755 : f32 to vector<16xf32>
      %div3A_1757 = arith.divf %div3A_1723, %div3A_1756 : vector<16xf32>
      %add3A_1758 = arith.constant 9.99999971E-10 : f32
      %add3A_1759 = vector.broadcast %add3A_1758 : f32 to vector<16xf32>
      %add3A_1760 = arith.addf %div3A_1723, %add3A_1759 : vector<16xf32>
      %div3A_1761 = arith.constant 3.750000e+00 : f32
      %div3A_1762 = vector.broadcast %div3A_1761 : f32 to vector<16xf32>
      %div3A_1763 = arith.divf %div3A_1762, %add3A_1760 : vector<16xf32>
      %max3A_1764 = arith.maximumf %div3A_1757, %div3A_1763 : vector<16xf32>
      %max3A_1765 = arith.maximumf %max3A_1754, %max3A_1764 : vector<16xf32>
      %div3A_1766 = arith.constant 4.125000e+00 : f32
      %div3A_1767 = vector.broadcast %div3A_1766 : f32 to vector<16xf32>
      %div3A_1768 = arith.divf %div3A_1717, %div3A_1767 : vector<16xf32>
      %add3A_1769 = arith.constant 9.99999971E-10 : f32
      %add3A_1770 = vector.broadcast %add3A_1769 : f32 to vector<16xf32>
      %add3A_1771 = arith.addf %div3A_1717, %add3A_1770 : vector<16xf32>
      %div3A_1772 = arith.constant 4.125000e+00 : f32
      %div3A_1773 = vector.broadcast %div3A_1772 : f32 to vector<16xf32>
      %div3A_1774 = arith.divf %div3A_1773, %add3A_1771 : vector<16xf32>
      %max3A_1775 = arith.maximumf %div3A_1768, %div3A_1774 : vector<16xf32>
      %div3A_1776 = arith.constant 2.875000e+00 : f32
      %div3A_1777 = vector.broadcast %div3A_1776 : f32 to vector<16xf32>
      %div3A_1778 = arith.divf %div3A_1723, %div3A_1777 : vector<16xf32>
      %add3A_1779 = arith.constant 9.99999971E-10 : f32
      %add3A_1780 = vector.broadcast %add3A_1779 : f32 to vector<16xf32>
      %add3A_1781 = arith.addf %div3A_1723, %add3A_1780 : vector<16xf32>
      %div3A_1782 = arith.constant 2.875000e+00 : f32
      %div3A_1783 = vector.broadcast %div3A_1782 : f32 to vector<16xf32>
      %div3A_1784 = arith.divf %div3A_1783, %add3A_1781 : vector<16xf32>
      %max3A_1785 = arith.maximumf %div3A_1778, %div3A_1784 : vector<16xf32>
      %max3A_1786 = arith.maximumf %max3A_1775, %max3A_1785 : vector<16xf32>
      %lt3A_1787 = arith.cmpf olt, %max3A_1765, %max3A_1744 : vector<16xf32>
      %min3A_1788 = arith.minimumf %max3A_1744, %max3A_1765 : vector<16xf32>
      %lt3A_1789 = arith.cmpf olt, %max3A_1786, %min3A_1788 : vector<16xf32>
      %jit3A_1790 = arith.constant 1 : i32
      %jit3A_1791 = arith.constant 0 : i32
      %broadcast_in_dim3A_1792 = vector.broadcast %jit3A_1790 : i32 to vector<16xi32>
      %broadcast_in_dim3A_1793 = vector.broadcast %jit3A_1791 : i32 to vector<16xi32>
      %select_n3A_1794 = arith.select %lt3A_1787, %broadcast_in_dim3A_1792, %broadcast_in_dim3A_1793 : vector<16xi1>, vector<16xi32>
      %jit3A_1795 = arith.constant 2 : i32
      %broadcast_in_dim3A_1796 = vector.broadcast %jit3A_1795 : i32 to vector<16xi32>
      %select_n3A_1797 = arith.select %lt3A_1789, %broadcast_in_dim3A_1796, %select_n3A_1794 : vector<16xi1>, vector<16xi32>
      %lt3A_1798 = arith.constant 160 : i32
      %lt3A_1799 = vector.broadcast %lt3A_1798 : i32 to vector<16xi32>
      %lt3A_1800 = arith.cmpi slt, %convert_element_type3A_1711, %lt3A_1799 : vector<16xi32>
      %lt3A_1801 = arith.constant 160 : i32
      %lt3A_1802 = vector.broadcast %lt3A_1801 : i32 to vector<16xi32>
      %lt3A_1803 = arith.cmpi slt, %convert_element_type3A_1710, %lt3A_1802 : vector<16xi32>
      %and3A_1804 = arith.andi %lt3A_1800, %lt3A_1803 : vector<16xi1>
      %mul3A_1805 = arith.constant 25600 : i32
      %mul3A_1806 = vector.broadcast %mul3A_1805 : i32 to vector<16xi32>
      %mul3A_1807 = arith.muli %select_n3A_1797, %mul3A_1806 : vector<16xi32>
      %mul3A_1808 = arith.constant 160 : i32
      %mul3A_1809 = vector.broadcast %mul3A_1808 : i32 to vector<16xi32>
      %mul3A_1810 = arith.muli %convert_element_type3A_1711, %mul3A_1809 : vector<16xi32>
      %add3A_1811 = arith.addi %mul3A_1807, %mul3A_1810 : vector<16xi32>
      %add3A_1812 = arith.addi %add3A_1811, %convert_element_type3A_1710 : vector<16xi32>
      %jit3A_1813 = arith.constant 0 : i32
      %broadcast_in_dim3A_1814 = vector.broadcast %jit3A_1813 : i32 to vector<16xi32>
      %select_n3A_1815 = arith.select %and3A_1804, %add3A_1812, %broadcast_in_dim3A_1814 : vector<16xi1>, vector<16xi32>
      %swap3A_1816 = arith.constant 0 : i32
      %swap3A_1817 = arith.index_cast %swap3A_1816 : i32 to index
      %swap3A_1818 = arith.constant 112 : index
      %swap3A_1819 = tpu.vector_load %arg6[%swap3A_1817, %swap3A_1818] {strides = array<i32>} : memref<2x128xi32, #tpu.memory_space<vmem>>, vector<1x16xi32>,
      %swap3A_1820 = vector.shape_cast %swap3A_1819 : vector<1x16xi32> to vector<16xi32>
      %swap3A_1821 = vector.shape_cast %select_n3A_1815 : vector<16xi32> to vector<1x16xi32>
      tpu.vector_store %arg6[%swap3A_1817, %swap3A_1818], %swap3A_1821 {strides = array<i32>} : memref<2x128xi32, #tpu.memory_space<vmem>>, vector<1x16xi32>,
      %eq3A_1822 = arith.constant 0 : i32
      %eq3A_1823 = vector.broadcast %eq3A_1822 : i32 to vector<16xi32>
      %eq3A_1824 = arith.cmpi eq, %select_n3A_1797, %eq3A_1823 : vector<16xi32>
      %eq3A_1825 = arith.constant 1 : i32
      %eq3A_1826 = vector.broadcast %eq3A_1825 : i32 to vector<16xi32>
      %eq3A_1827 = arith.cmpi eq, %select_n3A_1797, %eq3A_1826 : vector<16xi32>
      %jit3A_1828 = arith.constant 1.600000e+01 : f32
      %jit3A_1829 = arith.constant 3.300000e+01 : f32
      %broadcast_in_dim3A_1830 = vector.broadcast %jit3A_1828 : f32 to vector<16xf32>
      %broadcast_in_dim3A_1831 = vector.broadcast %jit3A_1829 : f32 to vector<16xf32>
      %select_n3A_1832 = arith.select %eq3A_1827, %broadcast_in_dim3A_1830, %broadcast_in_dim3A_1831 : vector<16xi1>, vector<16xf32>
      %jit3A_1833 = arith.constant 1.000000e+01 : f32
      %broadcast_in_dim3A_1834 = vector.broadcast %jit3A_1833 : f32 to vector<16xf32>
      %select_n3A_1835 = arith.select %eq3A_1824, %broadcast_in_dim3A_1834, %select_n3A_1832 : vector<16xi1>, vector<16xf32>
      %eq3A_1836 = arith.constant 0 : i32
      %eq3A_1837 = vector.broadcast %eq3A_1836 : i32 to vector<16xi32>
      %eq3A_1838 = arith.cmpi eq, %select_n3A_1797, %eq3A_1837 : vector<16xi32>
      %eq3A_1839 = arith.constant 1 : i32
      %eq3A_1840 = vector.broadcast %eq3A_1839 : i32 to vector<16xi32>
      %eq3A_1841 = arith.cmpi eq, %select_n3A_1797, %eq3A_1840 : vector<16xi32>
      %jit3A_1842 = arith.constant 3.000000e+01 : f32
      %jit3A_1843 = arith.constant 2.300000e+01 : f32
      %broadcast_in_dim3A_1844 = vector.broadcast %jit3A_1842 : f32 to vector<16xf32>
      %broadcast_in_dim3A_1845 = vector.broadcast %jit3A_1843 : f32 to vector<16xf32>
      %select_n3A_1846 = arith.select %eq3A_1841, %broadcast_in_dim3A_1844, %broadcast_in_dim3A_1845 : vector<16xi1>, vector<16xf32>
      %jit3A_1847 = arith.constant 1.300000e+01 : f32
      %broadcast_in_dim3A_1848 = vector.broadcast %jit3A_1847 : f32 to vector<16xf32>
      %select_n3A_1849 = arith.select %eq3A_1838, %broadcast_in_dim3A_1848, %select_n3A_1846 : vector<16xi1>, vector<16xf32>
      %convert_element_type3A_1850 = arith.sitofp %convert_element_type3A_1710 : vector<16xi32> to vector<16xf32>
      %sub3A_1851 = arith.subf %mul3A_1706, %convert_element_type3A_1850 : vector<16xf32>
      %swap3A_1852 = arith.constant 0 : i32
      %swap3A_1853 = arith.index_cast %swap3A_1852 : i32 to index
      %swap3A_1854 = arith.constant 112 : index
      %swap3A_1855 = tpu.vector_load %arg7[%swap3A_1853, %swap3A_1854] {strides = array<i32>} : memref<8x256xf32, #tpu.memory_space<vmem>>, vector<1x16xf32>,
      %swap3A_1856 = vector.shape_cast %swap3A_1855 : vector<1x16xf32> to vector<16xf32>
      %swap3A_1857 = vector.shape_cast %sub3A_1851 : vector<16xf32> to vector<1x16xf32>
      tpu.vector_store %arg7[%swap3A_1853, %swap3A_1854], %swap3A_1857 {strides = array<i32>} : memref<8x256xf32, #tpu.memory_space<vmem>>, vector<1x16xf32>,
      %convert_element_type3A_1858 = arith.sitofp %convert_element_type3A_1711 : vector<16xi32> to vector<16xf32>
      %sub3A_1859 = arith.subf %mul3A_1709, %convert_element_type3A_1858 : vector<16xf32>
      %swap3A_1860 = arith.constant 1 : i32
      %swap3A_1861 = arith.index_cast %swap3A_1860 : i32 to index
      %swap3A_1862 = arith.constant 112 : index
      %swap3A_1863 = tpu.vector_load %arg7[%swap3A_1861, %swap3A_1862] {strides = array<i32>} : memref<8x256xf32, #tpu.memory_space<vmem>>, vector<1x16xf32>,
      %swap3A_1864 = vector.shape_cast %swap3A_1863 : vector<1x16xf32> to vector<16xf32>
      %swap3A_1865 = vector.shape_cast %sub3A_1859 : vector<16xf32> to vector<1x16xf32>
      tpu.vector_store %arg7[%swap3A_1861, %swap3A_1862], %swap3A_1865 {strides = array<i32>} : memref<8x256xf32, #tpu.memory_space<vmem>>, vector<1x16xf32>,
      %mul3A_1866 = arith.constant 1.280000e+03 : f32
      %mul3A_1867 = vector.broadcast %mul3A_1866 : f32 to vector<16xf32>
      %mul3A_1868 = arith.mulf %get3A_1698, %mul3A_1867 : vector<16xf32>
      %div3A_1869 = arith.divf %mul3A_1868, %select_n3A_1835 : vector<16xf32>
      %swap3A_1870 = arith.constant 2 : i32
      %swap3A_1871 = arith.index_cast %swap3A_1870 : i32 to index
      %swap3A_1872 = arith.constant 112 : index
      %swap3A_1873 = tpu.vector_load %arg7[%swap3A_1871, %swap3A_1872] {strides = array<i32>} : memref<8x256xf32, #tpu.memory_space<vmem>>, vector<1x16xf32>,
      %swap3A_1874 = vector.shape_cast %swap3A_1873 : vector<1x16xf32> to vector<16xf32>
      %swap3A_1875 = vector.shape_cast %div3A_1869 : vector<16xf32> to vector<1x16xf32>
      tpu.vector_store %arg7[%swap3A_1871, %swap3A_1872], %swap3A_1875 {strides = array<i32>} : memref<8x256xf32, #tpu.memory_space<vmem>>, vector<1x16xf32>,
      %mul3A_1876 = arith.constant 1.280000e+03 : f32
      %mul3A_1877 = vector.broadcast %mul3A_1876 : f32 to vector<16xf32>
      %mul3A_1878 = arith.mulf %get3A_1703, %mul3A_1877 : vector<16xf32>
      %div3A_1879 = arith.divf %mul3A_1878, %select_n3A_1849 : vector<16xf32>
      %swap3A_1880 = arith.constant 3 : i32
      %swap3A_1881 = arith.index_cast %swap3A_1880 : i32 to index
      %swap3A_1882 = arith.constant 112 : index
      %swap3A_1883 = tpu.vector_load %arg7[%swap3A_1881, %swap3A_1882] {strides = array<i32>} : memref<8x256xf32, #tpu.memory_space<vmem>>, vector<1x16xf32>,
      %swap3A_1884 = vector.shape_cast %swap3A_1883 : vector<1x16xf32> to vector<16xf32>
      %swap3A_1885 = vector.shape_cast %div3A_1879 : vector<16xf32> to vector<1x16xf32>
      tpu.vector_store %arg7[%swap3A_1881, %swap3A_1882], %swap3A_1885 {strides = array<i32>} : memref<8x256xf32, #tpu.memory_space<vmem>>, vector<1x16xf32>,
      %convert_element_type3A_1886 = arith.sitofp %add3A_1812 : vector<16xi32> to vector<16xf32>
      %swap3A_1887 = arith.constant 4 : i32
      %swap3A_1888 = arith.index_cast %swap3A_1887 : i32 to index
      %swap3A_1889 = arith.constant 112 : index
      %swap3A_1890 = tpu.vector_load %arg7[%swap3A_1888, %swap3A_1889] {strides = array<i32>} : memref<8x256xf32, #tpu.memory_space<vmem>>, vector<1x16xf32>,
      %swap3A_1891 = vector.shape_cast %swap3A_1890 : vector<1x16xf32> to vector<16xf32>
      %swap3A_1892 = vector.shape_cast %convert_element_type3A_1886 : vector<16xf32> to vector<1x16xf32>
      tpu.vector_store %arg7[%swap3A_1888, %swap3A_1889], %swap3A_1892 {strides = array<i32>} : memref<8x256xf32, #tpu.memory_space<vmem>>, vector<1x16xf32>,
      %convert_element_type3A_1893 = arith.fptosi %get3A_1683 : vector<16xf32> to vector<16xi32>
      %convert_element_type3A_1894 = arith.sitofp %convert_element_type3A_1893 : vector<16xi32> to vector<16xf32>
      %swap3A_1895 = arith.constant 5 : i32
      %swap3A_1896 = arith.index_cast %swap3A_1895 : i32 to index
      %swap3A_1897 = arith.constant 112 : index
      %swap3A_1898 = tpu.vector_load %arg7[%swap3A_1896, %swap3A_1897] {strides = array<i32>} : memref<8x256xf32, #tpu.memory_space<vmem>>, vector<1x16xf32>,
      %swap3A_1899 = vector.shape_cast %swap3A_1898 : vector<1x16xf32> to vector<16xf32>
      %swap3A_1900 = vector.shape_cast %convert_element_type3A_1894 : vector<16xf32> to vector<1x16xf32>
      tpu.vector_store %arg7[%swap3A_1896, %swap3A_1897], %swap3A_1900 {strides = array<i32>} : memref<8x256xf32, #tpu.memory_space<vmem>>, vector<1x16xf32>,
      %jit3A_1901 = arith.constant 1.000000e+00 : f32
      %jit3A_1902 = arith.constant 0.000000e+00 : f32
      %broadcast_in_dim3A_1903 = vector.broadcast %jit3A_1901 : f32 to vector<16xf32>
      %broadcast_in_dim3A_1904 = vector.broadcast %jit3A_1902 : f32 to vector<16xf32>
      %select_n3A_1905 = arith.select %and3A_1804, %broadcast_in_dim3A_1903, %broadcast_in_dim3A_1904 : vector<16xi1>, vector<16xf32>
      %swap3A_1906 = arith.constant 6 : i32
      %swap3A_1907 = arith.index_cast %swap3A_1906 : i32 to index
      %swap3A_1908 = arith.constant 112 : index
      %swap3A_1909 = tpu.vector_load %arg7[%swap3A_1907, %swap3A_1908] {strides = array<i32>} : memref<8x256xf32, #tpu.memory_space<vmem>>, vector<1x16xf32>,
      %swap3A_1910 = vector.shape_cast %swap3A_1909 : vector<1x16xf32> to vector<16xf32>
      %swap3A_1911 = vector.shape_cast %select_n3A_1905 : vector<16xf32> to vector<1x16xf32>
      tpu.vector_store %arg7[%swap3A_1907, %swap3A_1908], %swap3A_1911 {strides = array<i32>} : memref<8x256xf32, #tpu.memory_space<vmem>>, vector<1x16xf32>,
      %broadcast_in_dim3A_1912 = arith.constant 0.000000e+00 : f32
      %broadcast_in_dim3A_1913 = vector.broadcast %broadcast_in_dim3A_1912 : f32 to vector<16xf32>
      %swap3A_1914 = arith.constant 7 : i32
      %swap3A_1915 = arith.index_cast %swap3A_1914 : i32 to index
      %swap3A_1916 = arith.constant 112 : index
      %swap3A_1917 = tpu.vector_load %arg7[%swap3A_1915, %swap3A_1916] {strides = array<i32>} : memref<8x256xf32, #tpu.memory_space<vmem>>, vector<1x16xf32>,
      %swap3A_1918 = vector.shape_cast %swap3A_1917 : vector<1x16xf32> to vector<16xf32>
      %swap3A_1919 = vector.shape_cast %broadcast_in_dim3A_1913 : vector<16xf32> to vector<1x16xf32>
      tpu.vector_store %arg7[%swap3A_1915, %swap3A_1916], %swap3A_1919 {strides = array<i32>} : memref<8x256xf32, #tpu.memory_space<vmem>>, vector<1x16xf32>,
      %get3A_1920 = arith.constant 1 : i32
      %get3A_1921 = arith.index_cast %get3A_1920 : i32 to index
      %get3A_1922 = arith.constant 128 : index
      %get3A_1923 = tpu.vector_load %arg5[%get3A_1921, %get3A_1922] {strides = array<i32>} : memref<6x256xf32, #tpu.memory_space<vmem>>, vector<1x16xf32>,
      %get3A_1924 = vector.shape_cast %get3A_1923 : vector<1x16xf32> to vector<16xf32>
      %get3A_1925 = arith.constant 2 : i32
      %get3A_1926 = arith.index_cast %get3A_1925 : i32 to index
      %get3A_1927 = arith.constant 128 : index
      %get3A_1928 = tpu.vector_load %arg5[%get3A_1926, %get3A_1927] {strides = array<i32>} : memref<6x256xf32, #tpu.memory_space<vmem>>, vector<1x16xf32>,
      %get3A_1929 = vector.shape_cast %get3A_1928 : vector<1x16xf32> to vector<16xf32>
      %get3A_1930 = arith.constant 3 : i32
      %get3A_1931 = arith.index_cast %get3A_1930 : i32 to index
      %get3A_1932 = arith.constant 128 : index
      %get3A_1933 = tpu.vector_load %arg5[%get3A_1931, %get3A_1932] {strides = array<i32>} : memref<6x256xf32, #tpu.memory_space<vmem>>, vector<1x16xf32>,
      %get3A_1934 = vector.shape_cast %get3A_1933 : vector<1x16xf32> to vector<16xf32>
      %get3A_1935 = arith.constant 4 : i32
      %get3A_1936 = arith.index_cast %get3A_1935 : i32 to index
      %get3A_1937 = arith.constant 128 : index
      %get3A_1938 = tpu.vector_load %arg5[%get3A_1936, %get3A_1937] {strides = array<i32>} : memref<6x256xf32, #tpu.memory_space<vmem>>, vector<1x16xf32>,
      %get3A_1939 = vector.shape_cast %get3A_1938 : vector<1x16xf32> to vector<16xf32>
      %get3A_1940 = arith.constant 5 : i32
      %get3A_1941 = arith.index_cast %get3A_1940 : i32 to index
      %get3A_1942 = arith.constant 128 : index
      %get3A_1943 = tpu.vector_load %arg5[%get3A_1941, %get3A_1942] {strides = array<i32>} : memref<6x256xf32, #tpu.memory_space<vmem>>, vector<1x16xf32>,
      %get3A_1944 = vector.shape_cast %get3A_1943 : vector<1x16xf32> to vector<16xf32>
      %mul3A_1945 = arith.constant 1.600000e+02 : f32
      %mul3A_1946 = vector.broadcast %mul3A_1945 : f32 to vector<16xf32>
      %mul3A_1947 = arith.mulf %get3A_1929, %mul3A_1946 : vector<16xf32>
      %mul3A_1948 = arith.constant 1.600000e+02 : f32
      %mul3A_1949 = vector.broadcast %mul3A_1948 : f32 to vector<16xf32>
      %mul3A_1950 = arith.mulf %get3A_1934, %mul3A_1949 : vector<16xf32>
      %convert_element_type3A_1951 = arith.fptosi %mul3A_1947 : vector<16xf32> to vector<16xi32>
      %convert_element_type3A_1952 = arith.fptosi %mul3A_1950 : vector<16xf32> to vector<16xi32>
      %mul3A_1953 = arith.constant 1.280000e+03 : f32
      %mul3A_1954 = vector.broadcast %mul3A_1953 : f32 to vector<16xf32>
      %mul3A_1955 = arith.mulf %get3A_1939, %mul3A_1954 : vector<16xf32>
      %div3A_1956 = arith.constant 8.000000e+00 : f32
      %div3A_1957 = vector.broadcast %div3A_1956 : f32 to vector<16xf32>
      %div3A_1958 = arith.divf %mul3A_1955, %div3A_1957 : vector<16xf32>
      %mul3A_1959 = arith.constant 1.280000e+03 : f32
      %mul3A_1960 = vector.broadcast %mul3A_1959 : f32 to vector<16xf32>
      %mul3A_1961 = arith.mulf %get3A_1944, %mul3A_1960 : vector<16xf32>
      %div3A_1962 = arith.constant 8.000000e+00 : f32
      %div3A_1963 = vector.broadcast %div3A_1962 : f32 to vector<16xf32>
      %div3A_1964 = arith.divf %mul3A_1961, %div3A_1963 : vector<16xf32>
      %div3A_1965 = arith.constant 1.250000e+00 : f32
      %div3A_1966 = vector.broadcast %div3A_1965 : f32 to vector<16xf32>
      %div3A_1967 = arith.divf %div3A_1958, %div3A_1966 : vector<16xf32>
      %add3A_1968 = arith.constant 9.99999971E-10 : f32
      %add3A_1969 = vector.broadcast %add3A_1968 : f32 to vector<16xf32>
      %add3A_1970 = arith.addf %div3A_1958, %add3A_1969 : vector<16xf32>
      %div3A_1971 = arith.constant 1.250000e+00 : f32
      %div3A_1972 = vector.broadcast %div3A_1971 : f32 to vector<16xf32>
      %div3A_1973 = arith.divf %div3A_1972, %add3A_1970 : vector<16xf32>
      %max3A_1974 = arith.maximumf %div3A_1967, %div3A_1973 : vector<16xf32>
      %div3A_1975 = arith.constant 1.625000e+00 : f32
      %div3A_1976 = vector.broadcast %div3A_1975 : f32 to vector<16xf32>
      %div3A_1977 = arith.divf %div3A_1964, %div3A_1976 : vector<16xf32>
      %add3A_1978 = arith.constant 9.99999971E-10 : f32
      %add3A_1979 = vector.broadcast %add3A_1978 : f32 to vector<16xf32>
      %add3A_1980 = arith.addf %div3A_1964, %add3A_1979 : vector<16xf32>
      %div3A_1981 = arith.constant 1.625000e+00 : f32
      %div3A_1982 = vector.broadcast %div3A_1981 : f32 to vector<16xf32>
      %div3A_1983 = arith.divf %div3A_1982, %add3A_1980 : vector<16xf32>
      %max3A_1984 = arith.maximumf %div3A_1977, %div3A_1983 : vector<16xf32>
      %max3A_1985 = arith.maximumf %max3A_1974, %max3A_1984 : vector<16xf32>
      %div3A_1986 = arith.constant 2.000000e+00 : f32
      %div3A_1987 = vector.broadcast %div3A_1986 : f32 to vector<16xf32>
      %div3A_1988 = arith.divf %div3A_1958, %div3A_1987 : vector<16xf32>
      %add3A_1989 = arith.constant 9.99999971E-10 : f32
      %add3A_1990 = vector.broadcast %add3A_1989 : f32 to vector<16xf32>
      %add3A_1991 = arith.addf %div3A_1958, %add3A_1990 : vector<16xf32>
      %div3A_1992 = arith.constant 2.000000e+00 : f32
      %div3A_1993 = vector.broadcast %div3A_1992 : f32 to vector<16xf32>
      %div3A_1994 = arith.divf %div3A_1993, %add3A_1991 : vector<16xf32>
      %max3A_1995 = arith.maximumf %div3A_1988, %div3A_1994 : vector<16xf32>
      %div3A_1996 = arith.constant 3.750000e+00 : f32
      %div3A_1997 = vector.broadcast %div3A_1996 : f32 to vector<16xf32>
      %div3A_1998 = arith.divf %div3A_1964, %div3A_1997 : vector<16xf32>
      %add3A_1999 = arith.constant 9.99999971E-10 : f32
      %add3A_2000 = vector.broadcast %add3A_1999 : f32 to vector<16xf32>
      %add3A_2001 = arith.addf %div3A_1964, %add3A_2000 : vector<16xf32>
      %div3A_2002 = arith.constant 3.750000e+00 : f32
      %div3A_2003 = vector.broadcast %div3A_2002 : f32 to vector<16xf32>
      %div3A_2004 = arith.divf %div3A_2003, %add3A_2001 : vector<16xf32>
      %max3A_2005 = arith.maximumf %div3A_1998, %div3A_2004 : vector<16xf32>
      %max3A_2006 = arith.maximumf %max3A_1995, %max3A_2005 : vector<16xf32>
      %div3A_2007 = arith.constant 4.125000e+00 : f32
      %div3A_2008 = vector.broadcast %div3A_2007 : f32 to vector<16xf32>
      %div3A_2009 = arith.divf %div3A_1958, %div3A_2008 : vector<16xf32>
      %add3A_2010 = arith.constant 9.99999971E-10 : f32
      %add3A_2011 = vector.broadcast %add3A_2010 : f32 to vector<16xf32>
      %add3A_2012 = arith.addf %div3A_1958, %add3A_2011 : vector<16xf32>
      %div3A_2013 = arith.constant 4.125000e+00 : f32
      %div3A_2014 = vector.broadcast %div3A_2013 : f32 to vector<16xf32>
      %div3A_2015 = arith.divf %div3A_2014, %add3A_2012 : vector<16xf32>
      %max3A_2016 = arith.maximumf %div3A_2009, %div3A_2015 : vector<16xf32>
      %div3A_2017 = arith.constant 2.875000e+00 : f32
      %div3A_2018 = vector.broadcast %div3A_2017 : f32 to vector<16xf32>
      %div3A_2019 = arith.divf %div3A_1964, %div3A_2018 : vector<16xf32>
      %add3A_2020 = arith.constant 9.99999971E-10 : f32
      %add3A_2021 = vector.broadcast %add3A_2020 : f32 to vector<16xf32>
      %add3A_2022 = arith.addf %div3A_1964, %add3A_2021 : vector<16xf32>
      %div3A_2023 = arith.constant 2.875000e+00 : f32
      %div3A_2024 = vector.broadcast %div3A_2023 : f32 to vector<16xf32>
      %div3A_2025 = arith.divf %div3A_2024, %add3A_2022 : vector<16xf32>
      %max3A_2026 = arith.maximumf %div3A_2019, %div3A_2025 : vector<16xf32>
      %max3A_2027 = arith.maximumf %max3A_2016, %max3A_2026 : vector<16xf32>
      %lt3A_2028 = arith.cmpf olt, %max3A_2006, %max3A_1985 : vector<16xf32>
      %min3A_2029 = arith.minimumf %max3A_1985, %max3A_2006 : vector<16xf32>
      %lt3A_2030 = arith.cmpf olt, %max3A_2027, %min3A_2029 : vector<16xf32>
      %jit3A_2031 = arith.constant 1 : i32
      %jit3A_2032 = arith.constant 0 : i32
      %broadcast_in_dim3A_2033 = vector.broadcast %jit3A_2031 : i32 to vector<16xi32>
      %broadcast_in_dim3A_2034 = vector.broadcast %jit3A_2032 : i32 to vector<16xi32>
      %select_n3A_2035 = arith.select %lt3A_2028, %broadcast_in_dim3A_2033, %broadcast_in_dim3A_2034 : vector<16xi1>, vector<16xi32>
      %jit3A_2036 = arith.constant 2 : i32
      %broadcast_in_dim3A_2037 = vector.broadcast %jit3A_2036 : i32 to vector<16xi32>
      %select_n3A_2038 = arith.select %lt3A_2030, %broadcast_in_dim3A_2037, %select_n3A_2035 : vector<16xi1>, vector<16xi32>
      %lt3A_2039 = arith.constant 160 : i32
      %lt3A_2040 = vector.broadcast %lt3A_2039 : i32 to vector<16xi32>
      %lt3A_2041 = arith.cmpi slt, %convert_element_type3A_1952, %lt3A_2040 : vector<16xi32>
      %lt3A_2042 = arith.constant 160 : i32
      %lt3A_2043 = vector.broadcast %lt3A_2042 : i32 to vector<16xi32>
      %lt3A_2044 = arith.cmpi slt, %convert_element_type3A_1951, %lt3A_2043 : vector<16xi32>
      %and3A_2045 = arith.andi %lt3A_2041, %lt3A_2044 : vector<16xi1>
      %mul3A_2046 = arith.constant 25600 : i32
      %mul3A_2047 = vector.broadcast %mul3A_2046 : i32 to vector<16xi32>
      %mul3A_2048 = arith.muli %select_n3A_2038, %mul3A_2047 : vector<16xi32>
      %mul3A_2049 = arith.constant 160 : i32
      %mul3A_2050 = vector.broadcast %mul3A_2049 : i32 to vector<16xi32>
      %mul3A_2051 = arith.muli %convert_element_type3A_1952, %mul3A_2050 : vector<16xi32>
      %add3A_2052 = arith.addi %mul3A_2048, %mul3A_2051 : vector<16xi32>
      %add3A_2053 = arith.addi %add3A_2052, %convert_element_type3A_1951 : vector<16xi32>
      %jit3A_2054 = arith.constant 0 : i32
      %broadcast_in_dim3A_2055 = vector.broadcast %jit3A_2054 : i32 to vector<16xi32>
      %select_n3A_2056 = arith.select %and3A_2045, %add3A_2053, %broadcast_in_dim3A_2055 : vector<16xi1>, vector<16xi32>
      %swap3A_2057 = arith.constant 1 : i32
      %swap3A_2058 = arith.index_cast %swap3A_2057 : i32 to index
      %swap3A_2059 = arith.constant 0 : index
      %swap3A_2060 = tpu.vector_load %arg6[%swap3A_2058, %swap3A_2059] {strides = array<i32>} : memref<2x128xi32, #tpu.memory_space<vmem>>, vector<1x16xi32>,
      %swap3A_2061 = vector.shape_cast %swap3A_2060 : vector<1x16xi32> to vector<16xi32>
      %swap3A_2062 = vector.shape_cast %select_n3A_2056 : vector<16xi32> to vector<1x16xi32>
      tpu.vector_store %arg6[%swap3A_2058, %swap3A_2059], %swap3A_2062 {strides = array<i32>} : memref<2x128xi32, #tpu.memory_space<vmem>>, vector<1x16xi32>,
      %eq3A_2063 = arith.constant 0 : i32
      %eq3A_2064 = vector.broadcast %eq3A_2063 : i32 to vector<16xi32>
      %eq3A_2065 = arith.cmpi eq, %select_n3A_2038, %eq3A_2064 : vector<16xi32>
      %eq3A_2066 = arith.constant 1 : i32
      %eq3A_2067 = vector.broadcast %eq3A_2066 : i32 to vector<16xi32>
      %eq3A_2068 = arith.cmpi eq, %select_n3A_2038, %eq3A_2067 : vector<16xi32>
      %jit3A_2069 = arith.constant 1.600000e+01 : f32
      %jit3A_2070 = arith.constant 3.300000e+01 : f32
      %broadcast_in_dim3A_2071 = vector.broadcast %jit3A_2069 : f32 to vector<16xf32>
      %broadcast_in_dim3A_2072 = vector.broadcast %jit3A_2070 : f32 to vector<16xf32>
      %select_n3A_2073 = arith.select %eq3A_2068, %broadcast_in_dim3A_2071, %broadcast_in_dim3A_2072 : vector<16xi1>, vector<16xf32>
      %jit3A_2074 = arith.constant 1.000000e+01 : f32
      %broadcast_in_dim3A_2075 = vector.broadcast %jit3A_2074 : f32 to vector<16xf32>
      %select_n3A_2076 = arith.select %eq3A_2065, %broadcast_in_dim3A_2075, %select_n3A_2073 : vector<16xi1>, vector<16xf32>
      %eq3A_2077 = arith.constant 0 : i32
      %eq3A_2078 = vector.broadcast %eq3A_2077 : i32 to vector<16xi32>
      %eq3A_2079 = arith.cmpi eq, %select_n3A_2038, %eq3A_2078 : vector<16xi32>
      %eq3A_2080 = arith.constant 1 : i32
      %eq3A_2081 = vector.broadcast %eq3A_2080 : i32 to vector<16xi32>
      %eq3A_2082 = arith.cmpi eq, %select_n3A_2038, %eq3A_2081 : vector<16xi32>
      %jit3A_2083 = arith.constant 3.000000e+01 : f32
      %jit3A_2084 = arith.constant 2.300000e+01 : f32
      %broadcast_in_dim3A_2085 = vector.broadcast %jit3A_2083 : f32 to vector<16xf32>
      %broadcast_in_dim3A_2086 = vector.broadcast %jit3A_2084 : f32 to vector<16xf32>
      %select_n3A_2087 = arith.select %eq3A_2082, %broadcast_in_dim3A_2085, %broadcast_in_dim3A_2086 : vector<16xi1>, vector<16xf32>
      %jit3A_2088 = arith.constant 1.300000e+01 : f32
      %broadcast_in_dim3A_2089 = vector.broadcast %jit3A_2088 : f32 to vector<16xf32>
      %select_n3A_2090 = arith.select %eq3A_2079, %broadcast_in_dim3A_2089, %select_n3A_2087 : vector<16xi1>, vector<16xf32>
      %convert_element_type3A_2091 = arith.sitofp %convert_element_type3A_1951 : vector<16xi32> to vector<16xf32>
      %sub3A_2092 = arith.subf %mul3A_1947, %convert_element_type3A_2091 : vector<16xf32>
      %swap3A_2093 = arith.constant 0 : i32
      %swap3A_2094 = arith.index_cast %swap3A_2093 : i32 to index
      %swap3A_2095 = arith.constant 128 : index
      %swap3A_2096 = tpu.vector_load %arg7[%swap3A_2094, %swap3A_2095] {strides = array<i32>} : memref<8x256xf32, #tpu.memory_space<vmem>>, vector<1x16xf32>,
      %swap3A_2097 = vector.shape_cast %swap3A_2096 : vector<1x16xf32> to vector<16xf32>
      %swap3A_2098 = vector.shape_cast %sub3A_2092 : vector<16xf32> to vector<1x16xf32>
      tpu.vector_store %arg7[%swap3A_2094, %swap3A_2095], %swap3A_2098 {strides = array<i32>} : memref<8x256xf32, #tpu.memory_space<vmem>>, vector<1x16xf32>,
      %convert_element_type3A_2099 = arith.sitofp %convert_element_type3A_1952 : vector<16xi32> to vector<16xf32>
      %sub3A_2100 = arith.subf %mul3A_1950, %convert_element_type3A_2099 : vector<16xf32>
      %swap3A_2101 = arith.constant 1 : i32
      %swap3A_2102 = arith.index_cast %swap3A_2101 : i32 to index
      %swap3A_2103 = arith.constant 128 : index
      %swap3A_2104 = tpu.vector_load %arg7[%swap3A_2102, %swap3A_2103] {strides = array<i32>} : memref<8x256xf32, #tpu.memory_space<vmem>>, vector<1x16xf32>,
      %swap3A_2105 = vector.shape_cast %swap3A_2104 : vector<1x16xf32> to vector<16xf32>
      %swap3A_2106 = vector.shape_cast %sub3A_2100 : vector<16xf32> to vector<1x16xf32>
      tpu.vector_store %arg7[%swap3A_2102, %swap3A_2103], %swap3A_2106 {strides = array<i32>} : memref<8x256xf32, #tpu.memory_space<vmem>>, vector<1x16xf32>,
      %mul3A_2107 = arith.constant 1.280000e+03 : f32
      %mul3A_2108 = vector.broadcast %mul3A_2107 : f32 to vector<16xf32>
      %mul3A_2109 = arith.mulf %get3A_1939, %mul3A_2108 : vector<16xf32>
      %div3A_2110 = arith.divf %mul3A_2109, %select_n3A_2076 : vector<16xf32>
      %swap3A_2111 = arith.constant 2 : i32
      %swap3A_2112 = arith.index_cast %swap3A_2111 : i32 to index
      %swap3A_2113 = arith.constant 128 : index
      %swap3A_2114 = tpu.vector_load %arg7[%swap3A_2112, %swap3A_2113] {strides = array<i32>} : memref<8x256xf32, #tpu.memory_space<vmem>>, vector<1x16xf32>,
      %swap3A_2115 = vector.shape_cast %swap3A_2114 : vector<1x16xf32> to vector<16xf32>
      %swap3A_2116 = vector.shape_cast %div3A_2110 : vector<16xf32> to vector<1x16xf32>
      tpu.vector_store %arg7[%swap3A_2112, %swap3A_2113], %swap3A_2116 {strides = array<i32>} : memref<8x256xf32, #tpu.memory_space<vmem>>, vector<1x16xf32>,
      %mul3A_2117 = arith.constant 1.280000e+03 : f32
      %mul3A_2118 = vector.broadcast %mul3A_2117 : f32 to vector<16xf32>
      %mul3A_2119 = arith.mulf %get3A_1944, %mul3A_2118 : vector<16xf32>
      %div3A_2120 = arith.divf %mul3A_2119, %select_n3A_2090 : vector<16xf32>
      %swap3A_2121 = arith.constant 3 : i32
      %swap3A_2122 = arith.index_cast %swap3A_2121 : i32 to index
      %swap3A_2123 = arith.constant 128 : index
      %swap3A_2124 = tpu.vector_load %arg7[%swap3A_2122, %swap3A_2123] {strides = array<i32>} : memref<8x256xf32, #tpu.memory_space<vmem>>, vector<1x16xf32>,
      %swap3A_2125 = vector.shape_cast %swap3A_2124 : vector<1x16xf32> to vector<16xf32>
      %swap3A_2126 = vector.shape_cast %div3A_2120 : vector<16xf32> to vector<1x16xf32>
      tpu.vector_store %arg7[%swap3A_2122, %swap3A_2123], %swap3A_2126 {strides = array<i32>} : memref<8x256xf32, #tpu.memory_space<vmem>>, vector<1x16xf32>,
      %convert_element_type3A_2127 = arith.sitofp %add3A_2053 : vector<16xi32> to vector<16xf32>
      %swap3A_2128 = arith.constant 4 : i32
      %swap3A_2129 = arith.index_cast %swap3A_2128 : i32 to index
      %swap3A_2130 = arith.constant 128 : index
      %swap3A_2131 = tpu.vector_load %arg7[%swap3A_2129, %swap3A_2130] {strides = array<i32>} : memref<8x256xf32, #tpu.memory_space<vmem>>, vector<1x16xf32>,
      %swap3A_2132 = vector.shape_cast %swap3A_2131 : vector<1x16xf32> to vector<16xf32>
      %swap3A_2133 = vector.shape_cast %convert_element_type3A_2127 : vector<16xf32> to vector<1x16xf32>
      tpu.vector_store %arg7[%swap3A_2129, %swap3A_2130], %swap3A_2133 {strides = array<i32>} : memref<8x256xf32, #tpu.memory_space<vmem>>, vector<1x16xf32>,
      %convert_element_type3A_2134 = arith.fptosi %get3A_1924 : vector<16xf32> to vector<16xi32>
      %convert_element_type3A_2135 = arith.sitofp %convert_element_type3A_2134 : vector<16xi32> to vector<16xf32>
      %swap3A_2136 = arith.constant 5 : i32
      %swap3A_2137 = arith.index_cast %swap3A_2136 : i32 to index
      %swap3A_2138 = arith.constant 128 : index
      %swap3A_2139 = tpu.vector_load %arg7[%swap3A_2137, %swap3A_2138] {strides = array<i32>} : memref<8x256xf32, #tpu.memory_space<vmem>>, vector<1x16xf32>,
      %swap3A_2140 = vector.shape_cast %swap3A_2139 : vector<1x16xf32> to vector<16xf32>
      %swap3A_2141 = vector.shape_cast %convert_element_type3A_2135 : vector<16xf32> to vector<1x16xf32>
      tpu.vector_store %arg7[%swap3A_2137, %swap3A_2138], %swap3A_2141 {strides = array<i32>} : memref<8x256xf32, #tpu.memory_space<vmem>>, vector<1x16xf32>,
      %jit3A_2142 = arith.constant 1.000000e+00 : f32
      %jit3A_2143 = arith.constant 0.000000e+00 : f32
      %broadcast_in_dim3A_2144 = vector.broadcast %jit3A_2142 : f32 to vector<16xf32>
      %broadcast_in_dim3A_2145 = vector.broadcast %jit3A_2143 : f32 to vector<16xf32>
      %select_n3A_2146 = arith.select %and3A_2045, %broadcast_in_dim3A_2144, %broadcast_in_dim3A_2145 : vector<16xi1>, vector<16xf32>
      %swap3A_2147 = arith.constant 6 : i32
      %swap3A_2148 = arith.index_cast %swap3A_2147 : i32 to index
      %swap3A_2149 = arith.constant 128 : index
      %swap3A_2150 = tpu.vector_load %arg7[%swap3A_2148, %swap3A_2149] {strides = array<i32>} : memref<8x256xf32, #tpu.memory_space<vmem>>, vector<1x16xf32>,
      %swap3A_2151 = vector.shape_cast %swap3A_2150 : vector<1x16xf32> to vector<16xf32>
      %swap3A_2152 = vector.shape_cast %select_n3A_2146 : vector<16xf32> to vector<1x16xf32>
      tpu.vector_store %arg7[%swap3A_2148, %swap3A_2149], %swap3A_2152 {strides = array<i32>} : memref<8x256xf32, #tpu.memory_space<vmem>>, vector<1x16xf32>,
      %broadcast_in_dim3A_2153 = arith.constant 0.000000e+00 : f32
      %broadcast_in_dim3A_2154 = vector.broadcast %broadcast_in_dim3A_2153 : f32 to vector<16xf32>
      %swap3A_2155 = arith.constant 7 : i32
      %swap3A_2156 = arith.index_cast %swap3A_2155 : i32 to index
      %swap3A_2157 = arith.constant 128 : index
      %swap3A_2158 = tpu.vector_load %arg7[%swap3A_2156, %swap3A_2157] {strides = array<i32>} : memref<8x256xf32, #tpu.memory_space<vmem>>, vector<1x16xf32>,
      %swap3A_2159 = vector.shape_cast %swap3A_2158 : vector<1x16xf32> to vector<16xf32>
      %swap3A_2160 = vector.shape_cast %broadcast_in_dim3A_2154 : vector<16xf32> to vector<1x16xf32>
      tpu.vector_store %arg7[%swap3A_2156, %swap3A_2157], %swap3A_2160 {strides = array<i32>} : memref<8x256xf32, #tpu.memory_space<vmem>>, vector<1x16xf32>,
      %get3A_2161 = arith.constant 1 : i32
      %get3A_2162 = arith.index_cast %get3A_2161 : i32 to index
      %get3A_2163 = arith.constant 144 : index
      %get3A_2164 = tpu.vector_load %arg5[%get3A_2162, %get3A_2163] {strides = array<i32>} : memref<6x256xf32, #tpu.memory_space<vmem>>, vector<1x16xf32>,
      %get3A_2165 = vector.shape_cast %get3A_2164 : vector<1x16xf32> to vector<16xf32>
      %get3A_2166 = arith.constant 2 : i32
      %get3A_2167 = arith.index_cast %get3A_2166 : i32 to index
      %get3A_2168 = arith.constant 144 : index
      %get3A_2169 = tpu.vector_load %arg5[%get3A_2167, %get3A_2168] {strides = array<i32>} : memref<6x256xf32, #tpu.memory_space<vmem>>, vector<1x16xf32>,
      %get3A_2170 = vector.shape_cast %get3A_2169 : vector<1x16xf32> to vector<16xf32>
      %get3A_2171 = arith.constant 3 : i32
      %get3A_2172 = arith.index_cast %get3A_2171 : i32 to index
      %get3A_2173 = arith.constant 144 : index
      %get3A_2174 = tpu.vector_load %arg5[%get3A_2172, %get3A_2173] {strides = array<i32>} : memref<6x256xf32, #tpu.memory_space<vmem>>, vector<1x16xf32>,
      %get3A_2175 = vector.shape_cast %get3A_2174 : vector<1x16xf32> to vector<16xf32>
      %get3A_2176 = arith.constant 4 : i32
      %get3A_2177 = arith.index_cast %get3A_2176 : i32 to index
      %get3A_2178 = arith.constant 144 : index
      %get3A_2179 = tpu.vector_load %arg5[%get3A_2177, %get3A_2178] {strides = array<i32>} : memref<6x256xf32, #tpu.memory_space<vmem>>, vector<1x16xf32>,
      %get3A_2180 = vector.shape_cast %get3A_2179 : vector<1x16xf32> to vector<16xf32>
      %get3A_2181 = arith.constant 5 : i32
      %get3A_2182 = arith.index_cast %get3A_2181 : i32 to index
      %get3A_2183 = arith.constant 144 : index
      %get3A_2184 = tpu.vector_load %arg5[%get3A_2182, %get3A_2183] {strides = array<i32>} : memref<6x256xf32, #tpu.memory_space<vmem>>, vector<1x16xf32>,
      %get3A_2185 = vector.shape_cast %get3A_2184 : vector<1x16xf32> to vector<16xf32>
      %mul3A_2186 = arith.constant 1.600000e+02 : f32
      %mul3A_2187 = vector.broadcast %mul3A_2186 : f32 to vector<16xf32>
      %mul3A_2188 = arith.mulf %get3A_2170, %mul3A_2187 : vector<16xf32>
      %mul3A_2189 = arith.constant 1.600000e+02 : f32
      %mul3A_2190 = vector.broadcast %mul3A_2189 : f32 to vector<16xf32>
      %mul3A_2191 = arith.mulf %get3A_2175, %mul3A_2190 : vector<16xf32>
      %convert_element_type3A_2192 = arith.fptosi %mul3A_2188 : vector<16xf32> to vector<16xi32>
      %convert_element_type3A_2193 = arith.fptosi %mul3A_2191 : vector<16xf32> to vector<16xi32>
      %mul3A_2194 = arith.constant 1.280000e+03 : f32
      %mul3A_2195 = vector.broadcast %mul3A_2194 : f32 to vector<16xf32>
      %mul3A_2196 = arith.mulf %get3A_2180, %mul3A_2195 : vector<16xf32>
      %div3A_2197 = arith.constant 8.000000e+00 : f32
      %div3A_2198 = vector.broadcast %div3A_2197 : f32 to vector<16xf32>
      %div3A_2199 = arith.divf %mul3A_2196, %div3A_2198 : vector<16xf32>
      %mul3A_2200 = arith.constant 1.280000e+03 : f32
      %mul3A_2201 = vector.broadcast %mul3A_2200 : f32 to vector<16xf32>
      %mul3A_2202 = arith.mulf %get3A_2185, %mul3A_2201 : vector<16xf32>
      %div3A_2203 = arith.constant 8.000000e+00 : f32
      %div3A_2204 = vector.broadcast %div3A_2203 : f32 to vector<16xf32>
      %div3A_2205 = arith.divf %mul3A_2202, %div3A_2204 : vector<16xf32>
      %div3A_2206 = arith.constant 1.250000e+00 : f32
      %div3A_2207 = vector.broadcast %div3A_2206 : f32 to vector<16xf32>
      %div3A_2208 = arith.divf %div3A_2199, %div3A_2207 : vector<16xf32>
      %add3A_2209 = arith.constant 9.99999971E-10 : f32
      %add3A_2210 = vector.broadcast %add3A_2209 : f32 to vector<16xf32>
      %add3A_2211 = arith.addf %div3A_2199, %add3A_2210 : vector<16xf32>
      %div3A_2212 = arith.constant 1.250000e+00 : f32
      %div3A_2213 = vector.broadcast %div3A_2212 : f32 to vector<16xf32>
      %div3A_2214 = arith.divf %div3A_2213, %add3A_2211 : vector<16xf32>
      %max3A_2215 = arith.maximumf %div3A_2208, %div3A_2214 : vector<16xf32>
      %div3A_2216 = arith.constant 1.625000e+00 : f32
      %div3A_2217 = vector.broadcast %div3A_2216 : f32 to vector<16xf32>
      %div3A_2218 = arith.divf %div3A_2205, %div3A_2217 : vector<16xf32>
      %add3A_2219 = arith.constant 9.99999971E-10 : f32
      %add3A_2220 = vector.broadcast %add3A_2219 : f32 to vector<16xf32>
      %add3A_2221 = arith.addf %div3A_2205, %add3A_2220 : vector<16xf32>
      %div3A_2222 = arith.constant 1.625000e+00 : f32
      %div3A_2223 = vector.broadcast %div3A_2222 : f32 to vector<16xf32>
      %div3A_2224 = arith.divf %div3A_2223, %add3A_2221 : vector<16xf32>
      %max3A_2225 = arith.maximumf %div3A_2218, %div3A_2224 : vector<16xf32>
      %max3A_2226 = arith.maximumf %max3A_2215, %max3A_2225 : vector<16xf32>
      %div3A_2227 = arith.constant 2.000000e+00 : f32
      %div3A_2228 = vector.broadcast %div3A_2227 : f32 to vector<16xf32>
      %div3A_2229 = arith.divf %div3A_2199, %div3A_2228 : vector<16xf32>
      %add3A_2230 = arith.constant 9.99999971E-10 : f32
      %add3A_2231 = vector.broadcast %add3A_2230 : f32 to vector<16xf32>
      %add3A_2232 = arith.addf %div3A_2199, %add3A_2231 : vector<16xf32>
      %div3A_2233 = arith.constant 2.000000e+00 : f32
      %div3A_2234 = vector.broadcast %div3A_2233 : f32 to vector<16xf32>
      %div3A_2235 = arith.divf %div3A_2234, %add3A_2232 : vector<16xf32>
      %max3A_2236 = arith.maximumf %div3A_2229, %div3A_2235 : vector<16xf32>
      %div3A_2237 = arith.constant 3.750000e+00 : f32
      %div3A_2238 = vector.broadcast %div3A_2237 : f32 to vector<16xf32>
      %div3A_2239 = arith.divf %div3A_2205, %div3A_2238 : vector<16xf32>
      %add3A_2240 = arith.constant 9.99999971E-10 : f32
      %add3A_2241 = vector.broadcast %add3A_2240 : f32 to vector<16xf32>
      %add3A_2242 = arith.addf %div3A_2205, %add3A_2241 : vector<16xf32>
      %div3A_2243 = arith.constant 3.750000e+00 : f32
      %div3A_2244 = vector.broadcast %div3A_2243 : f32 to vector<16xf32>
      %div3A_2245 = arith.divf %div3A_2244, %add3A_2242 : vector<16xf32>
      %max3A_2246 = arith.maximumf %div3A_2239, %div3A_2245 : vector<16xf32>
      %max3A_2247 = arith.maximumf %max3A_2236, %max3A_2246 : vector<16xf32>
      %div3A_2248 = arith.constant 4.125000e+00 : f32
      %div3A_2249 = vector.broadcast %div3A_2248 : f32 to vector<16xf32>
      %div3A_2250 = arith.divf %div3A_2199, %div3A_2249 : vector<16xf32>
      %add3A_2251 = arith.constant 9.99999971E-10 : f32
      %add3A_2252 = vector.broadcast %add3A_2251 : f32 to vector<16xf32>
      %add3A_2253 = arith.addf %div3A_2199, %add3A_2252 : vector<16xf32>
      %div3A_2254 = arith.constant 4.125000e+00 : f32
      %div3A_2255 = vector.broadcast %div3A_2254 : f32 to vector<16xf32>
      %div3A_2256 = arith.divf %div3A_2255, %add3A_2253 : vector<16xf32>
      %max3A_2257 = arith.maximumf %div3A_2250, %div3A_2256 : vector<16xf32>
      %div3A_2258 = arith.constant 2.875000e+00 : f32
      %div3A_2259 = vector.broadcast %div3A_2258 : f32 to vector<16xf32>
      %div3A_2260 = arith.divf %div3A_2205, %div3A_2259 : vector<16xf32>
      %add3A_2261 = arith.constant 9.99999971E-10 : f32
      %add3A_2262 = vector.broadcast %add3A_2261 : f32 to vector<16xf32>
      %add3A_2263 = arith.addf %div3A_2205, %add3A_2262 : vector<16xf32>
      %div3A_2264 = arith.constant 2.875000e+00 : f32
      %div3A_2265 = vector.broadcast %div3A_2264 : f32 to vector<16xf32>
      %div3A_2266 = arith.divf %div3A_2265, %add3A_2263 : vector<16xf32>
      %max3A_2267 = arith.maximumf %div3A_2260, %div3A_2266 : vector<16xf32>
      %max3A_2268 = arith.maximumf %max3A_2257, %max3A_2267 : vector<16xf32>
      %lt3A_2269 = arith.cmpf olt, %max3A_2247, %max3A_2226 : vector<16xf32>
      %min3A_2270 = arith.minimumf %max3A_2226, %max3A_2247 : vector<16xf32>
      %lt3A_2271 = arith.cmpf olt, %max3A_2268, %min3A_2270 : vector<16xf32>
      %jit3A_2272 = arith.constant 1 : i32
      %jit3A_2273 = arith.constant 0 : i32
      %broadcast_in_dim3A_2274 = vector.broadcast %jit3A_2272 : i32 to vector<16xi32>
      %broadcast_in_dim3A_2275 = vector.broadcast %jit3A_2273 : i32 to vector<16xi32>
      %select_n3A_2276 = arith.select %lt3A_2269, %broadcast_in_dim3A_2274, %broadcast_in_dim3A_2275 : vector<16xi1>, vector<16xi32>
      %jit3A_2277 = arith.constant 2 : i32
      %broadcast_in_dim3A_2278 = vector.broadcast %jit3A_2277 : i32 to vector<16xi32>
      %select_n3A_2279 = arith.select %lt3A_2271, %broadcast_in_dim3A_2278, %select_n3A_2276 : vector<16xi1>, vector<16xi32>
      %lt3A_2280 = arith.constant 160 : i32
      %lt3A_2281 = vector.broadcast %lt3A_2280 : i32 to vector<16xi32>
      %lt3A_2282 = arith.cmpi slt, %convert_element_type3A_2193, %lt3A_2281 : vector<16xi32>
      %lt3A_2283 = arith.constant 160 : i32
      %lt3A_2284 = vector.broadcast %lt3A_2283 : i32 to vector<16xi32>
      %lt3A_2285 = arith.cmpi slt, %convert_element_type3A_2192, %lt3A_2284 : vector<16xi32>
      %and3A_2286 = arith.andi %lt3A_2282, %lt3A_2285 : vector<16xi1>
      %mul3A_2287 = arith.constant 25600 : i32
      %mul3A_2288 = vector.broadcast %mul3A_2287 : i32 to vector<16xi32>
      %mul3A_2289 = arith.muli %select_n3A_2279, %mul3A_2288 : vector<16xi32>
      %mul3A_2290 = arith.constant 160 : i32
      %mul3A_2291 = vector.broadcast %mul3A_2290 : i32 to vector<16xi32>
      %mul3A_2292 = arith.muli %convert_element_type3A_2193, %mul3A_2291 : vector<16xi32>
      %add3A_2293 = arith.addi %mul3A_2289, %mul3A_2292 : vector<16xi32>
      %add3A_2294 = arith.addi %add3A_2293, %convert_element_type3A_2192 : vector<16xi32>
      %jit3A_2295 = arith.constant 0 : i32
      %broadcast_in_dim3A_2296 = vector.broadcast %jit3A_2295 : i32 to vector<16xi32>
      %select_n3A_2297 = arith.select %and3A_2286, %add3A_2294, %broadcast_in_dim3A_2296 : vector<16xi1>, vector<16xi32>
      %swap3A_2298 = arith.constant 1 : i32
      %swap3A_2299 = arith.index_cast %swap3A_2298 : i32 to index
      %swap3A_2300 = arith.constant 16 : index
      %swap3A_2301 = tpu.vector_load %arg6[%swap3A_2299, %swap3A_2300] {strides = array<i32>} : memref<2x128xi32, #tpu.memory_space<vmem>>, vector<1x16xi32>,
      %swap3A_2302 = vector.shape_cast %swap3A_2301 : vector<1x16xi32> to vector<16xi32>
      %swap3A_2303 = vector.shape_cast %select_n3A_2297 : vector<16xi32> to vector<1x16xi32>
      tpu.vector_store %arg6[%swap3A_2299, %swap3A_2300], %swap3A_2303 {strides = array<i32>} : memref<2x128xi32, #tpu.memory_space<vmem>>, vector<1x16xi32>,
      %eq3A_2304 = arith.constant 0 : i32
      %eq3A_2305 = vector.broadcast %eq3A_2304 : i32 to vector<16xi32>
      %eq3A_2306 = arith.cmpi eq, %select_n3A_2279, %eq3A_2305 : vector<16xi32>
      %eq3A_2307 = arith.constant 1 : i32
      %eq3A_2308 = vector.broadcast %eq3A_2307 : i32 to vector<16xi32>
      %eq3A_2309 = arith.cmpi eq, %select_n3A_2279, %eq3A_2308 : vector<16xi32>
      %jit3A_2310 = arith.constant 1.600000e+01 : f32
      %jit3A_2311 = arith.constant 3.300000e+01 : f32
      %broadcast_in_dim3A_2312 = vector.broadcast %jit3A_2310 : f32 to vector<16xf32>
      %broadcast_in_dim3A_2313 = vector.broadcast %jit3A_2311 : f32 to vector<16xf32>
      %select_n3A_2314 = arith.select %eq3A_2309, %broadcast_in_dim3A_2312, %broadcast_in_dim3A_2313 : vector<16xi1>, vector<16xf32>
      %jit3A_2315 = arith.constant 1.000000e+01 : f32
      %broadcast_in_dim3A_2316 = vector.broadcast %jit3A_2315 : f32 to vector<16xf32>
      %select_n3A_2317 = arith.select %eq3A_2306, %broadcast_in_dim3A_2316, %select_n3A_2314 : vector<16xi1>, vector<16xf32>
      %eq3A_2318 = arith.constant 0 : i32
      %eq3A_2319 = vector.broadcast %eq3A_2318 : i32 to vector<16xi32>
      %eq3A_2320 = arith.cmpi eq, %select_n3A_2279, %eq3A_2319 : vector<16xi32>
      %eq3A_2321 = arith.constant 1 : i32
      %eq3A_2322 = vector.broadcast %eq3A_2321 : i32 to vector<16xi32>
      %eq3A_2323 = arith.cmpi eq, %select_n3A_2279, %eq3A_2322 : vector<16xi32>
      %jit3A_2324 = arith.constant 3.000000e+01 : f32
      %jit3A_2325 = arith.constant 2.300000e+01 : f32
      %broadcast_in_dim3A_2326 = vector.broadcast %jit3A_2324 : f32 to vector<16xf32>
      %broadcast_in_dim3A_2327 = vector.broadcast %jit3A_2325 : f32 to vector<16xf32>
      %select_n3A_2328 = arith.select %eq3A_2323, %broadcast_in_dim3A_2326, %broadcast_in_dim3A_2327 : vector<16xi1>, vector<16xf32>
      %jit3A_2329 = arith.constant 1.300000e+01 : f32
      %broadcast_in_dim3A_2330 = vector.broadcast %jit3A_2329 : f32 to vector<16xf32>
      %select_n3A_2331 = arith.select %eq3A_2320, %broadcast_in_dim3A_2330, %select_n3A_2328 : vector<16xi1>, vector<16xf32>
      %convert_element_type3A_2332 = arith.sitofp %convert_element_type3A_2192 : vector<16xi32> to vector<16xf32>
      %sub3A_2333 = arith.subf %mul3A_2188, %convert_element_type3A_2332 : vector<16xf32>
      %swap3A_2334 = arith.constant 0 : i32
      %swap3A_2335 = arith.index_cast %swap3A_2334 : i32 to index
      %swap3A_2336 = arith.constant 144 : index
      %swap3A_2337 = tpu.vector_load %arg7[%swap3A_2335, %swap3A_2336] {strides = array<i32>} : memref<8x256xf32, #tpu.memory_space<vmem>>, vector<1x16xf32>,
      %swap3A_2338 = vector.shape_cast %swap3A_2337 : vector<1x16xf32> to vector<16xf32>
      %swap3A_2339 = vector.shape_cast %sub3A_2333 : vector<16xf32> to vector<1x16xf32>
      tpu.vector_store %arg7[%swap3A_2335, %swap3A_2336], %swap3A_2339 {strides = array<i32>} : memref<8x256xf32, #tpu.memory_space<vmem>>, vector<1x16xf32>,
      %convert_element_type3A_2340 = arith.sitofp %convert_element_type3A_2193 : vector<16xi32> to vector<16xf32>
      %sub3A_2341 = arith.subf %mul3A_2191, %convert_element_type3A_2340 : vector<16xf32>
      %swap3A_2342 = arith.constant 1 : i32
      %swap3A_2343 = arith.index_cast %swap3A_2342 : i32 to index
      %swap3A_2344 = arith.constant 144 : index
      %swap3A_2345 = tpu.vector_load %arg7[%swap3A_2343, %swap3A_2344] {strides = array<i32>} : memref<8x256xf32, #tpu.memory_space<vmem>>, vector<1x16xf32>,
      %swap3A_2346 = vector.shape_cast %swap3A_2345 : vector<1x16xf32> to vector<16xf32>
      %swap3A_2347 = vector.shape_cast %sub3A_2341 : vector<16xf32> to vector<1x16xf32>
      tpu.vector_store %arg7[%swap3A_2343, %swap3A_2344], %swap3A_2347 {strides = array<i32>} : memref<8x256xf32, #tpu.memory_space<vmem>>, vector<1x16xf32>,
      %mul3A_2348 = arith.constant 1.280000e+03 : f32
      %mul3A_2349 = vector.broadcast %mul3A_2348 : f32 to vector<16xf32>
      %mul3A_2350 = arith.mulf %get3A_2180, %mul3A_2349 : vector<16xf32>
      %div3A_2351 = arith.divf %mul3A_2350, %select_n3A_2317 : vector<16xf32>
      %swap3A_2352 = arith.constant 2 : i32
      %swap3A_2353 = arith.index_cast %swap3A_2352 : i32 to index
      %swap3A_2354 = arith.constant 144 : index
      %swap3A_2355 = tpu.vector_load %arg7[%swap3A_2353, %swap3A_2354] {strides = array<i32>} : memref<8x256xf32, #tpu.memory_space<vmem>>, vector<1x16xf32>,
      %swap3A_2356 = vector.shape_cast %swap3A_2355 : vector<1x16xf32> to vector<16xf32>
      %swap3A_2357 = vector.shape_cast %div3A_2351 : vector<16xf32> to vector<1x16xf32>
      tpu.vector_store %arg7[%swap3A_2353, %swap3A_2354], %swap3A_2357 {strides = array<i32>} : memref<8x256xf32, #tpu.memory_space<vmem>>, vector<1x16xf32>,
      %mul3A_2358 = arith.constant 1.280000e+03 : f32
      %mul3A_2359 = vector.broadcast %mul3A_2358 : f32 to vector<16xf32>
      %mul3A_2360 = arith.mulf %get3A_2185, %mul3A_2359 : vector<16xf32>
      %div3A_2361 = arith.divf %mul3A_2360, %select_n3A_2331 : vector<16xf32>
      %swap3A_2362 = arith.constant 3 : i32
      %swap3A_2363 = arith.index_cast %swap3A_2362 : i32 to index
      %swap3A_2364 = arith.constant 144 : index
      %swap3A_2365 = tpu.vector_load %arg7[%swap3A_2363, %swap3A_2364] {strides = array<i32>} : memref<8x256xf32, #tpu.memory_space<vmem>>, vector<1x16xf32>,
      %swap3A_2366 = vector.shape_cast %swap3A_2365 : vector<1x16xf32> to vector<16xf32>
      %swap3A_2367 = vector.shape_cast %div3A_2361 : vector<16xf32> to vector<1x16xf32>
      tpu.vector_store %arg7[%swap3A_2363, %swap3A_2364], %swap3A_2367 {strides = array<i32>} : memref<8x256xf32, #tpu.memory_space<vmem>>, vector<1x16xf32>,
      %convert_element_type3A_2368 = arith.sitofp %add3A_2294 : vector<16xi32> to vector<16xf32>
      %swap3A_2369 = arith.constant 4 : i32
      %swap3A_2370 = arith.index_cast %swap3A_2369 : i32 to index
      %swap3A_2371 = arith.constant 144 : index
      %swap3A_2372 = tpu.vector_load %arg7[%swap3A_2370, %swap3A_2371] {strides = array<i32>} : memref<8x256xf32, #tpu.memory_space<vmem>>, vector<1x16xf32>,
      %swap3A_2373 = vector.shape_cast %swap3A_2372 : vector<1x16xf32> to vector<16xf32>
      %swap3A_2374 = vector.shape_cast %convert_element_type3A_2368 : vector<16xf32> to vector<1x16xf32>
      tpu.vector_store %arg7[%swap3A_2370, %swap3A_2371], %swap3A_2374 {strides = array<i32>} : memref<8x256xf32, #tpu.memory_space<vmem>>, vector<1x16xf32>,
      %convert_element_type3A_2375 = arith.fptosi %get3A_2165 : vector<16xf32> to vector<16xi32>
      %convert_element_type3A_2376 = arith.sitofp %convert_element_type3A_2375 : vector<16xi32> to vector<16xf32>
      %swap3A_2377 = arith.constant 5 : i32
      %swap3A_2378 = arith.index_cast %swap3A_2377 : i32 to index
      %swap3A_2379 = arith.constant 144 : index
      %swap3A_2380 = tpu.vector_load %arg7[%swap3A_2378, %swap3A_2379] {strides = array<i32>} : memref<8x256xf32, #tpu.memory_space<vmem>>, vector<1x16xf32>,
      %swap3A_2381 = vector.shape_cast %swap3A_2380 : vector<1x16xf32> to vector<16xf32>
      %swap3A_2382 = vector.shape_cast %convert_element_type3A_2376 : vector<16xf32> to vector<1x16xf32>
      tpu.vector_store %arg7[%swap3A_2378, %swap3A_2379], %swap3A_2382 {strides = array<i32>} : memref<8x256xf32, #tpu.memory_space<vmem>>, vector<1x16xf32>,
      %jit3A_2383 = arith.constant 1.000000e+00 : f32
      %jit3A_2384 = arith.constant 0.000000e+00 : f32
      %broadcast_in_dim3A_2385 = vector.broadcast %jit3A_2383 : f32 to vector<16xf32>
      %broadcast_in_dim3A_2386 = vector.broadcast %jit3A_2384 : f32 to vector<16xf32>
      %select_n3A_2387 = arith.select %and3A_2286, %broadcast_in_dim3A_2385, %broadcast_in_dim3A_2386 : vector<16xi1>, vector<16xf32>
      %swap3A_2388 = arith.constant 6 : i32
      %swap3A_2389 = arith.index_cast %swap3A_2388 : i32 to index
      %swap3A_2390 = arith.constant 144 : index
      %swap3A_2391 = tpu.vector_load %arg7[%swap3A_2389, %swap3A_2390] {strides = array<i32>} : memref<8x256xf32, #tpu.memory_space<vmem>>, vector<1x16xf32>,
      %swap3A_2392 = vector.shape_cast %swap3A_2391 : vector<1x16xf32> to vector<16xf32>
      %swap3A_2393 = vector.shape_cast %select_n3A_2387 : vector<16xf32> to vector<1x16xf32>
      tpu.vector_store %arg7[%swap3A_2389, %swap3A_2390], %swap3A_2393 {strides = array<i32>} : memref<8x256xf32, #tpu.memory_space<vmem>>, vector<1x16xf32>,
      %broadcast_in_dim3A_2394 = arith.constant 0.000000e+00 : f32
      %broadcast_in_dim3A_2395 = vector.broadcast %broadcast_in_dim3A_2394 : f32 to vector<16xf32>
      %swap3A_2396 = arith.constant 7 : i32
      %swap3A_2397 = arith.index_cast %swap3A_2396 : i32 to index
      %swap3A_2398 = arith.constant 144 : index
      %swap3A_2399 = tpu.vector_load %arg7[%swap3A_2397, %swap3A_2398] {strides = array<i32>} : memref<8x256xf32, #tpu.memory_space<vmem>>, vector<1x16xf32>,
      %swap3A_2400 = vector.shape_cast %swap3A_2399 : vector<1x16xf32> to vector<16xf32>
      %swap3A_2401 = vector.shape_cast %broadcast_in_dim3A_2395 : vector<16xf32> to vector<1x16xf32>
      tpu.vector_store %arg7[%swap3A_2397, %swap3A_2398], %swap3A_2401 {strides = array<i32>} : memref<8x256xf32, #tpu.memory_space<vmem>>, vector<1x16xf32>,
      %get3A_2402 = arith.constant 1 : i32
      %get3A_2403 = arith.index_cast %get3A_2402 : i32 to index
      %get3A_2404 = arith.constant 160 : index
      %get3A_2405 = tpu.vector_load %arg5[%get3A_2403, %get3A_2404] {strides = array<i32>} : memref<6x256xf32, #tpu.memory_space<vmem>>, vector<1x16xf32>,
      %get3A_2406 = vector.shape_cast %get3A_2405 : vector<1x16xf32> to vector<16xf32>
      %get3A_2407 = arith.constant 2 : i32
      %get3A_2408 = arith.index_cast %get3A_2407 : i32 to index
      %get3A_2409 = arith.constant 160 : index
      %get3A_2410 = tpu.vector_load %arg5[%get3A_2408, %get3A_2409] {strides = array<i32>} : memref<6x256xf32, #tpu.memory_space<vmem>>, vector<1x16xf32>,
      %get3A_2411 = vector.shape_cast %get3A_2410 : vector<1x16xf32> to vector<16xf32>
      %get3A_2412 = arith.constant 3 : i32
      %get3A_2413 = arith.index_cast %get3A_2412 : i32 to index
      %get3A_2414 = arith.constant 160 : index
      %get3A_2415 = tpu.vector_load %arg5[%get3A_2413, %get3A_2414] {strides = array<i32>} : memref<6x256xf32, #tpu.memory_space<vmem>>, vector<1x16xf32>,
      %get3A_2416 = vector.shape_cast %get3A_2415 : vector<1x16xf32> to vector<16xf32>
      %get3A_2417 = arith.constant 4 : i32
      %get3A_2418 = arith.index_cast %get3A_2417 : i32 to index
      %get3A_2419 = arith.constant 160 : index
      %get3A_2420 = tpu.vector_load %arg5[%get3A_2418, %get3A_2419] {strides = array<i32>} : memref<6x256xf32, #tpu.memory_space<vmem>>, vector<1x16xf32>,
      %get3A_2421 = vector.shape_cast %get3A_2420 : vector<1x16xf32> to vector<16xf32>
      %get3A_2422 = arith.constant 5 : i32
      %get3A_2423 = arith.index_cast %get3A_2422 : i32 to index
      %get3A_2424 = arith.constant 160 : index
      %get3A_2425 = tpu.vector_load %arg5[%get3A_2423, %get3A_2424] {strides = array<i32>} : memref<6x256xf32, #tpu.memory_space<vmem>>, vector<1x16xf32>,
      %get3A_2426 = vector.shape_cast %get3A_2425 : vector<1x16xf32> to vector<16xf32>
      %mul3A_2427 = arith.constant 1.600000e+02 : f32
      %mul3A_2428 = vector.broadcast %mul3A_2427 : f32 to vector<16xf32>
      %mul3A_2429 = arith.mulf %get3A_2411, %mul3A_2428 : vector<16xf32>
      %mul3A_2430 = arith.constant 1.600000e+02 : f32
      %mul3A_2431 = vector.broadcast %mul3A_2430 : f32 to vector<16xf32>
      %mul3A_2432 = arith.mulf %get3A_2416, %mul3A_2431 : vector<16xf32>
      %convert_element_type3A_2433 = arith.fptosi %mul3A_2429 : vector<16xf32> to vector<16xi32>
      %convert_element_type3A_2434 = arith.fptosi %mul3A_2432 : vector<16xf32> to vector<16xi32>
      %mul3A_2435 = arith.constant 1.280000e+03 : f32
      %mul3A_2436 = vector.broadcast %mul3A_2435 : f32 to vector<16xf32>
      %mul3A_2437 = arith.mulf %get3A_2421, %mul3A_2436 : vector<16xf32>
      %div3A_2438 = arith.constant 8.000000e+00 : f32
      %div3A_2439 = vector.broadcast %div3A_2438 : f32 to vector<16xf32>
      %div3A_2440 = arith.divf %mul3A_2437, %div3A_2439 : vector<16xf32>
      %mul3A_2441 = arith.constant 1.280000e+03 : f32
      %mul3A_2442 = vector.broadcast %mul3A_2441 : f32 to vector<16xf32>
      %mul3A_2443 = arith.mulf %get3A_2426, %mul3A_2442 : vector<16xf32>
      %div3A_2444 = arith.constant 8.000000e+00 : f32
      %div3A_2445 = vector.broadcast %div3A_2444 : f32 to vector<16xf32>
      %div3A_2446 = arith.divf %mul3A_2443, %div3A_2445 : vector<16xf32>
      %div3A_2447 = arith.constant 1.250000e+00 : f32
      %div3A_2448 = vector.broadcast %div3A_2447 : f32 to vector<16xf32>
      %div3A_2449 = arith.divf %div3A_2440, %div3A_2448 : vector<16xf32>
      %add3A_2450 = arith.constant 9.99999971E-10 : f32
      %add3A_2451 = vector.broadcast %add3A_2450 : f32 to vector<16xf32>
      %add3A_2452 = arith.addf %div3A_2440, %add3A_2451 : vector<16xf32>
      %div3A_2453 = arith.constant 1.250000e+00 : f32
      %div3A_2454 = vector.broadcast %div3A_2453 : f32 to vector<16xf32>
      %div3A_2455 = arith.divf %div3A_2454, %add3A_2452 : vector<16xf32>
      %max3A_2456 = arith.maximumf %div3A_2449, %div3A_2455 : vector<16xf32>
      %div3A_2457 = arith.constant 1.625000e+00 : f32
      %div3A_2458 = vector.broadcast %div3A_2457 : f32 to vector<16xf32>
      %div3A_2459 = arith.divf %div3A_2446, %div3A_2458 : vector<16xf32>
      %add3A_2460 = arith.constant 9.99999971E-10 : f32
      %add3A_2461 = vector.broadcast %add3A_2460 : f32 to vector<16xf32>
      %add3A_2462 = arith.addf %div3A_2446, %add3A_2461 : vector<16xf32>
      %div3A_2463 = arith.constant 1.625000e+00 : f32
      %div3A_2464 = vector.broadcast %div3A_2463 : f32 to vector<16xf32>
      %div3A_2465 = arith.divf %div3A_2464, %add3A_2462 : vector<16xf32>
      %max3A_2466 = arith.maximumf %div3A_2459, %div3A_2465 : vector<16xf32>
      %max3A_2467 = arith.maximumf %max3A_2456, %max3A_2466 : vector<16xf32>
      %div3A_2468 = arith.constant 2.000000e+00 : f32
      %div3A_2469 = vector.broadcast %div3A_2468 : f32 to vector<16xf32>
      %div3A_2470 = arith.divf %div3A_2440, %div3A_2469 : vector<16xf32>
      %add3A_2471 = arith.constant 9.99999971E-10 : f32
      %add3A_2472 = vector.broadcast %add3A_2471 : f32 to vector<16xf32>
      %add3A_2473 = arith.addf %div3A_2440, %add3A_2472 : vector<16xf32>
      %div3A_2474 = arith.constant 2.000000e+00 : f32
      %div3A_2475 = vector.broadcast %div3A_2474 : f32 to vector<16xf32>
      %div3A_2476 = arith.divf %div3A_2475, %add3A_2473 : vector<16xf32>
      %max3A_2477 = arith.maximumf %div3A_2470, %div3A_2476 : vector<16xf32>
      %div3A_2478 = arith.constant 3.750000e+00 : f32
      %div3A_2479 = vector.broadcast %div3A_2478 : f32 to vector<16xf32>
      %div3A_2480 = arith.divf %div3A_2446, %div3A_2479 : vector<16xf32>
      %add3A_2481 = arith.constant 9.99999971E-10 : f32
      %add3A_2482 = vector.broadcast %add3A_2481 : f32 to vector<16xf32>
      %add3A_2483 = arith.addf %div3A_2446, %add3A_2482 : vector<16xf32>
      %div3A_2484 = arith.constant 3.750000e+00 : f32
      %div3A_2485 = vector.broadcast %div3A_2484 : f32 to vector<16xf32>
      %div3A_2486 = arith.divf %div3A_2485, %add3A_2483 : vector<16xf32>
      %max3A_2487 = arith.maximumf %div3A_2480, %div3A_2486 : vector<16xf32>
      %max3A_2488 = arith.maximumf %max3A_2477, %max3A_2487 : vector<16xf32>
      %div3A_2489 = arith.constant 4.125000e+00 : f32
      %div3A_2490 = vector.broadcast %div3A_2489 : f32 to vector<16xf32>
      %div3A_2491 = arith.divf %div3A_2440, %div3A_2490 : vector<16xf32>
      %add3A_2492 = arith.constant 9.99999971E-10 : f32
      %add3A_2493 = vector.broadcast %add3A_2492 : f32 to vector<16xf32>
      %add3A_2494 = arith.addf %div3A_2440, %add3A_2493 : vector<16xf32>
      %div3A_2495 = arith.constant 4.125000e+00 : f32
      %div3A_2496 = vector.broadcast %div3A_2495 : f32 to vector<16xf32>
      %div3A_2497 = arith.divf %div3A_2496, %add3A_2494 : vector<16xf32>
      %max3A_2498 = arith.maximumf %div3A_2491, %div3A_2497 : vector<16xf32>
      %div3A_2499 = arith.constant 2.875000e+00 : f32
      %div3A_2500 = vector.broadcast %div3A_2499 : f32 to vector<16xf32>
      %div3A_2501 = arith.divf %div3A_2446, %div3A_2500 : vector<16xf32>
      %add3A_2502 = arith.constant 9.99999971E-10 : f32
      %add3A_2503 = vector.broadcast %add3A_2502 : f32 to vector<16xf32>
      %add3A_2504 = arith.addf %div3A_2446, %add3A_2503 : vector<16xf32>
      %div3A_2505 = arith.constant 2.875000e+00 : f32
      %div3A_2506 = vector.broadcast %div3A_2505 : f32 to vector<16xf32>
      %div3A_2507 = arith.divf %div3A_2506, %add3A_2504 : vector<16xf32>
      %max3A_2508 = arith.maximumf %div3A_2501, %div3A_2507 : vector<16xf32>
      %max3A_2509 = arith.maximumf %max3A_2498, %max3A_2508 : vector<16xf32>
      %lt3A_2510 = arith.cmpf olt, %max3A_2488, %max3A_2467 : vector<16xf32>
      %min3A_2511 = arith.minimumf %max3A_2467, %max3A_2488 : vector<16xf32>
      %lt3A_2512 = arith.cmpf olt, %max3A_2509, %min3A_2511 : vector<16xf32>
      %jit3A_2513 = arith.constant 1 : i32
      %jit3A_2514 = arith.constant 0 : i32
      %broadcast_in_dim3A_2515 = vector.broadcast %jit3A_2513 : i32 to vector<16xi32>
      %broadcast_in_dim3A_2516 = vector.broadcast %jit3A_2514 : i32 to vector<16xi32>
      %select_n3A_2517 = arith.select %lt3A_2510, %broadcast_in_dim3A_2515, %broadcast_in_dim3A_2516 : vector<16xi1>, vector<16xi32>
      %jit3A_2518 = arith.constant 2 : i32
      %broadcast_in_dim3A_2519 = vector.broadcast %jit3A_2518 : i32 to vector<16xi32>
      %select_n3A_2520 = arith.select %lt3A_2512, %broadcast_in_dim3A_2519, %select_n3A_2517 : vector<16xi1>, vector<16xi32>
      %lt3A_2521 = arith.constant 160 : i32
      %lt3A_2522 = vector.broadcast %lt3A_2521 : i32 to vector<16xi32>
      %lt3A_2523 = arith.cmpi slt, %convert_element_type3A_2434, %lt3A_2522 : vector<16xi32>
      %lt3A_2524 = arith.constant 160 : i32
      %lt3A_2525 = vector.broadcast %lt3A_2524 : i32 to vector<16xi32>
      %lt3A_2526 = arith.cmpi slt, %convert_element_type3A_2433, %lt3A_2525 : vector<16xi32>
      %and3A_2527 = arith.andi %lt3A_2523, %lt3A_2526 : vector<16xi1>
      %mul3A_2528 = arith.constant 25600 : i32
      %mul3A_2529 = vector.broadcast %mul3A_2528 : i32 to vector<16xi32>
      %mul3A_2530 = arith.muli %select_n3A_2520, %mul3A_2529 : vector<16xi32>
      %mul3A_2531 = arith.constant 160 : i32
      %mul3A_2532 = vector.broadcast %mul3A_2531 : i32 to vector<16xi32>
      %mul3A_2533 = arith.muli %convert_element_type3A_2434, %mul3A_2532 : vector<16xi32>
      %add3A_2534 = arith.addi %mul3A_2530, %mul3A_2533 : vector<16xi32>
      %add3A_2535 = arith.addi %add3A_2534, %convert_element_type3A_2433 : vector<16xi32>
      %jit3A_2536 = arith.constant 0 : i32
      %broadcast_in_dim3A_2537 = vector.broadcast %jit3A_2536 : i32 to vector<16xi32>
      %select_n3A_2538 = arith.select %and3A_2527, %add3A_2535, %broadcast_in_dim3A_2537 : vector<16xi1>, vector<16xi32>
      %swap3A_2539 = arith.constant 1 : i32
      %swap3A_2540 = arith.index_cast %swap3A_2539 : i32 to index
      %swap3A_2541 = arith.constant 32 : index
      %swap3A_2542 = tpu.vector_load %arg6[%swap3A_2540, %swap3A_2541] {strides = array<i32>} : memref<2x128xi32, #tpu.memory_space<vmem>>, vector<1x16xi32>,
      %swap3A_2543 = vector.shape_cast %swap3A_2542 : vector<1x16xi32> to vector<16xi32>
      %swap3A_2544 = vector.shape_cast %select_n3A_2538 : vector<16xi32> to vector<1x16xi32>
      tpu.vector_store %arg6[%swap3A_2540, %swap3A_2541], %swap3A_2544 {strides = array<i32>} : memref<2x128xi32, #tpu.memory_space<vmem>>, vector<1x16xi32>,
      %eq3A_2545 = arith.constant 0 : i32
      %eq3A_2546 = vector.broadcast %eq3A_2545 : i32 to vector<16xi32>
      %eq3A_2547 = arith.cmpi eq, %select_n3A_2520, %eq3A_2546 : vector<16xi32>
      %eq3A_2548 = arith.constant 1 : i32
      %eq3A_2549 = vector.broadcast %eq3A_2548 : i32 to vector<16xi32>
      %eq3A_2550 = arith.cmpi eq, %select_n3A_2520, %eq3A_2549 : vector<16xi32>
      %jit3A_2551 = arith.constant 1.600000e+01 : f32
      %jit3A_2552 = arith.constant 3.300000e+01 : f32
      %broadcast_in_dim3A_2553 = vector.broadcast %jit3A_2551 : f32 to vector<16xf32>
      %broadcast_in_dim3A_2554 = vector.broadcast %jit3A_2552 : f32 to vector<16xf32>
      %select_n3A_2555 = arith.select %eq3A_2550, %broadcast_in_dim3A_2553, %broadcast_in_dim3A_2554 : vector<16xi1>, vector<16xf32>
      %jit3A_2556 = arith.constant 1.000000e+01 : f32
      %broadcast_in_dim3A_2557 = vector.broadcast %jit3A_2556 : f32 to vector<16xf32>
      %select_n3A_2558 = arith.select %eq3A_2547, %broadcast_in_dim3A_2557, %select_n3A_2555 : vector<16xi1>, vector<16xf32>
      %eq3A_2559 = arith.constant 0 : i32
      %eq3A_2560 = vector.broadcast %eq3A_2559 : i32 to vector<16xi32>
      %eq3A_2561 = arith.cmpi eq, %select_n3A_2520, %eq3A_2560 : vector<16xi32>
      %eq3A_2562 = arith.constant 1 : i32
      %eq3A_2563 = vector.broadcast %eq3A_2562 : i32 to vector<16xi32>
      %eq3A_2564 = arith.cmpi eq, %select_n3A_2520, %eq3A_2563 : vector<16xi32>
      %jit3A_2565 = arith.constant 3.000000e+01 : f32
      %jit3A_2566 = arith.constant 2.300000e+01 : f32
      %broadcast_in_dim3A_2567 = vector.broadcast %jit3A_2565 : f32 to vector<16xf32>
      %broadcast_in_dim3A_2568 = vector.broadcast %jit3A_2566 : f32 to vector<16xf32>
      %select_n3A_2569 = arith.select %eq3A_2564, %broadcast_in_dim3A_2567, %broadcast_in_dim3A_2568 : vector<16xi1>, vector<16xf32>
      %jit3A_2570 = arith.constant 1.300000e+01 : f32
      %broadcast_in_dim3A_2571 = vector.broadcast %jit3A_2570 : f32 to vector<16xf32>
      %select_n3A_2572 = arith.select %eq3A_2561, %broadcast_in_dim3A_2571, %select_n3A_2569 : vector<16xi1>, vector<16xf32>
      %convert_element_type3A_2573 = arith.sitofp %convert_element_type3A_2433 : vector<16xi32> to vector<16xf32>
      %sub3A_2574 = arith.subf %mul3A_2429, %convert_element_type3A_2573 : vector<16xf32>
      %swap3A_2575 = arith.constant 0 : i32
      %swap3A_2576 = arith.index_cast %swap3A_2575 : i32 to index
      %swap3A_2577 = arith.constant 160 : index
      %swap3A_2578 = tpu.vector_load %arg7[%swap3A_2576, %swap3A_2577] {strides = array<i32>} : memref<8x256xf32, #tpu.memory_space<vmem>>, vector<1x16xf32>,
      %swap3A_2579 = vector.shape_cast %swap3A_2578 : vector<1x16xf32> to vector<16xf32>
      %swap3A_2580 = vector.shape_cast %sub3A_2574 : vector<16xf32> to vector<1x16xf32>
      tpu.vector_store %arg7[%swap3A_2576, %swap3A_2577], %swap3A_2580 {strides = array<i32>} : memref<8x256xf32, #tpu.memory_space<vmem>>, vector<1x16xf32>,
      %convert_element_type3A_2581 = arith.sitofp %convert_element_type3A_2434 : vector<16xi32> to vector<16xf32>
      %sub3A_2582 = arith.subf %mul3A_2432, %convert_element_type3A_2581 : vector<16xf32>
      %swap3A_2583 = arith.constant 1 : i32
      %swap3A_2584 = arith.index_cast %swap3A_2583 : i32 to index
      %swap3A_2585 = arith.constant 160 : index
      %swap3A_2586 = tpu.vector_load %arg7[%swap3A_2584, %swap3A_2585] {strides = array<i32>} : memref<8x256xf32, #tpu.memory_space<vmem>>, vector<1x16xf32>,
      %swap3A_2587 = vector.shape_cast %swap3A_2586 : vector<1x16xf32> to vector<16xf32>
      %swap3A_2588 = vector.shape_cast %sub3A_2582 : vector<16xf32> to vector<1x16xf32>
      tpu.vector_store %arg7[%swap3A_2584, %swap3A_2585], %swap3A_2588 {strides = array<i32>} : memref<8x256xf32, #tpu.memory_space<vmem>>, vector<1x16xf32>,
      %mul3A_2589 = arith.constant 1.280000e+03 : f32
      %mul3A_2590 = vector.broadcast %mul3A_2589 : f32 to vector<16xf32>
      %mul3A_2591 = arith.mulf %get3A_2421, %mul3A_2590 : vector<16xf32>
      %div3A_2592 = arith.divf %mul3A_2591, %select_n3A_2558 : vector<16xf32>
      %swap3A_2593 = arith.constant 2 : i32
      %swap3A_2594 = arith.index_cast %swap3A_2593 : i32 to index
      %swap3A_2595 = arith.constant 160 : index
      %swap3A_2596 = tpu.vector_load %arg7[%swap3A_2594, %swap3A_2595] {strides = array<i32>} : memref<8x256xf32, #tpu.memory_space<vmem>>, vector<1x16xf32>,
      %swap3A_2597 = vector.shape_cast %swap3A_2596 : vector<1x16xf32> to vector<16xf32>
      %swap3A_2598 = vector.shape_cast %div3A_2592 : vector<16xf32> to vector<1x16xf32>
      tpu.vector_store %arg7[%swap3A_2594, %swap3A_2595], %swap3A_2598 {strides = array<i32>} : memref<8x256xf32, #tpu.memory_space<vmem>>, vector<1x16xf32>,
      %mul3A_2599 = arith.constant 1.280000e+03 : f32
      %mul3A_2600 = vector.broadcast %mul3A_2599 : f32 to vector<16xf32>
      %mul3A_2601 = arith.mulf %get3A_2426, %mul3A_2600 : vector<16xf32>
      %div3A_2602 = arith.divf %mul3A_2601, %select_n3A_2572 : vector<16xf32>
      %swap3A_2603 = arith.constant 3 : i32
      %swap3A_2604 = arith.index_cast %swap3A_2603 : i32 to index
      %swap3A_2605 = arith.constant 160 : index
      %swap3A_2606 = tpu.vector_load %arg7[%swap3A_2604, %swap3A_2605] {strides = array<i32>} : memref<8x256xf32, #tpu.memory_space<vmem>>, vector<1x16xf32>,
      %swap3A_2607 = vector.shape_cast %swap3A_2606 : vector<1x16xf32> to vector<16xf32>
      %swap3A_2608 = vector.shape_cast %div3A_2602 : vector<16xf32> to vector<1x16xf32>
      tpu.vector_store %arg7[%swap3A_2604, %swap3A_2605], %swap3A_2608 {strides = array<i32>} : memref<8x256xf32, #tpu.memory_space<vmem>>, vector<1x16xf32>,
      %convert_element_type3A_2609 = arith.sitofp %add3A_2535 : vector<16xi32> to vector<16xf32>
      %swap3A_2610 = arith.constant 4 : i32
      %swap3A_2611 = arith.index_cast %swap3A_2610 : i32 to index
      %swap3A_2612 = arith.constant 160 : index
      %swap3A_2613 = tpu.vector_load %arg7[%swap3A_2611, %swap3A_2612] {strides = array<i32>} : memref<8x256xf32, #tpu.memory_space<vmem>>, vector<1x16xf32>,
      %swap3A_2614 = vector.shape_cast %swap3A_2613 : vector<1x16xf32> to vector<16xf32>
      %swap3A_2615 = vector.shape_cast %convert_element_type3A_2609 : vector<16xf32> to vector<1x16xf32>
      tpu.vector_store %arg7[%swap3A_2611, %swap3A_2612], %swap3A_2615 {strides = array<i32>} : memref<8x256xf32, #tpu.memory_space<vmem>>, vector<1x16xf32>,
      %convert_element_type3A_2616 = arith.fptosi %get3A_2406 : vector<16xf32> to vector<16xi32>
      %convert_element_type3A_2617 = arith.sitofp %convert_element_type3A_2616 : vector<16xi32> to vector<16xf32>
      %swap3A_2618 = arith.constant 5 : i32
      %swap3A_2619 = arith.index_cast %swap3A_2618 : i32 to index
      %swap3A_2620 = arith.constant 160 : index
      %swap3A_2621 = tpu.vector_load %arg7[%swap3A_2619, %swap3A_2620] {strides = array<i32>} : memref<8x256xf32, #tpu.memory_space<vmem>>, vector<1x16xf32>,
      %swap3A_2622 = vector.shape_cast %swap3A_2621 : vector<1x16xf32> to vector<16xf32>
      %swap3A_2623 = vector.shape_cast %convert_element_type3A_2617 : vector<16xf32> to vector<1x16xf32>
      tpu.vector_store %arg7[%swap3A_2619, %swap3A_2620], %swap3A_2623 {strides = array<i32>} : memref<8x256xf32, #tpu.memory_space<vmem>>, vector<1x16xf32>,
      %jit3A_2624 = arith.constant 1.000000e+00 : f32
      %jit3A_2625 = arith.constant 0.000000e+00 : f32
      %broadcast_in_dim3A_2626 = vector.broadcast %jit3A_2624 : f32 to vector<16xf32>
      %broadcast_in_dim3A_2627 = vector.broadcast %jit3A_2625 : f32 to vector<16xf32>
      %select_n3A_2628 = arith.select %and3A_2527, %broadcast_in_dim3A_2626, %broadcast_in_dim3A_2627 : vector<16xi1>, vector<16xf32>
      %swap3A_2629 = arith.constant 6 : i32
      %swap3A_2630 = arith.index_cast %swap3A_2629 : i32 to index
      %swap3A_2631 = arith.constant 160 : index
      %swap3A_2632 = tpu.vector_load %arg7[%swap3A_2630, %swap3A_2631] {strides = array<i32>} : memref<8x256xf32, #tpu.memory_space<vmem>>, vector<1x16xf32>,
      %swap3A_2633 = vector.shape_cast %swap3A_2632 : vector<1x16xf32> to vector<16xf32>
      %swap3A_2634 = vector.shape_cast %select_n3A_2628 : vector<16xf32> to vector<1x16xf32>
      tpu.vector_store %arg7[%swap3A_2630, %swap3A_2631], %swap3A_2634 {strides = array<i32>} : memref<8x256xf32, #tpu.memory_space<vmem>>, vector<1x16xf32>,
      %broadcast_in_dim3A_2635 = arith.constant 0.000000e+00 : f32
      %broadcast_in_dim3A_2636 = vector.broadcast %broadcast_in_dim3A_2635 : f32 to vector<16xf32>
      %swap3A_2637 = arith.constant 7 : i32
      %swap3A_2638 = arith.index_cast %swap3A_2637 : i32 to index
      %swap3A_2639 = arith.constant 160 : index
      %swap3A_2640 = tpu.vector_load %arg7[%swap3A_2638, %swap3A_2639] {strides = array<i32>} : memref<8x256xf32, #tpu.memory_space<vmem>>, vector<1x16xf32>,
      %swap3A_2641 = vector.shape_cast %swap3A_2640 : vector<1x16xf32> to vector<16xf32>
      %swap3A_2642 = vector.shape_cast %broadcast_in_dim3A_2636 : vector<16xf32> to vector<1x16xf32>
      tpu.vector_store %arg7[%swap3A_2638, %swap3A_2639], %swap3A_2642 {strides = array<i32>} : memref<8x256xf32, #tpu.memory_space<vmem>>, vector<1x16xf32>,
      %get3A_2643 = arith.constant 1 : i32
      %get3A_2644 = arith.index_cast %get3A_2643 : i32 to index
      %get3A_2645 = arith.constant 176 : index
      %get3A_2646 = tpu.vector_load %arg5[%get3A_2644, %get3A_2645] {strides = array<i32>} : memref<6x256xf32, #tpu.memory_space<vmem>>, vector<1x16xf32>,
      %get3A_2647 = vector.shape_cast %get3A_2646 : vector<1x16xf32> to vector<16xf32>
      %get3A_2648 = arith.constant 2 : i32
      %get3A_2649 = arith.index_cast %get3A_2648 : i32 to index
      %get3A_2650 = arith.constant 176 : index
      %get3A_2651 = tpu.vector_load %arg5[%get3A_2649, %get3A_2650] {strides = array<i32>} : memref<6x256xf32, #tpu.memory_space<vmem>>, vector<1x16xf32>,
      %get3A_2652 = vector.shape_cast %get3A_2651 : vector<1x16xf32> to vector<16xf32>
      %get3A_2653 = arith.constant 3 : i32
      %get3A_2654 = arith.index_cast %get3A_2653 : i32 to index
      %get3A_2655 = arith.constant 176 : index
      %get3A_2656 = tpu.vector_load %arg5[%get3A_2654, %get3A_2655] {strides = array<i32>} : memref<6x256xf32, #tpu.memory_space<vmem>>, vector<1x16xf32>,
      %get3A_2657 = vector.shape_cast %get3A_2656 : vector<1x16xf32> to vector<16xf32>
      %get3A_2658 = arith.constant 4 : i32
      %get3A_2659 = arith.index_cast %get3A_2658 : i32 to index
      %get3A_2660 = arith.constant 176 : index
      %get3A_2661 = tpu.vector_load %arg5[%get3A_2659, %get3A_2660] {strides = array<i32>} : memref<6x256xf32, #tpu.memory_space<vmem>>, vector<1x16xf32>,
      %get3A_2662 = vector.shape_cast %get3A_2661 : vector<1x16xf32> to vector<16xf32>
      %get3A_2663 = arith.constant 5 : i32
      %get3A_2664 = arith.index_cast %get3A_2663 : i32 to index
      %get3A_2665 = arith.constant 176 : index
      %get3A_2666 = tpu.vector_load %arg5[%get3A_2664, %get3A_2665] {strides = array<i32>} : memref<6x256xf32, #tpu.memory_space<vmem>>, vector<1x16xf32>,
      %get3A_2667 = vector.shape_cast %get3A_2666 : vector<1x16xf32> to vector<16xf32>
      %mul3A_2668 = arith.constant 1.600000e+02 : f32
      %mul3A_2669 = vector.broadcast %mul3A_2668 : f32 to vector<16xf32>
      %mul3A_2670 = arith.mulf %get3A_2652, %mul3A_2669 : vector<16xf32>
      %mul3A_2671 = arith.constant 1.600000e+02 : f32
      %mul3A_2672 = vector.broadcast %mul3A_2671 : f32 to vector<16xf32>
      %mul3A_2673 = arith.mulf %get3A_2657, %mul3A_2672 : vector<16xf32>
      %convert_element_type3A_2674 = arith.fptosi %mul3A_2670 : vector<16xf32> to vector<16xi32>
      %convert_element_type3A_2675 = arith.fptosi %mul3A_2673 : vector<16xf32> to vector<16xi32>
      %mul3A_2676 = arith.constant 1.280000e+03 : f32
      %mul3A_2677 = vector.broadcast %mul3A_2676 : f32 to vector<16xf32>
      %mul3A_2678 = arith.mulf %get3A_2662, %mul3A_2677 : vector<16xf32>
      %div3A_2679 = arith.constant 8.000000e+00 : f32
      %div3A_2680 = vector.broadcast %div3A_2679 : f32 to vector<16xf32>
      %div3A_2681 = arith.divf %mul3A_2678, %div3A_2680 : vector<16xf32>
      %mul3A_2682 = arith.constant 1.280000e+03 : f32
      %mul3A_2683 = vector.broadcast %mul3A_2682 : f32 to vector<16xf32>
      %mul3A_2684 = arith.mulf %get3A_2667, %mul3A_2683 : vector<16xf32>
      %div3A_2685 = arith.constant 8.000000e+00 : f32
      %div3A_2686 = vector.broadcast %div3A_2685 : f32 to vector<16xf32>
      %div3A_2687 = arith.divf %mul3A_2684, %div3A_2686 : vector<16xf32>
      %div3A_2688 = arith.constant 1.250000e+00 : f32
      %div3A_2689 = vector.broadcast %div3A_2688 : f32 to vector<16xf32>
      %div3A_2690 = arith.divf %div3A_2681, %div3A_2689 : vector<16xf32>
      %add3A_2691 = arith.constant 9.99999971E-10 : f32
      %add3A_2692 = vector.broadcast %add3A_2691 : f32 to vector<16xf32>
      %add3A_2693 = arith.addf %div3A_2681, %add3A_2692 : vector<16xf32>
      %div3A_2694 = arith.constant 1.250000e+00 : f32
      %div3A_2695 = vector.broadcast %div3A_2694 : f32 to vector<16xf32>
      %div3A_2696 = arith.divf %div3A_2695, %add3A_2693 : vector<16xf32>
      %max3A_2697 = arith.maximumf %div3A_2690, %div3A_2696 : vector<16xf32>
      %div3A_2698 = arith.constant 1.625000e+00 : f32
      %div3A_2699 = vector.broadcast %div3A_2698 : f32 to vector<16xf32>
      %div3A_2700 = arith.divf %div3A_2687, %div3A_2699 : vector<16xf32>
      %add3A_2701 = arith.constant 9.99999971E-10 : f32
      %add3A_2702 = vector.broadcast %add3A_2701 : f32 to vector<16xf32>
      %add3A_2703 = arith.addf %div3A_2687, %add3A_2702 : vector<16xf32>
      %div3A_2704 = arith.constant 1.625000e+00 : f32
      %div3A_2705 = vector.broadcast %div3A_2704 : f32 to vector<16xf32>
      %div3A_2706 = arith.divf %div3A_2705, %add3A_2703 : vector<16xf32>
      %max3A_2707 = arith.maximumf %div3A_2700, %div3A_2706 : vector<16xf32>
      %max3A_2708 = arith.maximumf %max3A_2697, %max3A_2707 : vector<16xf32>
      %div3A_2709 = arith.constant 2.000000e+00 : f32
      %div3A_2710 = vector.broadcast %div3A_2709 : f32 to vector<16xf32>
      %div3A_2711 = arith.divf %div3A_2681, %div3A_2710 : vector<16xf32>
      %add3A_2712 = arith.constant 9.99999971E-10 : f32
      %add3A_2713 = vector.broadcast %add3A_2712 : f32 to vector<16xf32>
      %add3A_2714 = arith.addf %div3A_2681, %add3A_2713 : vector<16xf32>
      %div3A_2715 = arith.constant 2.000000e+00 : f32
      %div3A_2716 = vector.broadcast %div3A_2715 : f32 to vector<16xf32>
      %div3A_2717 = arith.divf %div3A_2716, %add3A_2714 : vector<16xf32>
      %max3A_2718 = arith.maximumf %div3A_2711, %div3A_2717 : vector<16xf32>
      %div3A_2719 = arith.constant 3.750000e+00 : f32
      %div3A_2720 = vector.broadcast %div3A_2719 : f32 to vector<16xf32>
      %div3A_2721 = arith.divf %div3A_2687, %div3A_2720 : vector<16xf32>
      %add3A_2722 = arith.constant 9.99999971E-10 : f32
      %add3A_2723 = vector.broadcast %add3A_2722 : f32 to vector<16xf32>
      %add3A_2724 = arith.addf %div3A_2687, %add3A_2723 : vector<16xf32>
      %div3A_2725 = arith.constant 3.750000e+00 : f32
      %div3A_2726 = vector.broadcast %div3A_2725 : f32 to vector<16xf32>
      %div3A_2727 = arith.divf %div3A_2726, %add3A_2724 : vector<16xf32>
      %max3A_2728 = arith.maximumf %div3A_2721, %div3A_2727 : vector<16xf32>
      %max3A_2729 = arith.maximumf %max3A_2718, %max3A_2728 : vector<16xf32>
      %div3A_2730 = arith.constant 4.125000e+00 : f32
      %div3A_2731 = vector.broadcast %div3A_2730 : f32 to vector<16xf32>
      %div3A_2732 = arith.divf %div3A_2681, %div3A_2731 : vector<16xf32>
      %add3A_2733 = arith.constant 9.99999971E-10 : f32
      %add3A_2734 = vector.broadcast %add3A_2733 : f32 to vector<16xf32>
      %add3A_2735 = arith.addf %div3A_2681, %add3A_2734 : vector<16xf32>
      %div3A_2736 = arith.constant 4.125000e+00 : f32
      %div3A_2737 = vector.broadcast %div3A_2736 : f32 to vector<16xf32>
      %div3A_2738 = arith.divf %div3A_2737, %add3A_2735 : vector<16xf32>
      %max3A_2739 = arith.maximumf %div3A_2732, %div3A_2738 : vector<16xf32>
      %div3A_2740 = arith.constant 2.875000e+00 : f32
      %div3A_2741 = vector.broadcast %div3A_2740 : f32 to vector<16xf32>
      %div3A_2742 = arith.divf %div3A_2687, %div3A_2741 : vector<16xf32>
      %add3A_2743 = arith.constant 9.99999971E-10 : f32
      %add3A_2744 = vector.broadcast %add3A_2743 : f32 to vector<16xf32>
      %add3A_2745 = arith.addf %div3A_2687, %add3A_2744 : vector<16xf32>
      %div3A_2746 = arith.constant 2.875000e+00 : f32
      %div3A_2747 = vector.broadcast %div3A_2746 : f32 to vector<16xf32>
      %div3A_2748 = arith.divf %div3A_2747, %add3A_2745 : vector<16xf32>
      %max3A_2749 = arith.maximumf %div3A_2742, %div3A_2748 : vector<16xf32>
      %max3A_2750 = arith.maximumf %max3A_2739, %max3A_2749 : vector<16xf32>
      %lt3A_2751 = arith.cmpf olt, %max3A_2729, %max3A_2708 : vector<16xf32>
      %min3A_2752 = arith.minimumf %max3A_2708, %max3A_2729 : vector<16xf32>
      %lt3A_2753 = arith.cmpf olt, %max3A_2750, %min3A_2752 : vector<16xf32>
      %jit3A_2754 = arith.constant 1 : i32
      %jit3A_2755 = arith.constant 0 : i32
      %broadcast_in_dim3A_2756 = vector.broadcast %jit3A_2754 : i32 to vector<16xi32>
      %broadcast_in_dim3A_2757 = vector.broadcast %jit3A_2755 : i32 to vector<16xi32>
      %select_n3A_2758 = arith.select %lt3A_2751, %broadcast_in_dim3A_2756, %broadcast_in_dim3A_2757 : vector<16xi1>, vector<16xi32>
      %jit3A_2759 = arith.constant 2 : i32
      %broadcast_in_dim3A_2760 = vector.broadcast %jit3A_2759 : i32 to vector<16xi32>
      %select_n3A_2761 = arith.select %lt3A_2753, %broadcast_in_dim3A_2760, %select_n3A_2758 : vector<16xi1>, vector<16xi32>
      %lt3A_2762 = arith.constant 160 : i32
      %lt3A_2763 = vector.broadcast %lt3A_2762 : i32 to vector<16xi32>
      %lt3A_2764 = arith.cmpi slt, %convert_element_type3A_2675, %lt3A_2763 : vector<16xi32>
      %lt3A_2765 = arith.constant 160 : i32
      %lt3A_2766 = vector.broadcast %lt3A_2765 : i32 to vector<16xi32>
      %lt3A_2767 = arith.cmpi slt, %convert_element_type3A_2674, %lt3A_2766 : vector<16xi32>
      %and3A_2768 = arith.andi %lt3A_2764, %lt3A_2767 : vector<16xi1>
      %mul3A_2769 = arith.constant 25600 : i32
      %mul3A_2770 = vector.broadcast %mul3A_2769 : i32 to vector<16xi32>
      %mul3A_2771 = arith.muli %select_n3A_2761, %mul3A_2770 : vector<16xi32>
      %mul3A_2772 = arith.constant 160 : i32
      %mul3A_2773 = vector.broadcast %mul3A_2772 : i32 to vector<16xi32>
      %mul3A_2774 = arith.muli %convert_element_type3A_2675, %mul3A_2773 : vector<16xi32>
      %add3A_2775 = arith.addi %mul3A_2771, %mul3A_2774 : vector<16xi32>
      %add3A_2776 = arith.addi %add3A_2775, %convert_element_type3A_2674 : vector<16xi32>
      %jit3A_2777 = arith.constant 0 : i32
      %broadcast_in_dim3A_2778 = vector.broadcast %jit3A_2777 : i32 to vector<16xi32>
      %select_n3A_2779 = arith.select %and3A_2768, %add3A_2776, %broadcast_in_dim3A_2778 : vector<16xi1>, vector<16xi32>
      %swap3A_2780 = arith.constant 1 : i32
      %swap3A_2781 = arith.index_cast %swap3A_2780 : i32 to index
      %swap3A_2782 = arith.constant 48 : index
      %swap3A_2783 = tpu.vector_load %arg6[%swap3A_2781, %swap3A_2782] {strides = array<i32>} : memref<2x128xi32, #tpu.memory_space<vmem>>, vector<1x16xi32>,
      %swap3A_2784 = vector.shape_cast %swap3A_2783 : vector<1x16xi32> to vector<16xi32>
      %swap3A_2785 = vector.shape_cast %select_n3A_2779 : vector<16xi32> to vector<1x16xi32>
      tpu.vector_store %arg6[%swap3A_2781, %swap3A_2782], %swap3A_2785 {strides = array<i32>} : memref<2x128xi32, #tpu.memory_space<vmem>>, vector<1x16xi32>,
      %eq3A_2786 = arith.constant 0 : i32
      %eq3A_2787 = vector.broadcast %eq3A_2786 : i32 to vector<16xi32>
      %eq3A_2788 = arith.cmpi eq, %select_n3A_2761, %eq3A_2787 : vector<16xi32>
      %eq3A_2789 = arith.constant 1 : i32
      %eq3A_2790 = vector.broadcast %eq3A_2789 : i32 to vector<16xi32>
      %eq3A_2791 = arith.cmpi eq, %select_n3A_2761, %eq3A_2790 : vector<16xi32>
      %jit3A_2792 = arith.constant 1.600000e+01 : f32
      %jit3A_2793 = arith.constant 3.300000e+01 : f32
      %broadcast_in_dim3A_2794 = vector.broadcast %jit3A_2792 : f32 to vector<16xf32>
      %broadcast_in_dim3A_2795 = vector.broadcast %jit3A_2793 : f32 to vector<16xf32>
      %select_n3A_2796 = arith.select %eq3A_2791, %broadcast_in_dim3A_2794, %broadcast_in_dim3A_2795 : vector<16xi1>, vector<16xf32>
      %jit3A_2797 = arith.constant 1.000000e+01 : f32
      %broadcast_in_dim3A_2798 = vector.broadcast %jit3A_2797 : f32 to vector<16xf32>
      %select_n3A_2799 = arith.select %eq3A_2788, %broadcast_in_dim3A_2798, %select_n3A_2796 : vector<16xi1>, vector<16xf32>
      %eq3A_2800 = arith.constant 0 : i32
      %eq3A_2801 = vector.broadcast %eq3A_2800 : i32 to vector<16xi32>
      %eq3A_2802 = arith.cmpi eq, %select_n3A_2761, %eq3A_2801 : vector<16xi32>
      %eq3A_2803 = arith.constant 1 : i32
      %eq3A_2804 = vector.broadcast %eq3A_2803 : i32 to vector<16xi32>
      %eq3A_2805 = arith.cmpi eq, %select_n3A_2761, %eq3A_2804 : vector<16xi32>
      %jit3A_2806 = arith.constant 3.000000e+01 : f32
      %jit3A_2807 = arith.constant 2.300000e+01 : f32
      %broadcast_in_dim3A_2808 = vector.broadcast %jit3A_2806 : f32 to vector<16xf32>
      %broadcast_in_dim3A_2809 = vector.broadcast %jit3A_2807 : f32 to vector<16xf32>
      %select_n3A_2810 = arith.select %eq3A_2805, %broadcast_in_dim3A_2808, %broadcast_in_dim3A_2809 : vector<16xi1>, vector<16xf32>
      %jit3A_2811 = arith.constant 1.300000e+01 : f32
      %broadcast_in_dim3A_2812 = vector.broadcast %jit3A_2811 : f32 to vector<16xf32>
      %select_n3A_2813 = arith.select %eq3A_2802, %broadcast_in_dim3A_2812, %select_n3A_2810 : vector<16xi1>, vector<16xf32>
      %convert_element_type3A_2814 = arith.sitofp %convert_element_type3A_2674 : vector<16xi32> to vector<16xf32>
      %sub3A_2815 = arith.subf %mul3A_2670, %convert_element_type3A_2814 : vector<16xf32>
      %swap3A_2816 = arith.constant 0 : i32
      %swap3A_2817 = arith.index_cast %swap3A_2816 : i32 to index
      %swap3A_2818 = arith.constant 176 : index
      %swap3A_2819 = tpu.vector_load %arg7[%swap3A_2817, %swap3A_2818] {strides = array<i32>} : memref<8x256xf32, #tpu.memory_space<vmem>>, vector<1x16xf32>,
      %swap3A_2820 = vector.shape_cast %swap3A_2819 : vector<1x16xf32> to vector<16xf32>
      %swap3A_2821 = vector.shape_cast %sub3A_2815 : vector<16xf32> to vector<1x16xf32>
      tpu.vector_store %arg7[%swap3A_2817, %swap3A_2818], %swap3A_2821 {strides = array<i32>} : memref<8x256xf32, #tpu.memory_space<vmem>>, vector<1x16xf32>,
      %convert_element_type3A_2822 = arith.sitofp %convert_element_type3A_2675 : vector<16xi32> to vector<16xf32>
      %sub3A_2823 = arith.subf %mul3A_2673, %convert_element_type3A_2822 : vector<16xf32>
      %swap3A_2824 = arith.constant 1 : i32
      %swap3A_2825 = arith.index_cast %swap3A_2824 : i32 to index
      %swap3A_2826 = arith.constant 176 : index
      %swap3A_2827 = tpu.vector_load %arg7[%swap3A_2825, %swap3A_2826] {strides = array<i32>} : memref<8x256xf32, #tpu.memory_space<vmem>>, vector<1x16xf32>,
      %swap3A_2828 = vector.shape_cast %swap3A_2827 : vector<1x16xf32> to vector<16xf32>
      %swap3A_2829 = vector.shape_cast %sub3A_2823 : vector<16xf32> to vector<1x16xf32>
      tpu.vector_store %arg7[%swap3A_2825, %swap3A_2826], %swap3A_2829 {strides = array<i32>} : memref<8x256xf32, #tpu.memory_space<vmem>>, vector<1x16xf32>,
      %mul3A_2830 = arith.constant 1.280000e+03 : f32
      %mul3A_2831 = vector.broadcast %mul3A_2830 : f32 to vector<16xf32>
      %mul3A_2832 = arith.mulf %get3A_2662, %mul3A_2831 : vector<16xf32>
      %div3A_2833 = arith.divf %mul3A_2832, %select_n3A_2799 : vector<16xf32>
      %swap3A_2834 = arith.constant 2 : i32
      %swap3A_2835 = arith.index_cast %swap3A_2834 : i32 to index
      %swap3A_2836 = arith.constant 176 : index
      %swap3A_2837 = tpu.vector_load %arg7[%swap3A_2835, %swap3A_2836] {strides = array<i32>} : memref<8x256xf32, #tpu.memory_space<vmem>>, vector<1x16xf32>,
      %swap3A_2838 = vector.shape_cast %swap3A_2837 : vector<1x16xf32> to vector<16xf32>
      %swap3A_2839 = vector.shape_cast %div3A_2833 : vector<16xf32> to vector<1x16xf32>
      tpu.vector_store %arg7[%swap3A_2835, %swap3A_2836], %swap3A_2839 {strides = array<i32>} : memref<8x256xf32, #tpu.memory_space<vmem>>, vector<1x16xf32>,
      %mul3A_2840 = arith.constant 1.280000e+03 : f32
      %mul3A_2841 = vector.broadcast %mul3A_2840 : f32 to vector<16xf32>
      %mul3A_2842 = arith.mulf %get3A_2667, %mul3A_2841 : vector<16xf32>
      %div3A_2843 = arith.divf %mul3A_2842, %select_n3A_2813 : vector<16xf32>
      %swap3A_2844 = arith.constant 3 : i32
      %swap3A_2845 = arith.index_cast %swap3A_2844 : i32 to index
      %swap3A_2846 = arith.constant 176 : index
      %swap3A_2847 = tpu.vector_load %arg7[%swap3A_2845, %swap3A_2846] {strides = array<i32>} : memref<8x256xf32, #tpu.memory_space<vmem>>, vector<1x16xf32>,
      %swap3A_2848 = vector.shape_cast %swap3A_2847 : vector<1x16xf32> to vector<16xf32>
      %swap3A_2849 = vector.shape_cast %div3A_2843 : vector<16xf32> to vector<1x16xf32>
      tpu.vector_store %arg7[%swap3A_2845, %swap3A_2846], %swap3A_2849 {strides = array<i32>} : memref<8x256xf32, #tpu.memory_space<vmem>>, vector<1x16xf32>,
      %convert_element_type3A_2850 = arith.sitofp %add3A_2776 : vector<16xi32> to vector<16xf32>
      %swap3A_2851 = arith.constant 4 : i32
      %swap3A_2852 = arith.index_cast %swap3A_2851 : i32 to index
      %swap3A_2853 = arith.constant 176 : index
      %swap3A_2854 = tpu.vector_load %arg7[%swap3A_2852, %swap3A_2853] {strides = array<i32>} : memref<8x256xf32, #tpu.memory_space<vmem>>, vector<1x16xf32>,
      %swap3A_2855 = vector.shape_cast %swap3A_2854 : vector<1x16xf32> to vector<16xf32>
      %swap3A_2856 = vector.shape_cast %convert_element_type3A_2850 : vector<16xf32> to vector<1x16xf32>
      tpu.vector_store %arg7[%swap3A_2852, %swap3A_2853], %swap3A_2856 {strides = array<i32>} : memref<8x256xf32, #tpu.memory_space<vmem>>, vector<1x16xf32>,
      %convert_element_type3A_2857 = arith.fptosi %get3A_2647 : vector<16xf32> to vector<16xi32>
      %convert_element_type3A_2858 = arith.sitofp %convert_element_type3A_2857 : vector<16xi32> to vector<16xf32>
      %swap3A_2859 = arith.constant 5 : i32
      %swap3A_2860 = arith.index_cast %swap3A_2859 : i32 to index
      %swap3A_2861 = arith.constant 176 : index
      %swap3A_2862 = tpu.vector_load %arg7[%swap3A_2860, %swap3A_2861] {strides = array<i32>} : memref<8x256xf32, #tpu.memory_space<vmem>>, vector<1x16xf32>,
      %swap3A_2863 = vector.shape_cast %swap3A_2862 : vector<1x16xf32> to vector<16xf32>
      %swap3A_2864 = vector.shape_cast %convert_element_type3A_2858 : vector<16xf32> to vector<1x16xf32>
      tpu.vector_store %arg7[%swap3A_2860, %swap3A_2861], %swap3A_2864 {strides = array<i32>} : memref<8x256xf32, #tpu.memory_space<vmem>>, vector<1x16xf32>,
      %jit3A_2865 = arith.constant 1.000000e+00 : f32
      %jit3A_2866 = arith.constant 0.000000e+00 : f32
      %broadcast_in_dim3A_2867 = vector.broadcast %jit3A_2865 : f32 to vector<16xf32>
      %broadcast_in_dim3A_2868 = vector.broadcast %jit3A_2866 : f32 to vector<16xf32>
      %select_n3A_2869 = arith.select %and3A_2768, %broadcast_in_dim3A_2867, %broadcast_in_dim3A_2868 : vector<16xi1>, vector<16xf32>
      %swap3A_2870 = arith.constant 6 : i32
      %swap3A_2871 = arith.index_cast %swap3A_2870 : i32 to index
      %swap3A_2872 = arith.constant 176 : index
      %swap3A_2873 = tpu.vector_load %arg7[%swap3A_2871, %swap3A_2872] {strides = array<i32>} : memref<8x256xf32, #tpu.memory_space<vmem>>, vector<1x16xf32>,
      %swap3A_2874 = vector.shape_cast %swap3A_2873 : vector<1x16xf32> to vector<16xf32>
      %swap3A_2875 = vector.shape_cast %select_n3A_2869 : vector<16xf32> to vector<1x16xf32>
      tpu.vector_store %arg7[%swap3A_2871, %swap3A_2872], %swap3A_2875 {strides = array<i32>} : memref<8x256xf32, #tpu.memory_space<vmem>>, vector<1x16xf32>,
      %broadcast_in_dim3A_2876 = arith.constant 0.000000e+00 : f32
      %broadcast_in_dim3A_2877 = vector.broadcast %broadcast_in_dim3A_2876 : f32 to vector<16xf32>
      %swap3A_2878 = arith.constant 7 : i32
      %swap3A_2879 = arith.index_cast %swap3A_2878 : i32 to index
      %swap3A_2880 = arith.constant 176 : index
      %swap3A_2881 = tpu.vector_load %arg7[%swap3A_2879, %swap3A_2880] {strides = array<i32>} : memref<8x256xf32, #tpu.memory_space<vmem>>, vector<1x16xf32>,
      %swap3A_2882 = vector.shape_cast %swap3A_2881 : vector<1x16xf32> to vector<16xf32>
      %swap3A_2883 = vector.shape_cast %broadcast_in_dim3A_2877 : vector<16xf32> to vector<1x16xf32>
      tpu.vector_store %arg7[%swap3A_2879, %swap3A_2880], %swap3A_2883 {strides = array<i32>} : memref<8x256xf32, #tpu.memory_space<vmem>>, vector<1x16xf32>,
      %get3A_2884 = arith.constant 1 : i32
      %get3A_2885 = arith.index_cast %get3A_2884 : i32 to index
      %get3A_2886 = arith.constant 192 : index
      %get3A_2887 = tpu.vector_load %arg5[%get3A_2885, %get3A_2886] {strides = array<i32>} : memref<6x256xf32, #tpu.memory_space<vmem>>, vector<1x16xf32>,
      %get3A_2888 = vector.shape_cast %get3A_2887 : vector<1x16xf32> to vector<16xf32>
      %get3A_2889 = arith.constant 2 : i32
      %get3A_2890 = arith.index_cast %get3A_2889 : i32 to index
      %get3A_2891 = arith.constant 192 : index
      %get3A_2892 = tpu.vector_load %arg5[%get3A_2890, %get3A_2891] {strides = array<i32>} : memref<6x256xf32, #tpu.memory_space<vmem>>, vector<1x16xf32>,
      %get3A_2893 = vector.shape_cast %get3A_2892 : vector<1x16xf32> to vector<16xf32>
      %get3A_2894 = arith.constant 3 : i32
      %get3A_2895 = arith.index_cast %get3A_2894 : i32 to index
      %get3A_2896 = arith.constant 192 : index
      %get3A_2897 = tpu.vector_load %arg5[%get3A_2895, %get3A_2896] {strides = array<i32>} : memref<6x256xf32, #tpu.memory_space<vmem>>, vector<1x16xf32>,
      %get3A_2898 = vector.shape_cast %get3A_2897 : vector<1x16xf32> to vector<16xf32>
      %get3A_2899 = arith.constant 4 : i32
      %get3A_2900 = arith.index_cast %get3A_2899 : i32 to index
      %get3A_2901 = arith.constant 192 : index
      %get3A_2902 = tpu.vector_load %arg5[%get3A_2900, %get3A_2901] {strides = array<i32>} : memref<6x256xf32, #tpu.memory_space<vmem>>, vector<1x16xf32>,
      %get3A_2903 = vector.shape_cast %get3A_2902 : vector<1x16xf32> to vector<16xf32>
      %get3A_2904 = arith.constant 5 : i32
      %get3A_2905 = arith.index_cast %get3A_2904 : i32 to index
      %get3A_2906 = arith.constant 192 : index
      %get3A_2907 = tpu.vector_load %arg5[%get3A_2905, %get3A_2906] {strides = array<i32>} : memref<6x256xf32, #tpu.memory_space<vmem>>, vector<1x16xf32>,
      %get3A_2908 = vector.shape_cast %get3A_2907 : vector<1x16xf32> to vector<16xf32>
      %mul3A_2909 = arith.constant 1.600000e+02 : f32
      %mul3A_2910 = vector.broadcast %mul3A_2909 : f32 to vector<16xf32>
      %mul3A_2911 = arith.mulf %get3A_2893, %mul3A_2910 : vector<16xf32>
      %mul3A_2912 = arith.constant 1.600000e+02 : f32
      %mul3A_2913 = vector.broadcast %mul3A_2912 : f32 to vector<16xf32>
      %mul3A_2914 = arith.mulf %get3A_2898, %mul3A_2913 : vector<16xf32>
      %convert_element_type3A_2915 = arith.fptosi %mul3A_2911 : vector<16xf32> to vector<16xi32>
      %convert_element_type3A_2916 = arith.fptosi %mul3A_2914 : vector<16xf32> to vector<16xi32>
      %mul3A_2917 = arith.constant 1.280000e+03 : f32
      %mul3A_2918 = vector.broadcast %mul3A_2917 : f32 to vector<16xf32>
      %mul3A_2919 = arith.mulf %get3A_2903, %mul3A_2918 : vector<16xf32>
      %div3A_2920 = arith.constant 8.000000e+00 : f32
      %div3A_2921 = vector.broadcast %div3A_2920 : f32 to vector<16xf32>
      %div3A_2922 = arith.divf %mul3A_2919, %div3A_2921 : vector<16xf32>
      %mul3A_2923 = arith.constant 1.280000e+03 : f32
      %mul3A_2924 = vector.broadcast %mul3A_2923 : f32 to vector<16xf32>
      %mul3A_2925 = arith.mulf %get3A_2908, %mul3A_2924 : vector<16xf32>
      %div3A_2926 = arith.constant 8.000000e+00 : f32
      %div3A_2927 = vector.broadcast %div3A_2926 : f32 to vector<16xf32>
      %div3A_2928 = arith.divf %mul3A_2925, %div3A_2927 : vector<16xf32>
      %div3A_2929 = arith.constant 1.250000e+00 : f32
      %div3A_2930 = vector.broadcast %div3A_2929 : f32 to vector<16xf32>
      %div3A_2931 = arith.divf %div3A_2922, %div3A_2930 : vector<16xf32>
      %add3A_2932 = arith.constant 9.99999971E-10 : f32
      %add3A_2933 = vector.broadcast %add3A_2932 : f32 to vector<16xf32>
      %add3A_2934 = arith.addf %div3A_2922, %add3A_2933 : vector<16xf32>
      %div3A_2935 = arith.constant 1.250000e+00 : f32
      %div3A_2936 = vector.broadcast %div3A_2935 : f32 to vector<16xf32>
      %div3A_2937 = arith.divf %div3A_2936, %add3A_2934 : vector<16xf32>
      %max3A_2938 = arith.maximumf %div3A_2931, %div3A_2937 : vector<16xf32>
      %div3A_2939 = arith.constant 1.625000e+00 : f32
      %div3A_2940 = vector.broadcast %div3A_2939 : f32 to vector<16xf32>
      %div3A_2941 = arith.divf %div3A_2928, %div3A_2940 : vector<16xf32>
      %add3A_2942 = arith.constant 9.99999971E-10 : f32
      %add3A_2943 = vector.broadcast %add3A_2942 : f32 to vector<16xf32>
      %add3A_2944 = arith.addf %div3A_2928, %add3A_2943 : vector<16xf32>
      %div3A_2945 = arith.constant 1.625000e+00 : f32
      %div3A_2946 = vector.broadcast %div3A_2945 : f32 to vector<16xf32>
      %div3A_2947 = arith.divf %div3A_2946, %add3A_2944 : vector<16xf32>
      %max3A_2948 = arith.maximumf %div3A_2941, %div3A_2947 : vector<16xf32>
      %max3A_2949 = arith.maximumf %max3A_2938, %max3A_2948 : vector<16xf32>
      %div3A_2950 = arith.constant 2.000000e+00 : f32
      %div3A_2951 = vector.broadcast %div3A_2950 : f32 to vector<16xf32>
      %div3A_2952 = arith.divf %div3A_2922, %div3A_2951 : vector<16xf32>
      %add3A_2953 = arith.constant 9.99999971E-10 : f32
      %add3A_2954 = vector.broadcast %add3A_2953 : f32 to vector<16xf32>
      %add3A_2955 = arith.addf %div3A_2922, %add3A_2954 : vector<16xf32>
      %div3A_2956 = arith.constant 2.000000e+00 : f32
      %div3A_2957 = vector.broadcast %div3A_2956 : f32 to vector<16xf32>
      %div3A_2958 = arith.divf %div3A_2957, %add3A_2955 : vector<16xf32>
      %max3A_2959 = arith.maximumf %div3A_2952, %div3A_2958 : vector<16xf32>
      %div3A_2960 = arith.constant 3.750000e+00 : f32
      %div3A_2961 = vector.broadcast %div3A_2960 : f32 to vector<16xf32>
      %div3A_2962 = arith.divf %div3A_2928, %div3A_2961 : vector<16xf32>
      %add3A_2963 = arith.constant 9.99999971E-10 : f32
      %add3A_2964 = vector.broadcast %add3A_2963 : f32 to vector<16xf32>
      %add3A_2965 = arith.addf %div3A_2928, %add3A_2964 : vector<16xf32>
      %div3A_2966 = arith.constant 3.750000e+00 : f32
      %div3A_2967 = vector.broadcast %div3A_2966 : f32 to vector<16xf32>
      %div3A_2968 = arith.divf %div3A_2967, %add3A_2965 : vector<16xf32>
      %max3A_2969 = arith.maximumf %div3A_2962, %div3A_2968 : vector<16xf32>
      %max3A_2970 = arith.maximumf %max3A_2959, %max3A_2969 : vector<16xf32>
      %div3A_2971 = arith.constant 4.125000e+00 : f32
      %div3A_2972 = vector.broadcast %div3A_2971 : f32 to vector<16xf32>
      %div3A_2973 = arith.divf %div3A_2922, %div3A_2972 : vector<16xf32>
      %add3A_2974 = arith.constant 9.99999971E-10 : f32
      %add3A_2975 = vector.broadcast %add3A_2974 : f32 to vector<16xf32>
      %add3A_2976 = arith.addf %div3A_2922, %add3A_2975 : vector<16xf32>
      %div3A_2977 = arith.constant 4.125000e+00 : f32
      %div3A_2978 = vector.broadcast %div3A_2977 : f32 to vector<16xf32>
      %div3A_2979 = arith.divf %div3A_2978, %add3A_2976 : vector<16xf32>
      %max3A_2980 = arith.maximumf %div3A_2973, %div3A_2979 : vector<16xf32>
      %div3A_2981 = arith.constant 2.875000e+00 : f32
      %div3A_2982 = vector.broadcast %div3A_2981 : f32 to vector<16xf32>
      %div3A_2983 = arith.divf %div3A_2928, %div3A_2982 : vector<16xf32>
      %add3A_2984 = arith.constant 9.99999971E-10 : f32
      %add3A_2985 = vector.broadcast %add3A_2984 : f32 to vector<16xf32>
      %add3A_2986 = arith.addf %div3A_2928, %add3A_2985 : vector<16xf32>
      %div3A_2987 = arith.constant 2.875000e+00 : f32
      %div3A_2988 = vector.broadcast %div3A_2987 : f32 to vector<16xf32>
      %div3A_2989 = arith.divf %div3A_2988, %add3A_2986 : vector<16xf32>
      %max3A_2990 = arith.maximumf %div3A_2983, %div3A_2989 : vector<16xf32>
      %max3A_2991 = arith.maximumf %max3A_2980, %max3A_2990 : vector<16xf32>
      %lt3A_2992 = arith.cmpf olt, %max3A_2970, %max3A_2949 : vector<16xf32>
      %min3A_2993 = arith.minimumf %max3A_2949, %max3A_2970 : vector<16xf32>
      %lt3A_2994 = arith.cmpf olt, %max3A_2991, %min3A_2993 : vector<16xf32>
      %jit3A_2995 = arith.constant 1 : i32
      %jit3A_2996 = arith.constant 0 : i32
      %broadcast_in_dim3A_2997 = vector.broadcast %jit3A_2995 : i32 to vector<16xi32>
      %broadcast_in_dim3A_2998 = vector.broadcast %jit3A_2996 : i32 to vector<16xi32>
      %select_n3A_2999 = arith.select %lt3A_2992, %broadcast_in_dim3A_2997, %broadcast_in_dim3A_2998 : vector<16xi1>, vector<16xi32>
      %jit3A_3000 = arith.constant 2 : i32
      %broadcast_in_dim3A_3001 = vector.broadcast %jit3A_3000 : i32 to vector<16xi32>
      %select_n3A_3002 = arith.select %lt3A_2994, %broadcast_in_dim3A_3001, %select_n3A_2999 : vector<16xi1>, vector<16xi32>
      %lt3A_3003 = arith.constant 160 : i32
      %lt3A_3004 = vector.broadcast %lt3A_3003 : i32 to vector<16xi32>
      %lt3A_3005 = arith.cmpi slt, %convert_element_type3A_2916, %lt3A_3004 : vector<16xi32>
      %lt3A_3006 = arith.constant 160 : i32
      %lt3A_3007 = vector.broadcast %lt3A_3006 : i32 to vector<16xi32>
      %lt3A_3008 = arith.cmpi slt, %convert_element_type3A_2915, %lt3A_3007 : vector<16xi32>
      %and3A_3009 = arith.andi %lt3A_3005, %lt3A_3008 : vector<16xi1>
      %mul3A_3010 = arith.constant 25600 : i32
      %mul3A_3011 = vector.broadcast %mul3A_3010 : i32 to vector<16xi32>
      %mul3A_3012 = arith.muli %select_n3A_3002, %mul3A_3011 : vector<16xi32>
      %mul3A_3013 = arith.constant 160 : i32
      %mul3A_3014 = vector.broadcast %mul3A_3013 : i32 to vector<16xi32>
      %mul3A_3015 = arith.muli %convert_element_type3A_2916, %mul3A_3014 : vector<16xi32>
      %add3A_3016 = arith.addi %mul3A_3012, %mul3A_3015 : vector<16xi32>
      %add3A_3017 = arith.addi %add3A_3016, %convert_element_type3A_2915 : vector<16xi32>
      %jit3A_3018 = arith.constant 0 : i32
      %broadcast_in_dim3A_3019 = vector.broadcast %jit3A_3018 : i32 to vector<16xi32>
      %select_n3A_3020 = arith.select %and3A_3009, %add3A_3017, %broadcast_in_dim3A_3019 : vector<16xi1>, vector<16xi32>
      %swap3A_3021 = arith.constant 1 : i32
      %swap3A_3022 = arith.index_cast %swap3A_3021 : i32 to index
      %swap3A_3023 = arith.constant 64 : index
      %swap3A_3024 = tpu.vector_load %arg6[%swap3A_3022, %swap3A_3023] {strides = array<i32>} : memref<2x128xi32, #tpu.memory_space<vmem>>, vector<1x16xi32>,
      %swap3A_3025 = vector.shape_cast %swap3A_3024 : vector<1x16xi32> to vector<16xi32>
      %swap3A_3026 = vector.shape_cast %select_n3A_3020 : vector<16xi32> to vector<1x16xi32>
      tpu.vector_store %arg6[%swap3A_3022, %swap3A_3023], %swap3A_3026 {strides = array<i32>} : memref<2x128xi32, #tpu.memory_space<vmem>>, vector<1x16xi32>,
      %eq3A_3027 = arith.constant 0 : i32
      %eq3A_3028 = vector.broadcast %eq3A_3027 : i32 to vector<16xi32>
      %eq3A_3029 = arith.cmpi eq, %select_n3A_3002, %eq3A_3028 : vector<16xi32>
      %eq3A_3030 = arith.constant 1 : i32
      %eq3A_3031 = vector.broadcast %eq3A_3030 : i32 to vector<16xi32>
      %eq3A_3032 = arith.cmpi eq, %select_n3A_3002, %eq3A_3031 : vector<16xi32>
      %jit3A_3033 = arith.constant 1.600000e+01 : f32
      %jit3A_3034 = arith.constant 3.300000e+01 : f32
      %broadcast_in_dim3A_3035 = vector.broadcast %jit3A_3033 : f32 to vector<16xf32>
      %broadcast_in_dim3A_3036 = vector.broadcast %jit3A_3034 : f32 to vector<16xf32>
      %select_n3A_3037 = arith.select %eq3A_3032, %broadcast_in_dim3A_3035, %broadcast_in_dim3A_3036 : vector<16xi1>, vector<16xf32>
      %jit3A_3038 = arith.constant 1.000000e+01 : f32
      %broadcast_in_dim3A_3039 = vector.broadcast %jit3A_3038 : f32 to vector<16xf32>
      %select_n3A_3040 = arith.select %eq3A_3029, %broadcast_in_dim3A_3039, %select_n3A_3037 : vector<16xi1>, vector<16xf32>
      %eq3A_3041 = arith.constant 0 : i32
      %eq3A_3042 = vector.broadcast %eq3A_3041 : i32 to vector<16xi32>
      %eq3A_3043 = arith.cmpi eq, %select_n3A_3002, %eq3A_3042 : vector<16xi32>
      %eq3A_3044 = arith.constant 1 : i32
      %eq3A_3045 = vector.broadcast %eq3A_3044 : i32 to vector<16xi32>
      %eq3A_3046 = arith.cmpi eq, %select_n3A_3002, %eq3A_3045 : vector<16xi32>
      %jit3A_3047 = arith.constant 3.000000e+01 : f32
      %jit3A_3048 = arith.constant 2.300000e+01 : f32
      %broadcast_in_dim3A_3049 = vector.broadcast %jit3A_3047 : f32 to vector<16xf32>
      %broadcast_in_dim3A_3050 = vector.broadcast %jit3A_3048 : f32 to vector<16xf32>
      %select_n3A_3051 = arith.select %eq3A_3046, %broadcast_in_dim3A_3049, %broadcast_in_dim3A_3050 : vector<16xi1>, vector<16xf32>
      %jit3A_3052 = arith.constant 1.300000e+01 : f32
      %broadcast_in_dim3A_3053 = vector.broadcast %jit3A_3052 : f32 to vector<16xf32>
      %select_n3A_3054 = arith.select %eq3A_3043, %broadcast_in_dim3A_3053, %select_n3A_3051 : vector<16xi1>, vector<16xf32>
      %convert_element_type3A_3055 = arith.sitofp %convert_element_type3A_2915 : vector<16xi32> to vector<16xf32>
      %sub3A_3056 = arith.subf %mul3A_2911, %convert_element_type3A_3055 : vector<16xf32>
      %swap3A_3057 = arith.constant 0 : i32
      %swap3A_3058 = arith.index_cast %swap3A_3057 : i32 to index
      %swap3A_3059 = arith.constant 192 : index
      %swap3A_3060 = tpu.vector_load %arg7[%swap3A_3058, %swap3A_3059] {strides = array<i32>} : memref<8x256xf32, #tpu.memory_space<vmem>>, vector<1x16xf32>,
      %swap3A_3061 = vector.shape_cast %swap3A_3060 : vector<1x16xf32> to vector<16xf32>
      %swap3A_3062 = vector.shape_cast %sub3A_3056 : vector<16xf32> to vector<1x16xf32>
      tpu.vector_store %arg7[%swap3A_3058, %swap3A_3059], %swap3A_3062 {strides = array<i32>} : memref<8x256xf32, #tpu.memory_space<vmem>>, vector<1x16xf32>,
      %convert_element_type3A_3063 = arith.sitofp %convert_element_type3A_2916 : vector<16xi32> to vector<16xf32>
      %sub3A_3064 = arith.subf %mul3A_2914, %convert_element_type3A_3063 : vector<16xf32>
      %swap3A_3065 = arith.constant 1 : i32
      %swap3A_3066 = arith.index_cast %swap3A_3065 : i32 to index
      %swap3A_3067 = arith.constant 192 : index
      %swap3A_3068 = tpu.vector_load %arg7[%swap3A_3066, %swap3A_3067] {strides = array<i32>} : memref<8x256xf32, #tpu.memory_space<vmem>>, vector<1x16xf32>,
      %swap3A_3069 = vector.shape_cast %swap3A_3068 : vector<1x16xf32> to vector<16xf32>
      %swap3A_3070 = vector.shape_cast %sub3A_3064 : vector<16xf32> to vector<1x16xf32>
      tpu.vector_store %arg7[%swap3A_3066, %swap3A_3067], %swap3A_3070 {strides = array<i32>} : memref<8x256xf32, #tpu.memory_space<vmem>>, vector<1x16xf32>,
      %mul3A_3071 = arith.constant 1.280000e+03 : f32
      %mul3A_3072 = vector.broadcast %mul3A_3071 : f32 to vector<16xf32>
      %mul3A_3073 = arith.mulf %get3A_2903, %mul3A_3072 : vector<16xf32>
      %div3A_3074 = arith.divf %mul3A_3073, %select_n3A_3040 : vector<16xf32>
      %swap3A_3075 = arith.constant 2 : i32
      %swap3A_3076 = arith.index_cast %swap3A_3075 : i32 to index
      %swap3A_3077 = arith.constant 192 : index
      %swap3A_3078 = tpu.vector_load %arg7[%swap3A_3076, %swap3A_3077] {strides = array<i32>} : memref<8x256xf32, #tpu.memory_space<vmem>>, vector<1x16xf32>,
      %swap3A_3079 = vector.shape_cast %swap3A_3078 : vector<1x16xf32> to vector<16xf32>
      %swap3A_3080 = vector.shape_cast %div3A_3074 : vector<16xf32> to vector<1x16xf32>
      tpu.vector_store %arg7[%swap3A_3076, %swap3A_3077], %swap3A_3080 {strides = array<i32>} : memref<8x256xf32, #tpu.memory_space<vmem>>, vector<1x16xf32>,
      %mul3A_3081 = arith.constant 1.280000e+03 : f32
      %mul3A_3082 = vector.broadcast %mul3A_3081 : f32 to vector<16xf32>
      %mul3A_3083 = arith.mulf %get3A_2908, %mul3A_3082 : vector<16xf32>
      %div3A_3084 = arith.divf %mul3A_3083, %select_n3A_3054 : vector<16xf32>
      %swap3A_3085 = arith.constant 3 : i32
      %swap3A_3086 = arith.index_cast %swap3A_3085 : i32 to index
      %swap3A_3087 = arith.constant 192 : index
      %swap3A_3088 = tpu.vector_load %arg7[%swap3A_3086, %swap3A_3087] {strides = array<i32>} : memref<8x256xf32, #tpu.memory_space<vmem>>, vector<1x16xf32>,
      %swap3A_3089 = vector.shape_cast %swap3A_3088 : vector<1x16xf32> to vector<16xf32>
      %swap3A_3090 = vector.shape_cast %div3A_3084 : vector<16xf32> to vector<1x16xf32>
      tpu.vector_store %arg7[%swap3A_3086, %swap3A_3087], %swap3A_3090 {strides = array<i32>} : memref<8x256xf32, #tpu.memory_space<vmem>>, vector<1x16xf32>,
      %convert_element_type3A_3091 = arith.sitofp %add3A_3017 : vector<16xi32> to vector<16xf32>
      %swap3A_3092 = arith.constant 4 : i32
      %swap3A_3093 = arith.index_cast %swap3A_3092 : i32 to index
      %swap3A_3094 = arith.constant 192 : index
      %swap3A_3095 = tpu.vector_load %arg7[%swap3A_3093, %swap3A_3094] {strides = array<i32>} : memref<8x256xf32, #tpu.memory_space<vmem>>, vector<1x16xf32>,
      %swap3A_3096 = vector.shape_cast %swap3A_3095 : vector<1x16xf32> to vector<16xf32>
      %swap3A_3097 = vector.shape_cast %convert_element_type3A_3091 : vector<16xf32> to vector<1x16xf32>
      tpu.vector_store %arg7[%swap3A_3093, %swap3A_3094], %swap3A_3097 {strides = array<i32>} : memref<8x256xf32, #tpu.memory_space<vmem>>, vector<1x16xf32>,
      %convert_element_type3A_3098 = arith.fptosi %get3A_2888 : vector<16xf32> to vector<16xi32>
      %convert_element_type3A_3099 = arith.sitofp %convert_element_type3A_3098 : vector<16xi32> to vector<16xf32>
      %swap3A_3100 = arith.constant 5 : i32
      %swap3A_3101 = arith.index_cast %swap3A_3100 : i32 to index
      %swap3A_3102 = arith.constant 192 : index
      %swap3A_3103 = tpu.vector_load %arg7[%swap3A_3101, %swap3A_3102] {strides = array<i32>} : memref<8x256xf32, #tpu.memory_space<vmem>>, vector<1x16xf32>,
      %swap3A_3104 = vector.shape_cast %swap3A_3103 : vector<1x16xf32> to vector<16xf32>
      %swap3A_3105 = vector.shape_cast %convert_element_type3A_3099 : vector<16xf32> to vector<1x16xf32>
      tpu.vector_store %arg7[%swap3A_3101, %swap3A_3102], %swap3A_3105 {strides = array<i32>} : memref<8x256xf32, #tpu.memory_space<vmem>>, vector<1x16xf32>,
      %jit3A_3106 = arith.constant 1.000000e+00 : f32
      %jit3A_3107 = arith.constant 0.000000e+00 : f32
      %broadcast_in_dim3A_3108 = vector.broadcast %jit3A_3106 : f32 to vector<16xf32>
      %broadcast_in_dim3A_3109 = vector.broadcast %jit3A_3107 : f32 to vector<16xf32>
      %select_n3A_3110 = arith.select %and3A_3009, %broadcast_in_dim3A_3108, %broadcast_in_dim3A_3109 : vector<16xi1>, vector<16xf32>
      %swap3A_3111 = arith.constant 6 : i32
      %swap3A_3112 = arith.index_cast %swap3A_3111 : i32 to index
      %swap3A_3113 = arith.constant 192 : index
      %swap3A_3114 = tpu.vector_load %arg7[%swap3A_3112, %swap3A_3113] {strides = array<i32>} : memref<8x256xf32, #tpu.memory_space<vmem>>, vector<1x16xf32>,
      %swap3A_3115 = vector.shape_cast %swap3A_3114 : vector<1x16xf32> to vector<16xf32>
      %swap3A_3116 = vector.shape_cast %select_n3A_3110 : vector<16xf32> to vector<1x16xf32>
      tpu.vector_store %arg7[%swap3A_3112, %swap3A_3113], %swap3A_3116 {strides = array<i32>} : memref<8x256xf32, #tpu.memory_space<vmem>>, vector<1x16xf32>,
      %broadcast_in_dim3A_3117 = arith.constant 0.000000e+00 : f32
      %broadcast_in_dim3A_3118 = vector.broadcast %broadcast_in_dim3A_3117 : f32 to vector<16xf32>
      %swap3A_3119 = arith.constant 7 : i32
      %swap3A_3120 = arith.index_cast %swap3A_3119 : i32 to index
      %swap3A_3121 = arith.constant 192 : index
      %swap3A_3122 = tpu.vector_load %arg7[%swap3A_3120, %swap3A_3121] {strides = array<i32>} : memref<8x256xf32, #tpu.memory_space<vmem>>, vector<1x16xf32>,
      %swap3A_3123 = vector.shape_cast %swap3A_3122 : vector<1x16xf32> to vector<16xf32>
      %swap3A_3124 = vector.shape_cast %broadcast_in_dim3A_3118 : vector<16xf32> to vector<1x16xf32>
      tpu.vector_store %arg7[%swap3A_3120, %swap3A_3121], %swap3A_3124 {strides = array<i32>} : memref<8x256xf32, #tpu.memory_space<vmem>>, vector<1x16xf32>,
      %get3A_3125 = arith.constant 1 : i32
      %get3A_3126 = arith.index_cast %get3A_3125 : i32 to index
      %get3A_3127 = arith.constant 208 : index
      %get3A_3128 = tpu.vector_load %arg5[%get3A_3126, %get3A_3127] {strides = array<i32>} : memref<6x256xf32, #tpu.memory_space<vmem>>, vector<1x16xf32>,
      %get3A_3129 = vector.shape_cast %get3A_3128 : vector<1x16xf32> to vector<16xf32>
      %get3A_3130 = arith.constant 2 : i32
      %get3A_3131 = arith.index_cast %get3A_3130 : i32 to index
      %get3A_3132 = arith.constant 208 : index
      %get3A_3133 = tpu.vector_load %arg5[%get3A_3131, %get3A_3132] {strides = array<i32>} : memref<6x256xf32, #tpu.memory_space<vmem>>, vector<1x16xf32>,
      %get3A_3134 = vector.shape_cast %get3A_3133 : vector<1x16xf32> to vector<16xf32>
      %get3A_3135 = arith.constant 3 : i32
      %get3A_3136 = arith.index_cast %get3A_3135 : i32 to index
      %get3A_3137 = arith.constant 208 : index
      %get3A_3138 = tpu.vector_load %arg5[%get3A_3136, %get3A_3137] {strides = array<i32>} : memref<6x256xf32, #tpu.memory_space<vmem>>, vector<1x16xf32>,
      %get3A_3139 = vector.shape_cast %get3A_3138 : vector<1x16xf32> to vector<16xf32>
      %get3A_3140 = arith.constant 4 : i32
      %get3A_3141 = arith.index_cast %get3A_3140 : i32 to index
      %get3A_3142 = arith.constant 208 : index
      %get3A_3143 = tpu.vector_load %arg5[%get3A_3141, %get3A_3142] {strides = array<i32>} : memref<6x256xf32, #tpu.memory_space<vmem>>, vector<1x16xf32>,
      %get3A_3144 = vector.shape_cast %get3A_3143 : vector<1x16xf32> to vector<16xf32>
      %get3A_3145 = arith.constant 5 : i32
      %get3A_3146 = arith.index_cast %get3A_3145 : i32 to index
      %get3A_3147 = arith.constant 208 : index
      %get3A_3148 = tpu.vector_load %arg5[%get3A_3146, %get3A_3147] {strides = array<i32>} : memref<6x256xf32, #tpu.memory_space<vmem>>, vector<1x16xf32>,
      %get3A_3149 = vector.shape_cast %get3A_3148 : vector<1x16xf32> to vector<16xf32>
      %mul3A_3150 = arith.constant 1.600000e+02 : f32
      %mul3A_3151 = vector.broadcast %mul3A_3150 : f32 to vector<16xf32>
      %mul3A_3152 = arith.mulf %get3A_3134, %mul3A_3151 : vector<16xf32>
      %mul3A_3153 = arith.constant 1.600000e+02 : f32
      %mul3A_3154 = vector.broadcast %mul3A_3153 : f32 to vector<16xf32>
      %mul3A_3155 = arith.mulf %get3A_3139, %mul3A_3154 : vector<16xf32>
      %convert_element_type3A_3156 = arith.fptosi %mul3A_3152 : vector<16xf32> to vector<16xi32>
      %convert_element_type3A_3157 = arith.fptosi %mul3A_3155 : vector<16xf32> to vector<16xi32>
      %mul3A_3158 = arith.constant 1.280000e+03 : f32
      %mul3A_3159 = vector.broadcast %mul3A_3158 : f32 to vector<16xf32>
      %mul3A_3160 = arith.mulf %get3A_3144, %mul3A_3159 : vector<16xf32>
      %div3A_3161 = arith.constant 8.000000e+00 : f32
      %div3A_3162 = vector.broadcast %div3A_3161 : f32 to vector<16xf32>
      %div3A_3163 = arith.divf %mul3A_3160, %div3A_3162 : vector<16xf32>
      %mul3A_3164 = arith.constant 1.280000e+03 : f32
      %mul3A_3165 = vector.broadcast %mul3A_3164 : f32 to vector<16xf32>
      %mul3A_3166 = arith.mulf %get3A_3149, %mul3A_3165 : vector<16xf32>
      %div3A_3167 = arith.constant 8.000000e+00 : f32
      %div3A_3168 = vector.broadcast %div3A_3167 : f32 to vector<16xf32>
      %div3A_3169 = arith.divf %mul3A_3166, %div3A_3168 : vector<16xf32>
      %div3A_3170 = arith.constant 1.250000e+00 : f32
      %div3A_3171 = vector.broadcast %div3A_3170 : f32 to vector<16xf32>
      %div3A_3172 = arith.divf %div3A_3163, %div3A_3171 : vector<16xf32>
      %add3A_3173 = arith.constant 9.99999971E-10 : f32
      %add3A_3174 = vector.broadcast %add3A_3173 : f32 to vector<16xf32>
      %add3A_3175 = arith.addf %div3A_3163, %add3A_3174 : vector<16xf32>
      %div3A_3176 = arith.constant 1.250000e+00 : f32
      %div3A_3177 = vector.broadcast %div3A_3176 : f32 to vector<16xf32>
      %div3A_3178 = arith.divf %div3A_3177, %add3A_3175 : vector<16xf32>
      %max3A_3179 = arith.maximumf %div3A_3172, %div3A_3178 : vector<16xf32>
      %div3A_3180 = arith.constant 1.625000e+00 : f32
      %div3A_3181 = vector.broadcast %div3A_3180 : f32 to vector<16xf32>
      %div3A_3182 = arith.divf %div3A_3169, %div3A_3181 : vector<16xf32>
      %add3A_3183 = arith.constant 9.99999971E-10 : f32
      %add3A_3184 = vector.broadcast %add3A_3183 : f32 to vector<16xf32>
      %add3A_3185 = arith.addf %div3A_3169, %add3A_3184 : vector<16xf32>
      %div3A_3186 = arith.constant 1.625000e+00 : f32
      %div3A_3187 = vector.broadcast %div3A_3186 : f32 to vector<16xf32>
      %div3A_3188 = arith.divf %div3A_3187, %add3A_3185 : vector<16xf32>
      %max3A_3189 = arith.maximumf %div3A_3182, %div3A_3188 : vector<16xf32>
      %max3A_3190 = arith.maximumf %max3A_3179, %max3A_3189 : vector<16xf32>
      %div3A_3191 = arith.constant 2.000000e+00 : f32
      %div3A_3192 = vector.broadcast %div3A_3191 : f32 to vector<16xf32>
      %div3A_3193 = arith.divf %div3A_3163, %div3A_3192 : vector<16xf32>
      %add3A_3194 = arith.constant 9.99999971E-10 : f32
      %add3A_3195 = vector.broadcast %add3A_3194 : f32 to vector<16xf32>
      %add3A_3196 = arith.addf %div3A_3163, %add3A_3195 : vector<16xf32>
      %div3A_3197 = arith.constant 2.000000e+00 : f32
      %div3A_3198 = vector.broadcast %div3A_3197 : f32 to vector<16xf32>
      %div3A_3199 = arith.divf %div3A_3198, %add3A_3196 : vector<16xf32>
      %max3A_3200 = arith.maximumf %div3A_3193, %div3A_3199 : vector<16xf32>
      %div3A_3201 = arith.constant 3.750000e+00 : f32
      %div3A_3202 = vector.broadcast %div3A_3201 : f32 to vector<16xf32>
      %div3A_3203 = arith.divf %div3A_3169, %div3A_3202 : vector<16xf32>
      %add3A_3204 = arith.constant 9.99999971E-10 : f32
      %add3A_3205 = vector.broadcast %add3A_3204 : f32 to vector<16xf32>
      %add3A_3206 = arith.addf %div3A_3169, %add3A_3205 : vector<16xf32>
      %div3A_3207 = arith.constant 3.750000e+00 : f32
      %div3A_3208 = vector.broadcast %div3A_3207 : f32 to vector<16xf32>
      %div3A_3209 = arith.divf %div3A_3208, %add3A_3206 : vector<16xf32>
      %max3A_3210 = arith.maximumf %div3A_3203, %div3A_3209 : vector<16xf32>
      %max3A_3211 = arith.maximumf %max3A_3200, %max3A_3210 : vector<16xf32>
      %div3A_3212 = arith.constant 4.125000e+00 : f32
      %div3A_3213 = vector.broadcast %div3A_3212 : f32 to vector<16xf32>
      %div3A_3214 = arith.divf %div3A_3163, %div3A_3213 : vector<16xf32>
      %add3A_3215 = arith.constant 9.99999971E-10 : f32
      %add3A_3216 = vector.broadcast %add3A_3215 : f32 to vector<16xf32>
      %add3A_3217 = arith.addf %div3A_3163, %add3A_3216 : vector<16xf32>
      %div3A_3218 = arith.constant 4.125000e+00 : f32
      %div3A_3219 = vector.broadcast %div3A_3218 : f32 to vector<16xf32>
      %div3A_3220 = arith.divf %div3A_3219, %add3A_3217 : vector<16xf32>
      %max3A_3221 = arith.maximumf %div3A_3214, %div3A_3220 : vector<16xf32>
      %div3A_3222 = arith.constant 2.875000e+00 : f32
      %div3A_3223 = vector.broadcast %div3A_3222 : f32 to vector<16xf32>
      %div3A_3224 = arith.divf %div3A_3169, %div3A_3223 : vector<16xf32>
      %add3A_3225 = arith.constant 9.99999971E-10 : f32
      %add3A_3226 = vector.broadcast %add3A_3225 : f32 to vector<16xf32>
      %add3A_3227 = arith.addf %div3A_3169, %add3A_3226 : vector<16xf32>
      %div3A_3228 = arith.constant 2.875000e+00 : f32
      %div3A_3229 = vector.broadcast %div3A_3228 : f32 to vector<16xf32>
      %div3A_3230 = arith.divf %div3A_3229, %add3A_3227 : vector<16xf32>
      %max3A_3231 = arith.maximumf %div3A_3224, %div3A_3230 : vector<16xf32>
      %max3A_3232 = arith.maximumf %max3A_3221, %max3A_3231 : vector<16xf32>
      %lt3A_3233 = arith.cmpf olt, %max3A_3211, %max3A_3190 : vector<16xf32>
      %min3A_3234 = arith.minimumf %max3A_3190, %max3A_3211 : vector<16xf32>
      %lt3A_3235 = arith.cmpf olt, %max3A_3232, %min3A_3234 : vector<16xf32>
      %jit3A_3236 = arith.constant 1 : i32
      %jit3A_3237 = arith.constant 0 : i32
      %broadcast_in_dim3A_3238 = vector.broadcast %jit3A_3236 : i32 to vector<16xi32>
      %broadcast_in_dim3A_3239 = vector.broadcast %jit3A_3237 : i32 to vector<16xi32>
      %select_n3A_3240 = arith.select %lt3A_3233, %broadcast_in_dim3A_3238, %broadcast_in_dim3A_3239 : vector<16xi1>, vector<16xi32>
      %jit3A_3241 = arith.constant 2 : i32
      %broadcast_in_dim3A_3242 = vector.broadcast %jit3A_3241 : i32 to vector<16xi32>
      %select_n3A_3243 = arith.select %lt3A_3235, %broadcast_in_dim3A_3242, %select_n3A_3240 : vector<16xi1>, vector<16xi32>
      %lt3A_3244 = arith.constant 160 : i32
      %lt3A_3245 = vector.broadcast %lt3A_3244 : i32 to vector<16xi32>
      %lt3A_3246 = arith.cmpi slt, %convert_element_type3A_3157, %lt3A_3245 : vector<16xi32>
      %lt3A_3247 = arith.constant 160 : i32
      %lt3A_3248 = vector.broadcast %lt3A_3247 : i32 to vector<16xi32>
      %lt3A_3249 = arith.cmpi slt, %convert_element_type3A_3156, %lt3A_3248 : vector<16xi32>
      %and3A_3250 = arith.andi %lt3A_3246, %lt3A_3249 : vector<16xi1>
      %mul3A_3251 = arith.constant 25600 : i32
      %mul3A_3252 = vector.broadcast %mul3A_3251 : i32 to vector<16xi32>
      %mul3A_3253 = arith.muli %select_n3A_3243, %mul3A_3252 : vector<16xi32>
      %mul3A_3254 = arith.constant 160 : i32
      %mul3A_3255 = vector.broadcast %mul3A_3254 : i32 to vector<16xi32>
      %mul3A_3256 = arith.muli %convert_element_type3A_3157, %mul3A_3255 : vector<16xi32>
      %add3A_3257 = arith.addi %mul3A_3253, %mul3A_3256 : vector<16xi32>
      %add3A_3258 = arith.addi %add3A_3257, %convert_element_type3A_3156 : vector<16xi32>
      %jit3A_3259 = arith.constant 0 : i32
      %broadcast_in_dim3A_3260 = vector.broadcast %jit3A_3259 : i32 to vector<16xi32>
      %select_n3A_3261 = arith.select %and3A_3250, %add3A_3258, %broadcast_in_dim3A_3260 : vector<16xi1>, vector<16xi32>
      %swap3A_3262 = arith.constant 1 : i32
      %swap3A_3263 = arith.index_cast %swap3A_3262 : i32 to index
      %swap3A_3264 = arith.constant 80 : index
      %swap3A_3265 = tpu.vector_load %arg6[%swap3A_3263, %swap3A_3264] {strides = array<i32>} : memref<2x128xi32, #tpu.memory_space<vmem>>, vector<1x16xi32>,
      %swap3A_3266 = vector.shape_cast %swap3A_3265 : vector<1x16xi32> to vector<16xi32>
      %swap3A_3267 = vector.shape_cast %select_n3A_3261 : vector<16xi32> to vector<1x16xi32>
      tpu.vector_store %arg6[%swap3A_3263, %swap3A_3264], %swap3A_3267 {strides = array<i32>} : memref<2x128xi32, #tpu.memory_space<vmem>>, vector<1x16xi32>,
      %eq3A_3268 = arith.constant 0 : i32
      %eq3A_3269 = vector.broadcast %eq3A_3268 : i32 to vector<16xi32>
      %eq3A_3270 = arith.cmpi eq, %select_n3A_3243, %eq3A_3269 : vector<16xi32>
      %eq3A_3271 = arith.constant 1 : i32
      %eq3A_3272 = vector.broadcast %eq3A_3271 : i32 to vector<16xi32>
      %eq3A_3273 = arith.cmpi eq, %select_n3A_3243, %eq3A_3272 : vector<16xi32>
      %jit3A_3274 = arith.constant 1.600000e+01 : f32
      %jit3A_3275 = arith.constant 3.300000e+01 : f32
      %broadcast_in_dim3A_3276 = vector.broadcast %jit3A_3274 : f32 to vector<16xf32>
      %broadcast_in_dim3A_3277 = vector.broadcast %jit3A_3275 : f32 to vector<16xf32>
      %select_n3A_3278 = arith.select %eq3A_3273, %broadcast_in_dim3A_3276, %broadcast_in_dim3A_3277 : vector<16xi1>, vector<16xf32>
      %jit3A_3279 = arith.constant 1.000000e+01 : f32
      %broadcast_in_dim3A_3280 = vector.broadcast %jit3A_3279 : f32 to vector<16xf32>
      %select_n3A_3281 = arith.select %eq3A_3270, %broadcast_in_dim3A_3280, %select_n3A_3278 : vector<16xi1>, vector<16xf32>
      %eq3A_3282 = arith.constant 0 : i32
      %eq3A_3283 = vector.broadcast %eq3A_3282 : i32 to vector<16xi32>
      %eq3A_3284 = arith.cmpi eq, %select_n3A_3243, %eq3A_3283 : vector<16xi32>
      %eq3A_3285 = arith.constant 1 : i32
      %eq3A_3286 = vector.broadcast %eq3A_3285 : i32 to vector<16xi32>
      %eq3A_3287 = arith.cmpi eq, %select_n3A_3243, %eq3A_3286 : vector<16xi32>
      %jit3A_3288 = arith.constant 3.000000e+01 : f32
      %jit3A_3289 = arith.constant 2.300000e+01 : f32
      %broadcast_in_dim3A_3290 = vector.broadcast %jit3A_3288 : f32 to vector<16xf32>
      %broadcast_in_dim3A_3291 = vector.broadcast %jit3A_3289 : f32 to vector<16xf32>
      %select_n3A_3292 = arith.select %eq3A_3287, %broadcast_in_dim3A_3290, %broadcast_in_dim3A_3291 : vector<16xi1>, vector<16xf32>
      %jit3A_3293 = arith.constant 1.300000e+01 : f32
      %broadcast_in_dim3A_3294 = vector.broadcast %jit3A_3293 : f32 to vector<16xf32>
      %select_n3A_3295 = arith.select %eq3A_3284, %broadcast_in_dim3A_3294, %select_n3A_3292 : vector<16xi1>, vector<16xf32>
      %convert_element_type3A_3296 = arith.sitofp %convert_element_type3A_3156 : vector<16xi32> to vector<16xf32>
      %sub3A_3297 = arith.subf %mul3A_3152, %convert_element_type3A_3296 : vector<16xf32>
      %swap3A_3298 = arith.constant 0 : i32
      %swap3A_3299 = arith.index_cast %swap3A_3298 : i32 to index
      %swap3A_3300 = arith.constant 208 : index
      %swap3A_3301 = tpu.vector_load %arg7[%swap3A_3299, %swap3A_3300] {strides = array<i32>} : memref<8x256xf32, #tpu.memory_space<vmem>>, vector<1x16xf32>,
      %swap3A_3302 = vector.shape_cast %swap3A_3301 : vector<1x16xf32> to vector<16xf32>
      %swap3A_3303 = vector.shape_cast %sub3A_3297 : vector<16xf32> to vector<1x16xf32>
      tpu.vector_store %arg7[%swap3A_3299, %swap3A_3300], %swap3A_3303 {strides = array<i32>} : memref<8x256xf32, #tpu.memory_space<vmem>>, vector<1x16xf32>,
      %convert_element_type3A_3304 = arith.sitofp %convert_element_type3A_3157 : vector<16xi32> to vector<16xf32>
      %sub3A_3305 = arith.subf %mul3A_3155, %convert_element_type3A_3304 : vector<16xf32>
      %swap3A_3306 = arith.constant 1 : i32
      %swap3A_3307 = arith.index_cast %swap3A_3306 : i32 to index
      %swap3A_3308 = arith.constant 208 : index
      %swap3A_3309 = tpu.vector_load %arg7[%swap3A_3307, %swap3A_3308] {strides = array<i32>} : memref<8x256xf32, #tpu.memory_space<vmem>>, vector<1x16xf32>,
      %swap3A_3310 = vector.shape_cast %swap3A_3309 : vector<1x16xf32> to vector<16xf32>
      %swap3A_3311 = vector.shape_cast %sub3A_3305 : vector<16xf32> to vector<1x16xf32>
      tpu.vector_store %arg7[%swap3A_3307, %swap3A_3308], %swap3A_3311 {strides = array<i32>} : memref<8x256xf32, #tpu.memory_space<vmem>>, vector<1x16xf32>,
      %mul3A_3312 = arith.constant 1.280000e+03 : f32
      %mul3A_3313 = vector.broadcast %mul3A_3312 : f32 to vector<16xf32>
      %mul3A_3314 = arith.mulf %get3A_3144, %mul3A_3313 : vector<16xf32>
      %div3A_3315 = arith.divf %mul3A_3314, %select_n3A_3281 : vector<16xf32>
      %swap3A_3316 = arith.constant 2 : i32
      %swap3A_3317 = arith.index_cast %swap3A_3316 : i32 to index
      %swap3A_3318 = arith.constant 208 : index
      %swap3A_3319 = tpu.vector_load %arg7[%swap3A_3317, %swap3A_3318] {strides = array<i32>} : memref<8x256xf32, #tpu.memory_space<vmem>>, vector<1x16xf32>,
      %swap3A_3320 = vector.shape_cast %swap3A_3319 : vector<1x16xf32> to vector<16xf32>
      %swap3A_3321 = vector.shape_cast %div3A_3315 : vector<16xf32> to vector<1x16xf32>
      tpu.vector_store %arg7[%swap3A_3317, %swap3A_3318], %swap3A_3321 {strides = array<i32>} : memref<8x256xf32, #tpu.memory_space<vmem>>, vector<1x16xf32>,
      %mul3A_3322 = arith.constant 1.280000e+03 : f32
      %mul3A_3323 = vector.broadcast %mul3A_3322 : f32 to vector<16xf32>
      %mul3A_3324 = arith.mulf %get3A_3149, %mul3A_3323 : vector<16xf32>
      %div3A_3325 = arith.divf %mul3A_3324, %select_n3A_3295 : vector<16xf32>
      %swap3A_3326 = arith.constant 3 : i32
      %swap3A_3327 = arith.index_cast %swap3A_3326 : i32 to index
      %swap3A_3328 = arith.constant 208 : index
      %swap3A_3329 = tpu.vector_load %arg7[%swap3A_3327, %swap3A_3328] {strides = array<i32>} : memref<8x256xf32, #tpu.memory_space<vmem>>, vector<1x16xf32>,
      %swap3A_3330 = vector.shape_cast %swap3A_3329 : vector<1x16xf32> to vector<16xf32>
      %swap3A_3331 = vector.shape_cast %div3A_3325 : vector<16xf32> to vector<1x16xf32>
      tpu.vector_store %arg7[%swap3A_3327, %swap3A_3328], %swap3A_3331 {strides = array<i32>} : memref<8x256xf32, #tpu.memory_space<vmem>>, vector<1x16xf32>,
      %convert_element_type3A_3332 = arith.sitofp %add3A_3258 : vector<16xi32> to vector<16xf32>
      %swap3A_3333 = arith.constant 4 : i32
      %swap3A_3334 = arith.index_cast %swap3A_3333 : i32 to index
      %swap3A_3335 = arith.constant 208 : index
      %swap3A_3336 = tpu.vector_load %arg7[%swap3A_3334, %swap3A_3335] {strides = array<i32>} : memref<8x256xf32, #tpu.memory_space<vmem>>, vector<1x16xf32>,
      %swap3A_3337 = vector.shape_cast %swap3A_3336 : vector<1x16xf32> to vector<16xf32>
      %swap3A_3338 = vector.shape_cast %convert_element_type3A_3332 : vector<16xf32> to vector<1x16xf32>
      tpu.vector_store %arg7[%swap3A_3334, %swap3A_3335], %swap3A_3338 {strides = array<i32>} : memref<8x256xf32, #tpu.memory_space<vmem>>, vector<1x16xf32>,
      %convert_element_type3A_3339 = arith.fptosi %get3A_3129 : vector<16xf32> to vector<16xi32>
      %convert_element_type3A_3340 = arith.sitofp %convert_element_type3A_3339 : vector<16xi32> to vector<16xf32>
      %swap3A_3341 = arith.constant 5 : i32
      %swap3A_3342 = arith.index_cast %swap3A_3341 : i32 to index
      %swap3A_3343 = arith.constant 208 : index
      %swap3A_3344 = tpu.vector_load %arg7[%swap3A_3342, %swap3A_3343] {strides = array<i32>} : memref<8x256xf32, #tpu.memory_space<vmem>>, vector<1x16xf32>,
      %swap3A_3345 = vector.shape_cast %swap3A_3344 : vector<1x16xf32> to vector<16xf32>
      %swap3A_3346 = vector.shape_cast %convert_element_type3A_3340 : vector<16xf32> to vector<1x16xf32>
      tpu.vector_store %arg7[%swap3A_3342, %swap3A_3343], %swap3A_3346 {strides = array<i32>} : memref<8x256xf32, #tpu.memory_space<vmem>>, vector<1x16xf32>,
      %jit3A_3347 = arith.constant 1.000000e+00 : f32
      %jit3A_3348 = arith.constant 0.000000e+00 : f32
      %broadcast_in_dim3A_3349 = vector.broadcast %jit3A_3347 : f32 to vector<16xf32>
      %broadcast_in_dim3A_3350 = vector.broadcast %jit3A_3348 : f32 to vector<16xf32>
      %select_n3A_3351 = arith.select %and3A_3250, %broadcast_in_dim3A_3349, %broadcast_in_dim3A_3350 : vector<16xi1>, vector<16xf32>
      %swap3A_3352 = arith.constant 6 : i32
      %swap3A_3353 = arith.index_cast %swap3A_3352 : i32 to index
      %swap3A_3354 = arith.constant 208 : index
      %swap3A_3355 = tpu.vector_load %arg7[%swap3A_3353, %swap3A_3354] {strides = array<i32>} : memref<8x256xf32, #tpu.memory_space<vmem>>, vector<1x16xf32>,
      %swap3A_3356 = vector.shape_cast %swap3A_3355 : vector<1x16xf32> to vector<16xf32>
      %swap3A_3357 = vector.shape_cast %select_n3A_3351 : vector<16xf32> to vector<1x16xf32>
      tpu.vector_store %arg7[%swap3A_3353, %swap3A_3354], %swap3A_3357 {strides = array<i32>} : memref<8x256xf32, #tpu.memory_space<vmem>>, vector<1x16xf32>,
      %broadcast_in_dim3A_3358 = arith.constant 0.000000e+00 : f32
      %broadcast_in_dim3A_3359 = vector.broadcast %broadcast_in_dim3A_3358 : f32 to vector<16xf32>
      %swap3A_3360 = arith.constant 7 : i32
      %swap3A_3361 = arith.index_cast %swap3A_3360 : i32 to index
      %swap3A_3362 = arith.constant 208 : index
      %swap3A_3363 = tpu.vector_load %arg7[%swap3A_3361, %swap3A_3362] {strides = array<i32>} : memref<8x256xf32, #tpu.memory_space<vmem>>, vector<1x16xf32>,
      %swap3A_3364 = vector.shape_cast %swap3A_3363 : vector<1x16xf32> to vector<16xf32>
      %swap3A_3365 = vector.shape_cast %broadcast_in_dim3A_3359 : vector<16xf32> to vector<1x16xf32>
      tpu.vector_store %arg7[%swap3A_3361, %swap3A_3362], %swap3A_3365 {strides = array<i32>} : memref<8x256xf32, #tpu.memory_space<vmem>>, vector<1x16xf32>,
      %get3A_3366 = arith.constant 1 : i32
      %get3A_3367 = arith.index_cast %get3A_3366 : i32 to index
      %get3A_3368 = arith.constant 224 : index
      %get3A_3369 = tpu.vector_load %arg5[%get3A_3367, %get3A_3368] {strides = array<i32>} : memref<6x256xf32, #tpu.memory_space<vmem>>, vector<1x16xf32>,
      %get3A_3370 = vector.shape_cast %get3A_3369 : vector<1x16xf32> to vector<16xf32>
      %get3A_3371 = arith.constant 2 : i32
      %get3A_3372 = arith.index_cast %get3A_3371 : i32 to index
      %get3A_3373 = arith.constant 224 : index
      %get3A_3374 = tpu.vector_load %arg5[%get3A_3372, %get3A_3373] {strides = array<i32>} : memref<6x256xf32, #tpu.memory_space<vmem>>, vector<1x16xf32>,
      %get3A_3375 = vector.shape_cast %get3A_3374 : vector<1x16xf32> to vector<16xf32>
      %get3A_3376 = arith.constant 3 : i32
      %get3A_3377 = arith.index_cast %get3A_3376 : i32 to index
      %get3A_3378 = arith.constant 224 : index
      %get3A_3379 = tpu.vector_load %arg5[%get3A_3377, %get3A_3378] {strides = array<i32>} : memref<6x256xf32, #tpu.memory_space<vmem>>, vector<1x16xf32>,
      %get3A_3380 = vector.shape_cast %get3A_3379 : vector<1x16xf32> to vector<16xf32>
      %get3A_3381 = arith.constant 4 : i32
      %get3A_3382 = arith.index_cast %get3A_3381 : i32 to index
      %get3A_3383 = arith.constant 224 : index
      %get3A_3384 = tpu.vector_load %arg5[%get3A_3382, %get3A_3383] {strides = array<i32>} : memref<6x256xf32, #tpu.memory_space<vmem>>, vector<1x16xf32>,
      %get3A_3385 = vector.shape_cast %get3A_3384 : vector<1x16xf32> to vector<16xf32>
      %get3A_3386 = arith.constant 5 : i32
      %get3A_3387 = arith.index_cast %get3A_3386 : i32 to index
      %get3A_3388 = arith.constant 224 : index
      %get3A_3389 = tpu.vector_load %arg5[%get3A_3387, %get3A_3388] {strides = array<i32>} : memref<6x256xf32, #tpu.memory_space<vmem>>, vector<1x16xf32>,
      %get3A_3390 = vector.shape_cast %get3A_3389 : vector<1x16xf32> to vector<16xf32>
      %mul3A_3391 = arith.constant 1.600000e+02 : f32
      %mul3A_3392 = vector.broadcast %mul3A_3391 : f32 to vector<16xf32>
      %mul3A_3393 = arith.mulf %get3A_3375, %mul3A_3392 : vector<16xf32>
      %mul3A_3394 = arith.constant 1.600000e+02 : f32
      %mul3A_3395 = vector.broadcast %mul3A_3394 : f32 to vector<16xf32>
      %mul3A_3396 = arith.mulf %get3A_3380, %mul3A_3395 : vector<16xf32>
      %convert_element_type3A_3397 = arith.fptosi %mul3A_3393 : vector<16xf32> to vector<16xi32>
      %convert_element_type3A_3398 = arith.fptosi %mul3A_3396 : vector<16xf32> to vector<16xi32>
      %mul3A_3399 = arith.constant 1.280000e+03 : f32
      %mul3A_3400 = vector.broadcast %mul3A_3399 : f32 to vector<16xf32>
      %mul3A_3401 = arith.mulf %get3A_3385, %mul3A_3400 : vector<16xf32>
      %div3A_3402 = arith.constant 8.000000e+00 : f32
      %div3A_3403 = vector.broadcast %div3A_3402 : f32 to vector<16xf32>
      %div3A_3404 = arith.divf %mul3A_3401, %div3A_3403 : vector<16xf32>
      %mul3A_3405 = arith.constant 1.280000e+03 : f32
      %mul3A_3406 = vector.broadcast %mul3A_3405 : f32 to vector<16xf32>
      %mul3A_3407 = arith.mulf %get3A_3390, %mul3A_3406 : vector<16xf32>
      %div3A_3408 = arith.constant 8.000000e+00 : f32
      %div3A_3409 = vector.broadcast %div3A_3408 : f32 to vector<16xf32>
      %div3A_3410 = arith.divf %mul3A_3407, %div3A_3409 : vector<16xf32>
      %div3A_3411 = arith.constant 1.250000e+00 : f32
      %div3A_3412 = vector.broadcast %div3A_3411 : f32 to vector<16xf32>
      %div3A_3413 = arith.divf %div3A_3404, %div3A_3412 : vector<16xf32>
      %add3A_3414 = arith.constant 9.99999971E-10 : f32
      %add3A_3415 = vector.broadcast %add3A_3414 : f32 to vector<16xf32>
      %add3A_3416 = arith.addf %div3A_3404, %add3A_3415 : vector<16xf32>
      %div3A_3417 = arith.constant 1.250000e+00 : f32
      %div3A_3418 = vector.broadcast %div3A_3417 : f32 to vector<16xf32>
      %div3A_3419 = arith.divf %div3A_3418, %add3A_3416 : vector<16xf32>
      %max3A_3420 = arith.maximumf %div3A_3413, %div3A_3419 : vector<16xf32>
      %div3A_3421 = arith.constant 1.625000e+00 : f32
      %div3A_3422 = vector.broadcast %div3A_3421 : f32 to vector<16xf32>
      %div3A_3423 = arith.divf %div3A_3410, %div3A_3422 : vector<16xf32>
      %add3A_3424 = arith.constant 9.99999971E-10 : f32
      %add3A_3425 = vector.broadcast %add3A_3424 : f32 to vector<16xf32>
      %add3A_3426 = arith.addf %div3A_3410, %add3A_3425 : vector<16xf32>
      %div3A_3427 = arith.constant 1.625000e+00 : f32
      %div3A_3428 = vector.broadcast %div3A_3427 : f32 to vector<16xf32>
      %div3A_3429 = arith.divf %div3A_3428, %add3A_3426 : vector<16xf32>
      %max3A_3430 = arith.maximumf %div3A_3423, %div3A_3429 : vector<16xf32>
      %max3A_3431 = arith.maximumf %max3A_3420, %max3A_3430 : vector<16xf32>
      %div3A_3432 = arith.constant 2.000000e+00 : f32
      %div3A_3433 = vector.broadcast %div3A_3432 : f32 to vector<16xf32>
      %div3A_3434 = arith.divf %div3A_3404, %div3A_3433 : vector<16xf32>
      %add3A_3435 = arith.constant 9.99999971E-10 : f32
      %add3A_3436 = vector.broadcast %add3A_3435 : f32 to vector<16xf32>
      %add3A_3437 = arith.addf %div3A_3404, %add3A_3436 : vector<16xf32>
      %div3A_3438 = arith.constant 2.000000e+00 : f32
      %div3A_3439 = vector.broadcast %div3A_3438 : f32 to vector<16xf32>
      %div3A_3440 = arith.divf %div3A_3439, %add3A_3437 : vector<16xf32>
      %max3A_3441 = arith.maximumf %div3A_3434, %div3A_3440 : vector<16xf32>
      %div3A_3442 = arith.constant 3.750000e+00 : f32
      %div3A_3443 = vector.broadcast %div3A_3442 : f32 to vector<16xf32>
      %div3A_3444 = arith.divf %div3A_3410, %div3A_3443 : vector<16xf32>
      %add3A_3445 = arith.constant 9.99999971E-10 : f32
      %add3A_3446 = vector.broadcast %add3A_3445 : f32 to vector<16xf32>
      %add3A_3447 = arith.addf %div3A_3410, %add3A_3446 : vector<16xf32>
      %div3A_3448 = arith.constant 3.750000e+00 : f32
      %div3A_3449 = vector.broadcast %div3A_3448 : f32 to vector<16xf32>
      %div3A_3450 = arith.divf %div3A_3449, %add3A_3447 : vector<16xf32>
      %max3A_3451 = arith.maximumf %div3A_3444, %div3A_3450 : vector<16xf32>
      %max3A_3452 = arith.maximumf %max3A_3441, %max3A_3451 : vector<16xf32>
      %div3A_3453 = arith.constant 4.125000e+00 : f32
      %div3A_3454 = vector.broadcast %div3A_3453 : f32 to vector<16xf32>
      %div3A_3455 = arith.divf %div3A_3404, %div3A_3454 : vector<16xf32>
      %add3A_3456 = arith.constant 9.99999971E-10 : f32
      %add3A_3457 = vector.broadcast %add3A_3456 : f32 to vector<16xf32>
      %add3A_3458 = arith.addf %div3A_3404, %add3A_3457 : vector<16xf32>
      %div3A_3459 = arith.constant 4.125000e+00 : f32
      %div3A_3460 = vector.broadcast %div3A_3459 : f32 to vector<16xf32>
      %div3A_3461 = arith.divf %div3A_3460, %add3A_3458 : vector<16xf32>
      %max3A_3462 = arith.maximumf %div3A_3455, %div3A_3461 : vector<16xf32>
      %div3A_3463 = arith.constant 2.875000e+00 : f32
      %div3A_3464 = vector.broadcast %div3A_3463 : f32 to vector<16xf32>
      %div3A_3465 = arith.divf %div3A_3410, %div3A_3464 : vector<16xf32>
      %add3A_3466 = arith.constant 9.99999971E-10 : f32
      %add3A_3467 = vector.broadcast %add3A_3466 : f32 to vector<16xf32>
      %add3A_3468 = arith.addf %div3A_3410, %add3A_3467 : vector<16xf32>
      %div3A_3469 = arith.constant 2.875000e+00 : f32
      %div3A_3470 = vector.broadcast %div3A_3469 : f32 to vector<16xf32>
      %div3A_3471 = arith.divf %div3A_3470, %add3A_3468 : vector<16xf32>
      %max3A_3472 = arith.maximumf %div3A_3465, %div3A_3471 : vector<16xf32>
      %max3A_3473 = arith.maximumf %max3A_3462, %max3A_3472 : vector<16xf32>
      %lt3A_3474 = arith.cmpf olt, %max3A_3452, %max3A_3431 : vector<16xf32>
      %min3A_3475 = arith.minimumf %max3A_3431, %max3A_3452 : vector<16xf32>
      %lt3A_3476 = arith.cmpf olt, %max3A_3473, %min3A_3475 : vector<16xf32>
      %jit3A_3477 = arith.constant 1 : i32
      %jit3A_3478 = arith.constant 0 : i32
      %broadcast_in_dim3A_3479 = vector.broadcast %jit3A_3477 : i32 to vector<16xi32>
      %broadcast_in_dim3A_3480 = vector.broadcast %jit3A_3478 : i32 to vector<16xi32>
      %select_n3A_3481 = arith.select %lt3A_3474, %broadcast_in_dim3A_3479, %broadcast_in_dim3A_3480 : vector<16xi1>, vector<16xi32>
      %jit3A_3482 = arith.constant 2 : i32
      %broadcast_in_dim3A_3483 = vector.broadcast %jit3A_3482 : i32 to vector<16xi32>
      %select_n3A_3484 = arith.select %lt3A_3476, %broadcast_in_dim3A_3483, %select_n3A_3481 : vector<16xi1>, vector<16xi32>
      %lt3A_3485 = arith.constant 160 : i32
      %lt3A_3486 = vector.broadcast %lt3A_3485 : i32 to vector<16xi32>
      %lt3A_3487 = arith.cmpi slt, %convert_element_type3A_3398, %lt3A_3486 : vector<16xi32>
      %lt3A_3488 = arith.constant 160 : i32
      %lt3A_3489 = vector.broadcast %lt3A_3488 : i32 to vector<16xi32>
      %lt3A_3490 = arith.cmpi slt, %convert_element_type3A_3397, %lt3A_3489 : vector<16xi32>
      %and3A_3491 = arith.andi %lt3A_3487, %lt3A_3490 : vector<16xi1>
      %mul3A_3492 = arith.constant 25600 : i32
      %mul3A_3493 = vector.broadcast %mul3A_3492 : i32 to vector<16xi32>
      %mul3A_3494 = arith.muli %select_n3A_3484, %mul3A_3493 : vector<16xi32>
      %mul3A_3495 = arith.constant 160 : i32
      %mul3A_3496 = vector.broadcast %mul3A_3495 : i32 to vector<16xi32>
      %mul3A_3497 = arith.muli %convert_element_type3A_3398, %mul3A_3496 : vector<16xi32>
      %add3A_3498 = arith.addi %mul3A_3494, %mul3A_3497 : vector<16xi32>
      %add3A_3499 = arith.addi %add3A_3498, %convert_element_type3A_3397 : vector<16xi32>
      %jit3A_3500 = arith.constant 0 : i32
      %broadcast_in_dim3A_3501 = vector.broadcast %jit3A_3500 : i32 to vector<16xi32>
      %select_n3A_3502 = arith.select %and3A_3491, %add3A_3499, %broadcast_in_dim3A_3501 : vector<16xi1>, vector<16xi32>
      %swap3A_3503 = arith.constant 1 : i32
      %swap3A_3504 = arith.index_cast %swap3A_3503 : i32 to index
      %swap3A_3505 = arith.constant 96 : index
      %swap3A_3506 = tpu.vector_load %arg6[%swap3A_3504, %swap3A_3505] {strides = array<i32>} : memref<2x128xi32, #tpu.memory_space<vmem>>, vector<1x16xi32>,
      %swap3A_3507 = vector.shape_cast %swap3A_3506 : vector<1x16xi32> to vector<16xi32>
      %swap3A_3508 = vector.shape_cast %select_n3A_3502 : vector<16xi32> to vector<1x16xi32>
      tpu.vector_store %arg6[%swap3A_3504, %swap3A_3505], %swap3A_3508 {strides = array<i32>} : memref<2x128xi32, #tpu.memory_space<vmem>>, vector<1x16xi32>,
      %eq3A_3509 = arith.constant 0 : i32
      %eq3A_3510 = vector.broadcast %eq3A_3509 : i32 to vector<16xi32>
      %eq3A_3511 = arith.cmpi eq, %select_n3A_3484, %eq3A_3510 : vector<16xi32>
      %eq3A_3512 = arith.constant 1 : i32
      %eq3A_3513 = vector.broadcast %eq3A_3512 : i32 to vector<16xi32>
      %eq3A_3514 = arith.cmpi eq, %select_n3A_3484, %eq3A_3513 : vector<16xi32>
      %jit3A_3515 = arith.constant 1.600000e+01 : f32
      %jit3A_3516 = arith.constant 3.300000e+01 : f32
      %broadcast_in_dim3A_3517 = vector.broadcast %jit3A_3515 : f32 to vector<16xf32>
      %broadcast_in_dim3A_3518 = vector.broadcast %jit3A_3516 : f32 to vector<16xf32>
      %select_n3A_3519 = arith.select %eq3A_3514, %broadcast_in_dim3A_3517, %broadcast_in_dim3A_3518 : vector<16xi1>, vector<16xf32>
      %jit3A_3520 = arith.constant 1.000000e+01 : f32
      %broadcast_in_dim3A_3521 = vector.broadcast %jit3A_3520 : f32 to vector<16xf32>
      %select_n3A_3522 = arith.select %eq3A_3511, %broadcast_in_dim3A_3521, %select_n3A_3519 : vector<16xi1>, vector<16xf32>
      %eq3A_3523 = arith.constant 0 : i32
      %eq3A_3524 = vector.broadcast %eq3A_3523 : i32 to vector<16xi32>
      %eq3A_3525 = arith.cmpi eq, %select_n3A_3484, %eq3A_3524 : vector<16xi32>
      %eq3A_3526 = arith.constant 1 : i32
      %eq3A_3527 = vector.broadcast %eq3A_3526 : i32 to vector<16xi32>
      %eq3A_3528 = arith.cmpi eq, %select_n3A_3484, %eq3A_3527 : vector<16xi32>
      %jit3A_3529 = arith.constant 3.000000e+01 : f32
      %jit3A_3530 = arith.constant 2.300000e+01 : f32
      %broadcast_in_dim3A_3531 = vector.broadcast %jit3A_3529 : f32 to vector<16xf32>
      %broadcast_in_dim3A_3532 = vector.broadcast %jit3A_3530 : f32 to vector<16xf32>
      %select_n3A_3533 = arith.select %eq3A_3528, %broadcast_in_dim3A_3531, %broadcast_in_dim3A_3532 : vector<16xi1>, vector<16xf32>
      %jit3A_3534 = arith.constant 1.300000e+01 : f32
      %broadcast_in_dim3A_3535 = vector.broadcast %jit3A_3534 : f32 to vector<16xf32>
      %select_n3A_3536 = arith.select %eq3A_3525, %broadcast_in_dim3A_3535, %select_n3A_3533 : vector<16xi1>, vector<16xf32>
      %convert_element_type3A_3537 = arith.sitofp %convert_element_type3A_3397 : vector<16xi32> to vector<16xf32>
      %sub3A_3538 = arith.subf %mul3A_3393, %convert_element_type3A_3537 : vector<16xf32>
      %swap3A_3539 = arith.constant 0 : i32
      %swap3A_3540 = arith.index_cast %swap3A_3539 : i32 to index
      %swap3A_3541 = arith.constant 224 : index
      %swap3A_3542 = tpu.vector_load %arg7[%swap3A_3540, %swap3A_3541] {strides = array<i32>} : memref<8x256xf32, #tpu.memory_space<vmem>>, vector<1x16xf32>,
      %swap3A_3543 = vector.shape_cast %swap3A_3542 : vector<1x16xf32> to vector<16xf32>
      %swap3A_3544 = vector.shape_cast %sub3A_3538 : vector<16xf32> to vector<1x16xf32>
      tpu.vector_store %arg7[%swap3A_3540, %swap3A_3541], %swap3A_3544 {strides = array<i32>} : memref<8x256xf32, #tpu.memory_space<vmem>>, vector<1x16xf32>,
      %convert_element_type3A_3545 = arith.sitofp %convert_element_type3A_3398 : vector<16xi32> to vector<16xf32>
      %sub3A_3546 = arith.subf %mul3A_3396, %convert_element_type3A_3545 : vector<16xf32>
      %swap3A_3547 = arith.constant 1 : i32
      %swap3A_3548 = arith.index_cast %swap3A_3547 : i32 to index
      %swap3A_3549 = arith.constant 224 : index
      %swap3A_3550 = tpu.vector_load %arg7[%swap3A_3548, %swap3A_3549] {strides = array<i32>} : memref<8x256xf32, #tpu.memory_space<vmem>>, vector<1x16xf32>,
      %swap3A_3551 = vector.shape_cast %swap3A_3550 : vector<1x16xf32> to vector<16xf32>
      %swap3A_3552 = vector.shape_cast %sub3A_3546 : vector<16xf32> to vector<1x16xf32>
      tpu.vector_store %arg7[%swap3A_3548, %swap3A_3549], %swap3A_3552 {strides = array<i32>} : memref<8x256xf32, #tpu.memory_space<vmem>>, vector<1x16xf32>,
      %mul3A_3553 = arith.constant 1.280000e+03 : f32
      %mul3A_3554 = vector.broadcast %mul3A_3553 : f32 to vector<16xf32>
      %mul3A_3555 = arith.mulf %get3A_3385, %mul3A_3554 : vector<16xf32>
      %div3A_3556 = arith.divf %mul3A_3555, %select_n3A_3522 : vector<16xf32>
      %swap3A_3557 = arith.constant 2 : i32
      %swap3A_3558 = arith.index_cast %swap3A_3557 : i32 to index
      %swap3A_3559 = arith.constant 224 : index
      %swap3A_3560 = tpu.vector_load %arg7[%swap3A_3558, %swap3A_3559] {strides = array<i32>} : memref<8x256xf32, #tpu.memory_space<vmem>>, vector<1x16xf32>,
      %swap3A_3561 = vector.shape_cast %swap3A_3560 : vector<1x16xf32> to vector<16xf32>
      %swap3A_3562 = vector.shape_cast %div3A_3556 : vector<16xf32> to vector<1x16xf32>
      tpu.vector_store %arg7[%swap3A_3558, %swap3A_3559], %swap3A_3562 {strides = array<i32>} : memref<8x256xf32, #tpu.memory_space<vmem>>, vector<1x16xf32>,
      %mul3A_3563 = arith.constant 1.280000e+03 : f32
      %mul3A_3564 = vector.broadcast %mul3A_3563 : f32 to vector<16xf32>
      %mul3A_3565 = arith.mulf %get3A_3390, %mul3A_3564 : vector<16xf32>
      %div3A_3566 = arith.divf %mul3A_3565, %select_n3A_3536 : vector<16xf32>
      %swap3A_3567 = arith.constant 3 : i32
      %swap3A_3568 = arith.index_cast %swap3A_3567 : i32 to index
      %swap3A_3569 = arith.constant 224 : index
      %swap3A_3570 = tpu.vector_load %arg7[%swap3A_3568, %swap3A_3569] {strides = array<i32>} : memref<8x256xf32, #tpu.memory_space<vmem>>, vector<1x16xf32>,
      %swap3A_3571 = vector.shape_cast %swap3A_3570 : vector<1x16xf32> to vector<16xf32>
      %swap3A_3572 = vector.shape_cast %div3A_3566 : vector<16xf32> to vector<1x16xf32>
      tpu.vector_store %arg7[%swap3A_3568, %swap3A_3569], %swap3A_3572 {strides = array<i32>} : memref<8x256xf32, #tpu.memory_space<vmem>>, vector<1x16xf32>,
      %convert_element_type3A_3573 = arith.sitofp %add3A_3499 : vector<16xi32> to vector<16xf32>
      %swap3A_3574 = arith.constant 4 : i32
      %swap3A_3575 = arith.index_cast %swap3A_3574 : i32 to index
      %swap3A_3576 = arith.constant 224 : index
      %swap3A_3577 = tpu.vector_load %arg7[%swap3A_3575, %swap3A_3576] {strides = array<i32>} : memref<8x256xf32, #tpu.memory_space<vmem>>, vector<1x16xf32>,
      %swap3A_3578 = vector.shape_cast %swap3A_3577 : vector<1x16xf32> to vector<16xf32>
      %swap3A_3579 = vector.shape_cast %convert_element_type3A_3573 : vector<16xf32> to vector<1x16xf32>
      tpu.vector_store %arg7[%swap3A_3575, %swap3A_3576], %swap3A_3579 {strides = array<i32>} : memref<8x256xf32, #tpu.memory_space<vmem>>, vector<1x16xf32>,
      %convert_element_type3A_3580 = arith.fptosi %get3A_3370 : vector<16xf32> to vector<16xi32>
      %convert_element_type3A_3581 = arith.sitofp %convert_element_type3A_3580 : vector<16xi32> to vector<16xf32>
      %swap3A_3582 = arith.constant 5 : i32
      %swap3A_3583 = arith.index_cast %swap3A_3582 : i32 to index
      %swap3A_3584 = arith.constant 224 : index
      %swap3A_3585 = tpu.vector_load %arg7[%swap3A_3583, %swap3A_3584] {strides = array<i32>} : memref<8x256xf32, #tpu.memory_space<vmem>>, vector<1x16xf32>,
      %swap3A_3586 = vector.shape_cast %swap3A_3585 : vector<1x16xf32> to vector<16xf32>
      %swap3A_3587 = vector.shape_cast %convert_element_type3A_3581 : vector<16xf32> to vector<1x16xf32>
      tpu.vector_store %arg7[%swap3A_3583, %swap3A_3584], %swap3A_3587 {strides = array<i32>} : memref<8x256xf32, #tpu.memory_space<vmem>>, vector<1x16xf32>,
      %jit3A_3588 = arith.constant 1.000000e+00 : f32
      %jit3A_3589 = arith.constant 0.000000e+00 : f32
      %broadcast_in_dim3A_3590 = vector.broadcast %jit3A_3588 : f32 to vector<16xf32>
      %broadcast_in_dim3A_3591 = vector.broadcast %jit3A_3589 : f32 to vector<16xf32>
      %select_n3A_3592 = arith.select %and3A_3491, %broadcast_in_dim3A_3590, %broadcast_in_dim3A_3591 : vector<16xi1>, vector<16xf32>
      %swap3A_3593 = arith.constant 6 : i32
      %swap3A_3594 = arith.index_cast %swap3A_3593 : i32 to index
      %swap3A_3595 = arith.constant 224 : index
      %swap3A_3596 = tpu.vector_load %arg7[%swap3A_3594, %swap3A_3595] {strides = array<i32>} : memref<8x256xf32, #tpu.memory_space<vmem>>, vector<1x16xf32>,
      %swap3A_3597 = vector.shape_cast %swap3A_3596 : vector<1x16xf32> to vector<16xf32>
      %swap3A_3598 = vector.shape_cast %select_n3A_3592 : vector<16xf32> to vector<1x16xf32>
      tpu.vector_store %arg7[%swap3A_3594, %swap3A_3595], %swap3A_3598 {strides = array<i32>} : memref<8x256xf32, #tpu.memory_space<vmem>>, vector<1x16xf32>,
      %broadcast_in_dim3A_3599 = arith.constant 0.000000e+00 : f32
      %broadcast_in_dim3A_3600 = vector.broadcast %broadcast_in_dim3A_3599 : f32 to vector<16xf32>
      %swap3A_3601 = arith.constant 7 : i32
      %swap3A_3602 = arith.index_cast %swap3A_3601 : i32 to index
      %swap3A_3603 = arith.constant 224 : index
      %swap3A_3604 = tpu.vector_load %arg7[%swap3A_3602, %swap3A_3603] {strides = array<i32>} : memref<8x256xf32, #tpu.memory_space<vmem>>, vector<1x16xf32>,
      %swap3A_3605 = vector.shape_cast %swap3A_3604 : vector<1x16xf32> to vector<16xf32>
      %swap3A_3606 = vector.shape_cast %broadcast_in_dim3A_3600 : vector<16xf32> to vector<1x16xf32>
      tpu.vector_store %arg7[%swap3A_3602, %swap3A_3603], %swap3A_3606 {strides = array<i32>} : memref<8x256xf32, #tpu.memory_space<vmem>>, vector<1x16xf32>,
      %get3A_3607 = arith.constant 1 : i32
      %get3A_3608 = arith.index_cast %get3A_3607 : i32 to index
      %get3A_3609 = arith.constant 240 : index
      %get3A_3610 = tpu.vector_load %arg5[%get3A_3608, %get3A_3609] {strides = array<i32>} : memref<6x256xf32, #tpu.memory_space<vmem>>, vector<1x16xf32>,
      %get3A_3611 = vector.shape_cast %get3A_3610 : vector<1x16xf32> to vector<16xf32>
      %get3A_3612 = arith.constant 2 : i32
      %get3A_3613 = arith.index_cast %get3A_3612 : i32 to index
      %get3A_3614 = arith.constant 240 : index
      %get3A_3615 = tpu.vector_load %arg5[%get3A_3613, %get3A_3614] {strides = array<i32>} : memref<6x256xf32, #tpu.memory_space<vmem>>, vector<1x16xf32>,
      %get3A_3616 = vector.shape_cast %get3A_3615 : vector<1x16xf32> to vector<16xf32>
      %get3A_3617 = arith.constant 3 : i32
      %get3A_3618 = arith.index_cast %get3A_3617 : i32 to index
      %get3A_3619 = arith.constant 240 : index
      %get3A_3620 = tpu.vector_load %arg5[%get3A_3618, %get3A_3619] {strides = array<i32>} : memref<6x256xf32, #tpu.memory_space<vmem>>, vector<1x16xf32>,
      %get3A_3621 = vector.shape_cast %get3A_3620 : vector<1x16xf32> to vector<16xf32>
      %get3A_3622 = arith.constant 4 : i32
      %get3A_3623 = arith.index_cast %get3A_3622 : i32 to index
      %get3A_3624 = arith.constant 240 : index
      %get3A_3625 = tpu.vector_load %arg5[%get3A_3623, %get3A_3624] {strides = array<i32>} : memref<6x256xf32, #tpu.memory_space<vmem>>, vector<1x16xf32>,
      %get3A_3626 = vector.shape_cast %get3A_3625 : vector<1x16xf32> to vector<16xf32>
      %get3A_3627 = arith.constant 5 : i32
      %get3A_3628 = arith.index_cast %get3A_3627 : i32 to index
      %get3A_3629 = arith.constant 240 : index
      %get3A_3630 = tpu.vector_load %arg5[%get3A_3628, %get3A_3629] {strides = array<i32>} : memref<6x256xf32, #tpu.memory_space<vmem>>, vector<1x16xf32>,
      %get3A_3631 = vector.shape_cast %get3A_3630 : vector<1x16xf32> to vector<16xf32>
      %mul3A_3632 = arith.constant 1.600000e+02 : f32
      %mul3A_3633 = vector.broadcast %mul3A_3632 : f32 to vector<16xf32>
      %mul3A_3634 = arith.mulf %get3A_3616, %mul3A_3633 : vector<16xf32>
      %mul3A_3635 = arith.constant 1.600000e+02 : f32
      %mul3A_3636 = vector.broadcast %mul3A_3635 : f32 to vector<16xf32>
      %mul3A_3637 = arith.mulf %get3A_3621, %mul3A_3636 : vector<16xf32>
      %convert_element_type3A_3638 = arith.fptosi %mul3A_3634 : vector<16xf32> to vector<16xi32>
      %convert_element_type3A_3639 = arith.fptosi %mul3A_3637 : vector<16xf32> to vector<16xi32>
      %mul3A_3640 = arith.constant 1.280000e+03 : f32
      %mul3A_3641 = vector.broadcast %mul3A_3640 : f32 to vector<16xf32>
      %mul3A_3642 = arith.mulf %get3A_3626, %mul3A_3641 : vector<16xf32>
      %div3A_3643 = arith.constant 8.000000e+00 : f32
      %div3A_3644 = vector.broadcast %div3A_3643 : f32 to vector<16xf32>
      %div3A_3645 = arith.divf %mul3A_3642, %div3A_3644 : vector<16xf32>
      %mul3A_3646 = arith.constant 1.280000e+03 : f32
      %mul3A_3647 = vector.broadcast %mul3A_3646 : f32 to vector<16xf32>
      %mul3A_3648 = arith.mulf %get3A_3631, %mul3A_3647 : vector<16xf32>
      %div3A_3649 = arith.constant 8.000000e+00 : f32
      %div3A_3650 = vector.broadcast %div3A_3649 : f32 to vector<16xf32>
      %div3A_3651 = arith.divf %mul3A_3648, %div3A_3650 : vector<16xf32>
      %div3A_3652 = arith.constant 1.250000e+00 : f32
      %div3A_3653 = vector.broadcast %div3A_3652 : f32 to vector<16xf32>
      %div3A_3654 = arith.divf %div3A_3645, %div3A_3653 : vector<16xf32>
      %add3A_3655 = arith.constant 9.99999971E-10 : f32
      %add3A_3656 = vector.broadcast %add3A_3655 : f32 to vector<16xf32>
      %add3A_3657 = arith.addf %div3A_3645, %add3A_3656 : vector<16xf32>
      %div3A_3658 = arith.constant 1.250000e+00 : f32
      %div3A_3659 = vector.broadcast %div3A_3658 : f32 to vector<16xf32>
      %div3A_3660 = arith.divf %div3A_3659, %add3A_3657 : vector<16xf32>
      %max3A_3661 = arith.maximumf %div3A_3654, %div3A_3660 : vector<16xf32>
      %div3A_3662 = arith.constant 1.625000e+00 : f32
      %div3A_3663 = vector.broadcast %div3A_3662 : f32 to vector<16xf32>
      %div3A_3664 = arith.divf %div3A_3651, %div3A_3663 : vector<16xf32>
      %add3A_3665 = arith.constant 9.99999971E-10 : f32
      %add3A_3666 = vector.broadcast %add3A_3665 : f32 to vector<16xf32>
      %add3A_3667 = arith.addf %div3A_3651, %add3A_3666 : vector<16xf32>
      %div3A_3668 = arith.constant 1.625000e+00 : f32
      %div3A_3669 = vector.broadcast %div3A_3668 : f32 to vector<16xf32>
      %div3A_3670 = arith.divf %div3A_3669, %add3A_3667 : vector<16xf32>
      %max3A_3671 = arith.maximumf %div3A_3664, %div3A_3670 : vector<16xf32>
      %max3A_3672 = arith.maximumf %max3A_3661, %max3A_3671 : vector<16xf32>
      %div3A_3673 = arith.constant 2.000000e+00 : f32
      %div3A_3674 = vector.broadcast %div3A_3673 : f32 to vector<16xf32>
      %div3A_3675 = arith.divf %div3A_3645, %div3A_3674 : vector<16xf32>
      %add3A_3676 = arith.constant 9.99999971E-10 : f32
      %add3A_3677 = vector.broadcast %add3A_3676 : f32 to vector<16xf32>
      %add3A_3678 = arith.addf %div3A_3645, %add3A_3677 : vector<16xf32>
      %div3A_3679 = arith.constant 2.000000e+00 : f32
      %div3A_3680 = vector.broadcast %div3A_3679 : f32 to vector<16xf32>
      %div3A_3681 = arith.divf %div3A_3680, %add3A_3678 : vector<16xf32>
      %max3A_3682 = arith.maximumf %div3A_3675, %div3A_3681 : vector<16xf32>
      %div3A_3683 = arith.constant 3.750000e+00 : f32
      %div3A_3684 = vector.broadcast %div3A_3683 : f32 to vector<16xf32>
      %div3A_3685 = arith.divf %div3A_3651, %div3A_3684 : vector<16xf32>
      %add3A_3686 = arith.constant 9.99999971E-10 : f32
      %add3A_3687 = vector.broadcast %add3A_3686 : f32 to vector<16xf32>
      %add3A_3688 = arith.addf %div3A_3651, %add3A_3687 : vector<16xf32>
      %div3A_3689 = arith.constant 3.750000e+00 : f32
      %div3A_3690 = vector.broadcast %div3A_3689 : f32 to vector<16xf32>
      %div3A_3691 = arith.divf %div3A_3690, %add3A_3688 : vector<16xf32>
      %max3A_3692 = arith.maximumf %div3A_3685, %div3A_3691 : vector<16xf32>
      %max3A_3693 = arith.maximumf %max3A_3682, %max3A_3692 : vector<16xf32>
      %div3A_3694 = arith.constant 4.125000e+00 : f32
      %div3A_3695 = vector.broadcast %div3A_3694 : f32 to vector<16xf32>
      %div3A_3696 = arith.divf %div3A_3645, %div3A_3695 : vector<16xf32>
      %add3A_3697 = arith.constant 9.99999971E-10 : f32
      %add3A_3698 = vector.broadcast %add3A_3697 : f32 to vector<16xf32>
      %add3A_3699 = arith.addf %div3A_3645, %add3A_3698 : vector<16xf32>
      %div3A_3700 = arith.constant 4.125000e+00 : f32
      %div3A_3701 = vector.broadcast %div3A_3700 : f32 to vector<16xf32>
      %div3A_3702 = arith.divf %div3A_3701, %add3A_3699 : vector<16xf32>
      %max3A_3703 = arith.maximumf %div3A_3696, %div3A_3702 : vector<16xf32>
      %div3A_3704 = arith.constant 2.875000e+00 : f32
      %div3A_3705 = vector.broadcast %div3A_3704 : f32 to vector<16xf32>
      %div3A_3706 = arith.divf %div3A_3651, %div3A_3705 : vector<16xf32>
      %add3A_3707 = arith.constant 9.99999971E-10 : f32
      %add3A_3708 = vector.broadcast %add3A_3707 : f32 to vector<16xf32>
      %add3A_3709 = arith.addf %div3A_3651, %add3A_3708 : vector<16xf32>
      %div3A_3710 = arith.constant 2.875000e+00 : f32
      %div3A_3711 = vector.broadcast %div3A_3710 : f32 to vector<16xf32>
      %div3A_3712 = arith.divf %div3A_3711, %add3A_3709 : vector<16xf32>
      %max3A_3713 = arith.maximumf %div3A_3706, %div3A_3712 : vector<16xf32>
      %max3A_3714 = arith.maximumf %max3A_3703, %max3A_3713 : vector<16xf32>
      %lt3A_3715 = arith.cmpf olt, %max3A_3693, %max3A_3672 : vector<16xf32>
      %min3A_3716 = arith.minimumf %max3A_3672, %max3A_3693 : vector<16xf32>
      %lt3A_3717 = arith.cmpf olt, %max3A_3714, %min3A_3716 : vector<16xf32>
      %jit3A_3718 = arith.constant 1 : i32
      %jit3A_3719 = arith.constant 0 : i32
      %broadcast_in_dim3A_3720 = vector.broadcast %jit3A_3718 : i32 to vector<16xi32>
      %broadcast_in_dim3A_3721 = vector.broadcast %jit3A_3719 : i32 to vector<16xi32>
      %select_n3A_3722 = arith.select %lt3A_3715, %broadcast_in_dim3A_3720, %broadcast_in_dim3A_3721 : vector<16xi1>, vector<16xi32>
      %jit3A_3723 = arith.constant 2 : i32
      %broadcast_in_dim3A_3724 = vector.broadcast %jit3A_3723 : i32 to vector<16xi32>
      %select_n3A_3725 = arith.select %lt3A_3717, %broadcast_in_dim3A_3724, %select_n3A_3722 : vector<16xi1>, vector<16xi32>
      %lt3A_3726 = arith.constant 160 : i32
      %lt3A_3727 = vector.broadcast %lt3A_3726 : i32 to vector<16xi32>
      %lt3A_3728 = arith.cmpi slt, %convert_element_type3A_3639, %lt3A_3727 : vector<16xi32>
      %lt3A_3729 = arith.constant 160 : i32
      %lt3A_3730 = vector.broadcast %lt3A_3729 : i32 to vector<16xi32>
      %lt3A_3731 = arith.cmpi slt, %convert_element_type3A_3638, %lt3A_3730 : vector<16xi32>
      %and3A_3732 = arith.andi %lt3A_3728, %lt3A_3731 : vector<16xi1>
      %mul3A_3733 = arith.constant 25600 : i32
      %mul3A_3734 = vector.broadcast %mul3A_3733 : i32 to vector<16xi32>
      %mul3A_3735 = arith.muli %select_n3A_3725, %mul3A_3734 : vector<16xi32>
      %mul3A_3736 = arith.constant 160 : i32
      %mul3A_3737 = vector.broadcast %mul3A_3736 : i32 to vector<16xi32>
      %mul3A_3738 = arith.muli %convert_element_type3A_3639, %mul3A_3737 : vector<16xi32>
      %add3A_3739 = arith.addi %mul3A_3735, %mul3A_3738 : vector<16xi32>
      %add3A_3740 = arith.addi %add3A_3739, %convert_element_type3A_3638 : vector<16xi32>
      %jit3A_3741 = arith.constant 0 : i32
      %broadcast_in_dim3A_3742 = vector.broadcast %jit3A_3741 : i32 to vector<16xi32>
      %select_n3A_3743 = arith.select %and3A_3732, %add3A_3740, %broadcast_in_dim3A_3742 : vector<16xi1>, vector<16xi32>
      %swap3A_3744 = arith.constant 1 : i32
      %swap3A_3745 = arith.index_cast %swap3A_3744 : i32 to index
      %swap3A_3746 = arith.constant 112 : index
      %swap3A_3747 = tpu.vector_load %arg6[%swap3A_3745, %swap3A_3746] {strides = array<i32>} : memref<2x128xi32, #tpu.memory_space<vmem>>, vector<1x16xi32>,
      %swap3A_3748 = vector.shape_cast %swap3A_3747 : vector<1x16xi32> to vector<16xi32>
      %swap3A_3749 = vector.shape_cast %select_n3A_3743 : vector<16xi32> to vector<1x16xi32>
      tpu.vector_store %arg6[%swap3A_3745, %swap3A_3746], %swap3A_3749 {strides = array<i32>} : memref<2x128xi32, #tpu.memory_space<vmem>>, vector<1x16xi32>,
      %eq3A_3750 = arith.constant 0 : i32
      %eq3A_3751 = vector.broadcast %eq3A_3750 : i32 to vector<16xi32>
      %eq3A_3752 = arith.cmpi eq, %select_n3A_3725, %eq3A_3751 : vector<16xi32>
      %eq3A_3753 = arith.constant 1 : i32
      %eq3A_3754 = vector.broadcast %eq3A_3753 : i32 to vector<16xi32>
      %eq3A_3755 = arith.cmpi eq, %select_n3A_3725, %eq3A_3754 : vector<16xi32>
      %jit3A_3756 = arith.constant 1.600000e+01 : f32
      %jit3A_3757 = arith.constant 3.300000e+01 : f32
      %broadcast_in_dim3A_3758 = vector.broadcast %jit3A_3756 : f32 to vector<16xf32>
      %broadcast_in_dim3A_3759 = vector.broadcast %jit3A_3757 : f32 to vector<16xf32>
      %select_n3A_3760 = arith.select %eq3A_3755, %broadcast_in_dim3A_3758, %broadcast_in_dim3A_3759 : vector<16xi1>, vector<16xf32>
      %jit3A_3761 = arith.constant 1.000000e+01 : f32
      %broadcast_in_dim3A_3762 = vector.broadcast %jit3A_3761 : f32 to vector<16xf32>
      %select_n3A_3763 = arith.select %eq3A_3752, %broadcast_in_dim3A_3762, %select_n3A_3760 : vector<16xi1>, vector<16xf32>
      %eq3A_3764 = arith.constant 0 : i32
      %eq3A_3765 = vector.broadcast %eq3A_3764 : i32 to vector<16xi32>
      %eq3A_3766 = arith.cmpi eq, %select_n3A_3725, %eq3A_3765 : vector<16xi32>
      %eq3A_3767 = arith.constant 1 : i32
      %eq3A_3768 = vector.broadcast %eq3A_3767 : i32 to vector<16xi32>
      %eq3A_3769 = arith.cmpi eq, %select_n3A_3725, %eq3A_3768 : vector<16xi32>
      %jit3A_3770 = arith.constant 3.000000e+01 : f32
      %jit3A_3771 = arith.constant 2.300000e+01 : f32
      %broadcast_in_dim3A_3772 = vector.broadcast %jit3A_3770 : f32 to vector<16xf32>
      %broadcast_in_dim3A_3773 = vector.broadcast %jit3A_3771 : f32 to vector<16xf32>
      %select_n3A_3774 = arith.select %eq3A_3769, %broadcast_in_dim3A_3772, %broadcast_in_dim3A_3773 : vector<16xi1>, vector<16xf32>
      %jit3A_3775 = arith.constant 1.300000e+01 : f32
      %broadcast_in_dim3A_3776 = vector.broadcast %jit3A_3775 : f32 to vector<16xf32>
      %select_n3A_3777 = arith.select %eq3A_3766, %broadcast_in_dim3A_3776, %select_n3A_3774 : vector<16xi1>, vector<16xf32>
      %convert_element_type3A_3778 = arith.sitofp %convert_element_type3A_3638 : vector<16xi32> to vector<16xf32>
      %sub3A_3779 = arith.subf %mul3A_3634, %convert_element_type3A_3778 : vector<16xf32>
      %swap3A_3780 = arith.constant 0 : i32
      %swap3A_3781 = arith.index_cast %swap3A_3780 : i32 to index
      %swap3A_3782 = arith.constant 240 : index
      %swap3A_3783 = tpu.vector_load %arg7[%swap3A_3781, %swap3A_3782] {strides = array<i32>} : memref<8x256xf32, #tpu.memory_space<vmem>>, vector<1x16xf32>,
      %swap3A_3784 = vector.shape_cast %swap3A_3783 : vector<1x16xf32> to vector<16xf32>
      %swap3A_3785 = vector.shape_cast %sub3A_3779 : vector<16xf32> to vector<1x16xf32>
      tpu.vector_store %arg7[%swap3A_3781, %swap3A_3782], %swap3A_3785 {strides = array<i32>} : memref<8x256xf32, #tpu.memory_space<vmem>>, vector<1x16xf32>,
      %convert_element_type3A_3786 = arith.sitofp %convert_element_type3A_3639 : vector<16xi32> to vector<16xf32>
      %sub3A_3787 = arith.subf %mul3A_3637, %convert_element_type3A_3786 : vector<16xf32>
      %swap3A_3788 = arith.constant 1 : i32
      %swap3A_3789 = arith.index_cast %swap3A_3788 : i32 to index
      %swap3A_3790 = arith.constant 240 : index
      %swap3A_3791 = tpu.vector_load %arg7[%swap3A_3789, %swap3A_3790] {strides = array<i32>} : memref<8x256xf32, #tpu.memory_space<vmem>>, vector<1x16xf32>,
      %swap3A_3792 = vector.shape_cast %swap3A_3791 : vector<1x16xf32> to vector<16xf32>
      %swap3A_3793 = vector.shape_cast %sub3A_3787 : vector<16xf32> to vector<1x16xf32>
      tpu.vector_store %arg7[%swap3A_3789, %swap3A_3790], %swap3A_3793 {strides = array<i32>} : memref<8x256xf32, #tpu.memory_space<vmem>>, vector<1x16xf32>,
      %mul3A_3794 = arith.constant 1.280000e+03 : f32
      %mul3A_3795 = vector.broadcast %mul3A_3794 : f32 to vector<16xf32>
      %mul3A_3796 = arith.mulf %get3A_3626, %mul3A_3795 : vector<16xf32>
      %div3A_3797 = arith.divf %mul3A_3796, %select_n3A_3763 : vector<16xf32>
      %swap3A_3798 = arith.constant 2 : i32
      %swap3A_3799 = arith.index_cast %swap3A_3798 : i32 to index
      %swap3A_3800 = arith.constant 240 : index
      %swap3A_3801 = tpu.vector_load %arg7[%swap3A_3799, %swap3A_3800] {strides = array<i32>} : memref<8x256xf32, #tpu.memory_space<vmem>>, vector<1x16xf32>,
      %swap3A_3802 = vector.shape_cast %swap3A_3801 : vector<1x16xf32> to vector<16xf32>
      %swap3A_3803 = vector.shape_cast %div3A_3797 : vector<16xf32> to vector<1x16xf32>
      tpu.vector_store %arg7[%swap3A_3799, %swap3A_3800], %swap3A_3803 {strides = array<i32>} : memref<8x256xf32, #tpu.memory_space<vmem>>, vector<1x16xf32>,
      %mul3A_3804 = arith.constant 1.280000e+03 : f32
      %mul3A_3805 = vector.broadcast %mul3A_3804 : f32 to vector<16xf32>
      %mul3A_3806 = arith.mulf %get3A_3631, %mul3A_3805 : vector<16xf32>
      %div3A_3807 = arith.divf %mul3A_3806, %select_n3A_3777 : vector<16xf32>
      %swap3A_3808 = arith.constant 3 : i32
      %swap3A_3809 = arith.index_cast %swap3A_3808 : i32 to index
      %swap3A_3810 = arith.constant 240 : index
      %swap3A_3811 = tpu.vector_load %arg7[%swap3A_3809, %swap3A_3810] {strides = array<i32>} : memref<8x256xf32, #tpu.memory_space<vmem>>, vector<1x16xf32>,
      %swap3A_3812 = vector.shape_cast %swap3A_3811 : vector<1x16xf32> to vector<16xf32>
      %swap3A_3813 = vector.shape_cast %div3A_3807 : vector<16xf32> to vector<1x16xf32>
      tpu.vector_store %arg7[%swap3A_3809, %swap3A_3810], %swap3A_3813 {strides = array<i32>} : memref<8x256xf32, #tpu.memory_space<vmem>>, vector<1x16xf32>,
      %convert_element_type3A_3814 = arith.sitofp %add3A_3740 : vector<16xi32> to vector<16xf32>
      %swap3A_3815 = arith.constant 4 : i32
      %swap3A_3816 = arith.index_cast %swap3A_3815 : i32 to index
      %swap3A_3817 = arith.constant 240 : index
      %swap3A_3818 = tpu.vector_load %arg7[%swap3A_3816, %swap3A_3817] {strides = array<i32>} : memref<8x256xf32, #tpu.memory_space<vmem>>, vector<1x16xf32>,
      %swap3A_3819 = vector.shape_cast %swap3A_3818 : vector<1x16xf32> to vector<16xf32>
      %swap3A_3820 = vector.shape_cast %convert_element_type3A_3814 : vector<16xf32> to vector<1x16xf32>
      tpu.vector_store %arg7[%swap3A_3816, %swap3A_3817], %swap3A_3820 {strides = array<i32>} : memref<8x256xf32, #tpu.memory_space<vmem>>, vector<1x16xf32>,
      %convert_element_type3A_3821 = arith.fptosi %get3A_3611 : vector<16xf32> to vector<16xi32>
      %convert_element_type3A_3822 = arith.sitofp %convert_element_type3A_3821 : vector<16xi32> to vector<16xf32>
      %swap3A_3823 = arith.constant 5 : i32
      %swap3A_3824 = arith.index_cast %swap3A_3823 : i32 to index
      %swap3A_3825 = arith.constant 240 : index
      %swap3A_3826 = tpu.vector_load %arg7[%swap3A_3824, %swap3A_3825] {strides = array<i32>} : memref<8x256xf32, #tpu.memory_space<vmem>>, vector<1x16xf32>,
      %swap3A_3827 = vector.shape_cast %swap3A_3826 : vector<1x16xf32> to vector<16xf32>
      %swap3A_3828 = vector.shape_cast %convert_element_type3A_3822 : vector<16xf32> to vector<1x16xf32>
      tpu.vector_store %arg7[%swap3A_3824, %swap3A_3825], %swap3A_3828 {strides = array<i32>} : memref<8x256xf32, #tpu.memory_space<vmem>>, vector<1x16xf32>,
      %jit3A_3829 = arith.constant 1.000000e+00 : f32
      %jit3A_3830 = arith.constant 0.000000e+00 : f32
      %broadcast_in_dim3A_3831 = vector.broadcast %jit3A_3829 : f32 to vector<16xf32>
      %broadcast_in_dim3A_3832 = vector.broadcast %jit3A_3830 : f32 to vector<16xf32>
      %select_n3A_3833 = arith.select %and3A_3732, %broadcast_in_dim3A_3831, %broadcast_in_dim3A_3832 : vector<16xi1>, vector<16xf32>
      %swap3A_3834 = arith.constant 6 : i32
      %swap3A_3835 = arith.index_cast %swap3A_3834 : i32 to index
      %swap3A_3836 = arith.constant 240 : index
      %swap3A_3837 = tpu.vector_load %arg7[%swap3A_3835, %swap3A_3836] {strides = array<i32>} : memref<8x256xf32, #tpu.memory_space<vmem>>, vector<1x16xf32>,
      %swap3A_3838 = vector.shape_cast %swap3A_3837 : vector<1x16xf32> to vector<16xf32>
      %swap3A_3839 = vector.shape_cast %select_n3A_3833 : vector<16xf32> to vector<1x16xf32>
      tpu.vector_store %arg7[%swap3A_3835, %swap3A_3836], %swap3A_3839 {strides = array<i32>} : memref<8x256xf32, #tpu.memory_space<vmem>>, vector<1x16xf32>,
      %broadcast_in_dim3A_3840 = arith.constant 0.000000e+00 : f32
      %broadcast_in_dim3A_3841 = vector.broadcast %broadcast_in_dim3A_3840 : f32 to vector<16xf32>
      %swap3A_3842 = arith.constant 7 : i32
      %swap3A_3843 = arith.index_cast %swap3A_3842 : i32 to index
      %swap3A_3844 = arith.constant 240 : index
      %swap3A_3845 = tpu.vector_load %arg7[%swap3A_3843, %swap3A_3844] {strides = array<i32>} : memref<8x256xf32, #tpu.memory_space<vmem>>, vector<1x16xf32>,
      %swap3A_3846 = vector.shape_cast %swap3A_3845 : vector<1x16xf32> to vector<16xf32>
      %swap3A_3847 = vector.shape_cast %broadcast_in_dim3A_3841 : vector<16xf32> to vector<1x16xf32>
      tpu.vector_store %arg7[%swap3A_3843, %swap3A_3844], %swap3A_3847 {strides = array<i32>} : memref<8x256xf32, #tpu.memory_space<vmem>>, vector<1x16xf32>,
      "tpu.region"() ({
        %run_scoped3A = tpu.sem_alloc : memref<!tpu.dma_semaphore, #tpu.memory_space<semaphore_mem>>
        tpu.enqueue_dma source(%arg6 : memref<2x128xi32, #tpu.memory_space<vmem>>) target(%arg3 : memref<2x128xi32, #tpu.memory_space<hbm>>) target_semaphore(%run_scoped3A : memref<!tpu.dma_semaphore, #tpu.memory_space<semaphore_mem>>)
        tpu.wait_dma2 semaphore(%run_scoped3A : memref<!tpu.dma_semaphore, #tpu.memory_space<semaphore_mem>>) src(%arg6 : memref<2x128xi32, #tpu.memory_space<vmem>>) dst(%arg3 : memref<2x128xi32, #tpu.memory_space<hbm>>)
        tpu.yield
      }) : () -> ()
      "tpu.region"() ({
        %run_scoped3A = tpu.sem_alloc : memref<!tpu.dma_semaphore, #tpu.memory_space<semaphore_mem>>
        tpu.enqueue_dma source(%arg7 : memref<8x256xf32, #tpu.memory_space<vmem>>) target(%arg4 : memref<8x256xf32, #tpu.memory_space<hbm>>) target_semaphore(%run_scoped3A : memref<!tpu.dma_semaphore, #tpu.memory_space<semaphore_mem>>)
        tpu.wait_dma2 semaphore(%run_scoped3A : memref<!tpu.dma_semaphore, #tpu.memory_space<semaphore_mem>>) src(%arg7 : memref<8x256xf32, #tpu.memory_space<vmem>>) dst(%arg4 : memref<8x256xf32, #tpu.memory_space<hbm>>)
        tpu.yield
      }) : () -> ()
    } else {
    }
    return
  }
}

module attributes {stable_mosaic.version = 14 : i64} {
  func.func @_dense_body(%arg0: i32, %arg1: memref<19200x85xf32, #tpu.memory_space<vmem>>, %arg2: memref<1x1xf32, #tpu.memory_space<vmem>>, %arg3: memref<1xf32, #tpu.memory_space<smem>>) attributes {dimension_semantics = [#tpu.dimension_semantics<arbitrary>], iteration_bounds = array<i64: 4>, scalar_prefetch = 0 : i64, scratch_operands = 1 : i64, tpu.core_type = #tpu.core_type<tc>, window_params = [{transform_indices = @transform_0, window_bounds = array<i64: 19200, 85>}, {pipeline_mode = #tpu.pipeline_mode<synchronous>, transform_indices = @transform_1, window_bounds = array<i64: 1, 1>}]} {
    %eq3A = arith.constant 0 : i32
    %eq3A_0 = arith.cmpi eq, %arg0, %eq3A : i32
    %convert_element_type3A = arith.extui %eq3A_0 : i1 to i32
    %cond3A = arith.constant 0 : i32
    %cond3A_1 = arith.cmpi ne, %convert_element_type3A, %cond3A : i32
    scf.if %cond3A_1 {
      %swap3A_41 = arith.constant 0.000000e+00 : f32
      %swap3A_42 = arith.constant 0 : index
      %swap3A_43 = memref.load %arg3[%swap3A_42] : memref<1xf32, #tpu.memory_space<smem>>
      memref.store %swap3A_41, %arg3[%swap3A_42] : memref<1xf32, #tpu.memory_space<smem>>
    } else {
    }
    %get3A = arith.constant 0 : index
    %get3A_2 = arith.constant 0 : index
    %get3A_3 = vector.load %arg1[%get3A, %get3A_2] : memref<19200x85xf32, #tpu.memory_space<vmem>>, vector<19200x85xf32>
    %mul3A = arith.constant 1.44269502 : f32
    %mul3A_4 = vector.broadcast %mul3A : f32 to vector<19200x85xf32>
    %mul3A_5 = arith.mulf %get3A_3, %mul3A_4 : vector<19200x85xf32>
    %exp23A = math.exp2 %mul3A_5 : vector<19200x85xf32>
    %add3A = arith.constant 1.000000e+00 : f32
    %add3A_6 = vector.broadcast %add3A : f32 to vector<19200x85xf32>
    %add3A_7 = arith.addf %add3A_6, %exp23A : vector<19200x85xf32>
    %log3A = math.log %add3A_7 : vector<19200x85xf32>
    %log3A_8 = arith.constant 2.000000e+00 : f32
    %log3A_9 = math.log %log3A_8 : f32
    %div3A = vector.broadcast %log3A_9 : f32 to vector<19200x85xf32>
    %div3A_10 = arith.divf %log3A, %div3A : vector<19200x85xf32>
    %mul3A_11 = arith.constant 0.693147182 : f32
    %mul3A_12 = vector.broadcast %mul3A_11 : f32 to vector<19200x85xf32>
    %mul3A_13 = arith.mulf %mul3A_12, %div3A_10 : vector<19200x85xf32>
    %broadcast_in_dim3A = arith.constant 1.000000e+00 : f32
    %broadcast_in_dim3A_14 = vector.broadcast %broadcast_in_dim3A : f32 to vector<1x19200xf32>
    %dot_general3A = arith.constant dense<0.000000e+00> : vector<1x85xf32>
    %dot_general3A_15 = tpu.matmul %broadcast_in_dim3A_14, %mul3A_13, %dot_general3A {dimension_numbers = #tpu.dot_dimension_numbers<[1], [0], [0], [1], [0, 0, 1, 1], [], []>, transpose_lhs_hint = false} : vector<1x19200xf32>, vector<19200x85xf32>, vector<1x85xf32> -> vector<1x85xf32>
    %iota3A = tpu.iota {dimensions = array<i32: 1>} : vector<1x85xi32>
    %eq3A_16 = arith.constant 4 : i32
    %eq3A_17 = vector.broadcast %eq3A_16 : i32 to vector<1x85xi32>
    %eq3A_18 = arith.cmpi eq, %iota3A, %eq3A_17 : vector<1x85xi32>
    %ge3A = arith.constant 5 : i32
    %ge3A_19 = vector.broadcast %ge3A : i32 to vector<1x85xi32>
    %ge3A_20 = arith.cmpi sge, %iota3A, %ge3A_19 : vector<1x85xi32>
    %jit3A = arith.constant 1.62760415E-7 : f32
    %jit3A_21 = arith.constant 0.000000e+00 : f32
    %broadcast_in_dim3A_22 = vector.broadcast %jit3A : f32 to vector<1x85xf32>
    %broadcast_in_dim3A_23 = vector.broadcast %jit3A_21 : f32 to vector<1x85xf32>
    %select_n3A = arith.select %ge3A_20, %broadcast_in_dim3A_22, %broadcast_in_dim3A_23 : vector<1x85xi1>, vector<1x85xf32>
    %jit3A_24 = arith.constant 1.30208336E-5 : f32
    %broadcast_in_dim3A_25 = vector.broadcast %jit3A_24 : f32 to vector<1x85xf32>
    %select_n3A_26 = arith.select %eq3A_18, %broadcast_in_dim3A_25, %select_n3A : vector<1x85xi1>, vector<1x85xf32>
    %get3A_27 = arith.constant 0 : index
    %get3A_28 = memref.load %arg3[%get3A_27] : memref<1xf32, #tpu.memory_space<smem>>
    %mul3A_29 = arith.mulf %dot_general3A_15, %select_n3A_26 : vector<1x85xf32>
    %reduce_sum3A = vector.shape_cast %mul3A_29 : vector<1x85xf32> to vector<1x1x85xf32>
    %reduce_sum3A_30 = arith.constant dense<0.000000e+00> : vector<1xf32>
    %reduce_sum3A_31 = vector.multi_reduction <add>, %reduce_sum3A, %reduce_sum3A_30 [1, 2] : vector<1x1x85xf32> to vector<1xf32>
    %reduce_sum3A_32 = vector.shape_cast %reduce_sum3A_31 : vector<1xf32> to vector<1x1x1xf32>
    %reduce_sum3A_33 = vector.extract %reduce_sum3A_32[0, 0, 0] : f32 from vector<1x1x1xf32>
    %add3A_34 = arith.addf %get3A_28, %reduce_sum3A_33 : f32
    %swap3A = arith.constant 0 : index
    %swap3A_35 = memref.load %arg3[%swap3A] : memref<1xf32, #tpu.memory_space<smem>>
    memref.store %add3A_34, %arg3[%swap3A] : memref<1xf32, #tpu.memory_space<smem>>
    %eq3A_36 = arith.constant 3 : i32
    %eq3A_37 = arith.cmpi eq, %arg0, %eq3A_36 : i32
    %convert_element_type3A_38 = arith.extui %eq3A_37 : i1 to i32
    %cond3A_39 = arith.constant 0 : i32
    %cond3A_40 = arith.cmpi ne, %convert_element_type3A_38, %cond3A_39 : i32
    scf.if %cond3A_40 {
      %get3A_41 = arith.constant 0 : index
      %get3A_42 = memref.load %arg3[%get3A_41] : memref<1xf32, #tpu.memory_space<smem>>
      %reshape3A = vector.broadcast %get3A_42 : f32 to vector<1x1xf32>
      %swap3A_43 = arith.constant 0 : index
      %swap3A_44 = arith.constant 0 : index
      %swap3A_45 = vector.load %arg2[%swap3A_43, %swap3A_44] : memref<1x1xf32, #tpu.memory_space<vmem>>, vector<1x1xf32>
      tpu.vector_store %arg2[%swap3A_43, %swap3A_44], %reshape3A {strides = array<i32>} : memref<1x1xf32, #tpu.memory_space<vmem>>, vector<1x1xf32>,
    } else {
    }
    return
  }
  func.func @transform_0(%arg0: i32) -> (i32, i32) {
    %c0_i32 = arith.constant 0 : i32
    %c0_i32_0 = arith.constant 0 : i32
    return %arg0, %c0_i32 : i32, i32
  }
  func.func @transform_1(%arg0: i32) -> (i32, i32) {
    %c0_i32 = arith.constant 0 : i32
    %c0_i32_0 = arith.constant 0 : i32
    %c0_i32_1 = arith.constant 0 : i32
    return %c0_i32, %c0_i32_0 : i32, i32
  }
}

module attributes {stable_mosaic.version = 14 : i64} {
  func.func @_asm_body(%arg0: memref<2x128xi32, #tpu.memory_space<hbm>>, %arg1: memref<76800x85xf32, #tpu.memory_space<hbm>>, %arg2: memref<8x256xf32, #tpu.memory_space<hbm>>, %arg3: memref<1x1xf32, #tpu.memory_space<vmem>>, %arg4: memref<1x1xf32, #tpu.memory_space<vmem>>, %arg5: memref<256x85xf32, #tpu.memory_space<vmem>>, %arg6: memref<8x256xf32, #tpu.memory_space<vmem>>, %arg7: memref<2x128xi32, #tpu.memory_space<smem>>, %arg8: memref<!tpu.dma_semaphore, #tpu.memory_space<semaphore_mem>>, %arg9: memref<!tpu.dma_semaphore, #tpu.memory_space<semaphore_mem>>) attributes {dimension_semantics = [], scalar_prefetch = 0 : i64, scratch_operands = 5 : i64, tpu.core_type = #tpu.core_type<tc>} {
    tpu.enqueue_dma source(%arg0 : memref<2x128xi32, #tpu.memory_space<hbm>>) target(%arg7 : memref<2x128xi32, #tpu.memory_space<smem>>) target_semaphore(%arg9 : memref<!tpu.dma_semaphore, #tpu.memory_space<semaphore_mem>>)
    tpu.enqueue_dma source(%arg2 : memref<8x256xf32, #tpu.memory_space<hbm>>) target(%arg6 : memref<8x256xf32, #tpu.memory_space<vmem>>) target_semaphore(%arg9 : memref<!tpu.dma_semaphore, #tpu.memory_space<semaphore_mem>>)
    tpu.wait_dma2 semaphore(%arg9 : memref<!tpu.dma_semaphore, #tpu.memory_space<semaphore_mem>>) src(%arg0 : memref<2x128xi32, #tpu.memory_space<hbm>>) dst(%arg7 : memref<2x128xi32, #tpu.memory_space<smem>>)
    %scan3A = arith.constant 0 : i32
    %scan3A_0 = arith.constant 64 : i32
    %scan3A_1 = arith.addi %scan3A, %scan3A_0 : i32
    %scan3A_2 = arith.constant 1 : i32
    scf.for %scan3A_218 = %scan3A to %scan3A_1 step %scan3A_2  : i32 {
      %mul3A_219 = arith.constant 4 : i32
      %mul3A_220 = arith.muli %scan3A_218, %mul3A_219 : i32
      %add3A_221 = arith.constant 0 : i32
      %add3A_222 = arith.addi %mul3A_220, %add3A_221 : i32
      %jit3A = arith.constant 128 : i32
      %div3A_223 = arith.divsi %add3A_222, %jit3A : i32
      %sign3A = arith.constant 0 : i32
      %sign3A_224 = arith.cmpi sgt, %add3A_222, %sign3A : i32
      %sign3A_225 = arith.extui %sign3A_224 : i1 to i32
      %sign3A_226 = arith.constant 0 : i32
      %sign3A_227 = arith.cmpi slt, %add3A_222, %sign3A_226 : i32
      %sign3A_228 = arith.extui %sign3A_227 : i1 to i32
      %sign3A_229 = arith.subi %sign3A_225, %sign3A_228 : i32
      %sign3A_230 = arith.constant 0 : i32
      %sign3A_231 = arith.cmpi sgt, %jit3A, %sign3A_230 : i32
      %sign3A_232 = arith.extui %sign3A_231 : i1 to i32
      %sign3A_233 = arith.constant 0 : i32
      %sign3A_234 = arith.cmpi slt, %jit3A, %sign3A_233 : i32
      %sign3A_235 = arith.extui %sign3A_234 : i1 to i32
      %sign3A_236 = arith.subi %sign3A_232, %sign3A_235 : i32
      %ne3A = arith.cmpi ne, %sign3A_229, %sign3A_236 : i32
      %rem3A = arith.remsi %add3A_222, %jit3A : i32
      %ne3A_237 = arith.constant 0 : i32
      %ne3A_238 = arith.cmpi ne, %rem3A, %ne3A_237 : i32
      %and3A_239 = arith.andi %ne3A, %ne3A_238 : i1
      %sub3A_240 = arith.constant 1 : i32
      %sub3A_241 = arith.subi %div3A_223, %sub3A_240 : i32
      %select_n3A_242 = arith.select %and3A_239, %sub3A_241, %div3A_223 : i32
      %jit3A_243 = arith.constant 128 : i32
      %eq3A_244 = arith.constant 0 : i32
      %eq3A_245 = arith.cmpi eq, %jit3A_243, %eq3A_244 : i32
      %jit3A_246 = arith.constant 1 : i32
      %select_n3A_247 = arith.select %eq3A_245, %jit3A_246, %jit3A_243 : i32
      %rem3A_248 = arith.remsi %add3A_222, %select_n3A_247 : i32
      %ne3A_249 = arith.constant 0 : i32
      %ne3A_250 = arith.cmpi ne, %rem3A_248, %ne3A_249 : i32
      %lt3A_251 = arith.constant 0 : i32
      %lt3A_252 = arith.cmpi slt, %rem3A_248, %lt3A_251 : i32
      %lt3A_253 = arith.constant 0 : i32
      %lt3A_254 = arith.cmpi slt, %select_n3A_247, %lt3A_253 : i32
      %ne3A_255 = arith.xori %lt3A_252, %lt3A_254 : i1
      %and3A_256 = arith.andi %ne3A_255, %ne3A_250 : i1
      %add3A_257 = arith.addi %rem3A_248, %select_n3A_247 : i32
      %select_n3A_258 = arith.select %and3A_256, %add3A_257, %rem3A_248 : i32
      %get3A_259 = arith.index_cast %select_n3A_242 : i32 to index
      %get3A_260 = arith.index_cast %select_n3A_258 : i32 to index
      %get3A_261 = memref.load %arg7[%get3A_259, %get3A_260] : memref<2x128xi32, #tpu.memory_space<smem>>
      %dma_start3A = arith.constant 0 : i32
      %dma_start3A_262 = tpu.memref_slice %arg5[%add3A_222, %dma_start3A] : memref<256x85xf32, #tpu.memory_space<vmem>> -> memref<1x85xf32, #tpu.memory_space<vmem>>
      %dma_start3A_263 = arith.constant 0 : i32
      %dma_start3A_264 = tpu.memref_slice %arg1[%get3A_261, %dma_start3A_263] : memref<76800x85xf32, #tpu.memory_space<hbm>> -> memref<1x85xf32, #tpu.memory_space<hbm>>
      tpu.enqueue_dma source(%dma_start3A_264 : memref<1x85xf32, #tpu.memory_space<hbm>>) target(%dma_start3A_262 : memref<1x85xf32, #tpu.memory_space<vmem>>) target_semaphore(%arg8 : memref<!tpu.dma_semaphore, #tpu.memory_space<semaphore_mem>>)
      %mul3A_265 = arith.constant 4 : i32
      %mul3A_266 = arith.muli %scan3A_218, %mul3A_265 : i32
      %add3A_267 = arith.constant 1 : i32
      %add3A_268 = arith.addi %mul3A_266, %add3A_267 : i32
      %jit3A_269 = arith.constant 128 : i32
      %div3A_270 = arith.divsi %add3A_268, %jit3A_269 : i32
      %sign3A_271 = arith.constant 0 : i32
      %sign3A_272 = arith.cmpi sgt, %add3A_268, %sign3A_271 : i32
      %sign3A_273 = arith.extui %sign3A_272 : i1 to i32
      %sign3A_274 = arith.constant 0 : i32
      %sign3A_275 = arith.cmpi slt, %add3A_268, %sign3A_274 : i32
      %sign3A_276 = arith.extui %sign3A_275 : i1 to i32
      %sign3A_277 = arith.subi %sign3A_273, %sign3A_276 : i32
      %sign3A_278 = arith.constant 0 : i32
      %sign3A_279 = arith.cmpi sgt, %jit3A_269, %sign3A_278 : i32
      %sign3A_280 = arith.extui %sign3A_279 : i1 to i32
      %sign3A_281 = arith.constant 0 : i32
      %sign3A_282 = arith.cmpi slt, %jit3A_269, %sign3A_281 : i32
      %sign3A_283 = arith.extui %sign3A_282 : i1 to i32
      %sign3A_284 = arith.subi %sign3A_280, %sign3A_283 : i32
      %ne3A_285 = arith.cmpi ne, %sign3A_277, %sign3A_284 : i32
      %rem3A_286 = arith.remsi %add3A_268, %jit3A_269 : i32
      %ne3A_287 = arith.constant 0 : i32
      %ne3A_288 = arith.cmpi ne, %rem3A_286, %ne3A_287 : i32
      %and3A_289 = arith.andi %ne3A_285, %ne3A_288 : i1
      %sub3A_290 = arith.constant 1 : i32
      %sub3A_291 = arith.subi %div3A_270, %sub3A_290 : i32
      %select_n3A_292 = arith.select %and3A_289, %sub3A_291, %div3A_270 : i32
      %jit3A_293 = arith.constant 128 : i32
      %eq3A_294 = arith.constant 0 : i32
      %eq3A_295 = arith.cmpi eq, %jit3A_293, %eq3A_294 : i32
      %jit3A_296 = arith.constant 1 : i32
      %select_n3A_297 = arith.select %eq3A_295, %jit3A_296, %jit3A_293 : i32
      %rem3A_298 = arith.remsi %add3A_268, %select_n3A_297 : i32
      %ne3A_299 = arith.constant 0 : i32
      %ne3A_300 = arith.cmpi ne, %rem3A_298, %ne3A_299 : i32
      %lt3A_301 = arith.constant 0 : i32
      %lt3A_302 = arith.cmpi slt, %rem3A_298, %lt3A_301 : i32
      %lt3A_303 = arith.constant 0 : i32
      %lt3A_304 = arith.cmpi slt, %select_n3A_297, %lt3A_303 : i32
      %ne3A_305 = arith.xori %lt3A_302, %lt3A_304 : i1
      %and3A_306 = arith.andi %ne3A_305, %ne3A_300 : i1
      %add3A_307 = arith.addi %rem3A_298, %select_n3A_297 : i32
      %select_n3A_308 = arith.select %and3A_306, %add3A_307, %rem3A_298 : i32
      %get3A_309 = arith.index_cast %select_n3A_292 : i32 to index
      %get3A_310 = arith.index_cast %select_n3A_308 : i32 to index
      %get3A_311 = memref.load %arg7[%get3A_309, %get3A_310] : memref<2x128xi32, #tpu.memory_space<smem>>
      %dma_start3A_312 = arith.constant 0 : i32
      %dma_start3A_313 = tpu.memref_slice %arg5[%add3A_268, %dma_start3A_312] : memref<256x85xf32, #tpu.memory_space<vmem>> -> memref<1x85xf32, #tpu.memory_space<vmem>>
      %dma_start3A_314 = arith.constant 0 : i32
      %dma_start3A_315 = tpu.memref_slice %arg1[%get3A_311, %dma_start3A_314] : memref<76800x85xf32, #tpu.memory_space<hbm>> -> memref<1x85xf32, #tpu.memory_space<hbm>>
      tpu.enqueue_dma source(%dma_start3A_315 : memref<1x85xf32, #tpu.memory_space<hbm>>) target(%dma_start3A_313 : memref<1x85xf32, #tpu.memory_space<vmem>>) target_semaphore(%arg8 : memref<!tpu.dma_semaphore, #tpu.memory_space<semaphore_mem>>)
      %mul3A_316 = arith.constant 4 : i32
      %mul3A_317 = arith.muli %scan3A_218, %mul3A_316 : i32
      %add3A_318 = arith.constant 2 : i32
      %add3A_319 = arith.addi %mul3A_317, %add3A_318 : i32
      %jit3A_320 = arith.constant 128 : i32
      %div3A_321 = arith.divsi %add3A_319, %jit3A_320 : i32
      %sign3A_322 = arith.constant 0 : i32
      %sign3A_323 = arith.cmpi sgt, %add3A_319, %sign3A_322 : i32
      %sign3A_324 = arith.extui %sign3A_323 : i1 to i32
      %sign3A_325 = arith.constant 0 : i32
      %sign3A_326 = arith.cmpi slt, %add3A_319, %sign3A_325 : i32
      %sign3A_327 = arith.extui %sign3A_326 : i1 to i32
      %sign3A_328 = arith.subi %sign3A_324, %sign3A_327 : i32
      %sign3A_329 = arith.constant 0 : i32
      %sign3A_330 = arith.cmpi sgt, %jit3A_320, %sign3A_329 : i32
      %sign3A_331 = arith.extui %sign3A_330 : i1 to i32
      %sign3A_332 = arith.constant 0 : i32
      %sign3A_333 = arith.cmpi slt, %jit3A_320, %sign3A_332 : i32
      %sign3A_334 = arith.extui %sign3A_333 : i1 to i32
      %sign3A_335 = arith.subi %sign3A_331, %sign3A_334 : i32
      %ne3A_336 = arith.cmpi ne, %sign3A_328, %sign3A_335 : i32
      %rem3A_337 = arith.remsi %add3A_319, %jit3A_320 : i32
      %ne3A_338 = arith.constant 0 : i32
      %ne3A_339 = arith.cmpi ne, %rem3A_337, %ne3A_338 : i32
      %and3A_340 = arith.andi %ne3A_336, %ne3A_339 : i1
      %sub3A_341 = arith.constant 1 : i32
      %sub3A_342 = arith.subi %div3A_321, %sub3A_341 : i32
      %select_n3A_343 = arith.select %and3A_340, %sub3A_342, %div3A_321 : i32
      %jit3A_344 = arith.constant 128 : i32
      %eq3A_345 = arith.constant 0 : i32
      %eq3A_346 = arith.cmpi eq, %jit3A_344, %eq3A_345 : i32
      %jit3A_347 = arith.constant 1 : i32
      %select_n3A_348 = arith.select %eq3A_346, %jit3A_347, %jit3A_344 : i32
      %rem3A_349 = arith.remsi %add3A_319, %select_n3A_348 : i32
      %ne3A_350 = arith.constant 0 : i32
      %ne3A_351 = arith.cmpi ne, %rem3A_349, %ne3A_350 : i32
      %lt3A_352 = arith.constant 0 : i32
      %lt3A_353 = arith.cmpi slt, %rem3A_349, %lt3A_352 : i32
      %lt3A_354 = arith.constant 0 : i32
      %lt3A_355 = arith.cmpi slt, %select_n3A_348, %lt3A_354 : i32
      %ne3A_356 = arith.xori %lt3A_353, %lt3A_355 : i1
      %and3A_357 = arith.andi %ne3A_356, %ne3A_351 : i1
      %add3A_358 = arith.addi %rem3A_349, %select_n3A_348 : i32
      %select_n3A_359 = arith.select %and3A_357, %add3A_358, %rem3A_349 : i32
      %get3A_360 = arith.index_cast %select_n3A_343 : i32 to index
      %get3A_361 = arith.index_cast %select_n3A_359 : i32 to index
      %get3A_362 = memref.load %arg7[%get3A_360, %get3A_361] : memref<2x128xi32, #tpu.memory_space<smem>>
      %dma_start3A_363 = arith.constant 0 : i32
      %dma_start3A_364 = tpu.memref_slice %arg5[%add3A_319, %dma_start3A_363] : memref<256x85xf32, #tpu.memory_space<vmem>> -> memref<1x85xf32, #tpu.memory_space<vmem>>
      %dma_start3A_365 = arith.constant 0 : i32
      %dma_start3A_366 = tpu.memref_slice %arg1[%get3A_362, %dma_start3A_365] : memref<76800x85xf32, #tpu.memory_space<hbm>> -> memref<1x85xf32, #tpu.memory_space<hbm>>
      tpu.enqueue_dma source(%dma_start3A_366 : memref<1x85xf32, #tpu.memory_space<hbm>>) target(%dma_start3A_364 : memref<1x85xf32, #tpu.memory_space<vmem>>) target_semaphore(%arg8 : memref<!tpu.dma_semaphore, #tpu.memory_space<semaphore_mem>>)
      %mul3A_367 = arith.constant 4 : i32
      %mul3A_368 = arith.muli %scan3A_218, %mul3A_367 : i32
      %add3A_369 = arith.constant 3 : i32
      %add3A_370 = arith.addi %mul3A_368, %add3A_369 : i32
      %jit3A_371 = arith.constant 128 : i32
      %div3A_372 = arith.divsi %add3A_370, %jit3A_371 : i32
      %sign3A_373 = arith.constant 0 : i32
      %sign3A_374 = arith.cmpi sgt, %add3A_370, %sign3A_373 : i32
      %sign3A_375 = arith.extui %sign3A_374 : i1 to i32
      %sign3A_376 = arith.constant 0 : i32
      %sign3A_377 = arith.cmpi slt, %add3A_370, %sign3A_376 : i32
      %sign3A_378 = arith.extui %sign3A_377 : i1 to i32
      %sign3A_379 = arith.subi %sign3A_375, %sign3A_378 : i32
      %sign3A_380 = arith.constant 0 : i32
      %sign3A_381 = arith.cmpi sgt, %jit3A_371, %sign3A_380 : i32
      %sign3A_382 = arith.extui %sign3A_381 : i1 to i32
      %sign3A_383 = arith.constant 0 : i32
      %sign3A_384 = arith.cmpi slt, %jit3A_371, %sign3A_383 : i32
      %sign3A_385 = arith.extui %sign3A_384 : i1 to i32
      %sign3A_386 = arith.subi %sign3A_382, %sign3A_385 : i32
      %ne3A_387 = arith.cmpi ne, %sign3A_379, %sign3A_386 : i32
      %rem3A_388 = arith.remsi %add3A_370, %jit3A_371 : i32
      %ne3A_389 = arith.constant 0 : i32
      %ne3A_390 = arith.cmpi ne, %rem3A_388, %ne3A_389 : i32
      %and3A_391 = arith.andi %ne3A_387, %ne3A_390 : i1
      %sub3A_392 = arith.constant 1 : i32
      %sub3A_393 = arith.subi %div3A_372, %sub3A_392 : i32
      %select_n3A_394 = arith.select %and3A_391, %sub3A_393, %div3A_372 : i32
      %jit3A_395 = arith.constant 128 : i32
      %eq3A_396 = arith.constant 0 : i32
      %eq3A_397 = arith.cmpi eq, %jit3A_395, %eq3A_396 : i32
      %jit3A_398 = arith.constant 1 : i32
      %select_n3A_399 = arith.select %eq3A_397, %jit3A_398, %jit3A_395 : i32
      %rem3A_400 = arith.remsi %add3A_370, %select_n3A_399 : i32
      %ne3A_401 = arith.constant 0 : i32
      %ne3A_402 = arith.cmpi ne, %rem3A_400, %ne3A_401 : i32
      %lt3A_403 = arith.constant 0 : i32
      %lt3A_404 = arith.cmpi slt, %rem3A_400, %lt3A_403 : i32
      %lt3A_405 = arith.constant 0 : i32
      %lt3A_406 = arith.cmpi slt, %select_n3A_399, %lt3A_405 : i32
      %ne3A_407 = arith.xori %lt3A_404, %lt3A_406 : i1
      %and3A_408 = arith.andi %ne3A_407, %ne3A_402 : i1
      %add3A_409 = arith.addi %rem3A_400, %select_n3A_399 : i32
      %select_n3A_410 = arith.select %and3A_408, %add3A_409, %rem3A_400 : i32
      %get3A_411 = arith.index_cast %select_n3A_394 : i32 to index
      %get3A_412 = arith.index_cast %select_n3A_410 : i32 to index
      %get3A_413 = memref.load %arg7[%get3A_411, %get3A_412] : memref<2x128xi32, #tpu.memory_space<smem>>
      %dma_start3A_414 = arith.constant 0 : i32
      %dma_start3A_415 = tpu.memref_slice %arg5[%add3A_370, %dma_start3A_414] : memref<256x85xf32, #tpu.memory_space<vmem>> -> memref<1x85xf32, #tpu.memory_space<vmem>>
      %dma_start3A_416 = arith.constant 0 : i32
      %dma_start3A_417 = tpu.memref_slice %arg1[%get3A_413, %dma_start3A_416] : memref<76800x85xf32, #tpu.memory_space<hbm>> -> memref<1x85xf32, #tpu.memory_space<hbm>>
      tpu.enqueue_dma source(%dma_start3A_417 : memref<1x85xf32, #tpu.memory_space<hbm>>) target(%dma_start3A_415 : memref<1x85xf32, #tpu.memory_space<vmem>>) target_semaphore(%arg8 : memref<!tpu.dma_semaphore, #tpu.memory_space<semaphore_mem>>)
    }
    %scan3A_3 = arith.constant 64 : i32
    %scan3A_4 = arith.constant 0 : i32
    %scan3A_5 = arith.constant 64 : i32
    %scan3A_6 = arith.addi %scan3A_4, %scan3A_5 : i32
    %scan3A_7 = arith.constant 1 : i32
    scf.for %scan3A_218 = %scan3A_4 to %scan3A_6 step %scan3A_7  : i32 {
      %mul3A_219 = arith.constant 4 : i32
      %mul3A_220 = arith.muli %scan3A_218, %mul3A_219 : i32
      %add3A_221 = arith.constant 0 : i32
      %add3A_222 = arith.addi %mul3A_220, %add3A_221 : i32
      %dma_wait3A = arith.constant 0 : i32
      %dma_wait3A_223 = tpu.memref_slice %arg5[%add3A_222, %dma_wait3A] : memref<256x85xf32, #tpu.memory_space<vmem>> -> memref<1x85xf32, #tpu.memory_space<vmem>>
      %dma_wait3A_224 = arith.constant 0 : i32
      %dma_wait3A_225 = arith.constant 0 : i32
      %dma_wait3A_226 = tpu.memref_slice %arg1[%dma_wait3A_224, %dma_wait3A_225] : memref<76800x85xf32, #tpu.memory_space<hbm>> -> memref<1x85xf32, #tpu.memory_space<hbm>>
      tpu.wait_dma2 semaphore(%arg8 : memref<!tpu.dma_semaphore, #tpu.memory_space<semaphore_mem>>) src(%dma_wait3A_226 : memref<1x85xf32, #tpu.memory_space<hbm>>) dst(%dma_wait3A_223 : memref<1x85xf32, #tpu.memory_space<vmem>>)
      %mul3A_227 = arith.constant 4 : i32
      %mul3A_228 = arith.muli %scan3A_218, %mul3A_227 : i32
      %add3A_229 = arith.constant 1 : i32
      %add3A_230 = arith.addi %mul3A_228, %add3A_229 : i32
      %dma_wait3A_231 = arith.constant 0 : i32
      %dma_wait3A_232 = tpu.memref_slice %arg5[%add3A_230, %dma_wait3A_231] : memref<256x85xf32, #tpu.memory_space<vmem>> -> memref<1x85xf32, #tpu.memory_space<vmem>>
      %dma_wait3A_233 = arith.constant 0 : i32
      %dma_wait3A_234 = arith.constant 0 : i32
      %dma_wait3A_235 = tpu.memref_slice %arg1[%dma_wait3A_233, %dma_wait3A_234] : memref<76800x85xf32, #tpu.memory_space<hbm>> -> memref<1x85xf32, #tpu.memory_space<hbm>>
      tpu.wait_dma2 semaphore(%arg8 : memref<!tpu.dma_semaphore, #tpu.memory_space<semaphore_mem>>) src(%dma_wait3A_235 : memref<1x85xf32, #tpu.memory_space<hbm>>) dst(%dma_wait3A_232 : memref<1x85xf32, #tpu.memory_space<vmem>>)
      %mul3A_236 = arith.constant 4 : i32
      %mul3A_237 = arith.muli %scan3A_218, %mul3A_236 : i32
      %add3A_238 = arith.constant 2 : i32
      %add3A_239 = arith.addi %mul3A_237, %add3A_238 : i32
      %dma_wait3A_240 = arith.constant 0 : i32
      %dma_wait3A_241 = tpu.memref_slice %arg5[%add3A_239, %dma_wait3A_240] : memref<256x85xf32, #tpu.memory_space<vmem>> -> memref<1x85xf32, #tpu.memory_space<vmem>>
      %dma_wait3A_242 = arith.constant 0 : i32
      %dma_wait3A_243 = arith.constant 0 : i32
      %dma_wait3A_244 = tpu.memref_slice %arg1[%dma_wait3A_242, %dma_wait3A_243] : memref<76800x85xf32, #tpu.memory_space<hbm>> -> memref<1x85xf32, #tpu.memory_space<hbm>>
      tpu.wait_dma2 semaphore(%arg8 : memref<!tpu.dma_semaphore, #tpu.memory_space<semaphore_mem>>) src(%dma_wait3A_244 : memref<1x85xf32, #tpu.memory_space<hbm>>) dst(%dma_wait3A_241 : memref<1x85xf32, #tpu.memory_space<vmem>>)
      %mul3A_245 = arith.constant 4 : i32
      %mul3A_246 = arith.muli %scan3A_218, %mul3A_245 : i32
      %add3A_247 = arith.constant 3 : i32
      %add3A_248 = arith.addi %mul3A_246, %add3A_247 : i32
      %dma_wait3A_249 = arith.constant 0 : i32
      %dma_wait3A_250 = tpu.memref_slice %arg5[%add3A_248, %dma_wait3A_249] : memref<256x85xf32, #tpu.memory_space<vmem>> -> memref<1x85xf32, #tpu.memory_space<vmem>>
      %dma_wait3A_251 = arith.constant 0 : i32
      %dma_wait3A_252 = arith.constant 0 : i32
      %dma_wait3A_253 = tpu.memref_slice %arg1[%dma_wait3A_251, %dma_wait3A_252] : memref<76800x85xf32, #tpu.memory_space<hbm>> -> memref<1x85xf32, #tpu.memory_space<hbm>>
      tpu.wait_dma2 semaphore(%arg8 : memref<!tpu.dma_semaphore, #tpu.memory_space<semaphore_mem>>) src(%dma_wait3A_253 : memref<1x85xf32, #tpu.memory_space<hbm>>) dst(%dma_wait3A_250 : memref<1x85xf32, #tpu.memory_space<vmem>>)
    }
    %scan3A_8 = arith.constant 64 : i32
    tpu.wait_dma2 semaphore(%arg9 : memref<!tpu.dma_semaphore, #tpu.memory_space<semaphore_mem>>) src(%arg2 : memref<8x256xf32, #tpu.memory_space<hbm>>) dst(%arg6 : memref<8x256xf32, #tpu.memory_space<vmem>>)
    %get3A = arith.constant 0 : index
    %get3A_9 = arith.constant 0 : index
    %get3A_10 = vector.load %arg5[%get3A, %get3A_9] : memref<256x85xf32, #tpu.memory_space<vmem>>, vector<256x85xf32>
    %get3A_11 = arith.constant 0 : index
    %get3A_12 = arith.constant 0 : index
    %get3A_13 = vector.load %arg6[%get3A_11, %get3A_12] : memref<8x256xf32, #tpu.memory_space<vmem>>, vector<1x256xf32>
    %get3A_14 = vector.shape_cast %get3A_13 : vector<1x256xf32> to vector<256xf32>
    %get3A_15 = arith.constant 1 : index
    %get3A_16 = arith.constant 0 : index
    %get3A_17 = vector.load %arg6[%get3A_15, %get3A_16] : memref<8x256xf32, #tpu.memory_space<vmem>>, vector<1x256xf32>
    %get3A_18 = vector.shape_cast %get3A_17 : vector<1x256xf32> to vector<256xf32>
    %get3A_19 = arith.constant 2 : index
    %get3A_20 = arith.constant 0 : index
    %get3A_21 = vector.load %arg6[%get3A_19, %get3A_20] : memref<8x256xf32, #tpu.memory_space<vmem>>, vector<1x256xf32>
    %get3A_22 = vector.shape_cast %get3A_21 : vector<1x256xf32> to vector<256xf32>
    %get3A_23 = arith.constant 3 : index
    %get3A_24 = arith.constant 0 : index
    %get3A_25 = vector.load %arg6[%get3A_23, %get3A_24] : memref<8x256xf32, #tpu.memory_space<vmem>>, vector<1x256xf32>
    %get3A_26 = vector.shape_cast %get3A_25 : vector<1x256xf32> to vector<256xf32>
    %get3A_27 = arith.constant 4 : index
    %get3A_28 = arith.constant 0 : index
    %get3A_29 = vector.load %arg6[%get3A_27, %get3A_28] : memref<8x256xf32, #tpu.memory_space<vmem>>, vector<1x256xf32>
    %get3A_30 = vector.shape_cast %get3A_29 : vector<1x256xf32> to vector<256xf32>
    %get3A_31 = arith.constant 5 : index
    %get3A_32 = arith.constant 0 : index
    %get3A_33 = vector.load %arg6[%get3A_31, %get3A_32] : memref<8x256xf32, #tpu.memory_space<vmem>>, vector<1x256xf32>
    %get3A_34 = vector.shape_cast %get3A_33 : vector<1x256xf32> to vector<256xf32>
    %get3A_35 = arith.constant 6 : index
    %get3A_36 = arith.constant 0 : index
    %get3A_37 = vector.load %arg6[%get3A_35, %get3A_36] : memref<8x256xf32, #tpu.memory_space<vmem>>, vector<1x256xf32>
    %get3A_38 = vector.shape_cast %get3A_37 : vector<1x256xf32> to vector<256xf32>
    %gt3A = arith.constant 0.000000e+00 : f32
    %gt3A_39 = vector.broadcast %gt3A : f32 to vector<256xf32>
    %gt3A_40 = arith.cmpf ogt, %get3A_38, %gt3A_39 : vector<256xf32>
    %mul3A = arith.constant 8.000000e+01 : f32
    %mul3A_41 = vector.broadcast %mul3A : f32 to vector<256xf32>
    %mul3A_42 = arith.mulf %get3A_30, %mul3A_41 : vector<256xf32>
    %add3A = arith.addf %mul3A_42, %get3A_34 : vector<256xf32>
    %iota3A = tpu.iota {dimensions = array<i32: 1>} : vector<256x256xi32>
    %iota3A_43 = tpu.iota {dimensions = array<i32: 0>} : vector<256x256xi32>
    %gt3A_44 = arith.cmpi sgt, %iota3A, %iota3A_43 : vector<256x256xi32>
    %broadcast_in_dim3A = vector.shape_cast %gt3A_40 : vector<256xi1> to vector<1x256xi1>
    %and3A = vector.broadcast %broadcast_in_dim3A : vector<1x256xi1> to vector<256x256xi1>
    %and3A_45 = arith.andi %gt3A_44, %and3A : vector<256x256xi1>
    %broadcast_in_dim3A_46 = vector.shape_cast %get3A_30 : vector<256xf32> to vector<1x256xf32>
    %broadcast_in_dim3A_47 = vector.shape_cast %get3A_30 : vector<256xf32> to vector<256x1xf32>
    %eq3A = vector.broadcast %broadcast_in_dim3A_46 : vector<1x256xf32> to vector<256x256xf32>
    %eq3A_48 = vector.broadcast %broadcast_in_dim3A_47 : vector<256x1xf32> to vector<256x256xf32>
    %eq3A_49 = arith.cmpf oeq, %eq3A, %eq3A_48 : vector<256x256xf32>
    %and3A_50 = arith.andi %eq3A_49, %and3A_45 : vector<256x256xi1>
    %reduce_or3A = arith.constant 1.000000e+00 : f32
    %reduce_or3A_51 = arith.constant 0.000000e+00 : f32
    %reduce_or3A_52 = vector.broadcast %reduce_or3A : f32 to vector<256x256xf32>
    %reduce_or3A_53 = vector.broadcast %reduce_or3A_51 : f32 to vector<256x256xf32>
    %reduce_or3A_54 = arith.select %and3A_50, %reduce_or3A_52, %reduce_or3A_53 : vector<256x256xi1>, vector<256x256xf32>
    %reduce_or3A_55 = arith.constant dense<0xFF800000> : vector<256xf32>
    %reduce_or3A_56 = vector.multi_reduction <maximumf>, %reduce_or3A_54, %reduce_or3A_55 [1] : vector<256x256xf32> to vector<256xf32>
    %reduce_or3A_57 = arith.constant 0.000000e+00 : f32
    %reduce_or3A_58 = vector.broadcast %reduce_or3A_57 : f32 to vector<256xf32>
    %reduce_or3A_59 = arith.cmpf ogt, %reduce_or3A_56, %reduce_or3A_58 : vector<256xf32>
    %not3A = arith.constant dense<true> : vector<256xi1>
    %not3A_60 = arith.xori %reduce_or3A_59, %not3A : vector<256xi1>
    %and3A_61 = arith.andi %gt3A_40, %not3A_60 : vector<256xi1>
    %convert_element_type3A = arith.extui %and3A_61 : vector<256xi1> to vector<256xi32>
    %convert_element_type3A_62 = arith.sitofp %convert_element_type3A : vector<256xi32> to vector<256xf32>
    %broadcast_in_dim3A_63 = vector.shape_cast %add3A : vector<256xf32> to vector<1x256xf32>
    %broadcast_in_dim3A_64 = vector.shape_cast %add3A : vector<256xf32> to vector<256x1xf32>
    %eq3A_65 = vector.broadcast %broadcast_in_dim3A_63 : vector<1x256xf32> to vector<256x256xf32>
    %eq3A_66 = vector.broadcast %broadcast_in_dim3A_64 : vector<256x1xf32> to vector<256x256xf32>
    %eq3A_67 = arith.cmpf oeq, %eq3A_65, %eq3A_66 : vector<256x256xf32>
    %and3A_68 = arith.andi %eq3A_67, %and3A_45 : vector<256x256xi1>
    %reduce_or3A_69 = arith.constant 1.000000e+00 : f32
    %reduce_or3A_70 = arith.constant 0.000000e+00 : f32
    %reduce_or3A_71 = vector.broadcast %reduce_or3A_69 : f32 to vector<256x256xf32>
    %reduce_or3A_72 = vector.broadcast %reduce_or3A_70 : f32 to vector<256x256xf32>
    %reduce_or3A_73 = arith.select %and3A_68, %reduce_or3A_71, %reduce_or3A_72 : vector<256x256xi1>, vector<256x256xf32>
    %reduce_or3A_74 = arith.constant dense<0xFF800000> : vector<256xf32>
    %reduce_or3A_75 = vector.multi_reduction <maximumf>, %reduce_or3A_73, %reduce_or3A_74 [1] : vector<256x256xf32> to vector<256xf32>
    %reduce_or3A_76 = arith.constant 0.000000e+00 : f32
    %reduce_or3A_77 = vector.broadcast %reduce_or3A_76 : f32 to vector<256xf32>
    %reduce_or3A_78 = arith.cmpf ogt, %reduce_or3A_75, %reduce_or3A_77 : vector<256xf32>
    %not3A_79 = arith.constant dense<true> : vector<256xi1>
    %not3A_80 = arith.xori %reduce_or3A_78, %not3A_79 : vector<256xi1>
    %and3A_81 = arith.andi %gt3A_40, %not3A_80 : vector<256xi1>
    %convert_element_type3A_82 = arith.extui %and3A_81 : vector<256xi1> to vector<256xi32>
    %convert_element_type3A_83 = arith.sitofp %convert_element_type3A_82 : vector<256xi32> to vector<256xf32>
    %reduce_sum3A = vector.shape_cast %convert_element_type3A_62 : vector<256xf32> to vector<1x256xf32>
    %reduce_sum3A_84 = arith.constant dense<0.000000e+00> : vector<1xf32>
    %reduce_sum3A_85 = vector.multi_reduction <add>, %reduce_sum3A, %reduce_sum3A_84 [1] : vector<1x256xf32> to vector<1xf32>
    %reduce_sum3A_86 = vector.shape_cast %reduce_sum3A_85 : vector<1xf32> to vector<1x1xf32>
    %reduce_sum3A_87 = vector.extract %reduce_sum3A_86[0, 0] : f32 from vector<1x1xf32>
    %slice3A = vector.extract_strided_slice %get3A_10 {offsets = [0, 0], sizes = [256, 1], strides = [1, 1]} : vector<256x85xf32> to vector<256x1xf32>
    %squeeze3A = vector.shape_cast %slice3A : vector<256x1xf32> to vector<256xf32>
    %logistic3A = arith.negf %squeeze3A : vector<256xf32>
    %logistic3A_88 = math.exp %logistic3A : vector<256xf32>
    %logistic3A_89 = arith.constant 1.000000e+00 : f32
    %logistic3A_90 = vector.broadcast %logistic3A_89 : f32 to vector<256xf32>
    %logistic3A_91 = arith.addf %logistic3A_90, %logistic3A_88 : vector<256xf32>
    %logistic3A_92 = arith.divf %logistic3A_90, %logistic3A_91 : vector<256xf32>
    %slice3A_93 = vector.extract_strided_slice %get3A_10 {offsets = [0, 1], sizes = [256, 1], strides = [1, 1]} : vector<256x85xf32> to vector<256x1xf32>
    %squeeze3A_94 = vector.shape_cast %slice3A_93 : vector<256x1xf32> to vector<256xf32>
    %logistic3A_95 = arith.negf %squeeze3A_94 : vector<256xf32>
    %logistic3A_96 = math.exp %logistic3A_95 : vector<256xf32>
    %logistic3A_97 = arith.constant 1.000000e+00 : f32
    %logistic3A_98 = vector.broadcast %logistic3A_97 : f32 to vector<256xf32>
    %logistic3A_99 = arith.addf %logistic3A_98, %logistic3A_96 : vector<256xf32>
    %logistic3A_100 = arith.divf %logistic3A_98, %logistic3A_99 : vector<256xf32>
    %sub3A = arith.subf %logistic3A_92, %get3A_14 : vector<256xf32>
    %abs3A = math.absf %sub3A : vector<256xf32>
    %lt3A = arith.constant 1.000000e+00 : f32
    %lt3A_101 = vector.broadcast %lt3A : f32 to vector<256xf32>
    %lt3A_102 = arith.cmpf olt, %abs3A, %lt3A_101 : vector<256xf32>
    %mul3A_103 = arith.constant 5.000000e-01 : f32
    %mul3A_104 = vector.broadcast %mul3A_103 : f32 to vector<256xf32>
    %mul3A_105 = arith.mulf %mul3A_104, %abs3A : vector<256xf32>
    %mul3A_106 = arith.mulf %mul3A_105, %abs3A : vector<256xf32>
    %sub3A_107 = arith.constant 5.000000e-01 : f32
    %sub3A_108 = vector.broadcast %sub3A_107 : f32 to vector<256xf32>
    %sub3A_109 = arith.subf %abs3A, %sub3A_108 : vector<256xf32>
    %select_n3A = arith.select %lt3A_102, %mul3A_106, %sub3A_109 : vector<256xi1>, vector<256xf32>
    %sub3A_110 = arith.subf %logistic3A_100, %get3A_18 : vector<256xf32>
    %abs3A_111 = math.absf %sub3A_110 : vector<256xf32>
    %lt3A_112 = arith.constant 1.000000e+00 : f32
    %lt3A_113 = vector.broadcast %lt3A_112 : f32 to vector<256xf32>
    %lt3A_114 = arith.cmpf olt, %abs3A_111, %lt3A_113 : vector<256xf32>
    %mul3A_115 = arith.constant 5.000000e-01 : f32
    %mul3A_116 = vector.broadcast %mul3A_115 : f32 to vector<256xf32>
    %mul3A_117 = arith.mulf %mul3A_116, %abs3A_111 : vector<256xf32>
    %mul3A_118 = arith.mulf %mul3A_117, %abs3A_111 : vector<256xf32>
    %sub3A_119 = arith.constant 5.000000e-01 : f32
    %sub3A_120 = vector.broadcast %sub3A_119 : f32 to vector<256xf32>
    %sub3A_121 = arith.subf %abs3A_111, %sub3A_120 : vector<256xf32>
    %select_n3A_122 = arith.select %lt3A_114, %mul3A_118, %sub3A_121 : vector<256xi1>, vector<256xf32>
    %add3A_123 = arith.addf %select_n3A, %select_n3A_122 : vector<256xf32>
    %mul3A_124 = arith.mulf %convert_element_type3A_62, %add3A_123 : vector<256xf32>
    %reduce_sum3A_125 = vector.shape_cast %mul3A_124 : vector<256xf32> to vector<1x256xf32>
    %reduce_sum3A_126 = arith.constant dense<0.000000e+00> : vector<1xf32>
    %reduce_sum3A_127 = vector.multi_reduction <add>, %reduce_sum3A_125, %reduce_sum3A_126 [1] : vector<1x256xf32> to vector<1xf32>
    %reduce_sum3A_128 = vector.shape_cast %reduce_sum3A_127 : vector<1xf32> to vector<1x1xf32>
    %reduce_sum3A_129 = vector.extract %reduce_sum3A_128[0, 0] : f32 from vector<1x1xf32>
    %add3A_130 = arith.constant 1.000000e-16 : f32
    %add3A_131 = vector.broadcast %add3A_130 : f32 to vector<256xf32>
    %add3A_132 = arith.addf %get3A_22, %add3A_131 : vector<256xf32>
    %log3A = math.log %add3A_132 : vector<256xf32>
    %add3A_133 = arith.constant 1.000000e-16 : f32
    %add3A_134 = vector.broadcast %add3A_133 : f32 to vector<256xf32>
    %add3A_135 = arith.addf %get3A_26, %add3A_134 : vector<256xf32>
    %log3A_136 = math.log %add3A_135 : vector<256xf32>
    %slice3A_137 = vector.extract_strided_slice %get3A_10 {offsets = [0, 2], sizes = [256, 1], strides = [1, 1]} : vector<256x85xf32> to vector<256x1xf32>
    %squeeze3A_138 = vector.shape_cast %slice3A_137 : vector<256x1xf32> to vector<256xf32>
    %sub3A_139 = arith.subf %squeeze3A_138, %log3A : vector<256xf32>
    %abs3A_140 = math.absf %sub3A_139 : vector<256xf32>
    %lt3A_141 = arith.constant 1.000000e+00 : f32
    %lt3A_142 = vector.broadcast %lt3A_141 : f32 to vector<256xf32>
    %lt3A_143 = arith.cmpf olt, %abs3A_140, %lt3A_142 : vector<256xf32>
    %mul3A_144 = arith.constant 5.000000e-01 : f32
    %mul3A_145 = vector.broadcast %mul3A_144 : f32 to vector<256xf32>
    %mul3A_146 = arith.mulf %mul3A_145, %abs3A_140 : vector<256xf32>
    %mul3A_147 = arith.mulf %mul3A_146, %abs3A_140 : vector<256xf32>
    %sub3A_148 = arith.constant 5.000000e-01 : f32
    %sub3A_149 = vector.broadcast %sub3A_148 : f32 to vector<256xf32>
    %sub3A_150 = arith.subf %abs3A_140, %sub3A_149 : vector<256xf32>
    %select_n3A_151 = arith.select %lt3A_143, %mul3A_147, %sub3A_150 : vector<256xi1>, vector<256xf32>
    %slice3A_152 = vector.extract_strided_slice %get3A_10 {offsets = [0, 3], sizes = [256, 1], strides = [1, 1]} : vector<256x85xf32> to vector<256x1xf32>
    %squeeze3A_153 = vector.shape_cast %slice3A_152 : vector<256x1xf32> to vector<256xf32>
    %sub3A_154 = arith.subf %squeeze3A_153, %log3A_136 : vector<256xf32>
    %abs3A_155 = math.absf %sub3A_154 : vector<256xf32>
    %lt3A_156 = arith.constant 1.000000e+00 : f32
    %lt3A_157 = vector.broadcast %lt3A_156 : f32 to vector<256xf32>
    %lt3A_158 = arith.cmpf olt, %abs3A_155, %lt3A_157 : vector<256xf32>
    %mul3A_159 = arith.constant 5.000000e-01 : f32
    %mul3A_160 = vector.broadcast %mul3A_159 : f32 to vector<256xf32>
    %mul3A_161 = arith.mulf %mul3A_160, %abs3A_155 : vector<256xf32>
    %mul3A_162 = arith.mulf %mul3A_161, %abs3A_155 : vector<256xf32>
    %sub3A_163 = arith.constant 5.000000e-01 : f32
    %sub3A_164 = vector.broadcast %sub3A_163 : f32 to vector<256xf32>
    %sub3A_165 = arith.subf %abs3A_155, %sub3A_164 : vector<256xf32>
    %select_n3A_166 = arith.select %lt3A_158, %mul3A_162, %sub3A_165 : vector<256xi1>, vector<256xf32>
    %add3A_167 = arith.addf %select_n3A_151, %select_n3A_166 : vector<256xf32>
    %mul3A_168 = arith.mulf %convert_element_type3A_62, %add3A_167 : vector<256xf32>
    %reduce_sum3A_169 = vector.shape_cast %mul3A_168 : vector<256xf32> to vector<1x256xf32>
    %reduce_sum3A_170 = arith.constant dense<0.000000e+00> : vector<1xf32>
    %reduce_sum3A_171 = vector.multi_reduction <add>, %reduce_sum3A_169, %reduce_sum3A_170 [1] : vector<1x256xf32> to vector<1xf32>
    %reduce_sum3A_172 = vector.shape_cast %reduce_sum3A_171 : vector<1xf32> to vector<1x1xf32>
    %reduce_sum3A_173 = vector.extract %reduce_sum3A_172[0, 0] : f32 from vector<1x1xf32>
    %slice3A_174 = vector.extract_strided_slice %get3A_10 {offsets = [0, 4], sizes = [256, 1], strides = [1, 1]} : vector<256x85xf32> to vector<256x1xf32>
    %squeeze3A_175 = vector.shape_cast %slice3A_174 : vector<256x1xf32> to vector<256xf32>
    %mul3A_176 = arith.mulf %convert_element_type3A_62, %squeeze3A_175 : vector<256xf32>
    %reduce_sum3A_177 = vector.shape_cast %mul3A_176 : vector<256xf32> to vector<1x256xf32>
    %reduce_sum3A_178 = arith.constant dense<0.000000e+00> : vector<1xf32>
    %reduce_sum3A_179 = vector.multi_reduction <add>, %reduce_sum3A_177, %reduce_sum3A_178 [1] : vector<1x256xf32> to vector<1xf32>
    %reduce_sum3A_180 = vector.shape_cast %reduce_sum3A_179 : vector<1xf32> to vector<1x1xf32>
    %reduce_sum3A_181 = vector.extract %reduce_sum3A_180[0, 0] : f32 from vector<1x1xf32>
    %iota3A_182 = tpu.iota {dimensions = array<i32: 1>} : vector<256x85xi32>
    %convert_element_type3A_183 = arith.fptosi %get3A_34 : vector<256xf32> to vector<256xi32>
    %add3A_184 = arith.constant 5 : i32
    %add3A_185 = vector.broadcast %add3A_184 : i32 to vector<256xi32>
    %add3A_186 = arith.addi %add3A_185, %convert_element_type3A_183 : vector<256xi32>
    %broadcast_in_dim3A_187 = vector.shape_cast %add3A_186 : vector<256xi32> to vector<256x1xi32>
    %eq3A_188 = vector.broadcast %broadcast_in_dim3A_187 : vector<256x1xi32> to vector<256x85xi32>
    %eq3A_189 = arith.cmpi eq, %iota3A_182, %eq3A_188 : vector<256x85xi32>
    %convert_element_type3A_190 = arith.extui %eq3A_189 : vector<256x85xi1> to vector<256x85xi32>
    %convert_element_type3A_191 = arith.sitofp %convert_element_type3A_190 : vector<256x85xi32> to vector<256x85xf32>
    %mul3A_192 = arith.mulf %get3A_10, %convert_element_type3A_191 : vector<256x85xf32>
    %reduce_sum3A_193 = arith.constant dense<0.000000e+00> : vector<256xf32>
    %reduce_sum3A_194 = vector.multi_reduction <add>, %mul3A_192, %reduce_sum3A_193 [1] : vector<256x85xf32> to vector<256xf32>
    %mul3A_195 = arith.mulf %convert_element_type3A_83, %reduce_sum3A_194 : vector<256xf32>
    %reduce_sum3A_196 = vector.shape_cast %mul3A_195 : vector<256xf32> to vector<1x256xf32>
    %reduce_sum3A_197 = arith.constant dense<0.000000e+00> : vector<1xf32>
    %reduce_sum3A_198 = vector.multi_reduction <add>, %reduce_sum3A_196, %reduce_sum3A_197 [1] : vector<1x256xf32> to vector<1xf32>
    %reduce_sum3A_199 = vector.shape_cast %reduce_sum3A_198 : vector<1xf32> to vector<1x1xf32>
    %reduce_sum3A_200 = vector.extract %reduce_sum3A_199[0, 0] : f32 from vector<1x1xf32>
    %mul3A_201 = arith.constant 2.000000e+00 : f32
    %mul3A_202 = arith.mulf %mul3A_201, %reduce_sum3A_87 : f32
    %max3A = arith.constant 1.000000e+00 : f32
    %max3A_203 = arith.maximumf %mul3A_202, %max3A : f32
    %add3A_204 = arith.addf %reduce_sum3A_129, %reduce_sum3A_173 : f32
    %div3A = arith.divf %add3A_204, %max3A_203 : f32
    %get3A_205 = arith.constant 0 : index
    %get3A_206 = arith.constant 0 : index
    %get3A_207 = vector.load %arg3[%get3A_205, %get3A_206] : memref<1x1xf32, #tpu.memory_space<vmem>>, vector<1x1xf32>
    %get3A_208 = vector.extract %get3A_207[0, 0] : f32 from vector<1x1xf32>
    %add3A_209 = arith.addf %div3A, %get3A_208 : f32
    %div3A_210 = arith.constant 7.680000e+04 : f32
    %div3A_211 = arith.divf %reduce_sum3A_181, %div3A_210 : f32
    %sub3A_212 = arith.subf %add3A_209, %div3A_211 : f32
    %div3A_213 = arith.constant 6.144000e+06 : f32
    %div3A_214 = arith.divf %reduce_sum3A_200, %div3A_213 : f32
    %sub3A_215 = arith.subf %sub3A_212, %div3A_214 : f32
    %reshape3A = vector.broadcast %sub3A_215 : f32 to vector<1x1xf32>
    %swap3A = arith.constant 0 : index
    %swap3A_216 = arith.constant 0 : index
    %swap3A_217 = vector.load %arg4[%swap3A, %swap3A_216] : memref<1x1xf32, #tpu.memory_space<vmem>>, vector<1x1xf32>
    tpu.vector_store %arg4[%swap3A, %swap3A_216], %reshape3A {strides = array<i32>} : memref<1x1xf32, #tpu.memory_space<vmem>>, vector<1x1xf32>,
    return
  }
}

</mosaic_0001>

<sc_bundles>
// kernel: kernel.5.cloned.1.call-start
scs
__scs_entry_jumppad:
0x0: {  	(pc) =	sbr.rel $0x88, $3  }
0x1: {  	(tag) =	ssettag $0x0;
	lr =	simm.s32 $0x1  }
0x2: {  	[smem:$0x3F9F] =	sst lr;
	_ =	strace $0xD0000000  }
0x3: {  	_ = 	snop  }
0x4: {  	_ = 	snop  }
0x5: {  	_ = 	snop  }
0x6: {  	_ = 	snop  }
0x7: {  	_ = 	snop  }
__scs_overlays_trampoline_lowered:
0x8: {  	[smem:$0x3FAE] =	sst s0  }
0x9: {  	[smem:$0x3FAF] =	sst s1  }
0xa: {  	[smem:$0x3FB0] =	sst s2  }
0xb: {  	[smem:$0x3FB1] =	sst s3  }
0xc: {  	[smem:$0x3FB2] =	sst s4  }
0xd: {  	[smem:$0x3FB3] =	sst s5  }
0xe: {  	[smem:$0x3FB4] =	sst s6  }
0xf: {  	[smem:$0x3FB5] =	sst s7  }
0x10: {  	[smem:$0x3FB6] =	sst s8  }
0x11: {  	[smem:$0x3FB7] =	sst s9;
	s0 =	simm.s32 @!p0 $0x0  }
0x12: {  	s1 =	sld [smem:$0x3F9D];
	s0 =	simm.s32 @p0 $0x1  }
0x13: {  	[smem:$0x3FB8] =	sst s0;
	s0 =	simm.s32 @!p1 $0x0  }
0x14: {  	s2 =	sld [smem:$0x3F9C];
	s0 =	simm.s32 @p1 $0x1  }
0x15: {  	[smem:$0x3FB9] =	sst s0;
	s0 =	simm.s32 @!p2 $0x0  }
0x16: {  	s3 =	sld [smem:$0x3FDB];
	s0 =	simm.s32 @p2 $0x1  }
0x17: {  	s4 =	simm.s32 $0x1BF5;
	[smem:$0x3FBB] =	sst s0  }
0x18: {  	s0 =	sld [smem:$0x3F9E];
	_ =	swait.ge [sflag:s4], $0x0  }
0x19: {  	s7 =	sld [smem:$0x3F9F]  }
0x1a: {  	s8 =	sadd.s32 $0xFFFFE003, lr  }
0x1b: {  	s9 =	sadd.s32 $0xFFFFFEF7, lr;
	s5 =	simm.s32 $0xFFFFFFFF;
	p2 =	slt.u32 s8, $0xFFFFF086  }
0x1c: {  	p1 =	slt.u32 s9, $0xF7A;
	s5 =	simm.s32 @!p2 $0x0  }
0x1d: {  	s5 =	simm.s32 @p1 $0x1;
	p0 =	seq.s32 s7, s2  }
0x1e: {  	s7 =	smul.u32 @!p0 $0xF7A, s2;
	p2 =	seq.s32 @!p0 s5, $0x0  }
0x1f: {  	s9 =	smul.u32 $0xF7A, s1;
	s8 =	simm.s32 @!p0 $0x1BF5;
	p2 =	por !p2, p0  }
0x20: {  	[sflag:s8] =	ssyncset.s32 @!p0 $0xFFFFF086;
	s6 =	sadd.s32 @!p0 s3, s7;
	s7 =	simm.s32 @!p0 $0x108  }
0x21: {  	s3 =	sadd.s32 s3, s9;
	s6 =	sadd.s32 @!p0 $0x88, s6;
	s7 =	simm.s32 @p2 $0x1082  }
0x22: {  	[simem:s7], [sflag:s8] =	dma.local @!p0 [hbm:s6], $0xF7A  }
0x23: {  	s9 =	sor.u32 $0xD0000000, s2;
	s6 =	simm.s32 $0x108;
	_ =	swait.ge @!p0 [sflag:s8], $0x0  }
0x24: {  	s3 =	sadd.s32 $0x88, s3;
	s6 =	simm.s32 @!p1 $0x1082;
	[sflag:s4] =	ssyncset.s32 $0xFFFFF086  }
0x25: {  	[simem:s6], [sflag:s4] =	dma.local [hbm:s3], $0xF7A  }
0x26: {  	[smem:$0x3F9F] =	sst s1;
	(tag) =	ssettag s2;
	_ =	strace s9  }
0x27: {  	s1 =	sld [smem:$0x3FAF]  }
0x28: {  	s2 =	sld [smem:$0x3FB0]  }
0x29: {  	s4 =	sld [smem:$0x3FB2]  }
0x2a: {  	p0 =	seq.s32 s5, $0x0;
	s5 =	sld [smem:$0x3FB3]  }
0x2b: {  	s6 =	sld [smem:$0x3FB4]  }
0x2c: {  	s7 =	sld [smem:$0x3FB5]  }
0x2d: {  	s3 =	simm.s32 $0x108;
	s8 =	sld [smem:$0x3FB6]  }
0x2e: {  	s3 =	simm.s32 @!p0 $0x1082;
	s9 =	sld [smem:$0x3FB7]  }
0x2f: {  	lr =	sadd.s32 s0, s3;
	s0 =	sld [smem:$0x3FAE]  }
0x30: {  	s3 =	sld [smem:$0x3FB1]  }
0x31: {  	[smem:$0x3FBA] =	sst s10  }
0x32: {  	s10 =	sld [smem:$0x3FB8];
	_ =	sdelay $0x3  }
0x33: {  	p0 =	seq.s32 s10, $0x1;
	s10 =	sld [smem:$0x3FBA];
	_ =	sdelay $0x3  }
0x34: {  	[smem:$0x3FBA] =	sst s10  }
0x35: {  	s10 =	sld [smem:$0x3FB9];
	_ =	sdelay $0x3  }
0x36: {  	p1 =	seq.s32 s10, $0x1;
	s10 =	sld [smem:$0x3FBA];
	_ =	sdelay $0x3  }
0x37: {  	[smem:$0x3FBA] =	sst s10  }
0x38: {  	s10 =	sld [smem:$0x3FBB]  }
0x39: {  	_ = 	snop;
	(pc) =	sbr.ind lr, $3  }
0x3a: {  	_ = 	snop  }
0x3b: {  	_ = 	snop  }
0x3c: {  	p2 =	seq.s32 s10, $0x1;
	s10 =	sld [smem:$0x3FBA]  }
0x3d: {  	_ =	shalt  }
0x3e: {  	_ =	shalt  }
0x3f: {  	_ =	shalt  }
0x40: {  	_ =	shalt  }
0x41: {  	_ =	shalt  }
0x42: {  	_ =	shalt  }
0x43: {  	_ =	shalt  }
0x44: {  	_ =	shalt  }
0x45: {  	_ =	shalt  }
0x46: {  	_ =	shalt  }
0x47: {  	_ =	shalt  }
0x48: {  	_ =	shalt  }
0x49: {  	_ =	shalt  }
0x4a: {  	_ =	shalt  }
0x4b: {  	_ =	shalt  }
0x4c: {  	_ =	shalt  }
0x4d: {  	_ =	shalt  }
0x4e: {  	_ =	shalt  }
0x4f: {  	_ =	shalt  }
0x50: {  	_ =	shalt  }
0x51: {  	_ =	shalt  }
0x52: {  	_ =	shalt  }
0x53: {  	_ =	shalt  }
0x54: {  	_ =	shalt  }
0x55: {  	_ =	shalt  }
0x56: {  	_ =	shalt  }
0x57: {  	_ =	shalt  }
0x58: {  	_ =	shalt  }
0x59: {  	_ =	shalt  }
0x5a: {  	_ =	shalt  }
0x5b: {  	_ =	shalt  }
0x5c: {  	_ =	shalt  }
0x5d: {  	_ =	shalt  }
0x5e: {  	_ =	shalt  }
0x5f: {  	_ =	shalt  }
0x60: {  	_ =	shalt  }
0x61: {  	_ =	shalt  }
0x62: {  	_ =	shalt  }
0x63: {  	_ =	shalt  }
0x64: {  	_ =	shalt  }
0x65: {  	_ =	shalt  }
0x66: {  	_ =	shalt  }
0x67: {  	_ =	shalt  }
0x68: {  	_ =	shalt  }
0x69: {  	_ =	shalt  }
0x6a: {  	_ =	shalt  }
0x6b: {  	_ =	shalt  }
0x6c: {  	_ =	shalt  }
0x6d: {  	_ =	shalt  }
0x6e: {  	_ =	shalt  }
0x6f: {  	_ =	shalt  }
0x70: {  	_ =	shalt  }
0x71: {  	_ =	shalt  }
0x72: {  	_ =	shalt  }
0x73: {  	_ =	shalt  }
0x74: {  	_ =	shalt  }
0x75: {  	_ =	shalt  }
0x76: {  	_ =	shalt  }
0x77: {  	_ =	shalt  }
0x78: {  	_ =	shalt  }
0x79: {  	_ =	shalt  }
0x7a: {  	_ =	shalt  }
0x7b: {  	_ =	shalt  }
0x7c: {  	_ =	shalt  }
0x7d: {  	_ =	shalt  }
0x7e: {  	_ =	shalt  }
0x7f: {  	_ =	shalt  }
0x80: {  	_ =	shalt  }
0x81: {  	_ =	shalt  }
0x82: {  	_ =	shalt  }
0x83: {  	_ =	shalt  }
0x84: {  	_ =	shalt  }
0x85: {  	_ =	shalt  }
0x86: {  	_ =	shalt  }
0x87: {  	_ =	shalt  }
.Lfunc_end0:
.L_simem_size_0:
called_computation_lowered:
.L_overlay_start_0:
0x88: {  	s2 =	sld [smem:$0x3FD9]  }
0x89: {  	s3 =	sld [smem:$0x3FFE];
	_ =	sdelay $0x1  }
0x8a: {  	s1 =	srdreg.scid  }
0x8b: {  	s0 =	sand.u32 $0x1, s1  }
0x8c: {  	s17 =	sshll.u32 s0, $0xA;
	s2 =	sadd.s32 s3, s2  }
0x8d: {  	s2 =	sadd.s32 s2, s17  }
0x8e: {  	[smem:$0x3FC6] =	sst s2  }
0x8f: {  	_ = 	snop  }
0x90: {  	s2 =	sld [smem:$0x3FC8];
	(tm) =	ssettm $0x1  }
0x91: {  	s18 =	sld [smem:$0x3FFB];
	_ =	sdelay $0x3  }
0x92: {  	_ =	strace s18  }
0x93: {  	s3 =	sld [smem:$0x3FFC];
	_ =	sdelay $0x3  }
0x94: {  	_ =	strace s3  }
0x95: {  	s3 =	sld [smem:$0x3FFD];
	_ =	sdelay $0x3  }
0x96: {  	_ =	strace s3  }
0x97: {  	_ =	strace $0x8FFFFFFF  }
0x98: {  	s19 =	sld [smem:$0x3FDB];
	_ =	sdelay $0x1  }
0x99: {  	s4 =	simm.s32 $_scs_section_size  }
0x9a: {  	s5 =	simm.s32 $_size__tile_overlayer_lowered;
	s6 =	simm.s32 $_tile_overlayer_lowered  }
0x9b: {  	s22 =	simm.s32 $0x1BFF;
	s21 =	sshll.u32 s6, $0x1;
	s3 =	sadd.s32 s4, s19  }
0x9c: {  	s7 =	simm.s32 $0x0;
	s20 =	sshll.u32 s5, $0x1;
	s5 =	sadd.s32 s21, s3  }
0x9d: {  	[timem:s7], [sflag:s22] =	dma.local [hbm:s5], s20  }
0x9e: {  	_ =	swait.ge [sflag:s22], s20  }
0x9f: {  	s4 =	ssub.s32 $0x0, s20;
	[sflag:s22] =	ssyncset.done $0x0  }
0xa0: {  	[sflag:s22] =	ssyncadd.s32 s4;
	_ =	sdelay $0x1  }
0xa1: {  	s23 =	simm.s32 $0x1B8B  }
0xa2: {  	_ =	swait.ge [sflag:s23], $0x1  }
0xa3: {  	[sflag:s23] =	ssyncset.done $0x0  }
0xa4: {  	s25 =	simm.s32 $0x1B8E;
	s24 =	sld [smem:$0x3FFE];
	[sflag:s23] =	ssyncadd.s32 $0xFFFFFFFF  }
0xa5: {  	s26 =	simm.s32 $execute0_lowered;
	[smem:$0x3FD2] =	sst s25  }
0xa6: {  	s5 =	sshll.u32 s26, $0x1;
	_ =	strace $0x80000046;
	[dreg:$0x1] =	wrdreg $0xFFFFFFFF  }
0xa7: {  	s28 =	simm.s32 $_size_execute0_lowered;
	s3 =	sadd.s32 s3, s5;
	[dreg:$0x0] =	wrdreg $0x0  }
0xa8: {  	s5 =	sshll.u32 s28, $0x1;
	[dreg:$0x2] =	wrdreg s3  }
0xa9: {  	[dreg:$0x3] =	wrdreg s5  }
0xaa: {  	[dreg:$0x4] =	wrdreg $0xC0  }
0xab: {  	_ =	task [dreg:s7], $0x5FFFF  }
0xac: {  	[dreg:$0x1] =	wrdreg $0xFFFFFFFF  }
0xad: {  	[dreg:$0x0] =	wrdreg $0x60  }
0xae: {  	[dreg:$0x2] =	wrdreg s2  }
0xaf: {  	[dreg:$0x3] =	wrdreg s24  }
0xb0: {  	[dreg:$0x4] =	wrdreg $0x9  }
0xb1: {  	_ =	task.clear_ibuf [dreg:s7], $0x5FFFF;
	_ =	strace $0x90000046  }
0xb2: {  	s29 =	simm.s32 $0x9;
	_ =	strace $0x80000048  }
0xb3: {  	_ =	swait.ge [sflag:s29], $0x1  }
0xb4: {  	[sflag:s29] =	ssyncadd.s32 $0xFFFFFFFF  }
0xb5: {  	_ =	strace $0x90000048  }
0xb6: {  	_ =	sfence  }
0xb7: {  	s30 =	sld [smem:$0x0];
	_ =	sdelay $0x2  }
0xb8: {  	s31 =	sshll.u32 s1, $0xD;
	s1 =	sshrl.u32 s1, $0x2  }
0xb9: {  	s3 =	sand.u32 $0x4000, s31;
	s1 =	sadd.s32 s1, s30  }
0xba: {  	s0 =	sor.u32 s3, s0;
	s1 =	sshll.u32 s1, $0x11  }
0xbb: {  	s0 =	sor.u32 s1, s0  }
0xbc: {  	s0 =	sadd.s32 $0x8F2B, s0  }
0xbd: {  	[sflag:s0] =	ssyncadd.remote.s32 $0x1  }
0xbe: {  	_ =	sfence.sel $0xFFFF  }
0xbf: {  	[dreg:$0x0] =	wrdreg $0xFFFFFFFF;
	(pc) =	sbr.abs _section_cstart, $3  }
0xc0: {  	[dreg:$0x1] =	wrdreg $0xFFFFFFFF  }
0xc1: {  	_ =	task.clear_ibuf [dreg:s7], $0x2FFFF;
	_ =	strace $0x9FFFFFFF  }
0xc2: {  	(tm) =	ssettm $0x7FFFFFFF  }
0xc3: {  	_ =	shalt  }
tec
execute0_lowered:
.L_overlay_start_1:
0x0: {  	(tag) =	ssettag $0x1  }
0x1: {  	s1 =	rddreg [dreg:$0x0]  }
0x2: {  	s4 =	rddreg [dreg:$0x1]  }
0x3: {  	s0 =	rddreg [dreg:$0x2];
	_ =	strace $0x80000047;
	v0 =	vimm.f32 $8.000000000e+00  }
0x4: {  	(erf) = vrcp.f32 v0;
	v0 =	vimm.f32 $1.250000000e+00  }
0x5: {  	(erf) = vrcp.f32 v0;
	v0 =	vimm.f32 $1.625000000e+00  }
0x6: {  	(erf) = vrcp.f32 v0;
	v0 =	vimm.f32 $2.000000000e+00  }
0x7: {  	(erf) = vrcp.f32 v0;
	v0 =	vimm.f32 $3.750000000e+00  }
0x8: {  	(erf) = vrcp.f32 v0;
	v0 =	vimm.f32 $4.125000000e+00  }
0x9: {  	(erf) = vrcp.f32 v0;
	v0 =	vimm.f32 $2.875000000e+00  }
0xa: {  	(erf) = vrcp.f32 v0  }
0xb: {  	s2 =	srdreg.scid  }
0xc: {  	s3 =	sand.u32 $0x1, s2;
	s2 =	stileid.u32  }
0xd: {  	s5 =	sor.u32 s2, s3;
	v0 =	vpop (erf)  }
0xe: {  	p0 =	sne.s32 s5, $0x0;
	v53 =	vpop (erf)  }
.Ltmp0:
0xf: {  	v2 =	vpop (erf);
	(pc) =	sbr.rel @p0 .LBB2_3-.Ltmp0, $4  }
0x10: {  	v3 =	vpop (erf)  }
0x11: {  	v4 =	vpop (erf)  }
0x12: {  	v5 =	vpop (erf)  }
0x13: {  	v6 =	vpop (erf)  }
0x14: {  	s5 =	ssub.s32 $0x2, s3;
	s3 =	sadd.s32 $0xE00, s4;
	s4 =	sadd.s32 $0xC00, s4  }
0x15: {  	s7 =	simm.s32 $0x1;
	s8 =	simm.s32 $0x800;
	s6 =	sshrl.u32 s5, $0x1  }
0x16: {  	v10 =	vimm.f32 $0.0e+00;
	s9 =	simm.s32 $0x900;
	s5 =	ssub.s32 s5, s6;
	s6 =	simm.s32 $0x0  }
.LBB2_2:
0x17: {  	[tilespmem:s6], [sflag:$0x1] =	stream.linear.gather [hbm4b:s1+s6], $0x800, $0x38;
	[tilespmem:$0x1100] =	vst v63  }
0x18: {  	_ =	swait.ge [sflag:s7], $0x800  }
0x19: {  	[sflag:s7] =	ssyncset.done $0x0  }
0x1a: {  	[sflag:s7] =	ssyncadd.s32 $0xFFFFF800  }
0x1b: {  	v7 =	vld [tilespmem:$0x200]  }
0x1c: {  	v12 =	vld [tilespmem:$0x280];
	_ =	sdelay $0x3  }
0x1d: {  	v11 =	vmul.f32 $1.280000000e+03, v7  }
0x1e: {  	v12 =	vmul.f32 $1.280000000e+03, v12  }
0x1f: {  	v7 =	vmul.f32 v11, v0  }
0x20: {  	v13 =	vmul.f32 v12, v0  }
0x21: {  	v14 =	vadd.f32 $9.999999710e-10, v7  }
0x22: {  	v15 =	vadd.f32 $9.999999710e-10, v13  }
0x23: {  	(erf) = vrcp.f32 v14  }
0x24: {  	v52 =	vld [tilespmem:$0x210];
	(erf) = vrcp.f32 v15;
	_ =	sdelay $0x4  }
0x25: {  	v58 =	vmul.f32 $1.280000000e+03, v52  }
0x26: {  	v49 =	vmul.f32 v7, v53;
	v17 =	vmul.f32 v13, v2  }
0x27: {  	v20 =	vmul.f32 v7, v3;
	v51 =	vmul.f32 v13, v4  }
0x28: {  	v7 =	vmul.f32 v7, v5;
	v13 =	vmul.f32 v13, v6;
	v50 =	vpop (erf)  }
0x29: {  	v16 =	vmul.f32 $1.250000000e+00, v50;
	v18 =	vpop (erf);
	v22 =	vadd.f32 v50, v50;
	v15 =	vmul.f32 $4.125000000e+00, v50  }
0x2a: {  	v19 =	vmul.f32 $1.625000000e+00, v18;
	v21 =	vmul.f32 $3.750000000e+00, v18  }
0x2b: {  	v55 =	vld [tilespmem:$0x290];
	v18 =	vmul.f32 $2.875000000e+00, v18;
	v14 =	vmax.f32 v49, v16;
	v54 =	vmax.f32 v20, v22  }
0x2c: {  	v7 =	vmax.f32 v7, v15;
	v17 =	vmax.f32 v17, v19;
	v16 =	vmax.f32 v51, v21  }
0x2d: {  	v13 =	vmax.f32 v13, v18;
	v14 =	vmax.f32 v14, v17;
	v16 =	vmax.f32 v54, v16  }
0x2e: {  	v1 =	vimm.s32 $0x0;
	v7 =	vmax.f32 v7, v13;
	v60 =	vmin.f32 v14, v16  }
0x2f: {  	v61 =	vmul.f32 v58, v0;
	vm0 =	vlt.f32 v16, v14;
	vm1 =	vlt.f32 v7, v60  }
0x30: {  	v14 =	vmul.f32 $1.280000000e+03, v55;
	v7 =	vsel vm0, $0x1, v1;
	vm1 =	vmneg vm1  }
0x31: {  	v1 =	vimm.f32 $3.300000000e+01;
	v17 =	vnsel vm1, $0x2, v7;
	vm0 =	vmand vm1, vm0  }
0x32: {  	vm7 =	veq.s32 v17, $0x0;
	v7 =	vsel vm0, $0x41800000, v1;
	v1 =	vimm.f32 $2.300000000e+01  }
0x33: {  	v63 =	vmul.f32 v14, v0;
	v7 =	vsel vm7, $0x41200000, v7;
	v62 =	vsel vm0, $0x41F00000, v1  }
0x34: {  	v15 =	vsel vm7, $0x41500000, v62;
	(erf) = vrcp.f32 v7;
	v7 =	vadd.f32 $9.999999710e-10, v61  }
0x35: {  	v28 =	vadd.f32 $9.999999710e-10, v63;
	(erf) = vrcp.f32 v15  }
0x36: {  	(erf) = vrcp.f32 v7  }
0x37: {  	(erf) = vrcp.f32 v28;
	_ =	sdelay $0x5  }
0x38: {  	v34 =	vmul.f32 v61, v3;
	v13 =	vmul.f32 v61, v5;
	v35 =	vpop (erf)  }
0x39: {  	v31 =	vmul.f32 v63, v2;
	v36 =	vmul.f32 v63, v4;
	v45 =	vpop (erf)  }
0x3a: {  	v16 =	vmul.f32 v63, v6;
	v7 =	vmul.f32 v61, v53;
	v29 =	vpop (erf)  }
0x3b: {  	v37 =	vld [tilespmem:$0x220];
	v30 =	vmul.f32 $1.250000000e+00, v29;
	v32 =	vpop (erf);
	v24 =	vadd.f32 v29, v29;
	v15 =	vmul.f32 $4.125000000e+00, v29  }
0x3c: {  	v9 =	vimm.s32 $0x0;
	v33 =	vmul.f32 $1.625000000e+00, v32;
	v23 =	vmul.f32 $3.750000000e+00, v32  }
0x3d: {  	v20 =	vmul.f32 $2.875000000e+00, v32;
	v7 =	vmax.f32 v7, v30;
	v38 =	vmax.f32 v34, v24  }
0x3e: {  	v39 =	vld [tilespmem:$0x2A0];
	v13 =	vmax.f32 v13, v15;
	v19 =	vmax.f32 v31, v33;
	v18 =	vmax.f32 v36, v23  }
0x3f: {  	v40 =	vmax.f32 v16, v20;
	v7 =	vmax.f32 v7, v19;
	v18 =	vmax.f32 v38, v18  }
0x40: {  	v44 =	vmul.f32 $1.280000000e+03, v37;
	v13 =	vmax.f32 v13, v40;
	v41 =	vmin.f32 v7, v18  }
0x41: {  	v8 =	vimm.f32 $3.300000000e+01;
	vm8 =	vlt.f32 v18, v7;
	vm9 =	vlt.f32 v13, v41  }
0x42: {  	v42 =	vmul.f32 v44, v0;
	v7 =	vsel vm8, $0x1, v9;
	vm1 =	vmneg vm9  }
0x43: {  	v16 =	vmul.f32 $1.280000000e+03, v39;
	v22 =	vnsel vm1, $0x2, v7;
	vm0 =	vmand vm1, vm8  }
0x44: {  	v1 =	vimm.f32 $2.300000000e+01;
	vm10 =	veq.s32 v22, $0x0;
	v7 =	vsel vm0, $0x41800000, v8  }
0x45: {  	v46 =	vmul.f32 v16, v0;
	v43 =	vsel vm0, $0x41F00000, v1;
	v7 =	vsel vm10, $0x41200000, v7  }
0x46: {  	v15 =	vsel vm10, $0x41500000, v43;
	(erf) = vrcp.f32 v7;
	v7 =	vadd.f32 $9.999999710e-10, v42  }
0x47: {  	v47 =	vadd.f32 $9.999999710e-10, v46;
	(erf) = vrcp.f32 v15  }
0x48: {  	(erf) = vrcp.f32 v7  }
0x49: {  	(erf) = vrcp.f32 v47;
	_ =	sdelay $0x5  }
0x4a: {  	v54 =	vmul.f32 v42, v3;
	v13 =	vmul.f32 v42, v5;
	v60 =	vpop (erf)  }
0x4b: {  	v50 =	vmul.f32 v46, v2;
	v55 =	vmul.f32 v46, v4;
	v7 =	vpop (erf)  }
0x4c: {  	v18 =	vmul.f32 v46, v6;
	[tilespmem:$0x1FE80] =	vst v7;
	v7 =	vmul.f32 v42, v53;
	v48 =	vpop (erf)  }
0x4d: {  	v49 =	vmul.f32 $1.250000000e+00, v48;
	v51 =	vpop (erf);
	v26 =	vadd.f32 v48, v48;
	v15 =	vmul.f32 $4.125000000e+00, v48  }
0x4e: {  	v52 =	vmul.f32 $1.625000000e+00, v51;
	v25 =	vmul.f32 $3.750000000e+00, v51  }
0x4f: {  	v56 =	vld [tilespmem:$0x230];
	v21 =	vmul.f32 $2.875000000e+00, v51;
	v7 =	vmax.f32 v7, v49;
	v57 =	vmax.f32 v54, v26  }
0x50: {  	v59 =	vld [tilespmem:$0x2B0];
	v13 =	vmax.f32 v13, v15;
	v20 =	vmax.f32 v50, v52;
	v19 =	vmax.f32 v55, v25  }
0x51: {  	v61 =	vmax.f32 v18, v21;
	v7 =	vmax.f32 v7, v20;
	v19 =	vmax.f32 v57, v19  }
0x52: {  	v13 =	vmax.f32 v13, v61;
	v62 =	vmin.f32 v7, v19  }
0x53: {  	vm11 =	vlt.f32 v19, v7;
	vm12 =	vlt.f32 v13, v62  }
0x54: {  	v20 =	vmul.f32 $1.280000000e+03, v56;
	v7 =	vsel vm11, $0x1, v9;
	vm1 =	vmneg vm12  }
0x55: {  	v21 =	vmul.f32 $1.280000000e+03, v59;
	v28 =	vnsel vm1, $0x2, v7;
	vm0 =	vmand vm1, vm11  }
0x56: {  	v63 =	vmul.f32 v20, v0;
	vm13 =	veq.s32 v28, $0x0;
	v7 =	vsel vm0, $0x41800000, v8  }
0x57: {  	v32 =	vmul.f32 v21, v0;
	v31 =	vsel vm0, $0x41F00000, v1;
	v7 =	vsel vm13, $0x41200000, v7  }
0x58: {  	v15 =	vsel vm13, $0x41500000, v31;
	(erf) = vrcp.f32 v7;
	v7 =	vadd.f32 $9.999999710e-10, v63  }
0x59: {  	v33 =	vadd.f32 $9.999999710e-10, v32;
	(erf) = vrcp.f32 v15  }
0x5a: {  	(erf) = vrcp.f32 v7  }
0x5b: {  	(erf) = vrcp.f32 v33;
	_ =	sdelay $0x5  }
0x5c: {  	v37 =	vmul.f32 v32, v2;
	v41 =	vmul.f32 v32, v4;
	v7 =	vpop (erf)  }
0x5d: {  	v18 =	vmul.f32 v32, v6;
	v40 =	vmul.f32 v63, v3;
	[tilespmem:$0x1FE90] =	vst v7;
	v7 =	vpop (erf)  }
0x5e: {  	v13 =	vmul.f32 v63, v5;
	[tilespmem:$0x1FEA0] =	vst v7;
	v7 =	vmul.f32 v63, v53;
	v34 =	vpop (erf)  }
0x5f: {  	v36 =	vmul.f32 $1.250000000e+00, v34;
	v38 =	vpop (erf);
	v29 =	vadd.f32 v34, v34;
	v15 =	vmul.f32 $4.125000000e+00, v34  }
0x60: {  	v39 =	vmul.f32 $1.625000000e+00, v38;
	v27 =	vmul.f32 $3.750000000e+00, v38  }
0x61: {  	v42 =	vld [tilespmem:$0x240];
	v24 =	vmul.f32 $2.875000000e+00, v38;
	v7 =	vmax.f32 v7, v36;
	v43 =	vmax.f32 v40, v29  }
0x62: {  	v46 =	vld [tilespmem:$0x2C0];
	v13 =	vmax.f32 v13, v15;
	v23 =	vmax.f32 v37, v39;
	v19 =	vmax.f32 v41, v27  }
0x63: {  	v47 =	vmax.f32 v18, v24;
	v7 =	vmax.f32 v7, v23;
	v19 =	vmax.f32 v43, v19  }
0x64: {  	v13 =	vmax.f32 v13, v47;
	v48 =	vmin.f32 v7, v19  }
0x65: {  	vm14 =	vlt.f32 v19, v7;
	vm15 =	vlt.f32 v13, v48  }
0x66: {  	v37 =	vmul.f32 $1.280000000e+03, v42;
	v7 =	vsel vm14, $0x1, v9;
	vm1 =	vmneg vm15  }
0x67: {  	v27 =	vmul.f32 $1.280000000e+03, v46;
	v42 =	vnsel vm1, $0x2, v7;
	vm0 =	vmand vm1, vm14  }
0x68: {  	v49 =	vmul.f32 v37, v0;
	vm4 =	veq.s32 v42, $0x0;
	v7 =	vsel vm0, $0x41800000, v8  }
0x69: {  	v51 =	vmul.f32 v27, v0;
	v50 =	vsel vm0, $0x41F00000, v1;
	v7 =	vsel vm4, $0x41200000, v7  }
0x6a: {  	v15 =	vsel vm4, $0x41500000, v50;
	(erf) = vrcp.f32 v7;
	v7 =	vadd.f32 $9.999999710e-10, v49  }
0x6b: {  	v52 =	vadd.f32 $9.999999710e-10, v51;
	(erf) = vrcp.f32 v15  }
0x6c: {  	(erf) = vrcp.f32 v7  }
0x6d: {  	(erf) = vrcp.f32 v52;
	_ =	sdelay $0x5  }
0x6e: {  	v56 =	vmul.f32 v51, v2;
	v61 =	vmul.f32 v49, v3;
	v7 =	vpop (erf)  }
0x6f: {  	v62 =	vmul.f32 v51, v4;
	v13 =	vmul.f32 v49, v5;
	[tilespmem:$0x1FEB0] =	vst v7;
	v7 =	vpop (erf)  }
0x70: {  	v18 =	vmul.f32 v51, v6;
	[tilespmem:$0x1FEC0] =	vst v7;
	v7 =	vmul.f32 v49, v53;
	v54 =	vpop (erf)  }
0x71: {  	v55 =	vmul.f32 $1.250000000e+00, v54;
	v57 =	vpop (erf);
	v30 =	vadd.f32 v54, v54;
	v15 =	vmul.f32 $4.125000000e+00, v54  }
0x72: {  	v59 =	vmul.f32 $1.625000000e+00, v57;
	v63 =	vmul.f32 $3.750000000e+00, v57  }
0x73: {  	v32 =	vld [tilespmem:$0x250];
	v24 =	vmul.f32 $2.875000000e+00, v57;
	v7 =	vmax.f32 v7, v55;
	v33 =	vmax.f32 v61, v30  }
0x74: {  	v34 =	vld [tilespmem:$0x2D0];
	v13 =	vmax.f32 v13, v15;
	v23 =	vmax.f32 v56, v59;
	v19 =	vmax.f32 v62, v63  }
0x75: {  	v40 =	vmax.f32 v18, v24;
	v7 =	vmax.f32 v7, v23;
	v19 =	vmax.f32 v33, v19  }
0x76: {  	v13 =	vmax.f32 v13, v40;
	v41 =	vmin.f32 v7, v19  }
0x77: {  	vm5 =	vlt.f32 v19, v7;
	vm6 =	vlt.f32 v13, v41  }
0x78: {  	v38 =	vmul.f32 $1.280000000e+03, v32;
	v7 =	vsel vm5, $0x1, v9;
	vm1 =	vmneg vm6  }
0x79: {  	v39 =	vmul.f32 $1.280000000e+03, v34;
	v51 =	vnsel vm1, $0x2, v7;
	vm0 =	vmand vm1, vm5  }
0x7a: {  	v43 =	vmul.f32 v38, v0;
	vm7 =	veq.s32 v51, $0x0;
	v7 =	vsel vm0, $0x41800000, v8  }
0x7b: {  	v47 =	vmul.f32 v39, v0;
	v46 =	vsel vm0, $0x41F00000, v1;
	v7 =	vsel vm7, $0x41200000, v7  }
0x7c: {  	v15 =	vsel vm7, $0x41500000, v46;
	(erf) = vrcp.f32 v7;
	v7 =	vadd.f32 $9.999999710e-10, v43  }
0x7d: {  	v48 =	vadd.f32 $9.999999710e-10, v47;
	(erf) = vrcp.f32 v15  }
0x7e: {  	(erf) = vrcp.f32 v7  }
0x7f: {  	(erf) = vrcp.f32 v48;
	_ =	sdelay $0x5  }
0x80: {  	v52 =	vmul.f32 v47, v2;
	v57 =	vmul.f32 v47, v4;
	v59 =	vpop (erf)  }
0x81: {  	v56 =	vmul.f32 v43, v3;
	v18 =	vmul.f32 v47, v6;
	v7 =	vpop (erf)  }
0x82: {  	v13 =	vmul.f32 v43, v5;
	[tilespmem:$0x1FED0] =	vst v7;
	v7 =	vmul.f32 v43, v53;
	v49 =	vpop (erf)  }
0x83: {  	v50 =	vmul.f32 $1.250000000e+00, v49;
	v54 =	vpop (erf);
	v62 =	vadd.f32 v49, v49;
	v15 =	vmul.f32 $4.125000000e+00, v49  }
0x84: {  	v55 =	vmul.f32 $1.625000000e+00, v54;
	v61 =	vmul.f32 $3.750000000e+00, v54  }
0x85: {  	v63 =	vld [tilespmem:$0x260];
	v24 =	vmul.f32 $2.875000000e+00, v54;
	v7 =	vmax.f32 v7, v50;
	v31 =	vmax.f32 v56, v62  }
0x86: {  	v32 =	vld [tilespmem:$0x2E0];
	v13 =	vmax.f32 v13, v15;
	v23 =	vmax.f32 v52, v55;
	v19 =	vmax.f32 v57, v61  }
0x87: {  	v33 =	vmax.f32 v18, v24;
	v7 =	vmax.f32 v7, v23;
	v19 =	vmax.f32 v31, v19  }
0x88: {  	v13 =	vmax.f32 v13, v33;
	v34 =	vmin.f32 v7, v19  }
0x89: {  	vm8 =	vlt.f32 v19, v7;
	vm9 =	vlt.f32 v13, v34  }
0x8a: {  	v48 =	vmul.f32 $1.280000000e+03, v63;
	v7 =	vsel vm8, $0x1, v9;
	vm1 =	vmneg vm9  }
0x8b: {  	v49 =	vmul.f32 $1.280000000e+03, v32;
	v61 =	vnsel vm1, $0x2, v7;
	vm0 =	vmand vm1, vm8  }
0x8c: {  	v36 =	vmul.f32 v48, v0;
	vm10 =	veq.s32 v61, $0x0;
	v7 =	vsel vm0, $0x41800000, v8  }
0x8d: {  	v41 =	vmul.f32 v49, v0;
	v40 =	vsel vm0, $0x41F00000, v1;
	v7 =	vsel vm10, $0x41200000, v7  }
0x8e: {  	v15 =	vsel vm10, $0x41500000, v40;
	(erf) = vrcp.f32 v7;
	v7 =	vadd.f32 $9.999999710e-10, v36  }
0x8f: {  	v43 =	vadd.f32 $9.999999710e-10, v41;
	(erf) = vrcp.f32 v15  }
0x90: {  	(erf) = vrcp.f32 v7  }
0x91: {  	(erf) = vrcp.f32 v43;
	_ =	sdelay $0x5  }
0x92: {  	v55 =	vmul.f32 v36, v3;
	v50 =	vmul.f32 v41, v2;
	v7 =	vpop (erf)  }
0x93: {  	v56 =	vmul.f32 v41, v4;
	v18 =	vmul.f32 v41, v6;
	[tilespmem:$0x1FEE0] =	vst v7;
	v7 =	vpop (erf)  }
0x94: {  	v13 =	vmul.f32 v36, v5;
	[tilespmem:$0x1FEF0] =	vst v7;
	v7 =	vmul.f32 v36, v53;
	v46 =	vpop (erf)  }
0x95: {  	v47 =	vmul.f32 $1.250000000e+00, v46;
	v52 =	vpop (erf);
	v62 =	vadd.f32 v46, v46;
	v15 =	vmul.f32 $4.125000000e+00, v46  }
0x96: {  	v54 =	vmul.f32 $1.625000000e+00, v52;
	v57 =	vmul.f32 $3.750000000e+00, v52  }
0x97: {  	v63 =	vld [tilespmem:$0x270];
	v24 =	vmul.f32 $2.875000000e+00, v52;
	v7 =	vmax.f32 v7, v47;
	v30 =	vmax.f32 v55, v62  }
0x98: {  	v31 =	vld [tilespmem:$0x2F0];
	v13 =	vmax.f32 v13, v15;
	v23 =	vmax.f32 v50, v54;
	v19 =	vmax.f32 v56, v57  }
0x99: {  	v33 =	vmax.f32 v18, v24;
	v7 =	vmax.f32 v7, v23;
	v19 =	vmax.f32 v30, v19  }
0x9a: {  	v13 =	vmax.f32 v13, v33;
	v34 =	vmin.f32 v7, v19  }
0x9b: {  	vm11 =	vlt.f32 v19, v7;
	vm12 =	vlt.f32 v13, v34  }
0x9c: {  	v7 =	vsel vm11, $0x1, v9;
	v34 =	vmul.f32 $1.280000000e+03, v63;
	vm1 =	vmneg vm12  }
0x9d: {  	v46 =	vmul.f32 $1.280000000e+03, v31;
	v23 =	vnsel vm1, $0x2, v7;
	vm0 =	vmand vm1, vm11  }
0x9e: {  	v36 =	vmul.f32 v34, v0;
	vm13 =	veq.s32 v23, $0x0;
	v7 =	vsel vm0, $0x41800000, v8  }
0x9f: {  	v41 =	vmul.f32 v46, v0;
	v40 =	vsel vm0, $0x41F00000, v1;
	v7 =	vsel vm13, $0x41200000, v7  }
0xa0: {  	v15 =	vsel vm13, $0x41500000, v40;
	(erf) = vrcp.f32 v7;
	v7 =	vadd.f32 $9.999999710e-10, v36  }
0xa1: {  	v43 =	vadd.f32 $9.999999710e-10, v41;
	(erf) = vrcp.f32 v15  }
0xa2: {  	(erf) = vrcp.f32 v7  }
0xa3: {  	(erf) = vrcp.f32 v43;
	_ =	sdelay $0x5  }
0xa4: {  	v52 =	vmul.f32 v41, v2;
	v56 =	vmul.f32 v41, v4;
	v24 =	vpop (erf)  }
0xa5: {  	v18 =	vmul.f32 v41, v6;
	v31 =	vmul.f32 v36, v3;
	v19 =	vpop (erf)  }
0xa6: {  	v13 =	vmul.f32 v36, v5;
	v7 =	vmul.f32 v36, v53;
	v47 =	vpop (erf)  }
0xa7: {  	v50 =	vmul.f32 $1.250000000e+00, v47;
	v54 =	vpop (erf);
	v33 =	vadd.f32 v47, v47;
	v15 =	vmul.f32 $4.125000000e+00, v47  }
0xa8: {  	v55 =	vmul.f32 $1.625000000e+00, v54;
	v32 =	vmul.f32 $3.750000000e+00, v54  }
0xa9: {  	v57 =	vld [tilespmem:$0x600];
	v29 =	vmul.f32 $2.875000000e+00, v54;
	v7 =	vmax.f32 v7, v50;
	v62 =	vmax.f32 v31, v33  }
0xaa: {  	v63 =	vld [tilespmem:$0x680];
	v13 =	vmax.f32 v13, v15;
	v26 =	vmax.f32 v52, v55;
	v25 =	vmax.f32 v56, v32  }
0xab: {  	v32 =	vmax.f32 v18, v29;
	v7 =	vmax.f32 v7, v26;
	v25 =	vmax.f32 v62, v25  }
0xac: {  	v9 =	vimm.s32 $0x0;
	v13 =	vmax.f32 v13, v32;
	v33 =	vmin.f32 v7, v25  }
0xad: {  	v8 =	vimm.f32 $3.300000000e+01;
	vm14 =	vlt.f32 v25, v7;
	vm15 =	vlt.f32 v13, v33  }
0xae: {  	v36 =	vmul.f32 $1.280000000e+03, v57;
	v7 =	vsel vm14, $0x1, v9;
	vm1 =	vmneg vm15  }
0xaf: {  	v40 =	vmul.f32 $1.280000000e+03, v63;
	v41 =	vnsel vm1, $0x2, v7;
	vm0 =	vmand vm1, vm14  }
0xb0: {  	v13 =	vmul.f32 v36, v0;
	vm4 =	veq.s32 v41, $0x0;
	v7 =	vsel vm0, $0x41800000, v8  }
0xb1: {  	v47 =	vmul.f32 v40, v0;
	v43 =	vsel vm0, $0x41F00000, v1;
	v7 =	vsel vm4, $0x41200000, v7  }
0xb2: {  	v15 =	vsel vm4, $0x41500000, v43;
	(erf) = vrcp.f32 v7;
	v7 =	vadd.f32 $9.999999710e-10, v13  }
0xb3: {  	v50 =	vadd.f32 $9.999999710e-10, v47;
	(erf) = vrcp.f32 v15  }
0xb4: {  	(erf) = vrcp.f32 v7  }
0xb5: {  	(erf) = vrcp.f32 v50;
	_ =	sdelay $0x5  }
0xb6: {  	v55 =	vmul.f32 v47, v2;
	v62 =	vmul.f32 v47, v4;
	v18 =	vpop (erf)  }
0xb7: {  	[tilespmem:$0x1FF10] =	vst v36;
	v25 =	vmul.f32 v47, v6;
	v36 =	vmul.f32 v13, v3;
	v7 =	vpop (erf)  }
0xb8: {  	[tilespmem:$0x1FF00] =	vst v7;
	v7 =	vmul.f32 v13, v53;
	v52 =	vpop (erf);
	v13 =	vmul.f32 v13, v5  }
0xb9: {  	v54 =	vmul.f32 $1.250000000e+00, v52;
	v56 =	vpop (erf);
	v43 =	vadd.f32 v52, v52;
	v15 =	vmul.f32 $4.125000000e+00, v52  }
0xba: {  	[tilespmem:$0x1FF30] =	vst v40;
	v57 =	vmul.f32 $1.625000000e+00, v56;
	v40 =	vmul.f32 $3.750000000e+00, v56  }
0xbb: {  	v63 =	vld [tilespmem:$0x610];
	v31 =	vmul.f32 $2.875000000e+00, v56;
	v7 =	vmax.f32 v7, v54;
	v43 =	vmax.f32 v36, v43  }
0xbc: {  	v47 =	vld [tilespmem:$0x690];
	v13 =	vmax.f32 v13, v15;
	v30 =	vmax.f32 v55, v57;
	v26 =	vmax.f32 v62, v40  }
0xbd: {  	v50 =	vmax.f32 v25, v31;
	v7 =	vmax.f32 v7, v30;
	v26 =	vmax.f32 v43, v26  }
0xbe: {  	v13 =	vmax.f32 v13, v50;
	v52 =	vmin.f32 v7, v26  }
0xbf: {  	vm5 =	vlt.f32 v26, v7;
	vm6 =	vlt.f32 v13, v52  }
0xc0: {  	v54 =	vmul.f32 $1.280000000e+03, v63;
	v7 =	vsel vm5, $0x1, v9;
	vm1 =	vmneg vm6  }
0xc1: {  	v43 =	vmul.f32 $1.280000000e+03, v47;
	v33 =	vnsel vm1, $0x2, v7;
	vm0 =	vmand vm1, vm5  }
0xc2: {  	v13 =	vmul.f32 v54, v0;
	vm7 =	veq.s32 v33, $0x0;
	v7 =	vsel vm0, $0x41800000, v8  }
0xc3: {  	v25 =	vmul.f32 v43, v0;
	v55 =	vsel vm0, $0x41F00000, v1;
	v7 =	vsel vm7, $0x41200000, v7  }
0xc4: {  	v15 =	vsel vm7, $0x41500000, v55;
	(erf) = vrcp.f32 v7;
	v7 =	vadd.f32 $9.999999710e-10, v13  }
0xc5: {  	v56 =	vadd.f32 $9.999999710e-10, v25;
	(erf) = vrcp.f32 v15  }
0xc6: {  	(erf) = vrcp.f32 v7  }
0xc7: {  	(erf) = vrcp.f32 v56;
	_ =	sdelay $0x5  }
0xc8: {  	[tilespmem:$0x1FF50] =	vst v54;
	v63 =	vmul.f32 v25, v2;
	v54 =	vmul.f32 v13, v3;
	v1 =	vpop (erf)  }
0xc9: {  	v55 =	vmul.f32 v25, v4;
	v25 =	vmul.f32 v25, v6;
	[tilespmem:$0x1FF20] =	vst v1;
	v1 =	vpop (erf)  }
0xca: {  	v7 =	vmul.f32 v13, v53;
	v13 =	vmul.f32 v13, v5;
	v57 =	vpop (erf)  }
0xcb: {  	v62 =	vmul.f32 $1.250000000e+00, v57;
	v50 =	vpop (erf);
	v47 =	vadd.f32 v57, v57;
	v15 =	vmul.f32 $4.125000000e+00, v57  }
0xcc: {  	v57 =	vld [tilespmem:$0x620];
	v52 =	vmul.f32 $1.625000000e+00, v50;
	v56 =	vmul.f32 $3.750000000e+00, v50  }
0xcd: {  	v31 =	vmul.f32 $2.875000000e+00, v50;
	v7 =	vmax.f32 v7, v62;
	v62 =	vmax.f32 v54, v47  }
0xce: {  	v13 =	vmax.f32 v13, v15;
	v30 =	vmax.f32 v63, v52;
	v26 =	vmax.f32 v55, v56  }
0xcf: {  	v63 =	vld [tilespmem:$0x6A0];
	v31 =	vmax.f32 v25, v31;
	v7 =	vmax.f32 v7, v30;
	v26 =	vmax.f32 v62, v26  }
0xd0: {  	v9 =	vimm.s32 $0x0;
	v13 =	vmax.f32 v13, v31;
	v40 =	vmin.f32 v7, v26  }
0xd1: {  	[tilespmem:$0x1FF40] =	vst v1;
	vm8 =	vlt.f32 v26, v7;
	v1 =	vmul.f32 $1.280000000e+03, v57;
	vm9 =	vlt.f32 v13, v40  }
0xd2: {  	v7 =	vsel vm8, $0x1, v9;
	vm1 =	vmneg vm9  }
0xd3: {  	v15 =	vmul.f32 v1, v0;
	v29 =	vnsel vm1, $0x2, v7  }
0xd4: {  	vm0 =	vmand vm1, vm8;
	v8 =	vmul.f32 $1.280000000e+03, v63;
	v7 =	vimm.f32 $3.300000000e+01  }
0xd5: {  	[tilespmem:$0x1FF70] =	vst v1;
	v1 =	vimm.f32 $2.300000000e+01;
	vm10 =	veq.s32 v29, $0x0;
	v47 =	vsel vm0, $0x41800000, v7  }
0xd6: {  	v50 =	vsel vm0, $0x41F00000, v1;
	v13 =	vsel vm10, $0x41200000, v47;
	v26 =	vmul.f32 v8, v0  }
0xd7: {  	v52 =	vadd.f32 $9.999999710e-10, v15;
	v25 =	vsel vm10, $0x41500000, v50;
	(erf) = vrcp.f32 v13  }
0xd8: {  	(erf) = vrcp.f32 v25;
	v54 =	vadd.f32 $9.999999710e-10, v26  }
0xd9: {  	(erf) = vrcp.f32 v52  }
0xda: {  	(erf) = vrcp.f32 v54;
	_ =	sdelay $0x5  }
0xdb: {  	v32 =	vpop (erf)  }
0xdc: {  	v55 =	vmul.f32 v15, v53;
	v63 =	vmul.f32 v15, v3;
	[tilespmem:$0x1FF90] =	vst v8;
	v8 =	vpop (erf)  }
0xdd: {  	v15 =	vmul.f32 v15, v5;
	v31 =	vmul.f32 v26, v2;
	v25 =	vpop (erf)  }
0xde: {  	v50 =	vmul.f32 v26, v4;
	v56 =	vmul.f32 $1.250000000e+00, v25;
	v57 =	vpop (erf)  }
0xdf: {  	v54 =	vadd.f32 v25, v25;
	v25 =	vmul.f32 $4.125000000e+00, v25;
	v62 =	vmul.f32 $1.625000000e+00, v57  }
0xe0: {  	v52 =	vmul.f32 $3.750000000e+00, v57;
	v36 =	vmul.f32 $2.875000000e+00, v57;
	v57 =	vld [tilespmem:$0x630]  }
0xe1: {  	v26 =	vmul.f32 v26, v6;
	v13 =	vmax.f32 v55, v56;
	v56 =	vmax.f32 v63, v54  }
0xe2: {  	v15 =	vmax.f32 v15, v25;
	v31 =	vmax.f32 v31, v62;
	v30 =	vmax.f32 v50, v52  }
0xe3: {  	v62 =	vmax.f32 v26, v36;
	v13 =	vmax.f32 v13, v31;
	v30 =	vmax.f32 v56, v30;
	v31 =	vld [tilespmem:$0x6B0]  }
0xe4: {  	[tilespmem:$0x1FF60] =	vst v8;
	v8 =	vimm.s32 $0x0;
	v15 =	vmax.f32 v15, v62;
	v63 =	vmin.f32 v13, v30  }
0xe5: {  	vm11 =	vlt.f32 v30, v13;
	vm12 =	vlt.f32 v15, v63;
	v9 =	vmul.f32 $1.280000000e+03, v57  }
0xe6: {  	v13 =	vsel vm11, $0x1, v8;
	vm1 =	vmneg vm12  }
0xe7: {  	v47 =	vnsel vm1, $0x2, v13;
	vm0 =	vmand vm1, vm11;
	v50 =	vmul.f32 v9, v0  }
0xe8: {  	[tilespmem:$0x1FFB0] =	vst v9;
	vm13 =	veq.s32 v47, $0x0;
	v36 =	vsel vm0, $0x41800000, v7;
	v9 =	vmul.f32 $1.280000000e+03, v31  }
0xe9: {  	v13 =	vsel vm13, $0x41200000, v36  }
0xea: {  	v40 =	vsel vm0, $0x41F00000, v1;
	(erf) = vrcp.f32 v13;
	v13 =	vmul.f32 v9, v0  }
0xeb: {  	v15 =	vsel vm13, $0x41500000, v40;
	v52 =	vadd.f32 $9.999999710e-10, v50  }
0xec: {  	(erf) = vrcp.f32 v15;
	v54 =	vadd.f32 $9.999999710e-10, v13  }
0xed: {  	(erf) = vrcp.f32 v52  }
0xee: {  	(erf) = vrcp.f32 v54;
	_ =	sdelay $0x5  }
0xef: {  	[tilespmem:$0x1FFD0] =	vst v9;
	v9 =	vpop (erf)  }
0xf0: {  	v55 =	vmul.f32 v50, v53;
	v36 =	vmul.f32 v50, v3;
	[tilespmem:$0x1FF80] =	vst v9;
	v9 =	vpop (erf)  }
0xf1: {  	v25 =	vmul.f32 v50, v5;
	v57 =	vmul.f32 v13, v2;
	v26 =	vpop (erf)  }
0xf2: {  	v50 =	vmul.f32 v13, v4;
	v56 =	vmul.f32 $1.250000000e+00, v26;
	v62 =	vpop (erf)  }
0xf3: {  	v52 =	vmul.f32 $4.125000000e+00, v26;
	v63 =	vmul.f32 $1.625000000e+00, v62  }
0xf4: {  	v26 =	vadd.f32 v26, v26;
	v15 =	vmax.f32 v55, v56;
	v55 =	vmul.f32 $3.750000000e+00, v62  }
0xf5: {  	v13 =	vmul.f32 v13, v6;
	v56 =	vmul.f32 $2.875000000e+00, v62;
	v30 =	vmax.f32 v57, v63;
	v57 =	vld [tilespmem:$0x640]  }
0xf6: {  	v26 =	vmax.f32 v36, v26;
	v25 =	vmax.f32 v25, v52;
	v62 =	vmax.f32 v50, v55;
	v63 =	vld [tilespmem:$0x6C0]  }
0xf7: {  	v13 =	vmax.f32 v13, v56;
	v15 =	vmax.f32 v15, v30;
	v26 =	vmax.f32 v26, v62  }
0xf8: {  	v7 =	vimm.f32 $3.300000000e+01;
	v13 =	vmax.f32 v25, v13;
	v31 =	vmin.f32 v15, v26  }
0xf9: {  	v1 =	vimm.f32 $2.300000000e+01;
	vm14 =	vlt.f32 v26, v15;
	vm15 =	vlt.f32 v13, v31  }
0xfa: {  	v50 =	vsel vm14, $0x1, v8;
	vm1 =	vmneg vm15;
	v8 =	vmul.f32 $1.280000000e+03, v57  }
0xfb: {  	v54 =	vnsel vm1, $0x2, v50;
	vm0 =	vmand vm1, vm14;
	v36 =	vmul.f32 $1.280000000e+03, v63  }
0xfc: {  	vm4 =	veq.s32 v54, $0x0;
	v52 =	vsel vm0, $0x41800000, v7;
	v15 =	vmul.f32 v8, v0  }
0xfd: {  	v55 =	vsel vm0, $0x41F00000, v1;
	v13 =	vsel vm4, $0x41200000, v52;
	v26 =	vmul.f32 v36, v0  }
0xfe: {  	v25 =	vsel vm4, $0x41500000, v55;
	(erf) = vrcp.f32 v13;
	v56 =	vadd.f32 $9.999999710e-10, v15  }
0xff: {  	(erf) = vrcp.f32 v25;
	v57 =	vadd.f32 $9.999999710e-10, v26  }
0x100: {  	(erf) = vrcp.f32 v56  }
0x101: {  	(erf) = vrcp.f32 v57;
	_ =	sdelay $0x4  }
0x102: {  	v40 =	vld [tilespmem:$0x100]  }
0x103: {  	v56 =	vld [tilespmem:$0x180];
	v1 =	vpop (erf)  }
0x104: {  	[tilespmem:$0x1FFC0] =	vst v1;
	v1 =	vpop (erf)  }
0x105: {  	v58 =	vmul.f32 v60, v58;
	v13 =	vpop (erf)  }
0x106: {  	v17 =	vmul.u32 $0x6400, v17;
	v25 =	vmul.f32 v15, v53;
	v62 =	vmul.f32 $1.250000000e+00, v13;
	v31 =	vpop (erf)  }
0x107: {  	v28 =	vmul.u32 $0x6400, v28;
	v63 =	vmul.f32 v26, v2;
	v50 =	vmul.f32 $1.625000000e+00, v31  }
0x108: {  	v40 =	vmul.f32 $1.600000000e+02, v40;
	v55 =	vmul.f32 $1.600000000e+02, v56;
	v25 =	vmax.f32 v25, v62  }
0x109: {  	v62 =	vmul.f32 v15, v3;
	v15 =	vmul.f32 v15, v5;
	v57 =	vmax.f32 v63, v50  }
0x10a: {  	v63 =	vadd.f32 v13, v13;
	v13 =	vmul.f32 $4.125000000e+00, v13;
	v50 =	vmul.f32 v26, v4  }
0x10b: {  	v26 =	vmul.f32 v26, v6;
	v25 =	vmax.f32 v25, v57;
	v57 =	vmul.f32 $3.750000000e+00, v31  }
0x10c: {  	v56 =	vld [tilespmem:$0x110];
	v31 =	vmul.f32 $2.875000000e+00, v31;
	v52 =	vmax.f32 v62, v63;
	v13 =	vmax.f32 v15, v13  }
0x10d: {  	v62 =	vtrunc.f32 v40;
	v63 =	vtrunc.f32 v55;
	v30 =	vmax.f32 v50, v57;
	v57 =	vld [tilespmem:$0x190]  }
0x10e: {  	v15 =	vcvt.f32.s32 v62;
	v30 =	vmax.f32 v52, v30;
	v52 =	vmax.f32 v26, v31  }
0x10f: {  	v31 =	vcvt.f32.s32 v63;
	v13 =	vmax.f32 v13, v52;
	v52 =	vmin.f32 v25, v30  }
0x110: {  	vm0 =	vlt.f32 v30, v25;
	vm7 =	vlt.s32 v15, $0xA0;
	v62 =	vcvt.s32.f32 v15  }
0x111: {  	vm6 =	vlt.s32 v31, $0xA0;
	v50 =	vmul.u32 $0xA0, v31;
	v26 =	vcvt.s32.f32 v31;
	v31 =	vld [tilespmem:$0x1A0]  }
0x112: {  	vm1 =	vlt.f32 v13, v52;
	v52 =	vmul.f32 $1.600000000e+02, v56;
	v56 =	vmul.f32 $1.600000000e+02, v57;
	v57 =	vld [tilespmem:$0x120]  }
0x113: {  	v25 =	vmul.f32 v45, v12;
	v30 =	vsub.f32 v40, v62;
	v13 =	vadd.s32 v15, v50  }
0x114: {  	[tilespmem:$0x1FFE0] =	vst v1;
	v1 =	vld [tilespmem:$0x1FE80];
	v63 =	vtrunc.f32 v52;
	v26 =	vsub.f32 v55, v26;
	v50 =	vtrunc.f32 v56  }
0x115: {  	v15 =	vadd.s32 v17, v13;
	v62 =	vcvt.f32.s32 v63;
	v17 =	vcvt.f32.s32 v50  }
0x116: {  	v13 =	vmul.f32 v35, v11;
	v63 =	vmul.u32 $0x6400, v22;
	v55 =	vmul.f32 $1.600000000e+02, v31  }
0x117: {  	vm3 =	vlt.s32 v62, $0xA0;
	v31 =	vld [tilespmem:$0x130];
	v11 =	vmul.u32 $0xA0, v17;
	v22 =	vmul.f32 $1.600000000e+02, v57  }
0x118: {  	v50 =	vld [tilespmem:$0x1B0];
	vm2 =	vlt.s32 v17, $0xA0;
	v17 =	vcvt.s32.f32 v17;
	v45 =	vtrunc.f32 v55  }
0x119: {  	v57 =	vmul.f32 v1, v14;
	v1 =	vld [tilespmem:$0x1FE90];
	v12 =	vcvt.f32.s32 v45;
	v11 =	vadd.s32 v62, v11  }
0x11a: {  	v35 =	vcvt.s32.f32 v62;
	v40 =	vadd.s32 v63, v11;
	v11 =	vtrunc.f32 v22  }
0x11b: {  	v62 =	vsub.f32 v56, v17;
	v56 =	vmul.u32 $0xA0, v12;
	v11 =	vcvt.f32.s32 v11  }
0x11c: {  	v17 =	vld [tilespmem:$0x1C0];
	v63 =	vsub.f32 v52, v35;
	vm4 =	vlt.s32 v12, $0xA0;
	v12 =	vcvt.s32.f32 v12  }
0x11d: {  	v52 =	vmul.f32 $1.600000000e+02, v31;
	v50 =	vmul.f32 $1.600000000e+02, v50;
	v35 =	vld [tilespmem:$0x140];
	v14 =	vadd.s32 v11, v56  }
0x11e: {  	v31 =	vadd.s32 v28, v14;
	v14 =	vsub.f32 v55, v12;
	v12 =	vmul.f32 v1, v44;
	v1 =	vld [tilespmem:$0x1FEA0]  }
0x11f: {  	v45 =	vtrunc.f32 v50;
	vm5 =	vlt.s32 v11, $0xA0;
	v11 =	vcvt.s32.f32 v11  }
0x120: {  	v42 =	vmul.u32 $0x6400, v42;
	v60 =	vtrunc.f32 v52;
	v28 =	vcvt.f32.s32 v45  }
0x121: {  	v7 =	vld [tilespmem:$0x1FEB0];
	v17 =	vmul.f32 $1.600000000e+02, v17;
	v56 =	vsub.f32 v22, v11;
	v22 =	vcvt.f32.s32 v60  }
0x122: {  	v35 =	vmul.f32 $1.600000000e+02, v35;
	v55 =	vmul.u32 $0xA0, v28;
	vm9 =	vlt.s32 v28, $0xA0  }
0x123: {  	v28 =	vcvt.s32.f32 v28;
	vm8 =	vlt.s32 v22, $0xA0;
	v11 =	vmul.f32 v1, v16  }
0x124: {  	v16 =	vadd.s32 v22, v55;
	v22 =	vcvt.s32.f32 v22;
	v55 =	vtrunc.f32 v35  }
0x125: {  	[tilespmem:$0x1FFA0] =	vst v9;
	v9 =	vld [tilespmem:$0x1D0];
	v60 =	vtrunc.f32 v17;
	v16 =	vadd.s32 v42, v16;
	v42 =	vcvt.f32.s32 v55  }
0x126: {  	v55 =	vsub.f32 v52, v22;
	v52 =	vsub.f32 v50, v28;
	v50 =	vmul.f32 v7, v20;
	v7 =	vld [tilespmem:$0x1FEC0]  }
0x127: {  	[tilespmem:$0x1FFF0] =	vst v8;
	v8 =	vcvt.f32.s32 v60  }
0x128: {  	v1 =	vld [tilespmem:$0x150]  }
0x129: {  	v60 =	vmul.u32 $0xA0, v8;
	vm12 =	vlt.s32 v8, $0xA0;
	v8 =	vcvt.s32.f32 v8;
	_ =	sdelay $0x1  }
0x12a: {  	v9 =	vmul.f32 $1.600000000e+02, v9;
	v44 =	vmul.f32 v7, v21;
	v7 =	vsub.f32 v17, v8;
	v8 =	vld [tilespmem:$0x1FED0]  }
0x12b: {  	[tilespmem:$0xA10] =	vst v58;
	v58 =	vimm.f32 $3.300000000e+01;
	v28 =	vmul.u32 $0x6400, v51;
	v20 =	vld [tilespmem:$0x1E0]  }
0x12c: {  	v51 =	vadd.s32 v42, v60;
	v60 =	vtrunc.f32 v9;
	v1 =	vmul.f32 $1.600000000e+02, v1  }
0x12d: {  	v45 =	vadd.s32 v28, v51;
	v28 =	vmul.f32 v59, v37;
	v37 =	vcvt.f32.s32 v60  }
0x12e: {  	v22 =	vld [tilespmem:$0x160];
	vm11 =	vlt.s32 v42, $0xA0;
	v59 =	vcvt.s32.f32 v42;
	v51 =	vtrunc.f32 v1  }
0x12f: {  	v60 =	vmul.u32 $0xA0, v37;
	v42 =	vmul.f32 v8, v27;
	v8 =	vcvt.f32.s32 v51  }
0x130: {  	vm10 =	vlt.s32 v37, $0xA0;
	v17 =	vmul.f32 $1.600000000e+02, v20;
	v21 =	vcvt.s32.f32 v37  }
0x131: {  	v20 =	vadd.s32 v8, v60;
	v37 =	vcvt.s32.f32 v8;
	vm13 =	vlt.s32 v8, $0xA0;
	v8 =	vld [tilespmem:$0x1FEE0]  }
0x132: {  	v61 =	vmul.u32 $0x6400, v61;
	v23 =	vmul.u32 $0x6400, v23;
	v19 =	vmul.f32 v19, v49  }
0x133: {  	v18 =	vmul.f32 v18, v34;
	v59 =	vsub.f32 v35, v59;
	v35 =	vmul.f32 $1.600000000e+02, v22;
	v22 =	vld [tilespmem:$0x1F0]  }
0x134: {  	v33 =	vmul.u32 $0x6400, v33;
	v47 =	vmul.u32 $0x6400, v47;
	vm2 =	vmand vm3, vm2  }
0x135: {  	vm15 =	vmand vm7, vm6;
	[tilespmem:$0xA80] =	vst v25;
	vm1 =	vmneg vm1;
	v25 =	vsel vm2, $0x3F800000, v10  }
0x136: {  	v49 =	vnsel vm2, $0x0, v40;
	v51 =	vtrunc.f32 v17;
	v8 =	vmul.f32 v8, v38;
	v38 =	vld [tilespmem:$0x1FEF0]  }
0x137: {  	vm5 =	vmand vm5, vm4;
	v60 =	vld [tilespmem:$0x170];
	v61 =	vadd.s32 v61, v20;
	v20 =	vcvt.f32.s32 v51  }
0x138: {  	v22 =	vmul.f32 $1.600000000e+02, v22;
	v37 =	vsub.f32 v1, v37;
	v1 =	vtrunc.f32 v35  }
0x139: {  	v27 =	vsub.f32 v9, v21;
	v1 =	vcvt.f32.s32 v1;
	v9 =	vmul.u32 $0xA0, v20  }
0x13a: {  	[tilespmem:$0x900] =	vst v30;
	v51 =	vtrunc.f32 v22;
	vm6 =	vlt.s32 v20, $0xA0;
	v20 =	vcvt.s32.f32 v20  }
0x13b: {  	[tilespmem:$0x980] =	vst v26;
	vm14 =	vlt.s32 v1, $0xA0;
	v9 =	vadd.s32 v1, v9;
	v21 =	vmul.f32 v38, v39;
	v39 =	vld [tilespmem:$0x80]  }
0x13c: {  	[tilespmem:$0xA00] =	vst v13;
	v1 =	vcvt.s32.f32 v1;
	v38 =	vadd.s32 v23, v9;
	v9 =	vmul.f32 $1.600000000e+02, v60  }
0x13d: {  	[tilespmem:$0xA90] =	vst v57;
	vm9 =	vmand vm8, vm9;
	v17 =	vsub.f32 v17, v20;
	v23 =	vcvt.f32.s32 v51  }
0x13e: {  	[tilespmem:$0xC10] =	vst v25;
	v20 =	vmul.f32 v24, v48;
	v1 =	vsub.f32 v35, v1;
	v60 =	vtrunc.f32 v9  }
0x13f: {  	[tilespmem:$0x810] =	vst v49;
	v48 =	vld [tilespmem:$0xB0];
	v51 =	vnsel vm15, $0x0, v15;
	v35 =	vcvt.f32.s32 v60;
	v60 =	vmul.u32 $0xA0, v23  }
0x140: {  	v49 =	vsel vm9, $0x3F800000, v10;
	[tilespmem:$0x800] =	vst v51;
	v51 =	vtrunc.f32 v39;
	v39 =	vmul.u32 $0x6400, v41  }
0x141: {  	[tilespmem:$0x990] =	vst v62;
	v41 =	vld [tilespmem:$0x90];
	v30 =	vcvt.f32.s32 v51;
	v51 =	vadd.s32 v35, v60;
	v60 =	vcvt.s32.f32 v35  }
0x142: {  	vm12 =	vmand vm11, vm12;
	[tilespmem:$0x930] =	vst v55;
	v25 =	vcvt.s32.f32 v45;
	v55 =	vcvt.s32.f32 v61  }
0x143: {  	[tilespmem:$0x910] =	vst v63;
	vm8 =	vmand vm14, vm6;
	v13 =	vsub.f32 v9, v60;
	v9 =	vcvt.s32.f32 v15  }
0x144: {  	[tilespmem:$0x9A0] =	vst v14;
	v24 =	vadd.s32 v39, v51;
	v51 =	vld [tilespmem:$0xA0];
	v60 =	vcvt.s32.f32 v30;
	v30 =	vtrunc.f32 v48  }
0x145: {  	v62 =	vld [tilespmem:$0x580];
	[tilespmem:$0xAC0] =	vst v42;
	v42 =	vnsel vm8, $0x0, v38;
	v38 =	vcvt.s32.f32 v38;
	v30 =	vcvt.f32.s32 v30  }
0x146: {  	vm7 =	vlt.s32 v23, $0xA0;
	v23 =	vcvt.s32.f32 v23;
	[tilespmem:$0xB00] =	vst v9;
	v9 =	vtrunc.f32 v41  }
0x147: {  	v63 =	vld [tilespmem:$0xD0];
	vm13 =	vmand vm13, vm10;
	[tilespmem:$0x9E0] =	vst v17;
	v9 =	vcvt.f32.s32 v9;
	v30 =	vcvt.s32.f32 v30  }
0x148: {  	v39 =	vsel vm15, $0x3F800000, v10;
	v15 =	vsub.f32 v22, v23;
	v23 =	vcvt.s32.f32 v40;
	[tilespmem:$0xB80] =	vst v60  }
0x149: {  	v26 =	vtrunc.f32 v51;
	v51 =	vld [tilespmem:$0xC0];
	v9 =	vcvt.s32.f32 v9;
	[tilespmem:$0xBB0] =	vst v30;
	v30 =	vnsel vm13, $0x0, v61  }
0x14a: {  	v40 =	vmul.f32 $1.600000000e+02, v62;
	v41 =	vnsel vm9, $0x0, v16;
	v60 =	vcvt.f32.s32 v26;
	[tilespmem:$0x850] =	vst v30;
	v30 =	vld [tilespmem:$0x490]  }
0x14b: {  	v16 =	vcvt.s32.f32 v16;
	v26 =	vnsel vm5, $0x0, v31;
	v31 =	vcvt.s32.f32 v31;
	[tilespmem:$0xB90] =	vst v9;
	v9 =	vld [tilespmem:$0x1FF00]  }
0x14c: {  	vm15 =	vlt.s32 v35, $0xA0;
	[tilespmem:$0x820] =	vst v26;
	v26 =	vtrunc.f32 v63;
	v22 =	vcvt.s32.f32 v60;
	v60 =	vld [tilespmem:$0x500]  }
0x14d: {  	[tilespmem:$0xC00] =	vst v39;
	v39 =	vsel vm5, $0x3F800000, v10;
	v62 =	vtrunc.f32 v40;
	v26 =	vcvt.f32.s32 v26  }
0x14e: {  	vm10 =	vmand vm15, vm7;
	[tilespmem:$0xB20] =	vst v31;
	v31 =	vcvt.f32.s32 v62;
	v35 =	vtrunc.f32 v51  }
0x14f: {  	v51 =	vsel vm12, $0x3F800000, v10;
	[tilespmem:$0xBA0] =	vst v22;
	v22 =	vld [tilespmem:$0x590];
	v26 =	vcvt.s32.f32 v26;
	v35 =	vcvt.f32.s32 v35  }
0x150: {  	[tilespmem:$0xB10] =	vst v23;
	vm11 =	vlt.s32 v31, $0xA0;
	v17 =	vtrunc.f32 v30;
	v23 =	vmul.f32 v9, v46  }
0x151: {  	[tilespmem:$0xA20] =	vst v12;
	v9 =	vnsel vm12, $0x0, v45;
	v45 =	vld [tilespmem:$0x650];
	v34 =	vmul.f32 $1.600000000e+02, v60;
	v60 =	vimm.s32 $0x0  }
0x152: {  	[tilespmem:$0x920] =	vst v56;
	v48 =	vld [tilespmem:$0x6D0];
	v35 =	vcvt.s32.f32 v35;
	v17 =	vcvt.f32.s32 v17;
	v63 =	vsel vm0, $0x1, v60  }
0x153: {  	[tilespmem:$0xAA0] =	vst v11;
	vm0 =	vmand vm1, vm0;
	v14 =	vnsel vm1, $0x2, v63;
	v56 =	vtrunc.f32 v34  }
0x154: {  	[tilespmem:$0x9B0] =	vst v52;
	v57 =	vsel vm0, $0x41800000, v58;
	v22 =	vmul.f32 $1.600000000e+02, v22;
	vm9 =	veq.s32 v14, $0x0  }
0x155: {  	[tilespmem:$0xBC0] =	vst v35;
	v35 =	vld [tilespmem:$0x480];
	v46 =	vcvt.f32.s32 v56;
	v11 =	vsel vm9, $0x41200000, v57;
	v57 =	vimm.f32 $2.300000000e+01  }
0x156: {  	[tilespmem:$0xA30] =	vst v50;
	v12 =	vmul.f32 $1.280000000e+03, v45;
	(erf) = vrcp.f32 v11;
	v63 =	vsel vm0, $0x41F00000, v57  }
0x157: {  	[tilespmem:$0x830] =	vst v41;
	v41 =	vld [tilespmem:$0x510];
	v11 =	vmul.f32 $1.280000000e+03, v48;
	vm12 =	vlt.s32 v46, $0xA0;
	v48 =	vsel vm9, $0x41500000, v63  }
0x158: {  	[tilespmem:$0x940] =	vst v59;
	v63 =	vmul.u32 $0xA0, v31;
	v31 =	vcvt.s32.f32 v31;
	v56 =	vmul.f32 v12, v0  }
0x159: {  	[tilespmem:$0xAB0] =	vst v44;
	vm0 =	vmand vm12, vm11;
	(erf) = vrcp.f32 v48;
	v45 =	vmul.f32 v11, v0  }
0x15a: {  	v59 =	vld [tilespmem:$0x1FF40];
	[tilespmem:$0xC20] =	vst v39;
	v35 =	vtrunc.f32 v35;
	v39 =	vadd.s32 v46, v63;
	v63 =	vtrunc.f32 v22  }
0x15b: {  	[tilespmem:$0x9C0] =	vst v7;
	v48 =	vld [tilespmem:$0xE0];
	v44 =	vsub.f32 v40, v31;
	v35 =	vcvt.f32.s32 v35;
	v62 =	vadd.f32 $9.999999710e-10, v56  }
0x15c: {  	v7 =	vld [tilespmem:$0x1FF30];
	[tilespmem:$0xB30] =	vst v16;
	v16 =	vadd.s32 v33, v39;
	v39 =	vmul.f32 $1.600000000e+02, v41;
	v50 =	vcvt.f32.s32 v63  }
0x15d: {  	[tilespmem:$0xC40] =	vst v51;
	v52 =	vadd.f32 $9.999999710e-10, v45;
	v51 =	vmul.f32 v56, v3;
	v35 =	vcvt.s32.f32 v35  }
0x15e: {  	[tilespmem:$0x960] =	vst v1;
	v1 =	vnsel vm0, $0x0, v16;
	(erf) = vrcp.f32 v62;
	v41 =	vtrunc.f32 v39  }
0x15f: {  	[tilespmem:$0x840] =	vst v9;
	v63 =	vld [tilespmem:$0x1FF20];
	v62 =	vcvt.s32.f32 v46;
	v61 =	vmul.u32 $0xA0, v50;
	v9 =	vcvt.f32.s32 v41  }
0x160: {  	[tilespmem:$0x880] =	vst v1;
	v1 =	vld [tilespmem:$0x4A0];
	(erf) = vrcp.f32 v52;
	v40 =	vtrunc.f32 v48;
	v41 =	vmul.u32 $0x6400, v29  }
0x161: {  	[tilespmem:$0xC30] =	vst v49;
	v48 =	vmul.f32 v59, v7;
	v59 =	vld [tilespmem:$0x1FF60];
	v49 =	vsub.f32 v34, v62;
	v7 =	vadd.s32 v9, v61  }
0x162: {  	v62 =	vld [tilespmem:$0x1FF10];
	v61 =	vcvt.s32.f32 v9;
	v41 =	vadd.s32 v41, v7;
	v7 =	vcvt.s32.f32 v50  }
0x163: {  	v14 =	vmul.u32 $0x6400, v14;
	[tilespmem:$0xD80] =	vst v44;
	v44 =	vcvt.s32.f32 v17;
	v40 =	vcvt.f32.s32 v40  }
0x164: {  	v52 =	vsel vm13, $0x3F800000, v10;
	v34 =	vsub.f32 v39, v61;
	v39 =	vsub.f32 v22, v7;
	v7 =	vld [tilespmem:$0x1FF50]  }
0x165: {  	[tilespmem:$0x9D0] =	vst v27;
	vm13 =	vlt.s32 v50, $0xA0;
	v29 =	vpop (erf);
	vm14 =	vlt.s32 v9, $0xA0;
	v27 =	vcvt.s32.f32 v40  }
0x166: {  	[tilespmem:$0xA40] =	vst v28;
	v9 =	vsel vm10, $0x3F800000, v10;
	v33 =	vpop (erf);
	v1 =	vtrunc.f32 v1;
	v28 =	vmul.f32 v59, v43  }
0x167: {  	vm15 =	vmand vm14, vm13;
	v1 =	vcvt.f32.s32 v1;
	v46 =	vmul.f32 v63, v62;
	v50 =	vpop (erf)  }
0x168: {  	[tilespmem:$0xD00] =	vst v49;
	v49 =	vsel vm15, $0x3F800000, v10;
	v62 =	vmul.f32 v56, v53;
	v63 =	vmul.f32 $1.250000000e+00, v50  }
0x169: {  	v1 =	vcvt.s32.f32 v1;
	v22 =	vpop (erf);
	v59 =	vadd.f32 v50, v50;
	v32 =	vmul.f32 v32, v7;
	v7 =	vld [tilespmem:$0xF0]  }
0x16a: {  	[tilespmem:$0xC80] =	vst v10;
	v61 =	vmax.f32 v62, v63;
	v62 =	vmul.f32 v45, v2;
	v63 =	vmul.f32 $1.625000000e+00, v22  }
0x16b: {  	[tilespmem:$0xE00] =	vst v46;
	v46 =	vnsel vm15, $0x0, v41;
	v31 =	vmax.f32 v51, v59;
	v51 =	vmul.f32 $4.125000000e+00, v50  }
0x16c: {  	[tilespmem:$0xC90] =	vst v10;
	v59 =	vmul.f32 v45, v6;
	v43 =	vmax.f32 v62, v63;
	v62 =	vmul.f32 $3.750000000e+00, v22  }
0x16d: {  	[tilespmem:$0xB40] =	vst v25;
	v50 =	vimm.s32 $0x0;
	v63 =	vmul.f32 v56, v5;
	v56 =	vld [tilespmem:$0x5A0];
	v22 =	vmul.f32 $2.875000000e+00, v22  }
0x16e: {  	[tilespmem:$0xB50] =	vst v55;
	v55 =	vld [tilespmem:$0x1FF70];
	v25 =	vmax.f32 v61, v43;
	v61 =	vmul.f32 v45, v4;
	v7 =	vtrunc.f32 v7  }
0x16f: {  	[tilespmem:$0x950] =	vst v37;
	v37 =	vmax.f32 v63, v51;
	v22 =	vmax.f32 v59, v22;
	v59 =	vld [tilespmem:$0x660];
	v7 =	vcvt.f32.s32 v7  }
0x170: {  	[tilespmem:$0xA50] =	vst v8;
	v63 =	vnsel vm10, $0x0, v24;
	v8 =	vmax.f32 v61, v62;
	v61 =	vsel vm8, $0x3F800000, v10;
	v62 =	vld [tilespmem:$0x520]  }
0x171: {  	v8 =	vmax.f32 v31, v8;
	[tilespmem:$0xC60] =	vst v61;
	v61 =	vld [tilespmem:$0x1FFA0];
	v31 =	vcvt.s32.f32 v7;
	v7 =	vmax.f32 v37, v22  }
0x172: {  	[tilespmem:$0xAD0] =	vst v21;
	v21 =	vmul.f32 $1.600000000e+02, v56;
	vm6 =	vlt.f32 v8, v25;
	v8 =	vmin.f32 v25, v8;
	v25 =	vld [tilespmem:$0x530]  }
0x173: {  	[tilespmem:$0xCA0] =	vst v10;
	v24 =	vcvt.s32.f32 v24;
	v22 =	vcvt.s32.f32 v16;
	v56 =	vld [tilespmem:$0x1FF80];
	vm7 =	vlt.f32 v7, v8  }
0x174: {  	[tilespmem:$0xA60] =	vst v20;
	v8 =	vld [tilespmem:$0x5B0];
	v45 =	vsel vm6, $0x1, v60;
	v40 =	vtrunc.f32 v21;
	vm3 =	vmneg vm7  }
0x175: {  	[tilespmem:$0x970] =	vst v13;
	v60 =	vld [tilespmem:$0x1FF90];
	v13 =	vmul.f32 $1.280000000e+03, v59;
	v59 =	vmul.u32 $0x6400, v54;
	v30 =	vmul.f32 $1.600000000e+02, v62  }
0x176: {  	[tilespmem:$0x860] =	vst v42;
	v20 =	vcvt.f32.s32 v40;
	v16 =	vnsel vm3, $0x2, v45;
	vm2 =	vmand vm3, vm6  }
0x177: {  	[tilespmem:$0xB70] =	vst v24;
	vm8 =	veq.s32 v16, $0x0;
	v58 =	vsel vm2, $0x41800000, v58;
	v24 =	vmul.f32 v13, v0  }
0x178: {  	[tilespmem:$0xBE0] =	vst v27;
	v62 =	vsel vm2, $0x41F00000, v57;
	v42 =	vtrunc.f32 v30;
	v27 =	vmul.f32 v56, v55  }
0x179: {  	[tilespmem:$0xC50] =	vst v52;
	v52 =	vmul.u32 $0xA0, v20;
	v55 =	vmul.f32 $1.600000000e+02, v25;
	v7 =	vcvt.f32.s32 v42  }
0x17a: {  	[tilespmem:$0xBD0] =	vst v26;
	v37 =	vsel vm8, $0x41200000, v58;
	v26 =	vmul.f32 v61, v60;
	v8 =	vmul.f32 $1.600000000e+02, v8  }
0x17b: {  	[tilespmem:$0xCB0] =	vst v10;
	v40 =	vsel vm8, $0x41500000, v62;
	(erf) = vrcp.f32 v37;
	v42 =	vcvt.s32.f32 v41  }
0x17c: {  	[tilespmem:$0x870] =	vst v63;
	v63 =	vld [tilespmem:$0x6E0];
	v60 =	vadd.f32 $9.999999710e-10, v24;
	v57 =	vtrunc.f32 v55;
	(erf) = vrcp.f32 v40  }
0x17d: {  	[tilespmem:$0xCC0] =	vst v10;
	vm9 =	vlt.s32 v7, $0xA0;
	v51 =	vadd.s32 v7, v52;
	v7 =	vcvt.s32.f32 v7  }
0x17e: {  	[tilespmem:$0x9F0] =	vst v15;
	vm10 =	vlt.s32 v20, $0xA0;
	v61 =	vld [tilespmem:$0x5C0];
	v52 =	vcvt.s32.f32 v20;
	v56 =	vtrunc.f32 v8  }
0x17f: {  	[tilespmem:$0xC70] =	vst v9;
	v9 =	vcvt.f32.s32 v57;
	(erf) = vrcp.f32 v60;
	v57 =	vld [tilespmem:$0x1FFE0];
	v15 =	vadd.s32 v47, v51  }
0x180: {  	[tilespmem:$0xAF0] =	vst v23;
	v20 =	vcvt.f32.s32 v56;
	vm2 =	vmand vm9, vm10;
	v51 =	vld [tilespmem:$0x1FFB0];
	v23 =	vsub.f32 v30, v7  }
0x181: {  	[tilespmem:$0xA70] =	vst v18;
	v56 =	vld [tilespmem:$0x1FFD0];
	v7 =	vmul.f32 $1.280000000e+03, v63;
	v18 =	vsub.f32 v21, v52;
	v40 =	vcvt.s32.f32 v9  }
0x182: {  	[tilespmem:$0xFA0] =	vst v1;
	v63 =	vld [tilespmem:$0x540];
	vm11 =	vlt.s32 v9, $0xA0;
	v1 =	vsel vm2, $0x3F800000, v10;
	v58 =	vmul.u32 $0xA0, v20  }
0x183: {  	[tilespmem:$0xAE0] =	vst v19;
	v52 =	vld [tilespmem:$0x1FFC0];
	v47 =	vmul.f32 $1.600000000e+02, v61;
	v25 =	vmul.f32 v7, v0;
	v19 =	vsub.f32 v55, v40  }
0x184: {  	[tilespmem:$0xCD0] =	vst v10;
	v55 =	vnsel vm2, $0x0, v15;
	v40 =	vmul.f32 v24, v53;
	v15 =	vcvt.s32.f32 v15  }
0x185: {  	[tilespmem:$0xF90] =	vst v44;
	v21 =	vadd.s32 v9, v58;
	v9 =	vsel vm0, $0x3F800000, v10;
	v54 =	vtrunc.f32 v47  }
0x186: {  	vm12 =	vlt.s32 v20, $0xA0;
	v61 =	vld [tilespmem:$0x1FFF0];
	[tilespmem:$0x1000] =	vst v9;
	v9 =	vcvt.s32.f32 v20;
	v17 =	vcvt.f32.s32 v54  }
0x187: {  	[tilespmem:$0xE10] =	vst v32;
	vm0 =	vmand vm11, vm12;
	v32 =	vmul.f32 v57, v56;
	v44 =	vmul.f32 v25, v2  }
0x188: {  	[tilespmem:$0xE80] =	vst v48;
	v62 =	vadd.f32 $9.999999710e-10, v25;
	v48 =	vmul.f32 $1.600000000e+02, v63;
	v37 =	vmul.f32 v52, v51  }
0x189: {  	[tilespmem:$0xE90] =	vst v28;
	v30 =	vld [tilespmem:$0x5D0];
	v21 =	vadd.s32 v59, v21;
	v51 =	vmul.f32 v25, v4;
	v25 =	vmul.f32 v25, v6  }
0x18a: {  	[tilespmem:$0x1020] =	vst v1;
	v57 =	vld [tilespmem:$0x4C0];
	v1 =	vnsel vm0, $0x0, v21;
	(erf) = vrcp.f32 v62;
	v60 =	vcvt.s32.f32 v17  }
0x18b: {  	[tilespmem:$0xF00] =	vst v22;
	v8 =	vsub.f32 v8, v9;
	v22 =	vmul.f32 v29, v61;
	v29 =	vmul.f32 v33, v36  }
0x18c: {  	v28 =	vpop (erf);
	v63 =	vld [tilespmem:$0x4B0];
	v58 =	vmul.u32 $0xA0, v17;
	[tilespmem:$0x8B0] =	vst v1;
	v1 =	vcvt.s32.f32 v21;
	v9 =	vtrunc.f32 v48  }
0x18d: {  	[tilespmem:$0xD10] =	vst v34;
	vm13 =	vlt.s32 v17, $0xA0;
	v12 =	vmul.f32 v28, v12;
	v9 =	vcvt.f32.s32 v9  }
0x18e: {  	v17 =	vpop (erf);
	v34 =	vsub.f32 v47, v60;
	v47 =	vmul.f32 v24, v3;
	[tilespmem:$0xF30] =	vst v1;
	v1 =	vmul.f32 $1.600000000e+02, v30  }
0x18f: {  	[tilespmem:$0xB60] =	vst v38;
	v43 =	vimm.f32 $2.300000000e+01;
	v33 =	vtrunc.f32 v57;
	v11 =	vmul.f32 v17, v11  }
0x190: {  	[tilespmem:$0xF80] =	vst v35;
	v35 =	vld [tilespmem:$0x670];
	v62 =	vpop (erf);
	vm14 =	vlt.s32 v9, $0xA0;
	v59 =	vadd.s32 v9, v58;
	v9 =	vcvt.s32.f32 v9  }
0x191: {  	v45 =	vimm.f32 $3.300000000e+01;
	[tilespmem:$0x8A0] =	vst v55;
	v41 =	vmul.f32 $1.250000000e+00, v62;
	v55 =	vtrunc.f32 v63  }
0x192: {  	[tilespmem:$0xDB0] =	vst v8;
	v60 =	vmul.f32 $4.125000000e+00, v62;
	v8 =	vcvt.f32.s32 v33;
	v14 =	vadd.s32 v14, v59  }
0x193: {  	[tilespmem:$0xD20] =	vst v23;
	v59 =	vmul.f32 v24, v5;
	v23 =	vcvt.f32.s32 v55;
	vm1 =	vmand vm14, vm13  }
0x194: {  	[tilespmem:$0xD90] =	vst v39;
	v9 =	vsub.f32 v48, v9;
	v20 =	vmax.f32 v40, v41;
	v48 =	vadd.f32 v62, v62;
	v62 =	vld [tilespmem:$0x550]  }
0x195: {  	[tilespmem:$0xBF0] =	vst v31;
	v39 =	vcvt.s32.f32 v14;
	v40 =	vnsel vm1, $0x0, v14;
	v14 =	vmul.f32 $1.280000000e+03, v35  }
0x196: {  	v16 =	vmul.u32 $0x6400, v16;
	[tilespmem:$0xF10] =	vst v42;
	v8 =	vcvt.s32.f32 v8;
	v31 =	vcvt.s32.f32 v23;
	v42 =	vpop (erf)  }
0x197: {  	[tilespmem:$0x890] =	vst v46;
	v54 =	vmax.f32 v47, v48;
	v48 =	vmul.f32 v14, v0;
	v46 =	vmul.f32 $1.625000000e+00, v42  }
0x198: {  	[tilespmem:$0x1010] =	vst v49;
	v38 =	vsel vm0, $0x3F800000, v10;
	v52 =	vmul.f32 $3.750000000e+00, v42;
	v61 =	vmul.f32 $2.875000000e+00, v42  }
0x199: {  	v36 =	vld [tilespmem:$0x6F0];
	[tilespmem:$0x8C0] =	vst v40;
	v40 =	vmul.f32 v48, v3;
	v24 =	vmul.f32 $1.600000000e+02, v62;
	v49 =	vmax.f32 v44, v46  }
0x19a: {  	[tilespmem:$0xDA0] =	vst v18;
	v56 =	vmax.f32 v51, v52;
	v63 =	vmax.f32 v25, v61;
	v18 =	vmax.f32 v20, v49  }
0x19b: {  	[tilespmem:$0xCE0] =	vst v10;
	v58 =	vmax.f32 v54, v56;
	v20 =	vmax.f32 v59, v60;
	v42 =	vtrunc.f32 v24  }
0x19c: {  	[tilespmem:$0xF20] =	vst v15;
	v54 =	vtrunc.f32 v1;
	v20 =	vmax.f32 v20, v63;
	vm15 =	vlt.f32 v58, v18  }
0x19d: {  	[tilespmem:$0xD30] =	vst v19;
	v15 =	vmin.f32 v18, v58;
	v55 =	vcvt.f32.s32 v54;
	v19 =	vcvt.f32.s32 v42  }
0x19e: {  	[tilespmem:$0xCF0] =	vst v10;
	vm5 =	vlt.f32 v20, v15;
	v41 =	vsel vm15, $0x1, v50;
	v15 =	vmul.f32 $1.280000000e+03, v36  }
0x19f: {  	[tilespmem:$0x1080] =	vst v10;
	v52 =	vld [tilespmem:$0x4D0];
	v36 =	vmul.f32 v48, v53;
	vm0 =	vmneg vm5;
	v58 =	vmul.u32 $0xA0, v55  }
0x1a0: {  	[tilespmem:$0x1090] =	vst v10;
	vm8 =	vlt.s32 v19, $0xA0;
	v44 =	vnsel vm0, $0x2, v41;
	vm0 =	vmand vm0, vm15  }
0x1a1: {  	[tilespmem:$0x10A0] =	vst v10;
	v56 =	vld [tilespmem:$0x5E0];
	v59 =	vcvt.s32.f32 v55;
	vm6 =	veq.s32 v44, $0x0;
	v46 =	vsel vm0, $0x41800000, v45  }
0x1a2: {  	[tilespmem:$0xD40] =	vst v9;
	v51 =	vmul.f32 v15, v0;
	v47 =	vsel vm0, $0x41F00000, v43;
	v9 =	vsel vm6, $0x41200000, v46  }
0x1a3: {  	[tilespmem:$0x10B0] =	vst v10;
	v49 =	vsel vm6, $0x41500000, v47;
	(erf) = vrcp.f32 v9;
	v9 =	vadd.f32 $9.999999710e-10, v48  }
0x1a4: {  	[tilespmem:$0x10C0] =	vst v10;
	v61 =	vtrunc.f32 v52;
	v18 =	vadd.s32 v19, v58;
	(erf) = vrcp.f32 v49  }
0x1a5: {  	[tilespmem:$0xEA0] =	vst v26;
	v19 =	vcvt.s32.f32 v19;
	v57 =	vadd.f32 $9.999999710e-10, v51;
	(erf) = vrcp.f32 v9;
	v9 =	vld [tilespmem:$0x560]  }
0x1a6: {  	[tilespmem:$0xED0] =	vst v11;
	v60 =	vmul.f32 $1.600000000e+02, v56;
	v16 =	vadd.s32 v16, v18;
	v18 =	vcvt.f32.s32 v61  }
0x1a7: {  	[tilespmem:$0xFC0] =	vst v8;
	v8 =	vsel vm1, $0x3F800000, v10;
	v11 =	vmul.f32 v51, v2;
	(erf) = vrcp.f32 v57  }
0x1a8: {  	[tilespmem:$0x1030] =	vst v38;
	vm7 =	vlt.s32 v55, $0xA0;
	v55 =	vld [tilespmem:$0x5F0];
	v42 =	vmul.f32 v51, v4;
	v46 =	vmul.f32 v48, v5  }
0x1a9: {  	[tilespmem:$0xEB0] =	vst v32;
	vm0 =	vmand vm8, vm7;
	v62 =	vtrunc.f32 v60;
	v48 =	vmul.f32 v51, v6  }
0x1aa: {  	[tilespmem:$0x1040] =	vst v8;
	v8 =	vnsel vm0, $0x0, v16;
	v26 =	vcvt.f32.s32 v62;
	v9 =	vmul.f32 $1.600000000e+02, v9  }
0x1ab: {  	v1 =	vsub.f32 v1, v59;
	[tilespmem:$0x8D0] =	vst v8;
	v8 =	vcvt.s32.f32 v16;
	v30 =	vcvt.s32.f32 v18  }
0x1ac: {  	[tilespmem:$0xDC0] =	vst v34;
	v33 =	vmul.u32 $0x6400, v44;
	v34 =	vcvt.s32.f32 v26;
	v63 =	vtrunc.f32 v9  }
0x1ad: {  	[tilespmem:$0xEC0] =	vst v29;
	v19 =	vsub.f32 v24, v19;
	v59 =	vmul.f32 $1.600000000e+02, v55;
	v29 =	vpop (erf);
	v28 =	vcvt.f32.s32 v63  }
0x1ae: {  	[tilespmem:$0xFB0] =	vst v31;
	v31 =	vmul.u32 $0xA0, v26;
	vm9 =	vlt.s32 v26, $0xA0;
	v18 =	vsub.f32 v60, v34;
	v32 =	vpop (erf)  }
0x1af: {  	[tilespmem:$0xE30] =	vst v37;
	v13 =	vmul.f32 v29, v13;
	v35 =	vpop (erf);
	v7 =	vmul.f32 v32, v7;
	vm10 =	vlt.s32 v28, $0xA0  }
0x1b0: {  	[tilespmem:$0xDD0] =	vst v1;
	v1 =	vadd.s32 v28, v31;
	v17 =	vcvt.s32.f32 v28;
	v37 =	vmul.f32 $1.250000000e+00, v35;
	v38 =	vpop (erf)  }
0x1b1: {  	[tilespmem:$0xF40] =	vst v39;
	v41 =	vadd.f32 v35, v35;
	v47 =	vmul.f32 $4.125000000e+00, v35;
	v39 =	vmul.f32 $1.625000000e+00, v38  }
0x1b2: {  	[tilespmem:$0xE50] =	vst v12;
	v1 =	vadd.s32 v33, v1;
	v44 =	vmul.f32 $3.750000000e+00, v38;
	v49 =	vmul.f32 $2.875000000e+00, v38  }
0x1b3: {  	[tilespmem:$0xF50] =	vst v8;
	v9 =	vsub.f32 v9, v17;
	v8 =	vmax.f32 v36, v37;
	v12 =	vmax.f32 v40, v41  }
0x1b4: {  	[tilespmem:$0x10D0] =	vst v10;
	v51 =	vmax.f32 v46, v47;
	v11 =	vmax.f32 v11, v39;
	v16 =	vmax.f32 v42, v44  }
0x1b5: {  	[tilespmem:$0x10E0] =	vst v10;
	v52 =	vmax.f32 v48, v49;
	v8 =	vmax.f32 v8, v11;
	v11 =	vmax.f32 v12, v16  }
0x1b6: {  	[tilespmem:$0x10F0] =	vst v10;
	v54 =	vld [tilespmem:$0x4E0];
	vm1 =	vmand vm10, vm9;
	v12 =	vmax.f32 v51, v52;
	v56 =	vmin.f32 v8, v11  }
0x1b7: {  	[tilespmem:$0xD60] =	vst v9;
	v9 =	vtrunc.f32 v59;
	vm11 =	vlt.f32 v11, v8;
	v11 =	vld [tilespmem:$0x570];
	vm12 =	vlt.f32 v12, v56  }
0x1b8: {  	[tilespmem:$0xE20] =	vst v27;
	v8 =	vsel vm0, $0x3F800000, v10;
	v57 =	vsel vm11, $0x1, v50;
	vm0 =	vmneg vm12  }
0x1b9: {  	[tilespmem:$0xE40] =	vst v22;
	v9 =	vcvt.f32.s32 v9;
	v12 =	vnsel vm0, $0x2, v57;
	vm0 =	vmand vm0, vm11  }
0x1ba: {  	[tilespmem:$0x1050] =	vst v8;
	v8 =	vnsel vm1, $0x0, v1;
	vm13 =	veq.s32 v12, $0x0;
	v58 =	vsel vm0, $0x41800000, v45  }
0x1bb: {  	[tilespmem:$0x8E0] =	vst v8;
	v8 =	vtrunc.f32 v54;
	v60 =	vsel vm0, $0x41F00000, v43;
	v16 =	vsel vm13, $0x41200000, v58  }
0x1bc: {  	[tilespmem:$0xD50] =	vst v19;
	v11 =	vmul.f32 $1.600000000e+02, v11;
	v19 =	vsel vm13, $0x41500000, v60;
	(erf) = vrcp.f32 v16  }
0x1bd: {  	[tilespmem:$0xFD0] =	vst v30;
	v8 =	vcvt.f32.s32 v8;
	(erf) = vrcp.f32 v19  }
0x1be: {  	[tilespmem:$0xDE0] =	vst v18;
	v1 =	vcvt.s32.f32 v1;
	v61 =	vtrunc.f32 v11  }
0x1bf: {  	[tilespmem:$0xEE0] =	vst v7;
	v62 =	vmul.u32 $0xA0, v9;
	v7 =	vcvt.s32.f32 v8;
	v8 =	vcvt.f32.s32 v61  }
0x1c0: {  	vm14 =	vlt.s32 v9, $0xA0;
	[tilespmem:$0xF60] =	vst v1;
	v1 =	vsel vm1, $0x3F800000, v10;
	v12 =	vmul.u32 $0x6400, v12  }
0x1c1: {  	v63 =	vld [tilespmem:$0x4F0];
	[tilespmem:$0xFE0] =	vst v7;
	vm15 =	vlt.s32 v8, $0xA0;
	v7 =	vadd.s32 v8, v62;
	v8 =	vcvt.s32.f32 v8  }
0x1c2: {  	[tilespmem:$0x1060] =	vst v1;
	vm0 =	vmand vm15, vm14;
	v1 =	vadd.s32 v12, v7  }
0x1c3: {  	[tilespmem:$0xE60] =	vst v13;
	v7 =	vcvt.s32.f32 v9;
	v9 =	vnsel vm0, $0x0, v1;
	v8 =	vsub.f32 v11, v8  }
0x1c4: {  	v1 =	vcvt.s32.f32 v1;
	[tilespmem:$0x8F0] =	vst v9  }
0x1c5: {  	v7 =	vsub.f32 v59, v7;
	[tilespmem:$0xD70] =	vst v8;
	v11 =	vpop (erf)  }
0x1c6: {  	[tilespmem:$0xF70] =	vst v1;
	v8 =	vmul.f32 v11, v14;
	v9 =	vpop (erf);
	v11 =	vtrunc.f32 v63  }
0x1c7: {  	v1 =	vsel vm0, $0x3F800000, v10;
	[tilespmem:$0xDF0] =	vst v7;
	v7 =	vmul.f32 v9, v15;
	v9 =	vcvt.f32.s32 v11  }
0x1c8: {  	[tilespmem:$0x1070] =	vst v1  }
0x1c9: {  	[tilespmem:$0xEF0] =	vst v7;
	v7 =	vcvt.s32.f32 v9  }
0x1ca: {  	[tilespmem:$0xE70] =	vst v8  }
0x1cb: {  	[tilespmem:$0xFF0] =	vst v7  }
0x1cc: {  	[hbm4b:s3+s6] =	stream.linear.scatter [tilespmem:s8], [sflag:$0x1], $0x100, $0x38;
	[tilespmem:$0x1100] =	vst v63  }
0x1cd: {  	_ =	swait.ge [sflag:s7], $0x100  }
0x1ce: {  	p0 =	sne.s32 s5, $0x1;
	[sflag:s7] =	ssyncset.done $0x0  }
.Ltmp1:
0x1cf: {  	[sflag:s7] =	ssyncadd.s32 $0xFFFFFF00;
	(pc) =	sbr.rel @p0 .LBB2_2-.Ltmp1, $4  }
0x1d0: {  	[hbm4b:s4+s6] =	stream.linear.scatter [tilespmem:s9], [sflag:$0x1], $0x800, $0x38;
	[tilespmem:$0x1100] =	vst v63  }
0x1d1: {  	_ =	swait.ge [sflag:s7], $0x800  }
0x1d2: {  	[sflag:s7] =	ssyncset.done $0x0  }
0x1d3: {  	s5 =	sadd.s32 $0xFFFFFFFF, s5;
	[sflag:s7] =	ssyncadd.s32 $0xFFFFF800  }
.LBB2_3:
0x1d4: {  	_ =	sfence.sel $0x180000  }
0x1d5: {  	[bflag:$0x0] =	sbarrier.arrive $0xFFFF  }
0x1d6: {  	p0 =	sne.s32 s2, $0x0;
	_ =	strace $0x90000047  }
0x1d7: {  	s0 =	sadd.s32 @!p0 $0x100000, s0;
	[bflag:$0x2] =	sbarrier.arrive $0xFFFF  }
0x1d8: {  	[sflag:s0] =	ssyncadd.tile.s32 @!p0 $0x1;
	_ =	shalt  }
.Lfunc_end2:
_tile_overlayer_lowered:
.L_overlay_start_2:
0x1d9: {  	(tag) =	ssettag $0x2  }
0x1da: {  	s0 =	rddreg [dreg:$0x0];
	s2 =	stileid.u32  }
0x1db: {  	s1 =	rddreg [dreg:$0x1];
	p0 =	sne.s32 s2, $0x0  }
0x1dc: {  	s3 =	rddreg [dreg:$0x2];
	[bflag:$0x3] =	sbarrier.arrive $0xFFFF;
	s2 =	simm.s32 @!p0 $0x1C01  }
0x1dd: {  	[timem:s3], [sflag:s2] =	dma.local @!p0 [hbm:s0], s1  }
0x1de: {  	s0 =	simm.s32 @!p0 $0x1  }
0x1df: {  	_ =	swait.ge @!p0 [sflag:s0], s1  }
0x1e0: {  	s1 =	ssub.s32 @!p0 $0x0, s1;
	[sflag:s0] =	ssyncset.done @!p0 $0x0  }
0x1e1: {  	[sflag:s0] =	ssyncadd.s32 @!p0 s1  }
0x1e2: {  	[bflag:$0x3] =	sbarrier.arrive $0xFFFF  }
0x1e3: {  	_ =	shalt  }

</sc_bundles>
